<compile_context>
chip_gen: v7x
topology: tpu7x:2x2x1
jax: 0.10.2.dev20260603
libtpu: 0.0.44.dev20260713+nightly
codegen_flags: <defaults>
</compile_context>

<pallas_src>
import jax
import jax.numpy as jnp
from jax import lax
from jax.experimental import pallas as pl
from jax.experimental.pallas import tpu as pltpu
from jax.experimental.pallas import tpu_sc as plsc

NUM_CLASSES = 26
HIDDEN = 128
LANES = 16
LPAD = 24
CPAD = 32

_info = plsc.get_sparse_core_info()
_NC, _NS = _info.num_cores, _info.num_subcores
_NW = _NC * _NS


def _sc_body(x_hbm, tab_hbm, out_hbm, tab_v, inp_v, out_v):
    bw = inp_v.shape[0]
    seq = out_v.shape[0]
    wid = lax.axis_index("s") * _NC + lax.axis_index("c")
    base = wid * bw
    pltpu.sync_copy(tab_hbm, tab_v)
    pltpu.sync_copy(x_hbm.at[pl.ds(base, bw), :, pl.ds(0, CPAD)], inp_v)

    inv = jnp.float32(1.0 / NUM_CLASSES)
    for blk in range(HIDDEN // (2 * LANES)):
        lo = blk * 2 * LANES
        tab_a = [tab_v[c, pl.ds(lo, LANES)] * inv for c in range(NUM_CLASSES)]
        tab_b = [tab_v[c, pl.ds(lo + LANES, LANES)] * inv
                 for c in range(NUM_CLASSES)]

        def brow(b, _, lo=lo, tab_a=tab_a, tab_b=tab_b):
            @plsc.parallel_loop(0, seq, unroll=4)
            def body(t):
                w0 = inp_v[b, t, pl.ds(0, LANES)]
                w1 = inp_v[b, t, pl.ds(NUM_CLASSES - LANES, LANES)]
                w = [w0[c] for c in range(LANES)]
                w += [w1[c - (NUM_CLASSES - LANES)]
                      for c in range(LANES, NUM_CLASSES)]
                acc_a = w[0] * tab_a[0]
                acc_b = w[0] * tab_b[0]
                for c in range(1, NUM_CLASSES):
                    acc_a += w[c] * tab_a[c]
                    acc_b += w[c] * tab_b[c]
                out_v[t, b, pl.ds(lo, LANES)] = acc_a
                out_v[t, b, pl.ds(lo + LANES, LANES)] = acc_b

            return _

        lax.fori_loop(0, bw, brow, None)

    pltpu.sync_copy(out_v, out_hbm.at[:, pl.ds(base, bw)])


def kernel(inputs, emb_table):
    B, L, C = inputs.shape
    bw = B // _NW
    xp = jnp.pad(inputs, ((0, 0), (0, LPAD - L), (0, HIDDEN - C)))
    out_t = pl.kernel(
        _sc_body,
        out_type=jax.ShapeDtypeStruct((L, B, HIDDEN), jnp.float32),
        mesh=plsc.VectorSubcoreMesh(core_axis_name="c", subcore_axis_name="s"),
        compiler_params=pltpu.CompilerParams(use_tc_tiling_on_sc=False),
        scratch_types=[
            pltpu.VMEM((NUM_CLASSES, HIDDEN), jnp.float32),
            pltpu.VMEM((bw, LPAD, CPAD), jnp.float32),
            pltpu.VMEM((L, bw, HIDDEN), jnp.float32),
        ],
    )(xp, emb_table)
    return jnp.transpose(out_t, (1, 0, 2))

# --- scband reference (transcript-rebuilt; emitter-appended) ---
"""Pipeline reference for scband-class-embedding-54056458387928 (READ-ONLY COPY).

The authoritative reference and input builder live on the scoring server;
editing this copy changes nothing except your own understanding.
"""

import jax, jax.numpy as jnp
import numpy as np

NUM_CLASSES = 26
HIDDEN_DIM = 128


def setup_inputs(seed: int = 0) -> dict:
    key = jax.random.key(seed)
    k1, k2 = jax.random.split(key)
    inputs = jax.random.uniform(k1, (1024, 20, 26), dtype=jnp.float32)
    emb_table = jax.random.normal(k2, (NUM_CLASSES, HIDDEN_DIM), dtype=jnp.float32)
    return {"inputs": inputs, "emb_table": emb_table}


def reference(inputs, emb_table):
    # Faithful translation of ClassEmbedding.forward
    if inputs.ndim < 2:
        raise Exception('# of dimensions of the given input must be at least 2')
    elif inputs.ndim == 2:
        inputs = inputs[:, None, :]
    num_classes = emb_table.shape[0]
    # reflection_inputs: zeros_like(inputs, int32) with [:, :, i] = i
    reflection_inputs = jnp.broadcast_to(
        jnp.arange(num_classes, dtype=jnp.int32), inputs.shape
    )
    # embedding lookup: table[idx] -> [B, L, C, D]
    emb_matrix = jnp.take(emb_table, reflection_inputs, axis=0)
    weighted_cls_embeddings = jnp.mean(emb_matrix * inputs[..., None], axis=2)
    return weighted_cls_embeddings

if __name__ == "__main__":
    import jax
    _d = setup_inputs()
    print(jax.jit(kernel)(*tuple(_d.values())))

</pallas_src>

<mosaic_0001>
#map = affine_map<(d0, d1) -> (0, 0, 0)>
#map1 = affine_map<(d0, d1) -> (0, 0)>
module attributes {stable_mosaic.version = 14 : i64} {
  func.func @_sc_body(%arg0: i32, %arg1: i32, %arg2: memref<1024x24x128xf32, #tpu.memory_space<hbm>>, %arg3: memref<26x128xf32, #tpu.memory_space<hbm>>, %arg4: memref<20x1024x128xf32, #tpu.memory_space<hbm>>, %arg5: memref<26x128xf32, #tpu.memory_space<vmem>>, %arg6: memref<32x24x32xf32, #tpu.memory_space<vmem>>, %arg7: memref<20x32x128xf32, #tpu.memory_space<vmem>>) attributes {dimension_semantics = [#tpu.dimension_semantics<core_parallel>, #tpu.dimension_semantics<subcore_parallel>], iteration_bounds = array<i64: 2, 16>, scalar_prefetch = 0 : i64, scratch_operands = 3 : i64, tpu.core_type = #tpu.core_type<sc_vector_subcore>, window_params = [{transform_indices = #map}, {transform_indices = #map1}, {transform_indices = #map}]} {
    %mul3A = arith.constant 2 : i32
    %mul3A_0 = arith.muli %arg1, %mul3A : i32
    %add3A = arith.addi %mul3A_0, %arg0 : i32
    %mul3A_1 = arith.constant 32 : i32
    %mul3A_2 = arith.muli %add3A, %mul3A_1 : i32
    "tpu.region"() ({
      %run_scoped3A = tpu.sem_alloc : memref<!tpu.dma_semaphore, #tpu.memory_space<semaphore_mem>>
      tpu.enqueue_dma source(%arg3 : memref<26x128xf32, #tpu.memory_space<hbm>>) target(%arg5 : memref<26x128xf32, #tpu.memory_space<vmem>>) target_semaphore(%run_scoped3A : memref<!tpu.dma_semaphore, #tpu.memory_space<semaphore_mem>>)
      tpu.wait_dma2 semaphore(%run_scoped3A : memref<!tpu.dma_semaphore, #tpu.memory_space<semaphore_mem>>) src(%arg3 : memref<26x128xf32, #tpu.memory_space<hbm>>) dst(%arg5 : memref<26x128xf32, #tpu.memory_space<vmem>>)
      tpu.yield
    }) : () -> ()
    "tpu.region"() ({
      %run_scoped3A = tpu.sem_alloc : memref<!tpu.dma_semaphore, #tpu.memory_space<semaphore_mem>>
      %dma_start3A = arith.constant 0 : i32
      %dma_start3A_1685 = arith.constant 0 : i32
      %dma_start3A_1686 = tpu.memref_slice %arg2[%mul3A_2, %dma_start3A, %dma_start3A_1685] : memref<1024x24x128xf32, #tpu.memory_space<hbm>> -> memref<32x24x32xf32, #tpu.memory_space<hbm>>
      %dma_start3A_1687 = arith.constant 0 : i32
      %dma_start3A_1688 = arith.constant 0 : i32
      %dma_start3A_1689 = tpu.memref_slice %arg2[%mul3A_2, %dma_start3A_1687, %dma_start3A_1688] : memref<1024x24x128xf32, #tpu.memory_space<hbm>> -> memref<32x24x32xf32, #tpu.memory_space<hbm>>
      tpu.enqueue_dma source(%dma_start3A_1689 : memref<32x24x32xf32, #tpu.memory_space<hbm>>) target(%arg6 : memref<32x24x32xf32, #tpu.memory_space<vmem>>) target_semaphore(%run_scoped3A : memref<!tpu.dma_semaphore, #tpu.memory_space<semaphore_mem>>)
      %dma_wait3A = arith.constant 0 : i32
      %dma_wait3A_1690 = arith.constant 0 : i32
      %dma_wait3A_1691 = tpu.memref_slice %arg2[%mul3A_2, %dma_wait3A, %dma_wait3A_1690] : memref<1024x24x128xf32, #tpu.memory_space<hbm>> -> memref<32x24x32xf32, #tpu.memory_space<hbm>>
      %dma_wait3A_1692 = arith.constant 0 : i32
      %dma_wait3A_1693 = arith.constant 0 : i32
      %dma_wait3A_1694 = tpu.memref_slice %arg2[%mul3A_2, %dma_wait3A_1692, %dma_wait3A_1693] : memref<1024x24x128xf32, #tpu.memory_space<hbm>> -> memref<32x24x32xf32, #tpu.memory_space<hbm>>
      tpu.wait_dma2 semaphore(%run_scoped3A : memref<!tpu.dma_semaphore, #tpu.memory_space<semaphore_mem>>) src(%dma_wait3A_1694 : memref<32x24x32xf32, #tpu.memory_space<hbm>>) dst(%arg6 : memref<32x24x32xf32, #tpu.memory_space<vmem>>)
      tpu.yield
    }) : () -> ()
    %get3A = arith.constant 0 : i32
    %get3A_3 = arith.index_cast %get3A : i32 to index
    %get3A_4 = arith.constant 0 : index
    %get3A_5 = tpu.vector_load %arg5[%get3A_3, %get3A_4] {strides = array<i32>} : memref<26x128xf32, #tpu.memory_space<vmem>>, vector<1x16xf32>,
    %get3A_6 = vector.shape_cast %get3A_5 : vector<1x16xf32> to vector<16xf32>
    %mul3A_7 = arith.constant 0.0384615399 : f32
    %mul3A_8 = vector.broadcast %mul3A_7 : f32 to vector<16xf32>
    %mul3A_9 = arith.mulf %get3A_6, %mul3A_8 : vector<16xf32>
    %get3A_10 = arith.constant 1 : i32
    %get3A_11 = arith.index_cast %get3A_10 : i32 to index
    %get3A_12 = arith.constant 0 : index
    %get3A_13 = tpu.vector_load %arg5[%get3A_11, %get3A_12] {strides = array<i32>} : memref<26x128xf32, #tpu.memory_space<vmem>>, vector<1x16xf32>,
    %get3A_14 = vector.shape_cast %get3A_13 : vector<1x16xf32> to vector<16xf32>
    %mul3A_15 = arith.constant 0.0384615399 : f32
    %mul3A_16 = vector.broadcast %mul3A_15 : f32 to vector<16xf32>
    %mul3A_17 = arith.mulf %get3A_14, %mul3A_16 : vector<16xf32>
    %get3A_18 = arith.constant 2 : i32
    %get3A_19 = arith.index_cast %get3A_18 : i32 to index
    %get3A_20 = arith.constant 0 : index
    %get3A_21 = tpu.vector_load %arg5[%get3A_19, %get3A_20] {strides = array<i32>} : memref<26x128xf32, #tpu.memory_space<vmem>>, vector<1x16xf32>,
    %get3A_22 = vector.shape_cast %get3A_21 : vector<1x16xf32> to vector<16xf32>
    %mul3A_23 = arith.constant 0.0384615399 : f32
    %mul3A_24 = vector.broadcast %mul3A_23 : f32 to vector<16xf32>
    %mul3A_25 = arith.mulf %get3A_22, %mul3A_24 : vector<16xf32>
    %get3A_26 = arith.constant 3 : i32
    %get3A_27 = arith.index_cast %get3A_26 : i32 to index
    %get3A_28 = arith.constant 0 : index
    %get3A_29 = tpu.vector_load %arg5[%get3A_27, %get3A_28] {strides = array<i32>} : memref<26x128xf32, #tpu.memory_space<vmem>>, vector<1x16xf32>,
    %get3A_30 = vector.shape_cast %get3A_29 : vector<1x16xf32> to vector<16xf32>
    %mul3A_31 = arith.constant 0.0384615399 : f32
    %mul3A_32 = vector.broadcast %mul3A_31 : f32 to vector<16xf32>
    %mul3A_33 = arith.mulf %get3A_30, %mul3A_32 : vector<16xf32>
    %get3A_34 = arith.constant 4 : i32
    %get3A_35 = arith.index_cast %get3A_34 : i32 to index
    %get3A_36 = arith.constant 0 : index
    %get3A_37 = tpu.vector_load %arg5[%get3A_35, %get3A_36] {strides = array<i32>} : memref<26x128xf32, #tpu.memory_space<vmem>>, vector<1x16xf32>,
    %get3A_38 = vector.shape_cast %get3A_37 : vector<1x16xf32> to vector<16xf32>
    %mul3A_39 = arith.constant 0.0384615399 : f32
    %mul3A_40 = vector.broadcast %mul3A_39 : f32 to vector<16xf32>
    %mul3A_41 = arith.mulf %get3A_38, %mul3A_40 : vector<16xf32>
    %get3A_42 = arith.constant 5 : i32
    %get3A_43 = arith.index_cast %get3A_42 : i32 to index
    %get3A_44 = arith.constant 0 : index
    %get3A_45 = tpu.vector_load %arg5[%get3A_43, %get3A_44] {strides = array<i32>} : memref<26x128xf32, #tpu.memory_space<vmem>>, vector<1x16xf32>,
    %get3A_46 = vector.shape_cast %get3A_45 : vector<1x16xf32> to vector<16xf32>
    %mul3A_47 = arith.constant 0.0384615399 : f32
    %mul3A_48 = vector.broadcast %mul3A_47 : f32 to vector<16xf32>
    %mul3A_49 = arith.mulf %get3A_46, %mul3A_48 : vector<16xf32>
    %get3A_50 = arith.constant 6 : i32
    %get3A_51 = arith.index_cast %get3A_50 : i32 to index
    %get3A_52 = arith.constant 0 : index
    %get3A_53 = tpu.vector_load %arg5[%get3A_51, %get3A_52] {strides = array<i32>} : memref<26x128xf32, #tpu.memory_space<vmem>>, vector<1x16xf32>,
    %get3A_54 = vector.shape_cast %get3A_53 : vector<1x16xf32> to vector<16xf32>
    %mul3A_55 = arith.constant 0.0384615399 : f32
    %mul3A_56 = vector.broadcast %mul3A_55 : f32 to vector<16xf32>
    %mul3A_57 = arith.mulf %get3A_54, %mul3A_56 : vector<16xf32>
    %get3A_58 = arith.constant 7 : i32
    %get3A_59 = arith.index_cast %get3A_58 : i32 to index
    %get3A_60 = arith.constant 0 : index
    %get3A_61 = tpu.vector_load %arg5[%get3A_59, %get3A_60] {strides = array<i32>} : memref<26x128xf32, #tpu.memory_space<vmem>>, vector<1x16xf32>,
    %get3A_62 = vector.shape_cast %get3A_61 : vector<1x16xf32> to vector<16xf32>
    %mul3A_63 = arith.constant 0.0384615399 : f32
    %mul3A_64 = vector.broadcast %mul3A_63 : f32 to vector<16xf32>
    %mul3A_65 = arith.mulf %get3A_62, %mul3A_64 : vector<16xf32>
    %get3A_66 = arith.constant 8 : i32
    %get3A_67 = arith.index_cast %get3A_66 : i32 to index
    %get3A_68 = arith.constant 0 : index
    %get3A_69 = tpu.vector_load %arg5[%get3A_67, %get3A_68] {strides = array<i32>} : memref<26x128xf32, #tpu.memory_space<vmem>>, vector<1x16xf32>,
    %get3A_70 = vector.shape_cast %get3A_69 : vector<1x16xf32> to vector<16xf32>
    %mul3A_71 = arith.constant 0.0384615399 : f32
    %mul3A_72 = vector.broadcast %mul3A_71 : f32 to vector<16xf32>
    %mul3A_73 = arith.mulf %get3A_70, %mul3A_72 : vector<16xf32>
    %get3A_74 = arith.constant 9 : i32
    %get3A_75 = arith.index_cast %get3A_74 : i32 to index
    %get3A_76 = arith.constant 0 : index
    %get3A_77 = tpu.vector_load %arg5[%get3A_75, %get3A_76] {strides = array<i32>} : memref<26x128xf32, #tpu.memory_space<vmem>>, vector<1x16xf32>,
    %get3A_78 = vector.shape_cast %get3A_77 : vector<1x16xf32> to vector<16xf32>
    %mul3A_79 = arith.constant 0.0384615399 : f32
    %mul3A_80 = vector.broadcast %mul3A_79 : f32 to vector<16xf32>
    %mul3A_81 = arith.mulf %get3A_78, %mul3A_80 : vector<16xf32>
    %get3A_82 = arith.constant 10 : i32
    %get3A_83 = arith.index_cast %get3A_82 : i32 to index
    %get3A_84 = arith.constant 0 : index
    %get3A_85 = tpu.vector_load %arg5[%get3A_83, %get3A_84] {strides = array<i32>} : memref<26x128xf32, #tpu.memory_space<vmem>>, vector<1x16xf32>,
    %get3A_86 = vector.shape_cast %get3A_85 : vector<1x16xf32> to vector<16xf32>
    %mul3A_87 = arith.constant 0.0384615399 : f32
    %mul3A_88 = vector.broadcast %mul3A_87 : f32 to vector<16xf32>
    %mul3A_89 = arith.mulf %get3A_86, %mul3A_88 : vector<16xf32>
    %get3A_90 = arith.constant 11 : i32
    %get3A_91 = arith.index_cast %get3A_90 : i32 to index
    %get3A_92 = arith.constant 0 : index
    %get3A_93 = tpu.vector_load %arg5[%get3A_91, %get3A_92] {strides = array<i32>} : memref<26x128xf32, #tpu.memory_space<vmem>>, vector<1x16xf32>,
    %get3A_94 = vector.shape_cast %get3A_93 : vector<1x16xf32> to vector<16xf32>
    %mul3A_95 = arith.constant 0.0384615399 : f32
    %mul3A_96 = vector.broadcast %mul3A_95 : f32 to vector<16xf32>
    %mul3A_97 = arith.mulf %get3A_94, %mul3A_96 : vector<16xf32>
    %get3A_98 = arith.constant 12 : i32
    %get3A_99 = arith.index_cast %get3A_98 : i32 to index
    %get3A_100 = arith.constant 0 : index
    %get3A_101 = tpu.vector_load %arg5[%get3A_99, %get3A_100] {strides = array<i32>} : memref<26x128xf32, #tpu.memory_space<vmem>>, vector<1x16xf32>,
    %get3A_102 = vector.shape_cast %get3A_101 : vector<1x16xf32> to vector<16xf32>
    %mul3A_103 = arith.constant 0.0384615399 : f32
    %mul3A_104 = vector.broadcast %mul3A_103 : f32 to vector<16xf32>
    %mul3A_105 = arith.mulf %get3A_102, %mul3A_104 : vector<16xf32>
    %get3A_106 = arith.constant 13 : i32
    %get3A_107 = arith.index_cast %get3A_106 : i32 to index
    %get3A_108 = arith.constant 0 : index
    %get3A_109 = tpu.vector_load %arg5[%get3A_107, %get3A_108] {strides = array<i32>} : memref<26x128xf32, #tpu.memory_space<vmem>>, vector<1x16xf32>,
    %get3A_110 = vector.shape_cast %get3A_109 : vector<1x16xf32> to vector<16xf32>
    %mul3A_111 = arith.constant 0.0384615399 : f32
    %mul3A_112 = vector.broadcast %mul3A_111 : f32 to vector<16xf32>
    %mul3A_113 = arith.mulf %get3A_110, %mul3A_112 : vector<16xf32>
    %get3A_114 = arith.constant 14 : i32
    %get3A_115 = arith.index_cast %get3A_114 : i32 to index
    %get3A_116 = arith.constant 0 : index
    %get3A_117 = tpu.vector_load %arg5[%get3A_115, %get3A_116] {strides = array<i32>} : memref<26x128xf32, #tpu.memory_space<vmem>>, vector<1x16xf32>,
    %get3A_118 = vector.shape_cast %get3A_117 : vector<1x16xf32> to vector<16xf32>
    %mul3A_119 = arith.constant 0.0384615399 : f32
    %mul3A_120 = vector.broadcast %mul3A_119 : f32 to vector<16xf32>
    %mul3A_121 = arith.mulf %get3A_118, %mul3A_120 : vector<16xf32>
    %get3A_122 = arith.constant 15 : i32
    %get3A_123 = arith.index_cast %get3A_122 : i32 to index
    %get3A_124 = arith.constant 0 : index
    %get3A_125 = tpu.vector_load %arg5[%get3A_123, %get3A_124] {strides = array<i32>} : memref<26x128xf32, #tpu.memory_space<vmem>>, vector<1x16xf32>,
    %get3A_126 = vector.shape_cast %get3A_125 : vector<1x16xf32> to vector<16xf32>
    %mul3A_127 = arith.constant 0.0384615399 : f32
    %mul3A_128 = vector.broadcast %mul3A_127 : f32 to vector<16xf32>
    %mul3A_129 = arith.mulf %get3A_126, %mul3A_128 : vector<16xf32>
    %get3A_130 = arith.constant 16 : i32
    %get3A_131 = arith.index_cast %get3A_130 : i32 to index
    %get3A_132 = arith.constant 0 : index
    %get3A_133 = tpu.vector_load %arg5[%get3A_131, %get3A_132] {strides = array<i32>} : memref<26x128xf32, #tpu.memory_space<vmem>>, vector<1x16xf32>,
    %get3A_134 = vector.shape_cast %get3A_133 : vector<1x16xf32> to vector<16xf32>
    %mul3A_135 = arith.constant 0.0384615399 : f32
    %mul3A_136 = vector.broadcast %mul3A_135 : f32 to vector<16xf32>
    %mul3A_137 = arith.mulf %get3A_134, %mul3A_136 : vector<16xf32>
    %get3A_138 = arith.constant 17 : i32
    %get3A_139 = arith.index_cast %get3A_138 : i32 to index
    %get3A_140 = arith.constant 0 : index
    %get3A_141 = tpu.vector_load %arg5[%get3A_139, %get3A_140] {strides = array<i32>} : memref<26x128xf32, #tpu.memory_space<vmem>>, vector<1x16xf32>,
    %get3A_142 = vector.shape_cast %get3A_141 : vector<1x16xf32> to vector<16xf32>
    %mul3A_143 = arith.constant 0.0384615399 : f32
    %mul3A_144 = vector.broadcast %mul3A_143 : f32 to vector<16xf32>
    %mul3A_145 = arith.mulf %get3A_142, %mul3A_144 : vector<16xf32>
    %get3A_146 = arith.constant 18 : i32
    %get3A_147 = arith.index_cast %get3A_146 : i32 to index
    %get3A_148 = arith.constant 0 : index
    %get3A_149 = tpu.vector_load %arg5[%get3A_147, %get3A_148] {strides = array<i32>} : memref<26x128xf32, #tpu.memory_space<vmem>>, vector<1x16xf32>,
    %get3A_150 = vector.shape_cast %get3A_149 : vector<1x16xf32> to vector<16xf32>
    %mul3A_151 = arith.constant 0.0384615399 : f32
    %mul3A_152 = vector.broadcast %mul3A_151 : f32 to vector<16xf32>
    %mul3A_153 = arith.mulf %get3A_150, %mul3A_152 : vector<16xf32>
    %get3A_154 = arith.constant 19 : i32
    %get3A_155 = arith.index_cast %get3A_154 : i32 to index
    %get3A_156 = arith.constant 0 : index
    %get3A_157 = tpu.vector_load %arg5[%get3A_155, %get3A_156] {strides = array<i32>} : memref<26x128xf32, #tpu.memory_space<vmem>>, vector<1x16xf32>,
    %get3A_158 = vector.shape_cast %get3A_157 : vector<1x16xf32> to vector<16xf32>
    %mul3A_159 = arith.constant 0.0384615399 : f32
    %mul3A_160 = vector.broadcast %mul3A_159 : f32 to vector<16xf32>
    %mul3A_161 = arith.mulf %get3A_158, %mul3A_160 : vector<16xf32>
    %get3A_162 = arith.constant 20 : i32
    %get3A_163 = arith.index_cast %get3A_162 : i32 to index
    %get3A_164 = arith.constant 0 : index
    %get3A_165 = tpu.vector_load %arg5[%get3A_163, %get3A_164] {strides = array<i32>} : memref<26x128xf32, #tpu.memory_space<vmem>>, vector<1x16xf32>,
    %get3A_166 = vector.shape_cast %get3A_165 : vector<1x16xf32> to vector<16xf32>
    %mul3A_167 = arith.constant 0.0384615399 : f32
    %mul3A_168 = vector.broadcast %mul3A_167 : f32 to vector<16xf32>
    %mul3A_169 = arith.mulf %get3A_166, %mul3A_168 : vector<16xf32>
    %get3A_170 = arith.constant 21 : i32
    %get3A_171 = arith.index_cast %get3A_170 : i32 to index
    %get3A_172 = arith.constant 0 : index
    %get3A_173 = tpu.vector_load %arg5[%get3A_171, %get3A_172] {strides = array<i32>} : memref<26x128xf32, #tpu.memory_space<vmem>>, vector<1x16xf32>,
    %get3A_174 = vector.shape_cast %get3A_173 : vector<1x16xf32> to vector<16xf32>
    %mul3A_175 = arith.constant 0.0384615399 : f32
    %mul3A_176 = vector.broadcast %mul3A_175 : f32 to vector<16xf32>
    %mul3A_177 = arith.mulf %get3A_174, %mul3A_176 : vector<16xf32>
    %get3A_178 = arith.constant 22 : i32
    %get3A_179 = arith.index_cast %get3A_178 : i32 to index
    %get3A_180 = arith.constant 0 : index
    %get3A_181 = tpu.vector_load %arg5[%get3A_179, %get3A_180] {strides = array<i32>} : memref<26x128xf32, #tpu.memory_space<vmem>>, vector<1x16xf32>,
    %get3A_182 = vector.shape_cast %get3A_181 : vector<1x16xf32> to vector<16xf32>
    %mul3A_183 = arith.constant 0.0384615399 : f32
    %mul3A_184 = vector.broadcast %mul3A_183 : f32 to vector<16xf32>
    %mul3A_185 = arith.mulf %get3A_182, %mul3A_184 : vector<16xf32>
    %get3A_186 = arith.constant 23 : i32
    %get3A_187 = arith.index_cast %get3A_186 : i32 to index
    %get3A_188 = arith.constant 0 : index
    %get3A_189 = tpu.vector_load %arg5[%get3A_187, %get3A_188] {strides = array<i32>} : memref<26x128xf32, #tpu.memory_space<vmem>>, vector<1x16xf32>,
    %get3A_190 = vector.shape_cast %get3A_189 : vector<1x16xf32> to vector<16xf32>
    %mul3A_191 = arith.constant 0.0384615399 : f32
    %mul3A_192 = vector.broadcast %mul3A_191 : f32 to vector<16xf32>
    %mul3A_193 = arith.mulf %get3A_190, %mul3A_192 : vector<16xf32>
    %get3A_194 = arith.constant 24 : i32
    %get3A_195 = arith.index_cast %get3A_194 : i32 to index
    %get3A_196 = arith.constant 0 : index
    %get3A_197 = tpu.vector_load %arg5[%get3A_195, %get3A_196] {strides = array<i32>} : memref<26x128xf32, #tpu.memory_space<vmem>>, vector<1x16xf32>,
    %get3A_198 = vector.shape_cast %get3A_197 : vector<1x16xf32> to vector<16xf32>
    %mul3A_199 = arith.constant 0.0384615399 : f32
    %mul3A_200 = vector.broadcast %mul3A_199 : f32 to vector<16xf32>
    %mul3A_201 = arith.mulf %get3A_198, %mul3A_200 : vector<16xf32>
    %get3A_202 = arith.constant 25 : i32
    %get3A_203 = arith.index_cast %get3A_202 : i32 to index
    %get3A_204 = arith.constant 0 : index
    %get3A_205 = tpu.vector_load %arg5[%get3A_203, %get3A_204] {strides = array<i32>} : memref<26x128xf32, #tpu.memory_space<vmem>>, vector<1x16xf32>,
    %get3A_206 = vector.shape_cast %get3A_205 : vector<1x16xf32> to vector<16xf32>
    %mul3A_207 = arith.constant 0.0384615399 : f32
    %mul3A_208 = vector.broadcast %mul3A_207 : f32 to vector<16xf32>
    %mul3A_209 = arith.mulf %get3A_206, %mul3A_208 : vector<16xf32>
    %get3A_210 = arith.constant 0 : i32
    %get3A_211 = arith.index_cast %get3A_210 : i32 to index
    %get3A_212 = arith.constant 16 : index
    %get3A_213 = tpu.vector_load %arg5[%get3A_211, %get3A_212] {strides = array<i32>} : memref<26x128xf32, #tpu.memory_space<vmem>>, vector<1x16xf32>,
    %get3A_214 = vector.shape_cast %get3A_213 : vector<1x16xf32> to vector<16xf32>
    %mul3A_215 = arith.constant 0.0384615399 : f32
    %mul3A_216 = vector.broadcast %mul3A_215 : f32 to vector<16xf32>
    %mul3A_217 = arith.mulf %get3A_214, %mul3A_216 : vector<16xf32>
    %get3A_218 = arith.constant 1 : i32
    %get3A_219 = arith.index_cast %get3A_218 : i32 to index
    %get3A_220 = arith.constant 16 : index
    %get3A_221 = tpu.vector_load %arg5[%get3A_219, %get3A_220] {strides = array<i32>} : memref<26x128xf32, #tpu.memory_space<vmem>>, vector<1x16xf32>,
    %get3A_222 = vector.shape_cast %get3A_221 : vector<1x16xf32> to vector<16xf32>
    %mul3A_223 = arith.constant 0.0384615399 : f32
    %mul3A_224 = vector.broadcast %mul3A_223 : f32 to vector<16xf32>
    %mul3A_225 = arith.mulf %get3A_222, %mul3A_224 : vector<16xf32>
    %get3A_226 = arith.constant 2 : i32
    %get3A_227 = arith.index_cast %get3A_226 : i32 to index
    %get3A_228 = arith.constant 16 : index
    %get3A_229 = tpu.vector_load %arg5[%get3A_227, %get3A_228] {strides = array<i32>} : memref<26x128xf32, #tpu.memory_space<vmem>>, vector<1x16xf32>,
    %get3A_230 = vector.shape_cast %get3A_229 : vector<1x16xf32> to vector<16xf32>
    %mul3A_231 = arith.constant 0.0384615399 : f32
    %mul3A_232 = vector.broadcast %mul3A_231 : f32 to vector<16xf32>
    %mul3A_233 = arith.mulf %get3A_230, %mul3A_232 : vector<16xf32>
    %get3A_234 = arith.constant 3 : i32
    %get3A_235 = arith.index_cast %get3A_234 : i32 to index
    %get3A_236 = arith.constant 16 : index
    %get3A_237 = tpu.vector_load %arg5[%get3A_235, %get3A_236] {strides = array<i32>} : memref<26x128xf32, #tpu.memory_space<vmem>>, vector<1x16xf32>,
    %get3A_238 = vector.shape_cast %get3A_237 : vector<1x16xf32> to vector<16xf32>
    %mul3A_239 = arith.constant 0.0384615399 : f32
    %mul3A_240 = vector.broadcast %mul3A_239 : f32 to vector<16xf32>
    %mul3A_241 = arith.mulf %get3A_238, %mul3A_240 : vector<16xf32>
    %get3A_242 = arith.constant 4 : i32
    %get3A_243 = arith.index_cast %get3A_242 : i32 to index
    %get3A_244 = arith.constant 16 : index
    %get3A_245 = tpu.vector_load %arg5[%get3A_243, %get3A_244] {strides = array<i32>} : memref<26x128xf32, #tpu.memory_space<vmem>>, vector<1x16xf32>,
    %get3A_246 = vector.shape_cast %get3A_245 : vector<1x16xf32> to vector<16xf32>
    %mul3A_247 = arith.constant 0.0384615399 : f32
    %mul3A_248 = vector.broadcast %mul3A_247 : f32 to vector<16xf32>
    %mul3A_249 = arith.mulf %get3A_246, %mul3A_248 : vector<16xf32>
    %get3A_250 = arith.constant 5 : i32
    %get3A_251 = arith.index_cast %get3A_250 : i32 to index
    %get3A_252 = arith.constant 16 : index
    %get3A_253 = tpu.vector_load %arg5[%get3A_251, %get3A_252] {strides = array<i32>} : memref<26x128xf32, #tpu.memory_space<vmem>>, vector<1x16xf32>,
    %get3A_254 = vector.shape_cast %get3A_253 : vector<1x16xf32> to vector<16xf32>
    %mul3A_255 = arith.constant 0.0384615399 : f32
    %mul3A_256 = vector.broadcast %mul3A_255 : f32 to vector<16xf32>
    %mul3A_257 = arith.mulf %get3A_254, %mul3A_256 : vector<16xf32>
    %get3A_258 = arith.constant 6 : i32
    %get3A_259 = arith.index_cast %get3A_258 : i32 to index
    %get3A_260 = arith.constant 16 : index
    %get3A_261 = tpu.vector_load %arg5[%get3A_259, %get3A_260] {strides = array<i32>} : memref<26x128xf32, #tpu.memory_space<vmem>>, vector<1x16xf32>,
    %get3A_262 = vector.shape_cast %get3A_261 : vector<1x16xf32> to vector<16xf32>
    %mul3A_263 = arith.constant 0.0384615399 : f32
    %mul3A_264 = vector.broadcast %mul3A_263 : f32 to vector<16xf32>
    %mul3A_265 = arith.mulf %get3A_262, %mul3A_264 : vector<16xf32>
    %get3A_266 = arith.constant 7 : i32
    %get3A_267 = arith.index_cast %get3A_266 : i32 to index
    %get3A_268 = arith.constant 16 : index
    %get3A_269 = tpu.vector_load %arg5[%get3A_267, %get3A_268] {strides = array<i32>} : memref<26x128xf32, #tpu.memory_space<vmem>>, vector<1x16xf32>,
    %get3A_270 = vector.shape_cast %get3A_269 : vector<1x16xf32> to vector<16xf32>
    %mul3A_271 = arith.constant 0.0384615399 : f32
    %mul3A_272 = vector.broadcast %mul3A_271 : f32 to vector<16xf32>
    %mul3A_273 = arith.mulf %get3A_270, %mul3A_272 : vector<16xf32>
    %get3A_274 = arith.constant 8 : i32
    %get3A_275 = arith.index_cast %get3A_274 : i32 to index
    %get3A_276 = arith.constant 16 : index
    %get3A_277 = tpu.vector_load %arg5[%get3A_275, %get3A_276] {strides = array<i32>} : memref<26x128xf32, #tpu.memory_space<vmem>>, vector<1x16xf32>,
    %get3A_278 = vector.shape_cast %get3A_277 : vector<1x16xf32> to vector<16xf32>
    %mul3A_279 = arith.constant 0.0384615399 : f32
    %mul3A_280 = vector.broadcast %mul3A_279 : f32 to vector<16xf32>
    %mul3A_281 = arith.mulf %get3A_278, %mul3A_280 : vector<16xf32>
    %get3A_282 = arith.constant 9 : i32
    %get3A_283 = arith.index_cast %get3A_282 : i32 to index
    %get3A_284 = arith.constant 16 : index
    %get3A_285 = tpu.vector_load %arg5[%get3A_283, %get3A_284] {strides = array<i32>} : memref<26x128xf32, #tpu.memory_space<vmem>>, vector<1x16xf32>,
    %get3A_286 = vector.shape_cast %get3A_285 : vector<1x16xf32> to vector<16xf32>
    %mul3A_287 = arith.constant 0.0384615399 : f32
    %mul3A_288 = vector.broadcast %mul3A_287 : f32 to vector<16xf32>
    %mul3A_289 = arith.mulf %get3A_286, %mul3A_288 : vector<16xf32>
    %get3A_290 = arith.constant 10 : i32
    %get3A_291 = arith.index_cast %get3A_290 : i32 to index
    %get3A_292 = arith.constant 16 : index
    %get3A_293 = tpu.vector_load %arg5[%get3A_291, %get3A_292] {strides = array<i32>} : memref<26x128xf32, #tpu.memory_space<vmem>>, vector<1x16xf32>,
    %get3A_294 = vector.shape_cast %get3A_293 : vector<1x16xf32> to vector<16xf32>
    %mul3A_295 = arith.constant 0.0384615399 : f32
    %mul3A_296 = vector.broadcast %mul3A_295 : f32 to vector<16xf32>
    %mul3A_297 = arith.mulf %get3A_294, %mul3A_296 : vector<16xf32>
    %get3A_298 = arith.constant 11 : i32
    %get3A_299 = arith.index_cast %get3A_298 : i32 to index
    %get3A_300 = arith.constant 16 : index
    %get3A_301 = tpu.vector_load %arg5[%get3A_299, %get3A_300] {strides = array<i32>} : memref<26x128xf32, #tpu.memory_space<vmem>>, vector<1x16xf32>,
    %get3A_302 = vector.shape_cast %get3A_301 : vector<1x16xf32> to vector<16xf32>
    %mul3A_303 = arith.constant 0.0384615399 : f32
    %mul3A_304 = vector.broadcast %mul3A_303 : f32 to vector<16xf32>
    %mul3A_305 = arith.mulf %get3A_302, %mul3A_304 : vector<16xf32>
    %get3A_306 = arith.constant 12 : i32
    %get3A_307 = arith.index_cast %get3A_306 : i32 to index
    %get3A_308 = arith.constant 16 : index
    %get3A_309 = tpu.vector_load %arg5[%get3A_307, %get3A_308] {strides = array<i32>} : memref<26x128xf32, #tpu.memory_space<vmem>>, vector<1x16xf32>,
    %get3A_310 = vector.shape_cast %get3A_309 : vector<1x16xf32> to vector<16xf32>
    %mul3A_311 = arith.constant 0.0384615399 : f32
    %mul3A_312 = vector.broadcast %mul3A_311 : f32 to vector<16xf32>
    %mul3A_313 = arith.mulf %get3A_310, %mul3A_312 : vector<16xf32>
    %get3A_314 = arith.constant 13 : i32
    %get3A_315 = arith.index_cast %get3A_314 : i32 to index
    %get3A_316 = arith.constant 16 : index
    %get3A_317 = tpu.vector_load %arg5[%get3A_315, %get3A_316] {strides = array<i32>} : memref<26x128xf32, #tpu.memory_space<vmem>>, vector<1x16xf32>,
    %get3A_318 = vector.shape_cast %get3A_317 : vector<1x16xf32> to vector<16xf32>
    %mul3A_319 = arith.constant 0.0384615399 : f32
    %mul3A_320 = vector.broadcast %mul3A_319 : f32 to vector<16xf32>
    %mul3A_321 = arith.mulf %get3A_318, %mul3A_320 : vector<16xf32>
    %get3A_322 = arith.constant 14 : i32
    %get3A_323 = arith.index_cast %get3A_322 : i32 to index
    %get3A_324 = arith.constant 16 : index
    %get3A_325 = tpu.vector_load %arg5[%get3A_323, %get3A_324] {strides = array<i32>} : memref<26x128xf32, #tpu.memory_space<vmem>>, vector<1x16xf32>,
    %get3A_326 = vector.shape_cast %get3A_325 : vector<1x16xf32> to vector<16xf32>
    %mul3A_327 = arith.constant 0.0384615399 : f32
    %mul3A_328 = vector.broadcast %mul3A_327 : f32 to vector<16xf32>
    %mul3A_329 = arith.mulf %get3A_326, %mul3A_328 : vector<16xf32>
    %get3A_330 = arith.constant 15 : i32
    %get3A_331 = arith.index_cast %get3A_330 : i32 to index
    %get3A_332 = arith.constant 16 : index
    %get3A_333 = tpu.vector_load %arg5[%get3A_331, %get3A_332] {strides = array<i32>} : memref<26x128xf32, #tpu.memory_space<vmem>>, vector<1x16xf32>,
    %get3A_334 = vector.shape_cast %get3A_333 : vector<1x16xf32> to vector<16xf32>
    %mul3A_335 = arith.constant 0.0384615399 : f32
    %mul3A_336 = vector.broadcast %mul3A_335 : f32 to vector<16xf32>
    %mul3A_337 = arith.mulf %get3A_334, %mul3A_336 : vector<16xf32>
    %get3A_338 = arith.constant 16 : i32
    %get3A_339 = arith.index_cast %get3A_338 : i32 to index
    %get3A_340 = arith.constant 16 : index
    %get3A_341 = tpu.vector_load %arg5[%get3A_339, %get3A_340] {strides = array<i32>} : memref<26x128xf32, #tpu.memory_space<vmem>>, vector<1x16xf32>,
    %get3A_342 = vector.shape_cast %get3A_341 : vector<1x16xf32> to vector<16xf32>
    %mul3A_343 = arith.constant 0.0384615399 : f32
    %mul3A_344 = vector.broadcast %mul3A_343 : f32 to vector<16xf32>
    %mul3A_345 = arith.mulf %get3A_342, %mul3A_344 : vector<16xf32>
    %get3A_346 = arith.constant 17 : i32
    %get3A_347 = arith.index_cast %get3A_346 : i32 to index
    %get3A_348 = arith.constant 16 : index
    %get3A_349 = tpu.vector_load %arg5[%get3A_347, %get3A_348] {strides = array<i32>} : memref<26x128xf32, #tpu.memory_space<vmem>>, vector<1x16xf32>,
    %get3A_350 = vector.shape_cast %get3A_349 : vector<1x16xf32> to vector<16xf32>
    %mul3A_351 = arith.constant 0.0384615399 : f32
    %mul3A_352 = vector.broadcast %mul3A_351 : f32 to vector<16xf32>
    %mul3A_353 = arith.mulf %get3A_350, %mul3A_352 : vector<16xf32>
    %get3A_354 = arith.constant 18 : i32
    %get3A_355 = arith.index_cast %get3A_354 : i32 to index
    %get3A_356 = arith.constant 16 : index
    %get3A_357 = tpu.vector_load %arg5[%get3A_355, %get3A_356] {strides = array<i32>} : memref<26x128xf32, #tpu.memory_space<vmem>>, vector<1x16xf32>,
    %get3A_358 = vector.shape_cast %get3A_357 : vector<1x16xf32> to vector<16xf32>
    %mul3A_359 = arith.constant 0.0384615399 : f32
    %mul3A_360 = vector.broadcast %mul3A_359 : f32 to vector<16xf32>
    %mul3A_361 = arith.mulf %get3A_358, %mul3A_360 : vector<16xf32>
    %get3A_362 = arith.constant 19 : i32
    %get3A_363 = arith.index_cast %get3A_362 : i32 to index
    %get3A_364 = arith.constant 16 : index
    %get3A_365 = tpu.vector_load %arg5[%get3A_363, %get3A_364] {strides = array<i32>} : memref<26x128xf32, #tpu.memory_space<vmem>>, vector<1x16xf32>,
    %get3A_366 = vector.shape_cast %get3A_365 : vector<1x16xf32> to vector<16xf32>
    %mul3A_367 = arith.constant 0.0384615399 : f32
    %mul3A_368 = vector.broadcast %mul3A_367 : f32 to vector<16xf32>
    %mul3A_369 = arith.mulf %get3A_366, %mul3A_368 : vector<16xf32>
    %get3A_370 = arith.constant 20 : i32
    %get3A_371 = arith.index_cast %get3A_370 : i32 to index
    %get3A_372 = arith.constant 16 : index
    %get3A_373 = tpu.vector_load %arg5[%get3A_371, %get3A_372] {strides = array<i32>} : memref<26x128xf32, #tpu.memory_space<vmem>>, vector<1x16xf32>,
    %get3A_374 = vector.shape_cast %get3A_373 : vector<1x16xf32> to vector<16xf32>
    %mul3A_375 = arith.constant 0.0384615399 : f32
    %mul3A_376 = vector.broadcast %mul3A_375 : f32 to vector<16xf32>
    %mul3A_377 = arith.mulf %get3A_374, %mul3A_376 : vector<16xf32>
    %get3A_378 = arith.constant 21 : i32
    %get3A_379 = arith.index_cast %get3A_378 : i32 to index
    %get3A_380 = arith.constant 16 : index
    %get3A_381 = tpu.vector_load %arg5[%get3A_379, %get3A_380] {strides = array<i32>} : memref<26x128xf32, #tpu.memory_space<vmem>>, vector<1x16xf32>,
    %get3A_382 = vector.shape_cast %get3A_381 : vector<1x16xf32> to vector<16xf32>
    %mul3A_383 = arith.constant 0.0384615399 : f32
    %mul3A_384 = vector.broadcast %mul3A_383 : f32 to vector<16xf32>
    %mul3A_385 = arith.mulf %get3A_382, %mul3A_384 : vector<16xf32>
    %get3A_386 = arith.constant 22 : i32
    %get3A_387 = arith.index_cast %get3A_386 : i32 to index
    %get3A_388 = arith.constant 16 : index
    %get3A_389 = tpu.vector_load %arg5[%get3A_387, %get3A_388] {strides = array<i32>} : memref<26x128xf32, #tpu.memory_space<vmem>>, vector<1x16xf32>,
    %get3A_390 = vector.shape_cast %get3A_389 : vector<1x16xf32> to vector<16xf32>
    %mul3A_391 = arith.constant 0.0384615399 : f32
    %mul3A_392 = vector.broadcast %mul3A_391 : f32 to vector<16xf32>
    %mul3A_393 = arith.mulf %get3A_390, %mul3A_392 : vector<16xf32>
    %get3A_394 = arith.constant 23 : i32
    %get3A_395 = arith.index_cast %get3A_394 : i32 to index
    %get3A_396 = arith.constant 16 : index
    %get3A_397 = tpu.vector_load %arg5[%get3A_395, %get3A_396] {strides = array<i32>} : memref<26x128xf32, #tpu.memory_space<vmem>>, vector<1x16xf32>,
    %get3A_398 = vector.shape_cast %get3A_397 : vector<1x16xf32> to vector<16xf32>
    %mul3A_399 = arith.constant 0.0384615399 : f32
    %mul3A_400 = vector.broadcast %mul3A_399 : f32 to vector<16xf32>
    %mul3A_401 = arith.mulf %get3A_398, %mul3A_400 : vector<16xf32>
    %get3A_402 = arith.constant 24 : i32
    %get3A_403 = arith.index_cast %get3A_402 : i32 to index
    %get3A_404 = arith.constant 16 : index
    %get3A_405 = tpu.vector_load %arg5[%get3A_403, %get3A_404] {strides = array<i32>} : memref<26x128xf32, #tpu.memory_space<vmem>>, vector<1x16xf32>,
    %get3A_406 = vector.shape_cast %get3A_405 : vector<1x16xf32> to vector<16xf32>
    %mul3A_407 = arith.constant 0.0384615399 : f32
    %mul3A_408 = vector.broadcast %mul3A_407 : f32 to vector<16xf32>
    %mul3A_409 = arith.mulf %get3A_406, %mul3A_408 : vector<16xf32>
    %get3A_410 = arith.constant 25 : i32
    %get3A_411 = arith.index_cast %get3A_410 : i32 to index
    %get3A_412 = arith.constant 16 : index
    %get3A_413 = tpu.vector_load %arg5[%get3A_411, %get3A_412] {strides = array<i32>} : memref<26x128xf32, #tpu.memory_space<vmem>>, vector<1x16xf32>,
    %get3A_414 = vector.shape_cast %get3A_413 : vector<1x16xf32> to vector<16xf32>
    %mul3A_415 = arith.constant 0.0384615399 : f32
    %mul3A_416 = vector.broadcast %mul3A_415 : f32 to vector<16xf32>
    %mul3A_417 = arith.mulf %get3A_414, %mul3A_416 : vector<16xf32>
    %scan3A = arith.constant 0 : i32
    %scan3A_418 = arith.constant 32 : i32
    %scan3A_419 = arith.addi %scan3A, %scan3A_418 : i32
    %scan3A_420 = arith.constant 1 : i32
    scf.for %scan3A_1685 = %scan3A to %scan3A_419 step %scan3A_420  : i32 {
      %parallel_loop3A = arith.constant 0 : i32
      %parallel_loop3A_1686 = arith.constant 20 : i32
      %parallel_loop3A_1687 = arith.constant 1 : i32
      scf.for %parallel_loop3A_1688 = %parallel_loop3A to %parallel_loop3A_1686 step %parallel_loop3A_1687  : i32 {
        %parallel_loop3A_1689 = arith.index_cast %scan3A_1685 : i32 to index
        %parallel_loop3A_1690 = arith.index_cast %parallel_loop3A_1688 : i32 to index
        %parallel_loop3A_1691 = arith.constant 0 : index
        %parallel_loop3A_1692 = tpu.vector_load %arg6[%parallel_loop3A_1689, %parallel_loop3A_1690, %parallel_loop3A_1691] {strides = array<i32>} : memref<32x24x32xf32, #tpu.memory_space<vmem>>, vector<1x1x16xf32>,
        %parallel_loop3A_1693 = vector.shape_cast %parallel_loop3A_1692 : vector<1x1x16xf32> to vector<16xf32>
        %parallel_loop3A_1694 = arith.index_cast %scan3A_1685 : i32 to index
        %parallel_loop3A_1695 = arith.index_cast %parallel_loop3A_1688 : i32 to index
        %parallel_loop3A_1696 = arith.constant 10 : index
        %parallel_loop3A_1697 = tpu.vector_load %arg6[%parallel_loop3A_1694, %parallel_loop3A_1695, %parallel_loop3A_1696] {strides = array<i32>} : memref<32x24x32xf32, #tpu.memory_space<vmem>>, vector<1x1x16xf32>,
        %parallel_loop3A_1698 = vector.shape_cast %parallel_loop3A_1697 : vector<1x1x16xf32> to vector<16xf32>
        %parallel_loop3A_1699 = vector.extract_strided_slice %parallel_loop3A_1693 {offsets = [0], sizes = [1], strides = [1]} : vector<16xf32> to vector<1xf32>
        %parallel_loop3A_1700 = vector.extract %parallel_loop3A_1699[0] : f32 from vector<1xf32>
        %parallel_loop3A_1701 = vector.extract_strided_slice %parallel_loop3A_1693 {offsets = [1], sizes = [1], strides = [1]} : vector<16xf32> to vector<1xf32>
        %parallel_loop3A_1702 = vector.extract %parallel_loop3A_1701[0] : f32 from vector<1xf32>
        %parallel_loop3A_1703 = vector.extract_strided_slice %parallel_loop3A_1693 {offsets = [2], sizes = [1], strides = [1]} : vector<16xf32> to vector<1xf32>
        %parallel_loop3A_1704 = vector.extract %parallel_loop3A_1703[0] : f32 from vector<1xf32>
        %parallel_loop3A_1705 = vector.extract_strided_slice %parallel_loop3A_1693 {offsets = [3], sizes = [1], strides = [1]} : vector<16xf32> to vector<1xf32>
        %parallel_loop3A_1706 = vector.extract %parallel_loop3A_1705[0] : f32 from vector<1xf32>
        %parallel_loop3A_1707 = vector.extract_strided_slice %parallel_loop3A_1693 {offsets = [4], sizes = [1], strides = [1]} : vector<16xf32> to vector<1xf32>
        %parallel_loop3A_1708 = vector.extract %parallel_loop3A_1707[0] : f32 from vector<1xf32>
        %parallel_loop3A_1709 = vector.extract_strided_slice %parallel_loop3A_1693 {offsets = [5], sizes = [1], strides = [1]} : vector<16xf32> to vector<1xf32>
        %parallel_loop3A_1710 = vector.extract %parallel_loop3A_1709[0] : f32 from vector<1xf32>
        %parallel_loop3A_1711 = vector.extract_strided_slice %parallel_loop3A_1693 {offsets = [6], sizes = [1], strides = [1]} : vector<16xf32> to vector<1xf32>
        %parallel_loop3A_1712 = vector.extract %parallel_loop3A_1711[0] : f32 from vector<1xf32>
        %parallel_loop3A_1713 = vector.extract_strided_slice %parallel_loop3A_1693 {offsets = [7], sizes = [1], strides = [1]} : vector<16xf32> to vector<1xf32>
        %parallel_loop3A_1714 = vector.extract %parallel_loop3A_1713[0] : f32 from vector<1xf32>
        %parallel_loop3A_1715 = vector.extract_strided_slice %parallel_loop3A_1693 {offsets = [8], sizes = [1], strides = [1]} : vector<16xf32> to vector<1xf32>
        %parallel_loop3A_1716 = vector.extract %parallel_loop3A_1715[0] : f32 from vector<1xf32>
        %parallel_loop3A_1717 = vector.extract_strided_slice %parallel_loop3A_1693 {offsets = [9], sizes = [1], strides = [1]} : vector<16xf32> to vector<1xf32>
        %parallel_loop3A_1718 = vector.extract %parallel_loop3A_1717[0] : f32 from vector<1xf32>
        %parallel_loop3A_1719 = vector.extract_strided_slice %parallel_loop3A_1693 {offsets = [10], sizes = [1], strides = [1]} : vector<16xf32> to vector<1xf32>
        %parallel_loop3A_1720 = vector.extract %parallel_loop3A_1719[0] : f32 from vector<1xf32>
        %parallel_loop3A_1721 = vector.extract_strided_slice %parallel_loop3A_1693 {offsets = [11], sizes = [1], strides = [1]} : vector<16xf32> to vector<1xf32>
        %parallel_loop3A_1722 = vector.extract %parallel_loop3A_1721[0] : f32 from vector<1xf32>
        %parallel_loop3A_1723 = vector.extract_strided_slice %parallel_loop3A_1693 {offsets = [12], sizes = [1], strides = [1]} : vector<16xf32> to vector<1xf32>
        %parallel_loop3A_1724 = vector.extract %parallel_loop3A_1723[0] : f32 from vector<1xf32>
        %parallel_loop3A_1725 = vector.extract_strided_slice %parallel_loop3A_1693 {offsets = [13], sizes = [1], strides = [1]} : vector<16xf32> to vector<1xf32>
        %parallel_loop3A_1726 = vector.extract %parallel_loop3A_1725[0] : f32 from vector<1xf32>
        %parallel_loop3A_1727 = vector.extract_strided_slice %parallel_loop3A_1693 {offsets = [14], sizes = [1], strides = [1]} : vector<16xf32> to vector<1xf32>
        %parallel_loop3A_1728 = vector.extract %parallel_loop3A_1727[0] : f32 from vector<1xf32>
        %parallel_loop3A_1729 = vector.extract_strided_slice %parallel_loop3A_1693 {offsets = [15], sizes = [1], strides = [1]} : vector<16xf32> to vector<1xf32>
        %parallel_loop3A_1730 = vector.extract %parallel_loop3A_1729[0] : f32 from vector<1xf32>
        %parallel_loop3A_1731 = vector.extract_strided_slice %parallel_loop3A_1698 {offsets = [6], sizes = [1], strides = [1]} : vector<16xf32> to vector<1xf32>
        %parallel_loop3A_1732 = vector.extract %parallel_loop3A_1731[0] : f32 from vector<1xf32>
        %parallel_loop3A_1733 = vector.extract_strided_slice %parallel_loop3A_1698 {offsets = [7], sizes = [1], strides = [1]} : vector<16xf32> to vector<1xf32>
        %parallel_loop3A_1734 = vector.extract %parallel_loop3A_1733[0] : f32 from vector<1xf32>
        %parallel_loop3A_1735 = vector.extract_strided_slice %parallel_loop3A_1698 {offsets = [8], sizes = [1], strides = [1]} : vector<16xf32> to vector<1xf32>
        %parallel_loop3A_1736 = vector.extract %parallel_loop3A_1735[0] : f32 from vector<1xf32>
        %parallel_loop3A_1737 = vector.extract_strided_slice %parallel_loop3A_1698 {offsets = [9], sizes = [1], strides = [1]} : vector<16xf32> to vector<1xf32>
        %parallel_loop3A_1738 = vector.extract %parallel_loop3A_1737[0] : f32 from vector<1xf32>
        %parallel_loop3A_1739 = vector.extract_strided_slice %parallel_loop3A_1698 {offsets = [10], sizes = [1], strides = [1]} : vector<16xf32> to vector<1xf32>
        %parallel_loop3A_1740 = vector.extract %parallel_loop3A_1739[0] : f32 from vector<1xf32>
        %parallel_loop3A_1741 = vector.extract_strided_slice %parallel_loop3A_1698 {offsets = [11], sizes = [1], strides = [1]} : vector<16xf32> to vector<1xf32>
        %parallel_loop3A_1742 = vector.extract %parallel_loop3A_1741[0] : f32 from vector<1xf32>
        %parallel_loop3A_1743 = vector.extract_strided_slice %parallel_loop3A_1698 {offsets = [12], sizes = [1], strides = [1]} : vector<16xf32> to vector<1xf32>
        %parallel_loop3A_1744 = vector.extract %parallel_loop3A_1743[0] : f32 from vector<1xf32>
        %parallel_loop3A_1745 = vector.extract_strided_slice %parallel_loop3A_1698 {offsets = [13], sizes = [1], strides = [1]} : vector<16xf32> to vector<1xf32>
        %parallel_loop3A_1746 = vector.extract %parallel_loop3A_1745[0] : f32 from vector<1xf32>
        %parallel_loop3A_1747 = vector.extract_strided_slice %parallel_loop3A_1698 {offsets = [14], sizes = [1], strides = [1]} : vector<16xf32> to vector<1xf32>
        %parallel_loop3A_1748 = vector.extract %parallel_loop3A_1747[0] : f32 from vector<1xf32>
        %parallel_loop3A_1749 = vector.extract_strided_slice %parallel_loop3A_1698 {offsets = [15], sizes = [1], strides = [1]} : vector<16xf32> to vector<1xf32>
        %parallel_loop3A_1750 = vector.extract %parallel_loop3A_1749[0] : f32 from vector<1xf32>
        %parallel_loop3A_1751 = vector.broadcast %parallel_loop3A_1700 : f32 to vector<16xf32>
        %parallel_loop3A_1752 = arith.mulf %parallel_loop3A_1751, %mul3A_9 : vector<16xf32>
        %parallel_loop3A_1753 = vector.broadcast %parallel_loop3A_1700 : f32 to vector<16xf32>
        %parallel_loop3A_1754 = arith.mulf %parallel_loop3A_1753, %mul3A_217 : vector<16xf32>
        %parallel_loop3A_1755 = vector.broadcast %parallel_loop3A_1702 : f32 to vector<16xf32>
        %parallel_loop3A_1756 = arith.mulf %parallel_loop3A_1755, %mul3A_17 : vector<16xf32>
        %parallel_loop3A_1757 = arith.addf %parallel_loop3A_1752, %parallel_loop3A_1756 : vector<16xf32>
        %parallel_loop3A_1758 = vector.broadcast %parallel_loop3A_1702 : f32 to vector<16xf32>
        %parallel_loop3A_1759 = arith.mulf %parallel_loop3A_1758, %mul3A_225 : vector<16xf32>
        %parallel_loop3A_1760 = arith.addf %parallel_loop3A_1754, %parallel_loop3A_1759 : vector<16xf32>
        %parallel_loop3A_1761 = vector.broadcast %parallel_loop3A_1704 : f32 to vector<16xf32>
        %parallel_loop3A_1762 = arith.mulf %parallel_loop3A_1761, %mul3A_25 : vector<16xf32>
        %parallel_loop3A_1763 = arith.addf %parallel_loop3A_1757, %parallel_loop3A_1762 : vector<16xf32>
        %parallel_loop3A_1764 = vector.broadcast %parallel_loop3A_1704 : f32 to vector<16xf32>
        %parallel_loop3A_1765 = arith.mulf %parallel_loop3A_1764, %mul3A_233 : vector<16xf32>
        %parallel_loop3A_1766 = arith.addf %parallel_loop3A_1760, %parallel_loop3A_1765 : vector<16xf32>
        %parallel_loop3A_1767 = vector.broadcast %parallel_loop3A_1706 : f32 to vector<16xf32>
        %parallel_loop3A_1768 = arith.mulf %parallel_loop3A_1767, %mul3A_33 : vector<16xf32>
        %parallel_loop3A_1769 = arith.addf %parallel_loop3A_1763, %parallel_loop3A_1768 : vector<16xf32>
        %parallel_loop3A_1770 = vector.broadcast %parallel_loop3A_1706 : f32 to vector<16xf32>
        %parallel_loop3A_1771 = arith.mulf %parallel_loop3A_1770, %mul3A_241 : vector<16xf32>
        %parallel_loop3A_1772 = arith.addf %parallel_loop3A_1766, %parallel_loop3A_1771 : vector<16xf32>
        %parallel_loop3A_1773 = vector.broadcast %parallel_loop3A_1708 : f32 to vector<16xf32>
        %parallel_loop3A_1774 = arith.mulf %parallel_loop3A_1773, %mul3A_41 : vector<16xf32>
        %parallel_loop3A_1775 = arith.addf %parallel_loop3A_1769, %parallel_loop3A_1774 : vector<16xf32>
        %parallel_loop3A_1776 = vector.broadcast %parallel_loop3A_1708 : f32 to vector<16xf32>
        %parallel_loop3A_1777 = arith.mulf %parallel_loop3A_1776, %mul3A_249 : vector<16xf32>
        %parallel_loop3A_1778 = arith.addf %parallel_loop3A_1772, %parallel_loop3A_1777 : vector<16xf32>
        %parallel_loop3A_1779 = vector.broadcast %parallel_loop3A_1710 : f32 to vector<16xf32>
        %parallel_loop3A_1780 = arith.mulf %parallel_loop3A_1779, %mul3A_49 : vector<16xf32>
        %parallel_loop3A_1781 = arith.addf %parallel_loop3A_1775, %parallel_loop3A_1780 : vector<16xf32>
        %parallel_loop3A_1782 = vector.broadcast %parallel_loop3A_1710 : f32 to vector<16xf32>
        %parallel_loop3A_1783 = arith.mulf %parallel_loop3A_1782, %mul3A_257 : vector<16xf32>
        %parallel_loop3A_1784 = arith.addf %parallel_loop3A_1778, %parallel_loop3A_1783 : vector<16xf32>
        %parallel_loop3A_1785 = vector.broadcast %parallel_loop3A_1712 : f32 to vector<16xf32>
        %parallel_loop3A_1786 = arith.mulf %parallel_loop3A_1785, %mul3A_57 : vector<16xf32>
        %parallel_loop3A_1787 = arith.addf %parallel_loop3A_1781, %parallel_loop3A_1786 : vector<16xf32>
        %parallel_loop3A_1788 = vector.broadcast %parallel_loop3A_1712 : f32 to vector<16xf32>
        %parallel_loop3A_1789 = arith.mulf %parallel_loop3A_1788, %mul3A_265 : vector<16xf32>
        %parallel_loop3A_1790 = arith.addf %parallel_loop3A_1784, %parallel_loop3A_1789 : vector<16xf32>
        %parallel_loop3A_1791 = vector.broadcast %parallel_loop3A_1714 : f32 to vector<16xf32>
        %parallel_loop3A_1792 = arith.mulf %parallel_loop3A_1791, %mul3A_65 : vector<16xf32>
        %parallel_loop3A_1793 = arith.addf %parallel_loop3A_1787, %parallel_loop3A_1792 : vector<16xf32>
        %parallel_loop3A_1794 = vector.broadcast %parallel_loop3A_1714 : f32 to vector<16xf32>
        %parallel_loop3A_1795 = arith.mulf %parallel_loop3A_1794, %mul3A_273 : vector<16xf32>
        %parallel_loop3A_1796 = arith.addf %parallel_loop3A_1790, %parallel_loop3A_1795 : vector<16xf32>
        %parallel_loop3A_1797 = vector.broadcast %parallel_loop3A_1716 : f32 to vector<16xf32>
        %parallel_loop3A_1798 = arith.mulf %parallel_loop3A_1797, %mul3A_73 : vector<16xf32>
        %parallel_loop3A_1799 = arith.addf %parallel_loop3A_1793, %parallel_loop3A_1798 : vector<16xf32>
        %parallel_loop3A_1800 = vector.broadcast %parallel_loop3A_1716 : f32 to vector<16xf32>
        %parallel_loop3A_1801 = arith.mulf %parallel_loop3A_1800, %mul3A_281 : vector<16xf32>
        %parallel_loop3A_1802 = arith.addf %parallel_loop3A_1796, %parallel_loop3A_1801 : vector<16xf32>
        %parallel_loop3A_1803 = vector.broadcast %parallel_loop3A_1718 : f32 to vector<16xf32>
        %parallel_loop3A_1804 = arith.mulf %parallel_loop3A_1803, %mul3A_81 : vector<16xf32>
        %parallel_loop3A_1805 = arith.addf %parallel_loop3A_1799, %parallel_loop3A_1804 : vector<16xf32>
        %parallel_loop3A_1806 = vector.broadcast %parallel_loop3A_1718 : f32 to vector<16xf32>
        %parallel_loop3A_1807 = arith.mulf %parallel_loop3A_1806, %mul3A_289 : vector<16xf32>
        %parallel_loop3A_1808 = arith.addf %parallel_loop3A_1802, %parallel_loop3A_1807 : vector<16xf32>
        %parallel_loop3A_1809 = vector.broadcast %parallel_loop3A_1720 : f32 to vector<16xf32>
        %parallel_loop3A_1810 = arith.mulf %parallel_loop3A_1809, %mul3A_89 : vector<16xf32>
        %parallel_loop3A_1811 = arith.addf %parallel_loop3A_1805, %parallel_loop3A_1810 : vector<16xf32>
        %parallel_loop3A_1812 = vector.broadcast %parallel_loop3A_1720 : f32 to vector<16xf32>
        %parallel_loop3A_1813 = arith.mulf %parallel_loop3A_1812, %mul3A_297 : vector<16xf32>
        %parallel_loop3A_1814 = arith.addf %parallel_loop3A_1808, %parallel_loop3A_1813 : vector<16xf32>
        %parallel_loop3A_1815 = vector.broadcast %parallel_loop3A_1722 : f32 to vector<16xf32>
        %parallel_loop3A_1816 = arith.mulf %parallel_loop3A_1815, %mul3A_97 : vector<16xf32>
        %parallel_loop3A_1817 = arith.addf %parallel_loop3A_1811, %parallel_loop3A_1816 : vector<16xf32>
        %parallel_loop3A_1818 = vector.broadcast %parallel_loop3A_1722 : f32 to vector<16xf32>
        %parallel_loop3A_1819 = arith.mulf %parallel_loop3A_1818, %mul3A_305 : vector<16xf32>
        %parallel_loop3A_1820 = arith.addf %parallel_loop3A_1814, %parallel_loop3A_1819 : vector<16xf32>
        %parallel_loop3A_1821 = vector.broadcast %parallel_loop3A_1724 : f32 to vector<16xf32>
        %parallel_loop3A_1822 = arith.mulf %parallel_loop3A_1821, %mul3A_105 : vector<16xf32>
        %parallel_loop3A_1823 = arith.addf %parallel_loop3A_1817, %parallel_loop3A_1822 : vector<16xf32>
        %parallel_loop3A_1824 = vector.broadcast %parallel_loop3A_1724 : f32 to vector<16xf32>
        %parallel_loop3A_1825 = arith.mulf %parallel_loop3A_1824, %mul3A_313 : vector<16xf32>
        %parallel_loop3A_1826 = arith.addf %parallel_loop3A_1820, %parallel_loop3A_1825 : vector<16xf32>
        %parallel_loop3A_1827 = vector.broadcast %parallel_loop3A_1726 : f32 to vector<16xf32>
        %parallel_loop3A_1828 = arith.mulf %parallel_loop3A_1827, %mul3A_113 : vector<16xf32>
        %parallel_loop3A_1829 = arith.addf %parallel_loop3A_1823, %parallel_loop3A_1828 : vector<16xf32>
        %parallel_loop3A_1830 = vector.broadcast %parallel_loop3A_1726 : f32 to vector<16xf32>
        %parallel_loop3A_1831 = arith.mulf %parallel_loop3A_1830, %mul3A_321 : vector<16xf32>
        %parallel_loop3A_1832 = arith.addf %parallel_loop3A_1826, %parallel_loop3A_1831 : vector<16xf32>
        %parallel_loop3A_1833 = vector.broadcast %parallel_loop3A_1728 : f32 to vector<16xf32>
        %parallel_loop3A_1834 = arith.mulf %parallel_loop3A_1833, %mul3A_121 : vector<16xf32>
        %parallel_loop3A_1835 = arith.addf %parallel_loop3A_1829, %parallel_loop3A_1834 : vector<16xf32>
        %parallel_loop3A_1836 = vector.broadcast %parallel_loop3A_1728 : f32 to vector<16xf32>
        %parallel_loop3A_1837 = arith.mulf %parallel_loop3A_1836, %mul3A_329 : vector<16xf32>
        %parallel_loop3A_1838 = arith.addf %parallel_loop3A_1832, %parallel_loop3A_1837 : vector<16xf32>
        %parallel_loop3A_1839 = vector.broadcast %parallel_loop3A_1730 : f32 to vector<16xf32>
        %parallel_loop3A_1840 = arith.mulf %parallel_loop3A_1839, %mul3A_129 : vector<16xf32>
        %parallel_loop3A_1841 = arith.addf %parallel_loop3A_1835, %parallel_loop3A_1840 : vector<16xf32>
        %parallel_loop3A_1842 = vector.broadcast %parallel_loop3A_1730 : f32 to vector<16xf32>
        %parallel_loop3A_1843 = arith.mulf %parallel_loop3A_1842, %mul3A_337 : vector<16xf32>
        %parallel_loop3A_1844 = arith.addf %parallel_loop3A_1838, %parallel_loop3A_1843 : vector<16xf32>
        %parallel_loop3A_1845 = vector.broadcast %parallel_loop3A_1732 : f32 to vector<16xf32>
        %parallel_loop3A_1846 = arith.mulf %parallel_loop3A_1845, %mul3A_137 : vector<16xf32>
        %parallel_loop3A_1847 = arith.addf %parallel_loop3A_1841, %parallel_loop3A_1846 : vector<16xf32>
        %parallel_loop3A_1848 = vector.broadcast %parallel_loop3A_1732 : f32 to vector<16xf32>
        %parallel_loop3A_1849 = arith.mulf %parallel_loop3A_1848, %mul3A_345 : vector<16xf32>
        %parallel_loop3A_1850 = arith.addf %parallel_loop3A_1844, %parallel_loop3A_1849 : vector<16xf32>
        %parallel_loop3A_1851 = vector.broadcast %parallel_loop3A_1734 : f32 to vector<16xf32>
        %parallel_loop3A_1852 = arith.mulf %parallel_loop3A_1851, %mul3A_145 : vector<16xf32>
        %parallel_loop3A_1853 = arith.addf %parallel_loop3A_1847, %parallel_loop3A_1852 : vector<16xf32>
        %parallel_loop3A_1854 = vector.broadcast %parallel_loop3A_1734 : f32 to vector<16xf32>
        %parallel_loop3A_1855 = arith.mulf %parallel_loop3A_1854, %mul3A_353 : vector<16xf32>
        %parallel_loop3A_1856 = arith.addf %parallel_loop3A_1850, %parallel_loop3A_1855 : vector<16xf32>
        %parallel_loop3A_1857 = vector.broadcast %parallel_loop3A_1736 : f32 to vector<16xf32>
        %parallel_loop3A_1858 = arith.mulf %parallel_loop3A_1857, %mul3A_153 : vector<16xf32>
        %parallel_loop3A_1859 = arith.addf %parallel_loop3A_1853, %parallel_loop3A_1858 : vector<16xf32>
        %parallel_loop3A_1860 = vector.broadcast %parallel_loop3A_1736 : f32 to vector<16xf32>
        %parallel_loop3A_1861 = arith.mulf %parallel_loop3A_1860, %mul3A_361 : vector<16xf32>
        %parallel_loop3A_1862 = arith.addf %parallel_loop3A_1856, %parallel_loop3A_1861 : vector<16xf32>
        %parallel_loop3A_1863 = vector.broadcast %parallel_loop3A_1738 : f32 to vector<16xf32>
        %parallel_loop3A_1864 = arith.mulf %parallel_loop3A_1863, %mul3A_161 : vector<16xf32>
        %parallel_loop3A_1865 = arith.addf %parallel_loop3A_1859, %parallel_loop3A_1864 : vector<16xf32>
        %parallel_loop3A_1866 = vector.broadcast %parallel_loop3A_1738 : f32 to vector<16xf32>
        %parallel_loop3A_1867 = arith.mulf %parallel_loop3A_1866, %mul3A_369 : vector<16xf32>
        %parallel_loop3A_1868 = arith.addf %parallel_loop3A_1862, %parallel_loop3A_1867 : vector<16xf32>
        %parallel_loop3A_1869 = vector.broadcast %parallel_loop3A_1740 : f32 to vector<16xf32>
        %parallel_loop3A_1870 = arith.mulf %parallel_loop3A_1869, %mul3A_169 : vector<16xf32>
        %parallel_loop3A_1871 = arith.addf %parallel_loop3A_1865, %parallel_loop3A_1870 : vector<16xf32>
        %parallel_loop3A_1872 = vector.broadcast %parallel_loop3A_1740 : f32 to vector<16xf32>
        %parallel_loop3A_1873 = arith.mulf %parallel_loop3A_1872, %mul3A_377 : vector<16xf32>
        %parallel_loop3A_1874 = arith.addf %parallel_loop3A_1868, %parallel_loop3A_1873 : vector<16xf32>
        %parallel_loop3A_1875 = vector.broadcast %parallel_loop3A_1742 : f32 to vector<16xf32>
        %parallel_loop3A_1876 = arith.mulf %parallel_loop3A_1875, %mul3A_177 : vector<16xf32>
        %parallel_loop3A_1877 = arith.addf %parallel_loop3A_1871, %parallel_loop3A_1876 : vector<16xf32>
        %parallel_loop3A_1878 = vector.broadcast %parallel_loop3A_1742 : f32 to vector<16xf32>
        %parallel_loop3A_1879 = arith.mulf %parallel_loop3A_1878, %mul3A_385 : vector<16xf32>
        %parallel_loop3A_1880 = arith.addf %parallel_loop3A_1874, %parallel_loop3A_1879 : vector<16xf32>
        %parallel_loop3A_1881 = vector.broadcast %parallel_loop3A_1744 : f32 to vector<16xf32>
        %parallel_loop3A_1882 = arith.mulf %parallel_loop3A_1881, %mul3A_185 : vector<16xf32>
        %parallel_loop3A_1883 = arith.addf %parallel_loop3A_1877, %parallel_loop3A_1882 : vector<16xf32>
        %parallel_loop3A_1884 = vector.broadcast %parallel_loop3A_1744 : f32 to vector<16xf32>
        %parallel_loop3A_1885 = arith.mulf %parallel_loop3A_1884, %mul3A_393 : vector<16xf32>
        %parallel_loop3A_1886 = arith.addf %parallel_loop3A_1880, %parallel_loop3A_1885 : vector<16xf32>
        %parallel_loop3A_1887 = vector.broadcast %parallel_loop3A_1746 : f32 to vector<16xf32>
        %parallel_loop3A_1888 = arith.mulf %parallel_loop3A_1887, %mul3A_193 : vector<16xf32>
        %parallel_loop3A_1889 = arith.addf %parallel_loop3A_1883, %parallel_loop3A_1888 : vector<16xf32>
        %parallel_loop3A_1890 = vector.broadcast %parallel_loop3A_1746 : f32 to vector<16xf32>
        %parallel_loop3A_1891 = arith.mulf %parallel_loop3A_1890, %mul3A_401 : vector<16xf32>
        %parallel_loop3A_1892 = arith.addf %parallel_loop3A_1886, %parallel_loop3A_1891 : vector<16xf32>
        %parallel_loop3A_1893 = vector.broadcast %parallel_loop3A_1748 : f32 to vector<16xf32>
        %parallel_loop3A_1894 = arith.mulf %parallel_loop3A_1893, %mul3A_201 : vector<16xf32>
        %parallel_loop3A_1895 = arith.addf %parallel_loop3A_1889, %parallel_loop3A_1894 : vector<16xf32>
        %parallel_loop3A_1896 = vector.broadcast %parallel_loop3A_1748 : f32 to vector<16xf32>
        %parallel_loop3A_1897 = arith.mulf %parallel_loop3A_1896, %mul3A_409 : vector<16xf32>
        %parallel_loop3A_1898 = arith.addf %parallel_loop3A_1892, %parallel_loop3A_1897 : vector<16xf32>
        %parallel_loop3A_1899 = vector.broadcast %parallel_loop3A_1750 : f32 to vector<16xf32>
        %parallel_loop3A_1900 = arith.mulf %parallel_loop3A_1899, %mul3A_209 : vector<16xf32>
        %parallel_loop3A_1901 = arith.addf %parallel_loop3A_1895, %parallel_loop3A_1900 : vector<16xf32>
        %parallel_loop3A_1902 = vector.broadcast %parallel_loop3A_1750 : f32 to vector<16xf32>
        %parallel_loop3A_1903 = arith.mulf %parallel_loop3A_1902, %mul3A_417 : vector<16xf32>
        %parallel_loop3A_1904 = arith.addf %parallel_loop3A_1898, %parallel_loop3A_1903 : vector<16xf32>
        %parallel_loop3A_1905 = arith.index_cast %parallel_loop3A_1688 : i32 to index
        %parallel_loop3A_1906 = arith.index_cast %scan3A_1685 : i32 to index
        %parallel_loop3A_1907 = arith.constant 0 : index
        %parallel_loop3A_1908 = tpu.vector_load %arg7[%parallel_loop3A_1905, %parallel_loop3A_1906, %parallel_loop3A_1907] {strides = array<i32>} : memref<20x32x128xf32, #tpu.memory_space<vmem>>, vector<1x1x16xf32>,
        %parallel_loop3A_1909 = vector.shape_cast %parallel_loop3A_1908 : vector<1x1x16xf32> to vector<16xf32>
        %parallel_loop3A_1910 = vector.shape_cast %parallel_loop3A_1901 : vector<16xf32> to vector<1x1x16xf32>
        tpu.vector_store %arg7[%parallel_loop3A_1905, %parallel_loop3A_1906, %parallel_loop3A_1907], %parallel_loop3A_1910 {strides = array<i32>} : memref<20x32x128xf32, #tpu.memory_space<vmem>>, vector<1x1x16xf32>,
        %parallel_loop3A_1911 = arith.index_cast %parallel_loop3A_1688 : i32 to index
        %parallel_loop3A_1912 = arith.index_cast %scan3A_1685 : i32 to index
        %parallel_loop3A_1913 = arith.constant 16 : index
        %parallel_loop3A_1914 = tpu.vector_load %arg7[%parallel_loop3A_1911, %parallel_loop3A_1912, %parallel_loop3A_1913] {strides = array<i32>} : memref<20x32x128xf32, #tpu.memory_space<vmem>>, vector<1x1x16xf32>,
        %parallel_loop3A_1915 = vector.shape_cast %parallel_loop3A_1914 : vector<1x1x16xf32> to vector<16xf32>
        %parallel_loop3A_1916 = vector.shape_cast %parallel_loop3A_1904 : vector<16xf32> to vector<1x1x16xf32>
        tpu.vector_store %arg7[%parallel_loop3A_1911, %parallel_loop3A_1912, %parallel_loop3A_1913], %parallel_loop3A_1916 {strides = array<i32>} : memref<20x32x128xf32, #tpu.memory_space<vmem>>, vector<1x1x16xf32>,
      } {sc.loop_unroll_factor = 4 : i64, sc.parallel_access}
    }
    %scan3A_421 = arith.constant 32 : i32
    %get3A_422 = arith.constant 0 : i32
    %get3A_423 = arith.index_cast %get3A_422 : i32 to index
    %get3A_424 = arith.constant 32 : index
    %get3A_425 = tpu.vector_load %arg5[%get3A_423, %get3A_424] {strides = array<i32>} : memref<26x128xf32, #tpu.memory_space<vmem>>, vector<1x16xf32>,
    %get3A_426 = vector.shape_cast %get3A_425 : vector<1x16xf32> to vector<16xf32>
    %mul3A_427 = arith.constant 0.0384615399 : f32
    %mul3A_428 = vector.broadcast %mul3A_427 : f32 to vector<16xf32>
    %mul3A_429 = arith.mulf %get3A_426, %mul3A_428 : vector<16xf32>
    %get3A_430 = arith.constant 1 : i32
    %get3A_431 = arith.index_cast %get3A_430 : i32 to index
    %get3A_432 = arith.constant 32 : index
    %get3A_433 = tpu.vector_load %arg5[%get3A_431, %get3A_432] {strides = array<i32>} : memref<26x128xf32, #tpu.memory_space<vmem>>, vector<1x16xf32>,
    %get3A_434 = vector.shape_cast %get3A_433 : vector<1x16xf32> to vector<16xf32>
    %mul3A_435 = arith.constant 0.0384615399 : f32
    %mul3A_436 = vector.broadcast %mul3A_435 : f32 to vector<16xf32>
    %mul3A_437 = arith.mulf %get3A_434, %mul3A_436 : vector<16xf32>
    %get3A_438 = arith.constant 2 : i32
    %get3A_439 = arith.index_cast %get3A_438 : i32 to index
    %get3A_440 = arith.constant 32 : index
    %get3A_441 = tpu.vector_load %arg5[%get3A_439, %get3A_440] {strides = array<i32>} : memref<26x128xf32, #tpu.memory_space<vmem>>, vector<1x16xf32>,
    %get3A_442 = vector.shape_cast %get3A_441 : vector<1x16xf32> to vector<16xf32>
    %mul3A_443 = arith.constant 0.0384615399 : f32
    %mul3A_444 = vector.broadcast %mul3A_443 : f32 to vector<16xf32>
    %mul3A_445 = arith.mulf %get3A_442, %mul3A_444 : vector<16xf32>
    %get3A_446 = arith.constant 3 : i32
    %get3A_447 = arith.index_cast %get3A_446 : i32 to index
    %get3A_448 = arith.constant 32 : index
    %get3A_449 = tpu.vector_load %arg5[%get3A_447, %get3A_448] {strides = array<i32>} : memref<26x128xf32, #tpu.memory_space<vmem>>, vector<1x16xf32>,
    %get3A_450 = vector.shape_cast %get3A_449 : vector<1x16xf32> to vector<16xf32>
    %mul3A_451 = arith.constant 0.0384615399 : f32
    %mul3A_452 = vector.broadcast %mul3A_451 : f32 to vector<16xf32>
    %mul3A_453 = arith.mulf %get3A_450, %mul3A_452 : vector<16xf32>
    %get3A_454 = arith.constant 4 : i32
    %get3A_455 = arith.index_cast %get3A_454 : i32 to index
    %get3A_456 = arith.constant 32 : index
    %get3A_457 = tpu.vector_load %arg5[%get3A_455, %get3A_456] {strides = array<i32>} : memref<26x128xf32, #tpu.memory_space<vmem>>, vector<1x16xf32>,
    %get3A_458 = vector.shape_cast %get3A_457 : vector<1x16xf32> to vector<16xf32>
    %mul3A_459 = arith.constant 0.0384615399 : f32
    %mul3A_460 = vector.broadcast %mul3A_459 : f32 to vector<16xf32>
    %mul3A_461 = arith.mulf %get3A_458, %mul3A_460 : vector<16xf32>
    %get3A_462 = arith.constant 5 : i32
    %get3A_463 = arith.index_cast %get3A_462 : i32 to index
    %get3A_464 = arith.constant 32 : index
    %get3A_465 = tpu.vector_load %arg5[%get3A_463, %get3A_464] {strides = array<i32>} : memref<26x128xf32, #tpu.memory_space<vmem>>, vector<1x16xf32>,
    %get3A_466 = vector.shape_cast %get3A_465 : vector<1x16xf32> to vector<16xf32>
    %mul3A_467 = arith.constant 0.0384615399 : f32
    %mul3A_468 = vector.broadcast %mul3A_467 : f32 to vector<16xf32>
    %mul3A_469 = arith.mulf %get3A_466, %mul3A_468 : vector<16xf32>
    %get3A_470 = arith.constant 6 : i32
    %get3A_471 = arith.index_cast %get3A_470 : i32 to index
    %get3A_472 = arith.constant 32 : index
    %get3A_473 = tpu.vector_load %arg5[%get3A_471, %get3A_472] {strides = array<i32>} : memref<26x128xf32, #tpu.memory_space<vmem>>, vector<1x16xf32>,
    %get3A_474 = vector.shape_cast %get3A_473 : vector<1x16xf32> to vector<16xf32>
    %mul3A_475 = arith.constant 0.0384615399 : f32
    %mul3A_476 = vector.broadcast %mul3A_475 : f32 to vector<16xf32>
    %mul3A_477 = arith.mulf %get3A_474, %mul3A_476 : vector<16xf32>
    %get3A_478 = arith.constant 7 : i32
    %get3A_479 = arith.index_cast %get3A_478 : i32 to index
    %get3A_480 = arith.constant 32 : index
    %get3A_481 = tpu.vector_load %arg5[%get3A_479, %get3A_480] {strides = array<i32>} : memref<26x128xf32, #tpu.memory_space<vmem>>, vector<1x16xf32>,
    %get3A_482 = vector.shape_cast %get3A_481 : vector<1x16xf32> to vector<16xf32>
    %mul3A_483 = arith.constant 0.0384615399 : f32
    %mul3A_484 = vector.broadcast %mul3A_483 : f32 to vector<16xf32>
    %mul3A_485 = arith.mulf %get3A_482, %mul3A_484 : vector<16xf32>
    %get3A_486 = arith.constant 8 : i32
    %get3A_487 = arith.index_cast %get3A_486 : i32 to index
    %get3A_488 = arith.constant 32 : index
    %get3A_489 = tpu.vector_load %arg5[%get3A_487, %get3A_488] {strides = array<i32>} : memref<26x128xf32, #tpu.memory_space<vmem>>, vector<1x16xf32>,
    %get3A_490 = vector.shape_cast %get3A_489 : vector<1x16xf32> to vector<16xf32>
    %mul3A_491 = arith.constant 0.0384615399 : f32
    %mul3A_492 = vector.broadcast %mul3A_491 : f32 to vector<16xf32>
    %mul3A_493 = arith.mulf %get3A_490, %mul3A_492 : vector<16xf32>
    %get3A_494 = arith.constant 9 : i32
    %get3A_495 = arith.index_cast %get3A_494 : i32 to index
    %get3A_496 = arith.constant 32 : index
    %get3A_497 = tpu.vector_load %arg5[%get3A_495, %get3A_496] {strides = array<i32>} : memref<26x128xf32, #tpu.memory_space<vmem>>, vector<1x16xf32>,
    %get3A_498 = vector.shape_cast %get3A_497 : vector<1x16xf32> to vector<16xf32>
    %mul3A_499 = arith.constant 0.0384615399 : f32
    %mul3A_500 = vector.broadcast %mul3A_499 : f32 to vector<16xf32>
    %mul3A_501 = arith.mulf %get3A_498, %mul3A_500 : vector<16xf32>
    %get3A_502 = arith.constant 10 : i32
    %get3A_503 = arith.index_cast %get3A_502 : i32 to index
    %get3A_504 = arith.constant 32 : index
    %get3A_505 = tpu.vector_load %arg5[%get3A_503, %get3A_504] {strides = array<i32>} : memref<26x128xf32, #tpu.memory_space<vmem>>, vector<1x16xf32>,
    %get3A_506 = vector.shape_cast %get3A_505 : vector<1x16xf32> to vector<16xf32>
    %mul3A_507 = arith.constant 0.0384615399 : f32
    %mul3A_508 = vector.broadcast %mul3A_507 : f32 to vector<16xf32>
    %mul3A_509 = arith.mulf %get3A_506, %mul3A_508 : vector<16xf32>
    %get3A_510 = arith.constant 11 : i32
    %get3A_511 = arith.index_cast %get3A_510 : i32 to index
    %get3A_512 = arith.constant 32 : index
    %get3A_513 = tpu.vector_load %arg5[%get3A_511, %get3A_512] {strides = array<i32>} : memref<26x128xf32, #tpu.memory_space<vmem>>, vector<1x16xf32>,
    %get3A_514 = vector.shape_cast %get3A_513 : vector<1x16xf32> to vector<16xf32>
    %mul3A_515 = arith.constant 0.0384615399 : f32
    %mul3A_516 = vector.broadcast %mul3A_515 : f32 to vector<16xf32>
    %mul3A_517 = arith.mulf %get3A_514, %mul3A_516 : vector<16xf32>
    %get3A_518 = arith.constant 12 : i32
    %get3A_519 = arith.index_cast %get3A_518 : i32 to index
    %get3A_520 = arith.constant 32 : index
    %get3A_521 = tpu.vector_load %arg5[%get3A_519, %get3A_520] {strides = array<i32>} : memref<26x128xf32, #tpu.memory_space<vmem>>, vector<1x16xf32>,
    %get3A_522 = vector.shape_cast %get3A_521 : vector<1x16xf32> to vector<16xf32>
    %mul3A_523 = arith.constant 0.0384615399 : f32
    %mul3A_524 = vector.broadcast %mul3A_523 : f32 to vector<16xf32>
    %mul3A_525 = arith.mulf %get3A_522, %mul3A_524 : vector<16xf32>
    %get3A_526 = arith.constant 13 : i32
    %get3A_527 = arith.index_cast %get3A_526 : i32 to index
    %get3A_528 = arith.constant 32 : index
    %get3A_529 = tpu.vector_load %arg5[%get3A_527, %get3A_528] {strides = array<i32>} : memref<26x128xf32, #tpu.memory_space<vmem>>, vector<1x16xf32>,
    %get3A_530 = vector.shape_cast %get3A_529 : vector<1x16xf32> to vector<16xf32>
    %mul3A_531 = arith.constant 0.0384615399 : f32
    %mul3A_532 = vector.broadcast %mul3A_531 : f32 to vector<16xf32>
    %mul3A_533 = arith.mulf %get3A_530, %mul3A_532 : vector<16xf32>
    %get3A_534 = arith.constant 14 : i32
    %get3A_535 = arith.index_cast %get3A_534 : i32 to index
    %get3A_536 = arith.constant 32 : index
    %get3A_537 = tpu.vector_load %arg5[%get3A_535, %get3A_536] {strides = array<i32>} : memref<26x128xf32, #tpu.memory_space<vmem>>, vector<1x16xf32>,
    %get3A_538 = vector.shape_cast %get3A_537 : vector<1x16xf32> to vector<16xf32>
    %mul3A_539 = arith.constant 0.0384615399 : f32
    %mul3A_540 = vector.broadcast %mul3A_539 : f32 to vector<16xf32>
    %mul3A_541 = arith.mulf %get3A_538, %mul3A_540 : vector<16xf32>
    %get3A_542 = arith.constant 15 : i32
    %get3A_543 = arith.index_cast %get3A_542 : i32 to index
    %get3A_544 = arith.constant 32 : index
    %get3A_545 = tpu.vector_load %arg5[%get3A_543, %get3A_544] {strides = array<i32>} : memref<26x128xf32, #tpu.memory_space<vmem>>, vector<1x16xf32>,
    %get3A_546 = vector.shape_cast %get3A_545 : vector<1x16xf32> to vector<16xf32>
    %mul3A_547 = arith.constant 0.0384615399 : f32
    %mul3A_548 = vector.broadcast %mul3A_547 : f32 to vector<16xf32>
    %mul3A_549 = arith.mulf %get3A_546, %mul3A_548 : vector<16xf32>
    %get3A_550 = arith.constant 16 : i32
    %get3A_551 = arith.index_cast %get3A_550 : i32 to index
    %get3A_552 = arith.constant 32 : index
    %get3A_553 = tpu.vector_load %arg5[%get3A_551, %get3A_552] {strides = array<i32>} : memref<26x128xf32, #tpu.memory_space<vmem>>, vector<1x16xf32>,
    %get3A_554 = vector.shape_cast %get3A_553 : vector<1x16xf32> to vector<16xf32>
    %mul3A_555 = arith.constant 0.0384615399 : f32
    %mul3A_556 = vector.broadcast %mul3A_555 : f32 to vector<16xf32>
    %mul3A_557 = arith.mulf %get3A_554, %mul3A_556 : vector<16xf32>
    %get3A_558 = arith.constant 17 : i32
    %get3A_559 = arith.index_cast %get3A_558 : i32 to index
    %get3A_560 = arith.constant 32 : index
    %get3A_561 = tpu.vector_load %arg5[%get3A_559, %get3A_560] {strides = array<i32>} : memref<26x128xf32, #tpu.memory_space<vmem>>, vector<1x16xf32>,
    %get3A_562 = vector.shape_cast %get3A_561 : vector<1x16xf32> to vector<16xf32>
    %mul3A_563 = arith.constant 0.0384615399 : f32
    %mul3A_564 = vector.broadcast %mul3A_563 : f32 to vector<16xf32>
    %mul3A_565 = arith.mulf %get3A_562, %mul3A_564 : vector<16xf32>
    %get3A_566 = arith.constant 18 : i32
    %get3A_567 = arith.index_cast %get3A_566 : i32 to index
    %get3A_568 = arith.constant 32 : index
    %get3A_569 = tpu.vector_load %arg5[%get3A_567, %get3A_568] {strides = array<i32>} : memref<26x128xf32, #tpu.memory_space<vmem>>, vector<1x16xf32>,
    %get3A_570 = vector.shape_cast %get3A_569 : vector<1x16xf32> to vector<16xf32>
    %mul3A_571 = arith.constant 0.0384615399 : f32
    %mul3A_572 = vector.broadcast %mul3A_571 : f32 to vector<16xf32>
    %mul3A_573 = arith.mulf %get3A_570, %mul3A_572 : vector<16xf32>
    %get3A_574 = arith.constant 19 : i32
    %get3A_575 = arith.index_cast %get3A_574 : i32 to index
    %get3A_576 = arith.constant 32 : index
    %get3A_577 = tpu.vector_load %arg5[%get3A_575, %get3A_576] {strides = array<i32>} : memref<26x128xf32, #tpu.memory_space<vmem>>, vector<1x16xf32>,
    %get3A_578 = vector.shape_cast %get3A_577 : vector<1x16xf32> to vector<16xf32>
    %mul3A_579 = arith.constant 0.0384615399 : f32
    %mul3A_580 = vector.broadcast %mul3A_579 : f32 to vector<16xf32>
    %mul3A_581 = arith.mulf %get3A_578, %mul3A_580 : vector<16xf32>
    %get3A_582 = arith.constant 20 : i32
    %get3A_583 = arith.index_cast %get3A_582 : i32 to index
    %get3A_584 = arith.constant 32 : index
    %get3A_585 = tpu.vector_load %arg5[%get3A_583, %get3A_584] {strides = array<i32>} : memref<26x128xf32, #tpu.memory_space<vmem>>, vector<1x16xf32>,
    %get3A_586 = vector.shape_cast %get3A_585 : vector<1x16xf32> to vector<16xf32>
    %mul3A_587 = arith.constant 0.0384615399 : f32
    %mul3A_588 = vector.broadcast %mul3A_587 : f32 to vector<16xf32>
    %mul3A_589 = arith.mulf %get3A_586, %mul3A_588 : vector<16xf32>
    %get3A_590 = arith.constant 21 : i32
    %get3A_591 = arith.index_cast %get3A_590 : i32 to index
    %get3A_592 = arith.constant 32 : index
    %get3A_593 = tpu.vector_load %arg5[%get3A_591, %get3A_592] {strides = array<i32>} : memref<26x128xf32, #tpu.memory_space<vmem>>, vector<1x16xf32>,
    %get3A_594 = vector.shape_cast %get3A_593 : vector<1x16xf32> to vector<16xf32>
    %mul3A_595 = arith.constant 0.0384615399 : f32
    %mul3A_596 = vector.broadcast %mul3A_595 : f32 to vector<16xf32>
    %mul3A_597 = arith.mulf %get3A_594, %mul3A_596 : vector<16xf32>
    %get3A_598 = arith.constant 22 : i32
    %get3A_599 = arith.index_cast %get3A_598 : i32 to index
    %get3A_600 = arith.constant 32 : index
    %get3A_601 = tpu.vector_load %arg5[%get3A_599, %get3A_600] {strides = array<i32>} : memref<26x128xf32, #tpu.memory_space<vmem>>, vector<1x16xf32>,
    %get3A_602 = vector.shape_cast %get3A_601 : vector<1x16xf32> to vector<16xf32>
    %mul3A_603 = arith.constant 0.0384615399 : f32
    %mul3A_604 = vector.broadcast %mul3A_603 : f32 to vector<16xf32>
    %mul3A_605 = arith.mulf %get3A_602, %mul3A_604 : vector<16xf32>
    %get3A_606 = arith.constant 23 : i32
    %get3A_607 = arith.index_cast %get3A_606 : i32 to index
    %get3A_608 = arith.constant 32 : index
    %get3A_609 = tpu.vector_load %arg5[%get3A_607, %get3A_608] {strides = array<i32>} : memref<26x128xf32, #tpu.memory_space<vmem>>, vector<1x16xf32>,
    %get3A_610 = vector.shape_cast %get3A_609 : vector<1x16xf32> to vector<16xf32>
    %mul3A_611 = arith.constant 0.0384615399 : f32
    %mul3A_612 = vector.broadcast %mul3A_611 : f32 to vector<16xf32>
    %mul3A_613 = arith.mulf %get3A_610, %mul3A_612 : vector<16xf32>
    %get3A_614 = arith.constant 24 : i32
    %get3A_615 = arith.index_cast %get3A_614 : i32 to index
    %get3A_616 = arith.constant 32 : index
    %get3A_617 = tpu.vector_load %arg5[%get3A_615, %get3A_616] {strides = array<i32>} : memref<26x128xf32, #tpu.memory_space<vmem>>, vector<1x16xf32>,
    %get3A_618 = vector.shape_cast %get3A_617 : vector<1x16xf32> to vector<16xf32>
    %mul3A_619 = arith.constant 0.0384615399 : f32
    %mul3A_620 = vector.broadcast %mul3A_619 : f32 to vector<16xf32>
    %mul3A_621 = arith.mulf %get3A_618, %mul3A_620 : vector<16xf32>
    %get3A_622 = arith.constant 25 : i32
    %get3A_623 = arith.index_cast %get3A_622 : i32 to index
    %get3A_624 = arith.constant 32 : index
    %get3A_625 = tpu.vector_load %arg5[%get3A_623, %get3A_624] {strides = array<i32>} : memref<26x128xf32, #tpu.memory_space<vmem>>, vector<1x16xf32>,
    %get3A_626 = vector.shape_cast %get3A_625 : vector<1x16xf32> to vector<16xf32>
    %mul3A_627 = arith.constant 0.0384615399 : f32
    %mul3A_628 = vector.broadcast %mul3A_627 : f32 to vector<16xf32>
    %mul3A_629 = arith.mulf %get3A_626, %mul3A_628 : vector<16xf32>
    %get3A_630 = arith.constant 0 : i32
    %get3A_631 = arith.index_cast %get3A_630 : i32 to index
    %get3A_632 = arith.constant 48 : index
    %get3A_633 = tpu.vector_load %arg5[%get3A_631, %get3A_632] {strides = array<i32>} : memref<26x128xf32, #tpu.memory_space<vmem>>, vector<1x16xf32>,
    %get3A_634 = vector.shape_cast %get3A_633 : vector<1x16xf32> to vector<16xf32>
    %mul3A_635 = arith.constant 0.0384615399 : f32
    %mul3A_636 = vector.broadcast %mul3A_635 : f32 to vector<16xf32>
    %mul3A_637 = arith.mulf %get3A_634, %mul3A_636 : vector<16xf32>
    %get3A_638 = arith.constant 1 : i32
    %get3A_639 = arith.index_cast %get3A_638 : i32 to index
    %get3A_640 = arith.constant 48 : index
    %get3A_641 = tpu.vector_load %arg5[%get3A_639, %get3A_640] {strides = array<i32>} : memref<26x128xf32, #tpu.memory_space<vmem>>, vector<1x16xf32>,
    %get3A_642 = vector.shape_cast %get3A_641 : vector<1x16xf32> to vector<16xf32>
    %mul3A_643 = arith.constant 0.0384615399 : f32
    %mul3A_644 = vector.broadcast %mul3A_643 : f32 to vector<16xf32>
    %mul3A_645 = arith.mulf %get3A_642, %mul3A_644 : vector<16xf32>
    %get3A_646 = arith.constant 2 : i32
    %get3A_647 = arith.index_cast %get3A_646 : i32 to index
    %get3A_648 = arith.constant 48 : index
    %get3A_649 = tpu.vector_load %arg5[%get3A_647, %get3A_648] {strides = array<i32>} : memref<26x128xf32, #tpu.memory_space<vmem>>, vector<1x16xf32>,
    %get3A_650 = vector.shape_cast %get3A_649 : vector<1x16xf32> to vector<16xf32>
    %mul3A_651 = arith.constant 0.0384615399 : f32
    %mul3A_652 = vector.broadcast %mul3A_651 : f32 to vector<16xf32>
    %mul3A_653 = arith.mulf %get3A_650, %mul3A_652 : vector<16xf32>
    %get3A_654 = arith.constant 3 : i32
    %get3A_655 = arith.index_cast %get3A_654 : i32 to index
    %get3A_656 = arith.constant 48 : index
    %get3A_657 = tpu.vector_load %arg5[%get3A_655, %get3A_656] {strides = array<i32>} : memref<26x128xf32, #tpu.memory_space<vmem>>, vector<1x16xf32>,
    %get3A_658 = vector.shape_cast %get3A_657 : vector<1x16xf32> to vector<16xf32>
    %mul3A_659 = arith.constant 0.0384615399 : f32
    %mul3A_660 = vector.broadcast %mul3A_659 : f32 to vector<16xf32>
    %mul3A_661 = arith.mulf %get3A_658, %mul3A_660 : vector<16xf32>
    %get3A_662 = arith.constant 4 : i32
    %get3A_663 = arith.index_cast %get3A_662 : i32 to index
    %get3A_664 = arith.constant 48 : index
    %get3A_665 = tpu.vector_load %arg5[%get3A_663, %get3A_664] {strides = array<i32>} : memref<26x128xf32, #tpu.memory_space<vmem>>, vector<1x16xf32>,
    %get3A_666 = vector.shape_cast %get3A_665 : vector<1x16xf32> to vector<16xf32>
    %mul3A_667 = arith.constant 0.0384615399 : f32
    %mul3A_668 = vector.broadcast %mul3A_667 : f32 to vector<16xf32>
    %mul3A_669 = arith.mulf %get3A_666, %mul3A_668 : vector<16xf32>
    %get3A_670 = arith.constant 5 : i32
    %get3A_671 = arith.index_cast %get3A_670 : i32 to index
    %get3A_672 = arith.constant 48 : index
    %get3A_673 = tpu.vector_load %arg5[%get3A_671, %get3A_672] {strides = array<i32>} : memref<26x128xf32, #tpu.memory_space<vmem>>, vector<1x16xf32>,
    %get3A_674 = vector.shape_cast %get3A_673 : vector<1x16xf32> to vector<16xf32>
    %mul3A_675 = arith.constant 0.0384615399 : f32
    %mul3A_676 = vector.broadcast %mul3A_675 : f32 to vector<16xf32>
    %mul3A_677 = arith.mulf %get3A_674, %mul3A_676 : vector<16xf32>
    %get3A_678 = arith.constant 6 : i32
    %get3A_679 = arith.index_cast %get3A_678 : i32 to index
    %get3A_680 = arith.constant 48 : index
    %get3A_681 = tpu.vector_load %arg5[%get3A_679, %get3A_680] {strides = array<i32>} : memref<26x128xf32, #tpu.memory_space<vmem>>, vector<1x16xf32>,
    %get3A_682 = vector.shape_cast %get3A_681 : vector<1x16xf32> to vector<16xf32>
    %mul3A_683 = arith.constant 0.0384615399 : f32
    %mul3A_684 = vector.broadcast %mul3A_683 : f32 to vector<16xf32>
    %mul3A_685 = arith.mulf %get3A_682, %mul3A_684 : vector<16xf32>
    %get3A_686 = arith.constant 7 : i32
    %get3A_687 = arith.index_cast %get3A_686 : i32 to index
    %get3A_688 = arith.constant 48 : index
    %get3A_689 = tpu.vector_load %arg5[%get3A_687, %get3A_688] {strides = array<i32>} : memref<26x128xf32, #tpu.memory_space<vmem>>, vector<1x16xf32>,
    %get3A_690 = vector.shape_cast %get3A_689 : vector<1x16xf32> to vector<16xf32>
    %mul3A_691 = arith.constant 0.0384615399 : f32
    %mul3A_692 = vector.broadcast %mul3A_691 : f32 to vector<16xf32>
    %mul3A_693 = arith.mulf %get3A_690, %mul3A_692 : vector<16xf32>
    %get3A_694 = arith.constant 8 : i32
    %get3A_695 = arith.index_cast %get3A_694 : i32 to index
    %get3A_696 = arith.constant 48 : index
    %get3A_697 = tpu.vector_load %arg5[%get3A_695, %get3A_696] {strides = array<i32>} : memref<26x128xf32, #tpu.memory_space<vmem>>, vector<1x16xf32>,
    %get3A_698 = vector.shape_cast %get3A_697 : vector<1x16xf32> to vector<16xf32>
    %mul3A_699 = arith.constant 0.0384615399 : f32
    %mul3A_700 = vector.broadcast %mul3A_699 : f32 to vector<16xf32>
    %mul3A_701 = arith.mulf %get3A_698, %mul3A_700 : vector<16xf32>
    %get3A_702 = arith.constant 9 : i32
    %get3A_703 = arith.index_cast %get3A_702 : i32 to index
    %get3A_704 = arith.constant 48 : index
    %get3A_705 = tpu.vector_load %arg5[%get3A_703, %get3A_704] {strides = array<i32>} : memref<26x128xf32, #tpu.memory_space<vmem>>, vector<1x16xf32>,
    %get3A_706 = vector.shape_cast %get3A_705 : vector<1x16xf32> to vector<16xf32>
    %mul3A_707 = arith.constant 0.0384615399 : f32
    %mul3A_708 = vector.broadcast %mul3A_707 : f32 to vector<16xf32>
    %mul3A_709 = arith.mulf %get3A_706, %mul3A_708 : vector<16xf32>
    %get3A_710 = arith.constant 10 : i32
    %get3A_711 = arith.index_cast %get3A_710 : i32 to index
    %get3A_712 = arith.constant 48 : index
    %get3A_713 = tpu.vector_load %arg5[%get3A_711, %get3A_712] {strides = array<i32>} : memref<26x128xf32, #tpu.memory_space<vmem>>, vector<1x16xf32>,
    %get3A_714 = vector.shape_cast %get3A_713 : vector<1x16xf32> to vector<16xf32>
    %mul3A_715 = arith.constant 0.0384615399 : f32
    %mul3A_716 = vector.broadcast %mul3A_715 : f32 to vector<16xf32>
    %mul3A_717 = arith.mulf %get3A_714, %mul3A_716 : vector<16xf32>
    %get3A_718 = arith.constant 11 : i32
    %get3A_719 = arith.index_cast %get3A_718 : i32 to index
    %get3A_720 = arith.constant 48 : index
    %get3A_721 = tpu.vector_load %arg5[%get3A_719, %get3A_720] {strides = array<i32>} : memref<26x128xf32, #tpu.memory_space<vmem>>, vector<1x16xf32>,
    %get3A_722 = vector.shape_cast %get3A_721 : vector<1x16xf32> to vector<16xf32>
    %mul3A_723 = arith.constant 0.0384615399 : f32
    %mul3A_724 = vector.broadcast %mul3A_723 : f32 to vector<16xf32>
    %mul3A_725 = arith.mulf %get3A_722, %mul3A_724 : vector<16xf32>
    %get3A_726 = arith.constant 12 : i32
    %get3A_727 = arith.index_cast %get3A_726 : i32 to index
    %get3A_728 = arith.constant 48 : index
    %get3A_729 = tpu.vector_load %arg5[%get3A_727, %get3A_728] {strides = array<i32>} : memref<26x128xf32, #tpu.memory_space<vmem>>, vector<1x16xf32>,
    %get3A_730 = vector.shape_cast %get3A_729 : vector<1x16xf32> to vector<16xf32>
    %mul3A_731 = arith.constant 0.0384615399 : f32
    %mul3A_732 = vector.broadcast %mul3A_731 : f32 to vector<16xf32>
    %mul3A_733 = arith.mulf %get3A_730, %mul3A_732 : vector<16xf32>
    %get3A_734 = arith.constant 13 : i32
    %get3A_735 = arith.index_cast %get3A_734 : i32 to index
    %get3A_736 = arith.constant 48 : index
    %get3A_737 = tpu.vector_load %arg5[%get3A_735, %get3A_736] {strides = array<i32>} : memref<26x128xf32, #tpu.memory_space<vmem>>, vector<1x16xf32>,
    %get3A_738 = vector.shape_cast %get3A_737 : vector<1x16xf32> to vector<16xf32>
    %mul3A_739 = arith.constant 0.0384615399 : f32
    %mul3A_740 = vector.broadcast %mul3A_739 : f32 to vector<16xf32>
    %mul3A_741 = arith.mulf %get3A_738, %mul3A_740 : vector<16xf32>
    %get3A_742 = arith.constant 14 : i32
    %get3A_743 = arith.index_cast %get3A_742 : i32 to index
    %get3A_744 = arith.constant 48 : index
    %get3A_745 = tpu.vector_load %arg5[%get3A_743, %get3A_744] {strides = array<i32>} : memref<26x128xf32, #tpu.memory_space<vmem>>, vector<1x16xf32>,
    %get3A_746 = vector.shape_cast %get3A_745 : vector<1x16xf32> to vector<16xf32>
    %mul3A_747 = arith.constant 0.0384615399 : f32
    %mul3A_748 = vector.broadcast %mul3A_747 : f32 to vector<16xf32>
    %mul3A_749 = arith.mulf %get3A_746, %mul3A_748 : vector<16xf32>
    %get3A_750 = arith.constant 15 : i32
    %get3A_751 = arith.index_cast %get3A_750 : i32 to index
    %get3A_752 = arith.constant 48 : index
    %get3A_753 = tpu.vector_load %arg5[%get3A_751, %get3A_752] {strides = array<i32>} : memref<26x128xf32, #tpu.memory_space<vmem>>, vector<1x16xf32>,
    %get3A_754 = vector.shape_cast %get3A_753 : vector<1x16xf32> to vector<16xf32>
    %mul3A_755 = arith.constant 0.0384615399 : f32
    %mul3A_756 = vector.broadcast %mul3A_755 : f32 to vector<16xf32>
    %mul3A_757 = arith.mulf %get3A_754, %mul3A_756 : vector<16xf32>
    %get3A_758 = arith.constant 16 : i32
    %get3A_759 = arith.index_cast %get3A_758 : i32 to index
    %get3A_760 = arith.constant 48 : index
    %get3A_761 = tpu.vector_load %arg5[%get3A_759, %get3A_760] {strides = array<i32>} : memref<26x128xf32, #tpu.memory_space<vmem>>, vector<1x16xf32>,
    %get3A_762 = vector.shape_cast %get3A_761 : vector<1x16xf32> to vector<16xf32>
    %mul3A_763 = arith.constant 0.0384615399 : f32
    %mul3A_764 = vector.broadcast %mul3A_763 : f32 to vector<16xf32>
    %mul3A_765 = arith.mulf %get3A_762, %mul3A_764 : vector<16xf32>
    %get3A_766 = arith.constant 17 : i32
    %get3A_767 = arith.index_cast %get3A_766 : i32 to index
    %get3A_768 = arith.constant 48 : index
    %get3A_769 = tpu.vector_load %arg5[%get3A_767, %get3A_768] {strides = array<i32>} : memref<26x128xf32, #tpu.memory_space<vmem>>, vector<1x16xf32>,
    %get3A_770 = vector.shape_cast %get3A_769 : vector<1x16xf32> to vector<16xf32>
    %mul3A_771 = arith.constant 0.0384615399 : f32
    %mul3A_772 = vector.broadcast %mul3A_771 : f32 to vector<16xf32>
    %mul3A_773 = arith.mulf %get3A_770, %mul3A_772 : vector<16xf32>
    %get3A_774 = arith.constant 18 : i32
    %get3A_775 = arith.index_cast %get3A_774 : i32 to index
    %get3A_776 = arith.constant 48 : index
    %get3A_777 = tpu.vector_load %arg5[%get3A_775, %get3A_776] {strides = array<i32>} : memref<26x128xf32, #tpu.memory_space<vmem>>, vector<1x16xf32>,
    %get3A_778 = vector.shape_cast %get3A_777 : vector<1x16xf32> to vector<16xf32>
    %mul3A_779 = arith.constant 0.0384615399 : f32
    %mul3A_780 = vector.broadcast %mul3A_779 : f32 to vector<16xf32>
    %mul3A_781 = arith.mulf %get3A_778, %mul3A_780 : vector<16xf32>
    %get3A_782 = arith.constant 19 : i32
    %get3A_783 = arith.index_cast %get3A_782 : i32 to index
    %get3A_784 = arith.constant 48 : index
    %get3A_785 = tpu.vector_load %arg5[%get3A_783, %get3A_784] {strides = array<i32>} : memref<26x128xf32, #tpu.memory_space<vmem>>, vector<1x16xf32>,
    %get3A_786 = vector.shape_cast %get3A_785 : vector<1x16xf32> to vector<16xf32>
    %mul3A_787 = arith.constant 0.0384615399 : f32
    %mul3A_788 = vector.broadcast %mul3A_787 : f32 to vector<16xf32>
    %mul3A_789 = arith.mulf %get3A_786, %mul3A_788 : vector<16xf32>
    %get3A_790 = arith.constant 20 : i32
    %get3A_791 = arith.index_cast %get3A_790 : i32 to index
    %get3A_792 = arith.constant 48 : index
    %get3A_793 = tpu.vector_load %arg5[%get3A_791, %get3A_792] {strides = array<i32>} : memref<26x128xf32, #tpu.memory_space<vmem>>, vector<1x16xf32>,
    %get3A_794 = vector.shape_cast %get3A_793 : vector<1x16xf32> to vector<16xf32>
    %mul3A_795 = arith.constant 0.0384615399 : f32
    %mul3A_796 = vector.broadcast %mul3A_795 : f32 to vector<16xf32>
    %mul3A_797 = arith.mulf %get3A_794, %mul3A_796 : vector<16xf32>
    %get3A_798 = arith.constant 21 : i32
    %get3A_799 = arith.index_cast %get3A_798 : i32 to index
    %get3A_800 = arith.constant 48 : index
    %get3A_801 = tpu.vector_load %arg5[%get3A_799, %get3A_800] {strides = array<i32>} : memref<26x128xf32, #tpu.memory_space<vmem>>, vector<1x16xf32>,
    %get3A_802 = vector.shape_cast %get3A_801 : vector<1x16xf32> to vector<16xf32>
    %mul3A_803 = arith.constant 0.0384615399 : f32
    %mul3A_804 = vector.broadcast %mul3A_803 : f32 to vector<16xf32>
    %mul3A_805 = arith.mulf %get3A_802, %mul3A_804 : vector<16xf32>
    %get3A_806 = arith.constant 22 : i32
    %get3A_807 = arith.index_cast %get3A_806 : i32 to index
    %get3A_808 = arith.constant 48 : index
    %get3A_809 = tpu.vector_load %arg5[%get3A_807, %get3A_808] {strides = array<i32>} : memref<26x128xf32, #tpu.memory_space<vmem>>, vector<1x16xf32>,
    %get3A_810 = vector.shape_cast %get3A_809 : vector<1x16xf32> to vector<16xf32>
    %mul3A_811 = arith.constant 0.0384615399 : f32
    %mul3A_812 = vector.broadcast %mul3A_811 : f32 to vector<16xf32>
    %mul3A_813 = arith.mulf %get3A_810, %mul3A_812 : vector<16xf32>
    %get3A_814 = arith.constant 23 : i32
    %get3A_815 = arith.index_cast %get3A_814 : i32 to index
    %get3A_816 = arith.constant 48 : index
    %get3A_817 = tpu.vector_load %arg5[%get3A_815, %get3A_816] {strides = array<i32>} : memref<26x128xf32, #tpu.memory_space<vmem>>, vector<1x16xf32>,
    %get3A_818 = vector.shape_cast %get3A_817 : vector<1x16xf32> to vector<16xf32>
    %mul3A_819 = arith.constant 0.0384615399 : f32
    %mul3A_820 = vector.broadcast %mul3A_819 : f32 to vector<16xf32>
    %mul3A_821 = arith.mulf %get3A_818, %mul3A_820 : vector<16xf32>
    %get3A_822 = arith.constant 24 : i32
    %get3A_823 = arith.index_cast %get3A_822 : i32 to index
    %get3A_824 = arith.constant 48 : index
    %get3A_825 = tpu.vector_load %arg5[%get3A_823, %get3A_824] {strides = array<i32>} : memref<26x128xf32, #tpu.memory_space<vmem>>, vector<1x16xf32>,
    %get3A_826 = vector.shape_cast %get3A_825 : vector<1x16xf32> to vector<16xf32>
    %mul3A_827 = arith.constant 0.0384615399 : f32
    %mul3A_828 = vector.broadcast %mul3A_827 : f32 to vector<16xf32>
    %mul3A_829 = arith.mulf %get3A_826, %mul3A_828 : vector<16xf32>
    %get3A_830 = arith.constant 25 : i32
    %get3A_831 = arith.index_cast %get3A_830 : i32 to index
    %get3A_832 = arith.constant 48 : index
    %get3A_833 = tpu.vector_load %arg5[%get3A_831, %get3A_832] {strides = array<i32>} : memref<26x128xf32, #tpu.memory_space<vmem>>, vector<1x16xf32>,
    %get3A_834 = vector.shape_cast %get3A_833 : vector<1x16xf32> to vector<16xf32>
    %mul3A_835 = arith.constant 0.0384615399 : f32
    %mul3A_836 = vector.broadcast %mul3A_835 : f32 to vector<16xf32>
    %mul3A_837 = arith.mulf %get3A_834, %mul3A_836 : vector<16xf32>
    %scan3A_838 = arith.constant 0 : i32
    %scan3A_839 = arith.constant 32 : i32
    %scan3A_840 = arith.addi %scan3A_838, %scan3A_839 : i32
    %scan3A_841 = arith.constant 1 : i32
    scf.for %scan3A_1685 = %scan3A_838 to %scan3A_840 step %scan3A_841  : i32 {
      %parallel_loop3A = arith.constant 0 : i32
      %parallel_loop3A_1686 = arith.constant 20 : i32
      %parallel_loop3A_1687 = arith.constant 1 : i32
      scf.for %parallel_loop3A_1688 = %parallel_loop3A to %parallel_loop3A_1686 step %parallel_loop3A_1687  : i32 {
        %parallel_loop3A_1689 = arith.index_cast %scan3A_1685 : i32 to index
        %parallel_loop3A_1690 = arith.index_cast %parallel_loop3A_1688 : i32 to index
        %parallel_loop3A_1691 = arith.constant 0 : index
        %parallel_loop3A_1692 = tpu.vector_load %arg6[%parallel_loop3A_1689, %parallel_loop3A_1690, %parallel_loop3A_1691] {strides = array<i32>} : memref<32x24x32xf32, #tpu.memory_space<vmem>>, vector<1x1x16xf32>,
        %parallel_loop3A_1693 = vector.shape_cast %parallel_loop3A_1692 : vector<1x1x16xf32> to vector<16xf32>
        %parallel_loop3A_1694 = arith.index_cast %scan3A_1685 : i32 to index
        %parallel_loop3A_1695 = arith.index_cast %parallel_loop3A_1688 : i32 to index
        %parallel_loop3A_1696 = arith.constant 10 : index
        %parallel_loop3A_1697 = tpu.vector_load %arg6[%parallel_loop3A_1694, %parallel_loop3A_1695, %parallel_loop3A_1696] {strides = array<i32>} : memref<32x24x32xf32, #tpu.memory_space<vmem>>, vector<1x1x16xf32>,
        %parallel_loop3A_1698 = vector.shape_cast %parallel_loop3A_1697 : vector<1x1x16xf32> to vector<16xf32>
        %parallel_loop3A_1699 = vector.extract_strided_slice %parallel_loop3A_1693 {offsets = [0], sizes = [1], strides = [1]} : vector<16xf32> to vector<1xf32>
        %parallel_loop3A_1700 = vector.extract %parallel_loop3A_1699[0] : f32 from vector<1xf32>
        %parallel_loop3A_1701 = vector.extract_strided_slice %parallel_loop3A_1693 {offsets = [1], sizes = [1], strides = [1]} : vector<16xf32> to vector<1xf32>
        %parallel_loop3A_1702 = vector.extract %parallel_loop3A_1701[0] : f32 from vector<1xf32>
        %parallel_loop3A_1703 = vector.extract_strided_slice %parallel_loop3A_1693 {offsets = [2], sizes = [1], strides = [1]} : vector<16xf32> to vector<1xf32>
        %parallel_loop3A_1704 = vector.extract %parallel_loop3A_1703[0] : f32 from vector<1xf32>
        %parallel_loop3A_1705 = vector.extract_strided_slice %parallel_loop3A_1693 {offsets = [3], sizes = [1], strides = [1]} : vector<16xf32> to vector<1xf32>
        %parallel_loop3A_1706 = vector.extract %parallel_loop3A_1705[0] : f32 from vector<1xf32>
        %parallel_loop3A_1707 = vector.extract_strided_slice %parallel_loop3A_1693 {offsets = [4], sizes = [1], strides = [1]} : vector<16xf32> to vector<1xf32>
        %parallel_loop3A_1708 = vector.extract %parallel_loop3A_1707[0] : f32 from vector<1xf32>
        %parallel_loop3A_1709 = vector.extract_strided_slice %parallel_loop3A_1693 {offsets = [5], sizes = [1], strides = [1]} : vector<16xf32> to vector<1xf32>
        %parallel_loop3A_1710 = vector.extract %parallel_loop3A_1709[0] : f32 from vector<1xf32>
        %parallel_loop3A_1711 = vector.extract_strided_slice %parallel_loop3A_1693 {offsets = [6], sizes = [1], strides = [1]} : vector<16xf32> to vector<1xf32>
        %parallel_loop3A_1712 = vector.extract %parallel_loop3A_1711[0] : f32 from vector<1xf32>
        %parallel_loop3A_1713 = vector.extract_strided_slice %parallel_loop3A_1693 {offsets = [7], sizes = [1], strides = [1]} : vector<16xf32> to vector<1xf32>
        %parallel_loop3A_1714 = vector.extract %parallel_loop3A_1713[0] : f32 from vector<1xf32>
        %parallel_loop3A_1715 = vector.extract_strided_slice %parallel_loop3A_1693 {offsets = [8], sizes = [1], strides = [1]} : vector<16xf32> to vector<1xf32>
        %parallel_loop3A_1716 = vector.extract %parallel_loop3A_1715[0] : f32 from vector<1xf32>
        %parallel_loop3A_1717 = vector.extract_strided_slice %parallel_loop3A_1693 {offsets = [9], sizes = [1], strides = [1]} : vector<16xf32> to vector<1xf32>
        %parallel_loop3A_1718 = vector.extract %parallel_loop3A_1717[0] : f32 from vector<1xf32>
        %parallel_loop3A_1719 = vector.extract_strided_slice %parallel_loop3A_1693 {offsets = [10], sizes = [1], strides = [1]} : vector<16xf32> to vector<1xf32>
        %parallel_loop3A_1720 = vector.extract %parallel_loop3A_1719[0] : f32 from vector<1xf32>
        %parallel_loop3A_1721 = vector.extract_strided_slice %parallel_loop3A_1693 {offsets = [11], sizes = [1], strides = [1]} : vector<16xf32> to vector<1xf32>
        %parallel_loop3A_1722 = vector.extract %parallel_loop3A_1721[0] : f32 from vector<1xf32>
        %parallel_loop3A_1723 = vector.extract_strided_slice %parallel_loop3A_1693 {offsets = [12], sizes = [1], strides = [1]} : vector<16xf32> to vector<1xf32>
        %parallel_loop3A_1724 = vector.extract %parallel_loop3A_1723[0] : f32 from vector<1xf32>
        %parallel_loop3A_1725 = vector.extract_strided_slice %parallel_loop3A_1693 {offsets = [13], sizes = [1], strides = [1]} : vector<16xf32> to vector<1xf32>
        %parallel_loop3A_1726 = vector.extract %parallel_loop3A_1725[0] : f32 from vector<1xf32>
        %parallel_loop3A_1727 = vector.extract_strided_slice %parallel_loop3A_1693 {offsets = [14], sizes = [1], strides = [1]} : vector<16xf32> to vector<1xf32>
        %parallel_loop3A_1728 = vector.extract %parallel_loop3A_1727[0] : f32 from vector<1xf32>
        %parallel_loop3A_1729 = vector.extract_strided_slice %parallel_loop3A_1693 {offsets = [15], sizes = [1], strides = [1]} : vector<16xf32> to vector<1xf32>
        %parallel_loop3A_1730 = vector.extract %parallel_loop3A_1729[0] : f32 from vector<1xf32>
        %parallel_loop3A_1731 = vector.extract_strided_slice %parallel_loop3A_1698 {offsets = [6], sizes = [1], strides = [1]} : vector<16xf32> to vector<1xf32>
        %parallel_loop3A_1732 = vector.extract %parallel_loop3A_1731[0] : f32 from vector<1xf32>
        %parallel_loop3A_1733 = vector.extract_strided_slice %parallel_loop3A_1698 {offsets = [7], sizes = [1], strides = [1]} : vector<16xf32> to vector<1xf32>
        %parallel_loop3A_1734 = vector.extract %parallel_loop3A_1733[0] : f32 from vector<1xf32>
        %parallel_loop3A_1735 = vector.extract_strided_slice %parallel_loop3A_1698 {offsets = [8], sizes = [1], strides = [1]} : vector<16xf32> to vector<1xf32>
        %parallel_loop3A_1736 = vector.extract %parallel_loop3A_1735[0] : f32 from vector<1xf32>
        %parallel_loop3A_1737 = vector.extract_strided_slice %parallel_loop3A_1698 {offsets = [9], sizes = [1], strides = [1]} : vector<16xf32> to vector<1xf32>
        %parallel_loop3A_1738 = vector.extract %parallel_loop3A_1737[0] : f32 from vector<1xf32>
        %parallel_loop3A_1739 = vector.extract_strided_slice %parallel_loop3A_1698 {offsets = [10], sizes = [1], strides = [1]} : vector<16xf32> to vector<1xf32>
        %parallel_loop3A_1740 = vector.extract %parallel_loop3A_1739[0] : f32 from vector<1xf32>
        %parallel_loop3A_1741 = vector.extract_strided_slice %parallel_loop3A_1698 {offsets = [11], sizes = [1], strides = [1]} : vector<16xf32> to vector<1xf32>
        %parallel_loop3A_1742 = vector.extract %parallel_loop3A_1741[0] : f32 from vector<1xf32>
        %parallel_loop3A_1743 = vector.extract_strided_slice %parallel_loop3A_1698 {offsets = [12], sizes = [1], strides = [1]} : vector<16xf32> to vector<1xf32>
        %parallel_loop3A_1744 = vector.extract %parallel_loop3A_1743[0] : f32 from vector<1xf32>
        %parallel_loop3A_1745 = vector.extract_strided_slice %parallel_loop3A_1698 {offsets = [13], sizes = [1], strides = [1]} : vector<16xf32> to vector<1xf32>
        %parallel_loop3A_1746 = vector.extract %parallel_loop3A_1745[0] : f32 from vector<1xf32>
        %parallel_loop3A_1747 = vector.extract_strided_slice %parallel_loop3A_1698 {offsets = [14], sizes = [1], strides = [1]} : vector<16xf32> to vector<1xf32>
        %parallel_loop3A_1748 = vector.extract %parallel_loop3A_1747[0] : f32 from vector<1xf32>
        %parallel_loop3A_1749 = vector.extract_strided_slice %parallel_loop3A_1698 {offsets = [15], sizes = [1], strides = [1]} : vector<16xf32> to vector<1xf32>
        %parallel_loop3A_1750 = vector.extract %parallel_loop3A_1749[0] : f32 from vector<1xf32>
        %parallel_loop3A_1751 = vector.broadcast %parallel_loop3A_1700 : f32 to vector<16xf32>
        %parallel_loop3A_1752 = arith.mulf %parallel_loop3A_1751, %mul3A_429 : vector<16xf32>
        %parallel_loop3A_1753 = vector.broadcast %parallel_loop3A_1700 : f32 to vector<16xf32>
        %parallel_loop3A_1754 = arith.mulf %parallel_loop3A_1753, %mul3A_637 : vector<16xf32>
        %parallel_loop3A_1755 = vector.broadcast %parallel_loop3A_1702 : f32 to vector<16xf32>
        %parallel_loop3A_1756 = arith.mulf %parallel_loop3A_1755, %mul3A_437 : vector<16xf32>
        %parallel_loop3A_1757 = arith.addf %parallel_loop3A_1752, %parallel_loop3A_1756 : vector<16xf32>
        %parallel_loop3A_1758 = vector.broadcast %parallel_loop3A_1702 : f32 to vector<16xf32>
        %parallel_loop3A_1759 = arith.mulf %parallel_loop3A_1758, %mul3A_645 : vector<16xf32>
        %parallel_loop3A_1760 = arith.addf %parallel_loop3A_1754, %parallel_loop3A_1759 : vector<16xf32>
        %parallel_loop3A_1761 = vector.broadcast %parallel_loop3A_1704 : f32 to vector<16xf32>
        %parallel_loop3A_1762 = arith.mulf %parallel_loop3A_1761, %mul3A_445 : vector<16xf32>
        %parallel_loop3A_1763 = arith.addf %parallel_loop3A_1757, %parallel_loop3A_1762 : vector<16xf32>
        %parallel_loop3A_1764 = vector.broadcast %parallel_loop3A_1704 : f32 to vector<16xf32>
        %parallel_loop3A_1765 = arith.mulf %parallel_loop3A_1764, %mul3A_653 : vector<16xf32>
        %parallel_loop3A_1766 = arith.addf %parallel_loop3A_1760, %parallel_loop3A_1765 : vector<16xf32>
        %parallel_loop3A_1767 = vector.broadcast %parallel_loop3A_1706 : f32 to vector<16xf32>
        %parallel_loop3A_1768 = arith.mulf %parallel_loop3A_1767, %mul3A_453 : vector<16xf32>
        %parallel_loop3A_1769 = arith.addf %parallel_loop3A_1763, %parallel_loop3A_1768 : vector<16xf32>
        %parallel_loop3A_1770 = vector.broadcast %parallel_loop3A_1706 : f32 to vector<16xf32>
        %parallel_loop3A_1771 = arith.mulf %parallel_loop3A_1770, %mul3A_661 : vector<16xf32>
        %parallel_loop3A_1772 = arith.addf %parallel_loop3A_1766, %parallel_loop3A_1771 : vector<16xf32>
        %parallel_loop3A_1773 = vector.broadcast %parallel_loop3A_1708 : f32 to vector<16xf32>
        %parallel_loop3A_1774 = arith.mulf %parallel_loop3A_1773, %mul3A_461 : vector<16xf32>
        %parallel_loop3A_1775 = arith.addf %parallel_loop3A_1769, %parallel_loop3A_1774 : vector<16xf32>
        %parallel_loop3A_1776 = vector.broadcast %parallel_loop3A_1708 : f32 to vector<16xf32>
        %parallel_loop3A_1777 = arith.mulf %parallel_loop3A_1776, %mul3A_669 : vector<16xf32>
        %parallel_loop3A_1778 = arith.addf %parallel_loop3A_1772, %parallel_loop3A_1777 : vector<16xf32>
        %parallel_loop3A_1779 = vector.broadcast %parallel_loop3A_1710 : f32 to vector<16xf32>
        %parallel_loop3A_1780 = arith.mulf %parallel_loop3A_1779, %mul3A_469 : vector<16xf32>
        %parallel_loop3A_1781 = arith.addf %parallel_loop3A_1775, %parallel_loop3A_1780 : vector<16xf32>
        %parallel_loop3A_1782 = vector.broadcast %parallel_loop3A_1710 : f32 to vector<16xf32>
        %parallel_loop3A_1783 = arith.mulf %parallel_loop3A_1782, %mul3A_677 : vector<16xf32>
        %parallel_loop3A_1784 = arith.addf %parallel_loop3A_1778, %parallel_loop3A_1783 : vector<16xf32>
        %parallel_loop3A_1785 = vector.broadcast %parallel_loop3A_1712 : f32 to vector<16xf32>
        %parallel_loop3A_1786 = arith.mulf %parallel_loop3A_1785, %mul3A_477 : vector<16xf32>
        %parallel_loop3A_1787 = arith.addf %parallel_loop3A_1781, %parallel_loop3A_1786 : vector<16xf32>
        %parallel_loop3A_1788 = vector.broadcast %parallel_loop3A_1712 : f32 to vector<16xf32>
        %parallel_loop3A_1789 = arith.mulf %parallel_loop3A_1788, %mul3A_685 : vector<16xf32>
        %parallel_loop3A_1790 = arith.addf %parallel_loop3A_1784, %parallel_loop3A_1789 : vector<16xf32>
        %parallel_loop3A_1791 = vector.broadcast %parallel_loop3A_1714 : f32 to vector<16xf32>
        %parallel_loop3A_1792 = arith.mulf %parallel_loop3A_1791, %mul3A_485 : vector<16xf32>
        %parallel_loop3A_1793 = arith.addf %parallel_loop3A_1787, %parallel_loop3A_1792 : vector<16xf32>
        %parallel_loop3A_1794 = vector.broadcast %parallel_loop3A_1714 : f32 to vector<16xf32>
        %parallel_loop3A_1795 = arith.mulf %parallel_loop3A_1794, %mul3A_693 : vector<16xf32>
        %parallel_loop3A_1796 = arith.addf %parallel_loop3A_1790, %parallel_loop3A_1795 : vector<16xf32>
        %parallel_loop3A_1797 = vector.broadcast %parallel_loop3A_1716 : f32 to vector<16xf32>
        %parallel_loop3A_1798 = arith.mulf %parallel_loop3A_1797, %mul3A_493 : vector<16xf32>
        %parallel_loop3A_1799 = arith.addf %parallel_loop3A_1793, %parallel_loop3A_1798 : vector<16xf32>
        %parallel_loop3A_1800 = vector.broadcast %parallel_loop3A_1716 : f32 to vector<16xf32>
        %parallel_loop3A_1801 = arith.mulf %parallel_loop3A_1800, %mul3A_701 : vector<16xf32>
        %parallel_loop3A_1802 = arith.addf %parallel_loop3A_1796, %parallel_loop3A_1801 : vector<16xf32>
        %parallel_loop3A_1803 = vector.broadcast %parallel_loop3A_1718 : f32 to vector<16xf32>
        %parallel_loop3A_1804 = arith.mulf %parallel_loop3A_1803, %mul3A_501 : vector<16xf32>
        %parallel_loop3A_1805 = arith.addf %parallel_loop3A_1799, %parallel_loop3A_1804 : vector<16xf32>
        %parallel_loop3A_1806 = vector.broadcast %parallel_loop3A_1718 : f32 to vector<16xf32>
        %parallel_loop3A_1807 = arith.mulf %parallel_loop3A_1806, %mul3A_709 : vector<16xf32>
        %parallel_loop3A_1808 = arith.addf %parallel_loop3A_1802, %parallel_loop3A_1807 : vector<16xf32>
        %parallel_loop3A_1809 = vector.broadcast %parallel_loop3A_1720 : f32 to vector<16xf32>
        %parallel_loop3A_1810 = arith.mulf %parallel_loop3A_1809, %mul3A_509 : vector<16xf32>
        %parallel_loop3A_1811 = arith.addf %parallel_loop3A_1805, %parallel_loop3A_1810 : vector<16xf32>
        %parallel_loop3A_1812 = vector.broadcast %parallel_loop3A_1720 : f32 to vector<16xf32>
        %parallel_loop3A_1813 = arith.mulf %parallel_loop3A_1812, %mul3A_717 : vector<16xf32>
        %parallel_loop3A_1814 = arith.addf %parallel_loop3A_1808, %parallel_loop3A_1813 : vector<16xf32>
        %parallel_loop3A_1815 = vector.broadcast %parallel_loop3A_1722 : f32 to vector<16xf32>
        %parallel_loop3A_1816 = arith.mulf %parallel_loop3A_1815, %mul3A_517 : vector<16xf32>
        %parallel_loop3A_1817 = arith.addf %parallel_loop3A_1811, %parallel_loop3A_1816 : vector<16xf32>
        %parallel_loop3A_1818 = vector.broadcast %parallel_loop3A_1722 : f32 to vector<16xf32>
        %parallel_loop3A_1819 = arith.mulf %parallel_loop3A_1818, %mul3A_725 : vector<16xf32>
        %parallel_loop3A_1820 = arith.addf %parallel_loop3A_1814, %parallel_loop3A_1819 : vector<16xf32>
        %parallel_loop3A_1821 = vector.broadcast %parallel_loop3A_1724 : f32 to vector<16xf32>
        %parallel_loop3A_1822 = arith.mulf %parallel_loop3A_1821, %mul3A_525 : vector<16xf32>
        %parallel_loop3A_1823 = arith.addf %parallel_loop3A_1817, %parallel_loop3A_1822 : vector<16xf32>
        %parallel_loop3A_1824 = vector.broadcast %parallel_loop3A_1724 : f32 to vector<16xf32>
        %parallel_loop3A_1825 = arith.mulf %parallel_loop3A_1824, %mul3A_733 : vector<16xf32>
        %parallel_loop3A_1826 = arith.addf %parallel_loop3A_1820, %parallel_loop3A_1825 : vector<16xf32>
        %parallel_loop3A_1827 = vector.broadcast %parallel_loop3A_1726 : f32 to vector<16xf32>
        %parallel_loop3A_1828 = arith.mulf %parallel_loop3A_1827, %mul3A_533 : vector<16xf32>
        %parallel_loop3A_1829 = arith.addf %parallel_loop3A_1823, %parallel_loop3A_1828 : vector<16xf32>
        %parallel_loop3A_1830 = vector.broadcast %parallel_loop3A_1726 : f32 to vector<16xf32>
        %parallel_loop3A_1831 = arith.mulf %parallel_loop3A_1830, %mul3A_741 : vector<16xf32>
        %parallel_loop3A_1832 = arith.addf %parallel_loop3A_1826, %parallel_loop3A_1831 : vector<16xf32>
        %parallel_loop3A_1833 = vector.broadcast %parallel_loop3A_1728 : f32 to vector<16xf32>
        %parallel_loop3A_1834 = arith.mulf %parallel_loop3A_1833, %mul3A_541 : vector<16xf32>
        %parallel_loop3A_1835 = arith.addf %parallel_loop3A_1829, %parallel_loop3A_1834 : vector<16xf32>
        %parallel_loop3A_1836 = vector.broadcast %parallel_loop3A_1728 : f32 to vector<16xf32>
        %parallel_loop3A_1837 = arith.mulf %parallel_loop3A_1836, %mul3A_749 : vector<16xf32>
        %parallel_loop3A_1838 = arith.addf %parallel_loop3A_1832, %parallel_loop3A_1837 : vector<16xf32>
        %parallel_loop3A_1839 = vector.broadcast %parallel_loop3A_1730 : f32 to vector<16xf32>
        %parallel_loop3A_1840 = arith.mulf %parallel_loop3A_1839, %mul3A_549 : vector<16xf32>
        %parallel_loop3A_1841 = arith.addf %parallel_loop3A_1835, %parallel_loop3A_1840 : vector<16xf32>
        %parallel_loop3A_1842 = vector.broadcast %parallel_loop3A_1730 : f32 to vector<16xf32>
        %parallel_loop3A_1843 = arith.mulf %parallel_loop3A_1842, %mul3A_757 : vector<16xf32>
        %parallel_loop3A_1844 = arith.addf %parallel_loop3A_1838, %parallel_loop3A_1843 : vector<16xf32>
        %parallel_loop3A_1845 = vector.broadcast %parallel_loop3A_1732 : f32 to vector<16xf32>
        %parallel_loop3A_1846 = arith.mulf %parallel_loop3A_1845, %mul3A_557 : vector<16xf32>
        %parallel_loop3A_1847 = arith.addf %parallel_loop3A_1841, %parallel_loop3A_1846 : vector<16xf32>
        %parallel_loop3A_1848 = vector.broadcast %parallel_loop3A_1732 : f32 to vector<16xf32>
        %parallel_loop3A_1849 = arith.mulf %parallel_loop3A_1848, %mul3A_765 : vector<16xf32>
        %parallel_loop3A_1850 = arith.addf %parallel_loop3A_1844, %parallel_loop3A_1849 : vector<16xf32>
        %parallel_loop3A_1851 = vector.broadcast %parallel_loop3A_1734 : f32 to vector<16xf32>
        %parallel_loop3A_1852 = arith.mulf %parallel_loop3A_1851, %mul3A_565 : vector<16xf32>
        %parallel_loop3A_1853 = arith.addf %parallel_loop3A_1847, %parallel_loop3A_1852 : vector<16xf32>
        %parallel_loop3A_1854 = vector.broadcast %parallel_loop3A_1734 : f32 to vector<16xf32>
        %parallel_loop3A_1855 = arith.mulf %parallel_loop3A_1854, %mul3A_773 : vector<16xf32>
        %parallel_loop3A_1856 = arith.addf %parallel_loop3A_1850, %parallel_loop3A_1855 : vector<16xf32>
        %parallel_loop3A_1857 = vector.broadcast %parallel_loop3A_1736 : f32 to vector<16xf32>
        %parallel_loop3A_1858 = arith.mulf %parallel_loop3A_1857, %mul3A_573 : vector<16xf32>
        %parallel_loop3A_1859 = arith.addf %parallel_loop3A_1853, %parallel_loop3A_1858 : vector<16xf32>
        %parallel_loop3A_1860 = vector.broadcast %parallel_loop3A_1736 : f32 to vector<16xf32>
        %parallel_loop3A_1861 = arith.mulf %parallel_loop3A_1860, %mul3A_781 : vector<16xf32>
        %parallel_loop3A_1862 = arith.addf %parallel_loop3A_1856, %parallel_loop3A_1861 : vector<16xf32>
        %parallel_loop3A_1863 = vector.broadcast %parallel_loop3A_1738 : f32 to vector<16xf32>
        %parallel_loop3A_1864 = arith.mulf %parallel_loop3A_1863, %mul3A_581 : vector<16xf32>
        %parallel_loop3A_1865 = arith.addf %parallel_loop3A_1859, %parallel_loop3A_1864 : vector<16xf32>
        %parallel_loop3A_1866 = vector.broadcast %parallel_loop3A_1738 : f32 to vector<16xf32>
        %parallel_loop3A_1867 = arith.mulf %parallel_loop3A_1866, %mul3A_789 : vector<16xf32>
        %parallel_loop3A_1868 = arith.addf %parallel_loop3A_1862, %parallel_loop3A_1867 : vector<16xf32>
        %parallel_loop3A_1869 = vector.broadcast %parallel_loop3A_1740 : f32 to vector<16xf32>
        %parallel_loop3A_1870 = arith.mulf %parallel_loop3A_1869, %mul3A_589 : vector<16xf32>
        %parallel_loop3A_1871 = arith.addf %parallel_loop3A_1865, %parallel_loop3A_1870 : vector<16xf32>
        %parallel_loop3A_1872 = vector.broadcast %parallel_loop3A_1740 : f32 to vector<16xf32>
        %parallel_loop3A_1873 = arith.mulf %parallel_loop3A_1872, %mul3A_797 : vector<16xf32>
        %parallel_loop3A_1874 = arith.addf %parallel_loop3A_1868, %parallel_loop3A_1873 : vector<16xf32>
        %parallel_loop3A_1875 = vector.broadcast %parallel_loop3A_1742 : f32 to vector<16xf32>
        %parallel_loop3A_1876 = arith.mulf %parallel_loop3A_1875, %mul3A_597 : vector<16xf32>
        %parallel_loop3A_1877 = arith.addf %parallel_loop3A_1871, %parallel_loop3A_1876 : vector<16xf32>
        %parallel_loop3A_1878 = vector.broadcast %parallel_loop3A_1742 : f32 to vector<16xf32>
        %parallel_loop3A_1879 = arith.mulf %parallel_loop3A_1878, %mul3A_805 : vector<16xf32>
        %parallel_loop3A_1880 = arith.addf %parallel_loop3A_1874, %parallel_loop3A_1879 : vector<16xf32>
        %parallel_loop3A_1881 = vector.broadcast %parallel_loop3A_1744 : f32 to vector<16xf32>
        %parallel_loop3A_1882 = arith.mulf %parallel_loop3A_1881, %mul3A_605 : vector<16xf32>
        %parallel_loop3A_1883 = arith.addf %parallel_loop3A_1877, %parallel_loop3A_1882 : vector<16xf32>
        %parallel_loop3A_1884 = vector.broadcast %parallel_loop3A_1744 : f32 to vector<16xf32>
        %parallel_loop3A_1885 = arith.mulf %parallel_loop3A_1884, %mul3A_813 : vector<16xf32>
        %parallel_loop3A_1886 = arith.addf %parallel_loop3A_1880, %parallel_loop3A_1885 : vector<16xf32>
        %parallel_loop3A_1887 = vector.broadcast %parallel_loop3A_1746 : f32 to vector<16xf32>
        %parallel_loop3A_1888 = arith.mulf %parallel_loop3A_1887, %mul3A_613 : vector<16xf32>
        %parallel_loop3A_1889 = arith.addf %parallel_loop3A_1883, %parallel_loop3A_1888 : vector<16xf32>
        %parallel_loop3A_1890 = vector.broadcast %parallel_loop3A_1746 : f32 to vector<16xf32>
        %parallel_loop3A_1891 = arith.mulf %parallel_loop3A_1890, %mul3A_821 : vector<16xf32>
        %parallel_loop3A_1892 = arith.addf %parallel_loop3A_1886, %parallel_loop3A_1891 : vector<16xf32>
        %parallel_loop3A_1893 = vector.broadcast %parallel_loop3A_1748 : f32 to vector<16xf32>
        %parallel_loop3A_1894 = arith.mulf %parallel_loop3A_1893, %mul3A_621 : vector<16xf32>
        %parallel_loop3A_1895 = arith.addf %parallel_loop3A_1889, %parallel_loop3A_1894 : vector<16xf32>
        %parallel_loop3A_1896 = vector.broadcast %parallel_loop3A_1748 : f32 to vector<16xf32>
        %parallel_loop3A_1897 = arith.mulf %parallel_loop3A_1896, %mul3A_829 : vector<16xf32>
        %parallel_loop3A_1898 = arith.addf %parallel_loop3A_1892, %parallel_loop3A_1897 : vector<16xf32>
        %parallel_loop3A_1899 = vector.broadcast %parallel_loop3A_1750 : f32 to vector<16xf32>
        %parallel_loop3A_1900 = arith.mulf %parallel_loop3A_1899, %mul3A_629 : vector<16xf32>
        %parallel_loop3A_1901 = arith.addf %parallel_loop3A_1895, %parallel_loop3A_1900 : vector<16xf32>
        %parallel_loop3A_1902 = vector.broadcast %parallel_loop3A_1750 : f32 to vector<16xf32>
        %parallel_loop3A_1903 = arith.mulf %parallel_loop3A_1902, %mul3A_837 : vector<16xf32>
        %parallel_loop3A_1904 = arith.addf %parallel_loop3A_1898, %parallel_loop3A_1903 : vector<16xf32>
        %parallel_loop3A_1905 = arith.index_cast %parallel_loop3A_1688 : i32 to index
        %parallel_loop3A_1906 = arith.index_cast %scan3A_1685 : i32 to index
        %parallel_loop3A_1907 = arith.constant 32 : index
        %parallel_loop3A_1908 = tpu.vector_load %arg7[%parallel_loop3A_1905, %parallel_loop3A_1906, %parallel_loop3A_1907] {strides = array<i32>} : memref<20x32x128xf32, #tpu.memory_space<vmem>>, vector<1x1x16xf32>,
        %parallel_loop3A_1909 = vector.shape_cast %parallel_loop3A_1908 : vector<1x1x16xf32> to vector<16xf32>
        %parallel_loop3A_1910 = vector.shape_cast %parallel_loop3A_1901 : vector<16xf32> to vector<1x1x16xf32>
        tpu.vector_store %arg7[%parallel_loop3A_1905, %parallel_loop3A_1906, %parallel_loop3A_1907], %parallel_loop3A_1910 {strides = array<i32>} : memref<20x32x128xf32, #tpu.memory_space<vmem>>, vector<1x1x16xf32>,
        %parallel_loop3A_1911 = arith.index_cast %parallel_loop3A_1688 : i32 to index
        %parallel_loop3A_1912 = arith.index_cast %scan3A_1685 : i32 to index
        %parallel_loop3A_1913 = arith.constant 48 : index
        %parallel_loop3A_1914 = tpu.vector_load %arg7[%parallel_loop3A_1911, %parallel_loop3A_1912, %parallel_loop3A_1913] {strides = array<i32>} : memref<20x32x128xf32, #tpu.memory_space<vmem>>, vector<1x1x16xf32>,
        %parallel_loop3A_1915 = vector.shape_cast %parallel_loop3A_1914 : vector<1x1x16xf32> to vector<16xf32>
        %parallel_loop3A_1916 = vector.shape_cast %parallel_loop3A_1904 : vector<16xf32> to vector<1x1x16xf32>
        tpu.vector_store %arg7[%parallel_loop3A_1911, %parallel_loop3A_1912, %parallel_loop3A_1913], %parallel_loop3A_1916 {strides = array<i32>} : memref<20x32x128xf32, #tpu.memory_space<vmem>>, vector<1x1x16xf32>,
      } {sc.loop_unroll_factor = 4 : i64, sc.parallel_access}
    }
    %scan3A_842 = arith.constant 32 : i32
    %get3A_843 = arith.constant 0 : i32
    %get3A_844 = arith.index_cast %get3A_843 : i32 to index
    %get3A_845 = arith.constant 64 : index
    %get3A_846 = tpu.vector_load %arg5[%get3A_844, %get3A_845] {strides = array<i32>} : memref<26x128xf32, #tpu.memory_space<vmem>>, vector<1x16xf32>,
    %get3A_847 = vector.shape_cast %get3A_846 : vector<1x16xf32> to vector<16xf32>
    %mul3A_848 = arith.constant 0.0384615399 : f32
    %mul3A_849 = vector.broadcast %mul3A_848 : f32 to vector<16xf32>
    %mul3A_850 = arith.mulf %get3A_847, %mul3A_849 : vector<16xf32>
    %get3A_851 = arith.constant 1 : i32
    %get3A_852 = arith.index_cast %get3A_851 : i32 to index
    %get3A_853 = arith.constant 64 : index
    %get3A_854 = tpu.vector_load %arg5[%get3A_852, %get3A_853] {strides = array<i32>} : memref<26x128xf32, #tpu.memory_space<vmem>>, vector<1x16xf32>,
    %get3A_855 = vector.shape_cast %get3A_854 : vector<1x16xf32> to vector<16xf32>
    %mul3A_856 = arith.constant 0.0384615399 : f32
    %mul3A_857 = vector.broadcast %mul3A_856 : f32 to vector<16xf32>
    %mul3A_858 = arith.mulf %get3A_855, %mul3A_857 : vector<16xf32>
    %get3A_859 = arith.constant 2 : i32
    %get3A_860 = arith.index_cast %get3A_859 : i32 to index
    %get3A_861 = arith.constant 64 : index
    %get3A_862 = tpu.vector_load %arg5[%get3A_860, %get3A_861] {strides = array<i32>} : memref<26x128xf32, #tpu.memory_space<vmem>>, vector<1x16xf32>,
    %get3A_863 = vector.shape_cast %get3A_862 : vector<1x16xf32> to vector<16xf32>
    %mul3A_864 = arith.constant 0.0384615399 : f32
    %mul3A_865 = vector.broadcast %mul3A_864 : f32 to vector<16xf32>
    %mul3A_866 = arith.mulf %get3A_863, %mul3A_865 : vector<16xf32>
    %get3A_867 = arith.constant 3 : i32
    %get3A_868 = arith.index_cast %get3A_867 : i32 to index
    %get3A_869 = arith.constant 64 : index
    %get3A_870 = tpu.vector_load %arg5[%get3A_868, %get3A_869] {strides = array<i32>} : memref<26x128xf32, #tpu.memory_space<vmem>>, vector<1x16xf32>,
    %get3A_871 = vector.shape_cast %get3A_870 : vector<1x16xf32> to vector<16xf32>
    %mul3A_872 = arith.constant 0.0384615399 : f32
    %mul3A_873 = vector.broadcast %mul3A_872 : f32 to vector<16xf32>
    %mul3A_874 = arith.mulf %get3A_871, %mul3A_873 : vector<16xf32>
    %get3A_875 = arith.constant 4 : i32
    %get3A_876 = arith.index_cast %get3A_875 : i32 to index
    %get3A_877 = arith.constant 64 : index
    %get3A_878 = tpu.vector_load %arg5[%get3A_876, %get3A_877] {strides = array<i32>} : memref<26x128xf32, #tpu.memory_space<vmem>>, vector<1x16xf32>,
    %get3A_879 = vector.shape_cast %get3A_878 : vector<1x16xf32> to vector<16xf32>
    %mul3A_880 = arith.constant 0.0384615399 : f32
    %mul3A_881 = vector.broadcast %mul3A_880 : f32 to vector<16xf32>
    %mul3A_882 = arith.mulf %get3A_879, %mul3A_881 : vector<16xf32>
    %get3A_883 = arith.constant 5 : i32
    %get3A_884 = arith.index_cast %get3A_883 : i32 to index
    %get3A_885 = arith.constant 64 : index
    %get3A_886 = tpu.vector_load %arg5[%get3A_884, %get3A_885] {strides = array<i32>} : memref<26x128xf32, #tpu.memory_space<vmem>>, vector<1x16xf32>,
    %get3A_887 = vector.shape_cast %get3A_886 : vector<1x16xf32> to vector<16xf32>
    %mul3A_888 = arith.constant 0.0384615399 : f32
    %mul3A_889 = vector.broadcast %mul3A_888 : f32 to vector<16xf32>
    %mul3A_890 = arith.mulf %get3A_887, %mul3A_889 : vector<16xf32>
    %get3A_891 = arith.constant 6 : i32
    %get3A_892 = arith.index_cast %get3A_891 : i32 to index
    %get3A_893 = arith.constant 64 : index
    %get3A_894 = tpu.vector_load %arg5[%get3A_892, %get3A_893] {strides = array<i32>} : memref<26x128xf32, #tpu.memory_space<vmem>>, vector<1x16xf32>,
    %get3A_895 = vector.shape_cast %get3A_894 : vector<1x16xf32> to vector<16xf32>
    %mul3A_896 = arith.constant 0.0384615399 : f32
    %mul3A_897 = vector.broadcast %mul3A_896 : f32 to vector<16xf32>
    %mul3A_898 = arith.mulf %get3A_895, %mul3A_897 : vector<16xf32>
    %get3A_899 = arith.constant 7 : i32
    %get3A_900 = arith.index_cast %get3A_899 : i32 to index
    %get3A_901 = arith.constant 64 : index
    %get3A_902 = tpu.vector_load %arg5[%get3A_900, %get3A_901] {strides = array<i32>} : memref<26x128xf32, #tpu.memory_space<vmem>>, vector<1x16xf32>,
    %get3A_903 = vector.shape_cast %get3A_902 : vector<1x16xf32> to vector<16xf32>
    %mul3A_904 = arith.constant 0.0384615399 : f32
    %mul3A_905 = vector.broadcast %mul3A_904 : f32 to vector<16xf32>
    %mul3A_906 = arith.mulf %get3A_903, %mul3A_905 : vector<16xf32>
    %get3A_907 = arith.constant 8 : i32
    %get3A_908 = arith.index_cast %get3A_907 : i32 to index
    %get3A_909 = arith.constant 64 : index
    %get3A_910 = tpu.vector_load %arg5[%get3A_908, %get3A_909] {strides = array<i32>} : memref<26x128xf32, #tpu.memory_space<vmem>>, vector<1x16xf32>,
    %get3A_911 = vector.shape_cast %get3A_910 : vector<1x16xf32> to vector<16xf32>
    %mul3A_912 = arith.constant 0.0384615399 : f32
    %mul3A_913 = vector.broadcast %mul3A_912 : f32 to vector<16xf32>
    %mul3A_914 = arith.mulf %get3A_911, %mul3A_913 : vector<16xf32>
    %get3A_915 = arith.constant 9 : i32
    %get3A_916 = arith.index_cast %get3A_915 : i32 to index
    %get3A_917 = arith.constant 64 : index
    %get3A_918 = tpu.vector_load %arg5[%get3A_916, %get3A_917] {strides = array<i32>} : memref<26x128xf32, #tpu.memory_space<vmem>>, vector<1x16xf32>,
    %get3A_919 = vector.shape_cast %get3A_918 : vector<1x16xf32> to vector<16xf32>
    %mul3A_920 = arith.constant 0.0384615399 : f32
    %mul3A_921 = vector.broadcast %mul3A_920 : f32 to vector<16xf32>
    %mul3A_922 = arith.mulf %get3A_919, %mul3A_921 : vector<16xf32>
    %get3A_923 = arith.constant 10 : i32
    %get3A_924 = arith.index_cast %get3A_923 : i32 to index
    %get3A_925 = arith.constant 64 : index
    %get3A_926 = tpu.vector_load %arg5[%get3A_924, %get3A_925] {strides = array<i32>} : memref<26x128xf32, #tpu.memory_space<vmem>>, vector<1x16xf32>,
    %get3A_927 = vector.shape_cast %get3A_926 : vector<1x16xf32> to vector<16xf32>
    %mul3A_928 = arith.constant 0.0384615399 : f32
    %mul3A_929 = vector.broadcast %mul3A_928 : f32 to vector<16xf32>
    %mul3A_930 = arith.mulf %get3A_927, %mul3A_929 : vector<16xf32>
    %get3A_931 = arith.constant 11 : i32
    %get3A_932 = arith.index_cast %get3A_931 : i32 to index
    %get3A_933 = arith.constant 64 : index
    %get3A_934 = tpu.vector_load %arg5[%get3A_932, %get3A_933] {strides = array<i32>} : memref<26x128xf32, #tpu.memory_space<vmem>>, vector<1x16xf32>,
    %get3A_935 = vector.shape_cast %get3A_934 : vector<1x16xf32> to vector<16xf32>
    %mul3A_936 = arith.constant 0.0384615399 : f32
    %mul3A_937 = vector.broadcast %mul3A_936 : f32 to vector<16xf32>
    %mul3A_938 = arith.mulf %get3A_935, %mul3A_937 : vector<16xf32>
    %get3A_939 = arith.constant 12 : i32
    %get3A_940 = arith.index_cast %get3A_939 : i32 to index
    %get3A_941 = arith.constant 64 : index
    %get3A_942 = tpu.vector_load %arg5[%get3A_940, %get3A_941] {strides = array<i32>} : memref<26x128xf32, #tpu.memory_space<vmem>>, vector<1x16xf32>,
    %get3A_943 = vector.shape_cast %get3A_942 : vector<1x16xf32> to vector<16xf32>
    %mul3A_944 = arith.constant 0.0384615399 : f32
    %mul3A_945 = vector.broadcast %mul3A_944 : f32 to vector<16xf32>
    %mul3A_946 = arith.mulf %get3A_943, %mul3A_945 : vector<16xf32>
    %get3A_947 = arith.constant 13 : i32
    %get3A_948 = arith.index_cast %get3A_947 : i32 to index
    %get3A_949 = arith.constant 64 : index
    %get3A_950 = tpu.vector_load %arg5[%get3A_948, %get3A_949] {strides = array<i32>} : memref<26x128xf32, #tpu.memory_space<vmem>>, vector<1x16xf32>,
    %get3A_951 = vector.shape_cast %get3A_950 : vector<1x16xf32> to vector<16xf32>
    %mul3A_952 = arith.constant 0.0384615399 : f32
    %mul3A_953 = vector.broadcast %mul3A_952 : f32 to vector<16xf32>
    %mul3A_954 = arith.mulf %get3A_951, %mul3A_953 : vector<16xf32>
    %get3A_955 = arith.constant 14 : i32
    %get3A_956 = arith.index_cast %get3A_955 : i32 to index
    %get3A_957 = arith.constant 64 : index
    %get3A_958 = tpu.vector_load %arg5[%get3A_956, %get3A_957] {strides = array<i32>} : memref<26x128xf32, #tpu.memory_space<vmem>>, vector<1x16xf32>,
    %get3A_959 = vector.shape_cast %get3A_958 : vector<1x16xf32> to vector<16xf32>
    %mul3A_960 = arith.constant 0.0384615399 : f32
    %mul3A_961 = vector.broadcast %mul3A_960 : f32 to vector<16xf32>
    %mul3A_962 = arith.mulf %get3A_959, %mul3A_961 : vector<16xf32>
    %get3A_963 = arith.constant 15 : i32
    %get3A_964 = arith.index_cast %get3A_963 : i32 to index
    %get3A_965 = arith.constant 64 : index
    %get3A_966 = tpu.vector_load %arg5[%get3A_964, %get3A_965] {strides = array<i32>} : memref<26x128xf32, #tpu.memory_space<vmem>>, vector<1x16xf32>,
    %get3A_967 = vector.shape_cast %get3A_966 : vector<1x16xf32> to vector<16xf32>
    %mul3A_968 = arith.constant 0.0384615399 : f32
    %mul3A_969 = vector.broadcast %mul3A_968 : f32 to vector<16xf32>
    %mul3A_970 = arith.mulf %get3A_967, %mul3A_969 : vector<16xf32>
    %get3A_971 = arith.constant 16 : i32
    %get3A_972 = arith.index_cast %get3A_971 : i32 to index
    %get3A_973 = arith.constant 64 : index
    %get3A_974 = tpu.vector_load %arg5[%get3A_972, %get3A_973] {strides = array<i32>} : memref<26x128xf32, #tpu.memory_space<vmem>>, vector<1x16xf32>,
    %get3A_975 = vector.shape_cast %get3A_974 : vector<1x16xf32> to vector<16xf32>
    %mul3A_976 = arith.constant 0.0384615399 : f32
    %mul3A_977 = vector.broadcast %mul3A_976 : f32 to vector<16xf32>
    %mul3A_978 = arith.mulf %get3A_975, %mul3A_977 : vector<16xf32>
    %get3A_979 = arith.constant 17 : i32
    %get3A_980 = arith.index_cast %get3A_979 : i32 to index
    %get3A_981 = arith.constant 64 : index
    %get3A_982 = tpu.vector_load %arg5[%get3A_980, %get3A_981] {strides = array<i32>} : memref<26x128xf32, #tpu.memory_space<vmem>>, vector<1x16xf32>,
    %get3A_983 = vector.shape_cast %get3A_982 : vector<1x16xf32> to vector<16xf32>
    %mul3A_984 = arith.constant 0.0384615399 : f32
    %mul3A_985 = vector.broadcast %mul3A_984 : f32 to vector<16xf32>
    %mul3A_986 = arith.mulf %get3A_983, %mul3A_985 : vector<16xf32>
    %get3A_987 = arith.constant 18 : i32
    %get3A_988 = arith.index_cast %get3A_987 : i32 to index
    %get3A_989 = arith.constant 64 : index
    %get3A_990 = tpu.vector_load %arg5[%get3A_988, %get3A_989] {strides = array<i32>} : memref<26x128xf32, #tpu.memory_space<vmem>>, vector<1x16xf32>,
    %get3A_991 = vector.shape_cast %get3A_990 : vector<1x16xf32> to vector<16xf32>
    %mul3A_992 = arith.constant 0.0384615399 : f32
    %mul3A_993 = vector.broadcast %mul3A_992 : f32 to vector<16xf32>
    %mul3A_994 = arith.mulf %get3A_991, %mul3A_993 : vector<16xf32>
    %get3A_995 = arith.constant 19 : i32
    %get3A_996 = arith.index_cast %get3A_995 : i32 to index
    %get3A_997 = arith.constant 64 : index
    %get3A_998 = tpu.vector_load %arg5[%get3A_996, %get3A_997] {strides = array<i32>} : memref<26x128xf32, #tpu.memory_space<vmem>>, vector<1x16xf32>,
    %get3A_999 = vector.shape_cast %get3A_998 : vector<1x16xf32> to vector<16xf32>
    %mul3A_1000 = arith.constant 0.0384615399 : f32
    %mul3A_1001 = vector.broadcast %mul3A_1000 : f32 to vector<16xf32>
    %mul3A_1002 = arith.mulf %get3A_999, %mul3A_1001 : vector<16xf32>
    %get3A_1003 = arith.constant 20 : i32
    %get3A_1004 = arith.index_cast %get3A_1003 : i32 to index
    %get3A_1005 = arith.constant 64 : index
    %get3A_1006 = tpu.vector_load %arg5[%get3A_1004, %get3A_1005] {strides = array<i32>} : memref<26x128xf32, #tpu.memory_space<vmem>>, vector<1x16xf32>,
    %get3A_1007 = vector.shape_cast %get3A_1006 : vector<1x16xf32> to vector<16xf32>
    %mul3A_1008 = arith.constant 0.0384615399 : f32
    %mul3A_1009 = vector.broadcast %mul3A_1008 : f32 to vector<16xf32>
    %mul3A_1010 = arith.mulf %get3A_1007, %mul3A_1009 : vector<16xf32>
    %get3A_1011 = arith.constant 21 : i32
    %get3A_1012 = arith.index_cast %get3A_1011 : i32 to index
    %get3A_1013 = arith.constant 64 : index
    %get3A_1014 = tpu.vector_load %arg5[%get3A_1012, %get3A_1013] {strides = array<i32>} : memref<26x128xf32, #tpu.memory_space<vmem>>, vector<1x16xf32>,
    %get3A_1015 = vector.shape_cast %get3A_1014 : vector<1x16xf32> to vector<16xf32>
    %mul3A_1016 = arith.constant 0.0384615399 : f32
    %mul3A_1017 = vector.broadcast %mul3A_1016 : f32 to vector<16xf32>
    %mul3A_1018 = arith.mulf %get3A_1015, %mul3A_1017 : vector<16xf32>
    %get3A_1019 = arith.constant 22 : i32
    %get3A_1020 = arith.index_cast %get3A_1019 : i32 to index
    %get3A_1021 = arith.constant 64 : index
    %get3A_1022 = tpu.vector_load %arg5[%get3A_1020, %get3A_1021] {strides = array<i32>} : memref<26x128xf32, #tpu.memory_space<vmem>>, vector<1x16xf32>,
    %get3A_1023 = vector.shape_cast %get3A_1022 : vector<1x16xf32> to vector<16xf32>
    %mul3A_1024 = arith.constant 0.0384615399 : f32
    %mul3A_1025 = vector.broadcast %mul3A_1024 : f32 to vector<16xf32>
    %mul3A_1026 = arith.mulf %get3A_1023, %mul3A_1025 : vector<16xf32>
    %get3A_1027 = arith.constant 23 : i32
    %get3A_1028 = arith.index_cast %get3A_1027 : i32 to index
    %get3A_1029 = arith.constant 64 : index
    %get3A_1030 = tpu.vector_load %arg5[%get3A_1028, %get3A_1029] {strides = array<i32>} : memref<26x128xf32, #tpu.memory_space<vmem>>, vector<1x16xf32>,
    %get3A_1031 = vector.shape_cast %get3A_1030 : vector<1x16xf32> to vector<16xf32>
    %mul3A_1032 = arith.constant 0.0384615399 : f32
    %mul3A_1033 = vector.broadcast %mul3A_1032 : f32 to vector<16xf32>
    %mul3A_1034 = arith.mulf %get3A_1031, %mul3A_1033 : vector<16xf32>
    %get3A_1035 = arith.constant 24 : i32
    %get3A_1036 = arith.index_cast %get3A_1035 : i32 to index
    %get3A_1037 = arith.constant 64 : index
    %get3A_1038 = tpu.vector_load %arg5[%get3A_1036, %get3A_1037] {strides = array<i32>} : memref<26x128xf32, #tpu.memory_space<vmem>>, vector<1x16xf32>,
    %get3A_1039 = vector.shape_cast %get3A_1038 : vector<1x16xf32> to vector<16xf32>
    %mul3A_1040 = arith.constant 0.0384615399 : f32
    %mul3A_1041 = vector.broadcast %mul3A_1040 : f32 to vector<16xf32>
    %mul3A_1042 = arith.mulf %get3A_1039, %mul3A_1041 : vector<16xf32>
    %get3A_1043 = arith.constant 25 : i32
    %get3A_1044 = arith.index_cast %get3A_1043 : i32 to index
    %get3A_1045 = arith.constant 64 : index
    %get3A_1046 = tpu.vector_load %arg5[%get3A_1044, %get3A_1045] {strides = array<i32>} : memref<26x128xf32, #tpu.memory_space<vmem>>, vector<1x16xf32>,
    %get3A_1047 = vector.shape_cast %get3A_1046 : vector<1x16xf32> to vector<16xf32>
    %mul3A_1048 = arith.constant 0.0384615399 : f32
    %mul3A_1049 = vector.broadcast %mul3A_1048 : f32 to vector<16xf32>
    %mul3A_1050 = arith.mulf %get3A_1047, %mul3A_1049 : vector<16xf32>
    %get3A_1051 = arith.constant 0 : i32
    %get3A_1052 = arith.index_cast %get3A_1051 : i32 to index
    %get3A_1053 = arith.constant 80 : index
    %get3A_1054 = tpu.vector_load %arg5[%get3A_1052, %get3A_1053] {strides = array<i32>} : memref<26x128xf32, #tpu.memory_space<vmem>>, vector<1x16xf32>,
    %get3A_1055 = vector.shape_cast %get3A_1054 : vector<1x16xf32> to vector<16xf32>
    %mul3A_1056 = arith.constant 0.0384615399 : f32
    %mul3A_1057 = vector.broadcast %mul3A_1056 : f32 to vector<16xf32>
    %mul3A_1058 = arith.mulf %get3A_1055, %mul3A_1057 : vector<16xf32>
    %get3A_1059 = arith.constant 1 : i32
    %get3A_1060 = arith.index_cast %get3A_1059 : i32 to index
    %get3A_1061 = arith.constant 80 : index
    %get3A_1062 = tpu.vector_load %arg5[%get3A_1060, %get3A_1061] {strides = array<i32>} : memref<26x128xf32, #tpu.memory_space<vmem>>, vector<1x16xf32>,
    %get3A_1063 = vector.shape_cast %get3A_1062 : vector<1x16xf32> to vector<16xf32>
    %mul3A_1064 = arith.constant 0.0384615399 : f32
    %mul3A_1065 = vector.broadcast %mul3A_1064 : f32 to vector<16xf32>
    %mul3A_1066 = arith.mulf %get3A_1063, %mul3A_1065 : vector<16xf32>
    %get3A_1067 = arith.constant 2 : i32
    %get3A_1068 = arith.index_cast %get3A_1067 : i32 to index
    %get3A_1069 = arith.constant 80 : index
    %get3A_1070 = tpu.vector_load %arg5[%get3A_1068, %get3A_1069] {strides = array<i32>} : memref<26x128xf32, #tpu.memory_space<vmem>>, vector<1x16xf32>,
    %get3A_1071 = vector.shape_cast %get3A_1070 : vector<1x16xf32> to vector<16xf32>
    %mul3A_1072 = arith.constant 0.0384615399 : f32
    %mul3A_1073 = vector.broadcast %mul3A_1072 : f32 to vector<16xf32>
    %mul3A_1074 = arith.mulf %get3A_1071, %mul3A_1073 : vector<16xf32>
    %get3A_1075 = arith.constant 3 : i32
    %get3A_1076 = arith.index_cast %get3A_1075 : i32 to index
    %get3A_1077 = arith.constant 80 : index
    %get3A_1078 = tpu.vector_load %arg5[%get3A_1076, %get3A_1077] {strides = array<i32>} : memref<26x128xf32, #tpu.memory_space<vmem>>, vector<1x16xf32>,
    %get3A_1079 = vector.shape_cast %get3A_1078 : vector<1x16xf32> to vector<16xf32>
    %mul3A_1080 = arith.constant 0.0384615399 : f32
    %mul3A_1081 = vector.broadcast %mul3A_1080 : f32 to vector<16xf32>
    %mul3A_1082 = arith.mulf %get3A_1079, %mul3A_1081 : vector<16xf32>
    %get3A_1083 = arith.constant 4 : i32
    %get3A_1084 = arith.index_cast %get3A_1083 : i32 to index
    %get3A_1085 = arith.constant 80 : index
    %get3A_1086 = tpu.vector_load %arg5[%get3A_1084, %get3A_1085] {strides = array<i32>} : memref<26x128xf32, #tpu.memory_space<vmem>>, vector<1x16xf32>,
    %get3A_1087 = vector.shape_cast %get3A_1086 : vector<1x16xf32> to vector<16xf32>
    %mul3A_1088 = arith.constant 0.0384615399 : f32
    %mul3A_1089 = vector.broadcast %mul3A_1088 : f32 to vector<16xf32>
    %mul3A_1090 = arith.mulf %get3A_1087, %mul3A_1089 : vector<16xf32>
    %get3A_1091 = arith.constant 5 : i32
    %get3A_1092 = arith.index_cast %get3A_1091 : i32 to index
    %get3A_1093 = arith.constant 80 : index
    %get3A_1094 = tpu.vector_load %arg5[%get3A_1092, %get3A_1093] {strides = array<i32>} : memref<26x128xf32, #tpu.memory_space<vmem>>, vector<1x16xf32>,
    %get3A_1095 = vector.shape_cast %get3A_1094 : vector<1x16xf32> to vector<16xf32>
    %mul3A_1096 = arith.constant 0.0384615399 : f32
    %mul3A_1097 = vector.broadcast %mul3A_1096 : f32 to vector<16xf32>
    %mul3A_1098 = arith.mulf %get3A_1095, %mul3A_1097 : vector<16xf32>
    %get3A_1099 = arith.constant 6 : i32
    %get3A_1100 = arith.index_cast %get3A_1099 : i32 to index
    %get3A_1101 = arith.constant 80 : index
    %get3A_1102 = tpu.vector_load %arg5[%get3A_1100, %get3A_1101] {strides = array<i32>} : memref<26x128xf32, #tpu.memory_space<vmem>>, vector<1x16xf32>,
    %get3A_1103 = vector.shape_cast %get3A_1102 : vector<1x16xf32> to vector<16xf32>
    %mul3A_1104 = arith.constant 0.0384615399 : f32
    %mul3A_1105 = vector.broadcast %mul3A_1104 : f32 to vector<16xf32>
    %mul3A_1106 = arith.mulf %get3A_1103, %mul3A_1105 : vector<16xf32>
    %get3A_1107 = arith.constant 7 : i32
    %get3A_1108 = arith.index_cast %get3A_1107 : i32 to index
    %get3A_1109 = arith.constant 80 : index
    %get3A_1110 = tpu.vector_load %arg5[%get3A_1108, %get3A_1109] {strides = array<i32>} : memref<26x128xf32, #tpu.memory_space<vmem>>, vector<1x16xf32>,
    %get3A_1111 = vector.shape_cast %get3A_1110 : vector<1x16xf32> to vector<16xf32>
    %mul3A_1112 = arith.constant 0.0384615399 : f32
    %mul3A_1113 = vector.broadcast %mul3A_1112 : f32 to vector<16xf32>
    %mul3A_1114 = arith.mulf %get3A_1111, %mul3A_1113 : vector<16xf32>
    %get3A_1115 = arith.constant 8 : i32
    %get3A_1116 = arith.index_cast %get3A_1115 : i32 to index
    %get3A_1117 = arith.constant 80 : index
    %get3A_1118 = tpu.vector_load %arg5[%get3A_1116, %get3A_1117] {strides = array<i32>} : memref<26x128xf32, #tpu.memory_space<vmem>>, vector<1x16xf32>,
    %get3A_1119 = vector.shape_cast %get3A_1118 : vector<1x16xf32> to vector<16xf32>
    %mul3A_1120 = arith.constant 0.0384615399 : f32
    %mul3A_1121 = vector.broadcast %mul3A_1120 : f32 to vector<16xf32>
    %mul3A_1122 = arith.mulf %get3A_1119, %mul3A_1121 : vector<16xf32>
    %get3A_1123 = arith.constant 9 : i32
    %get3A_1124 = arith.index_cast %get3A_1123 : i32 to index
    %get3A_1125 = arith.constant 80 : index
    %get3A_1126 = tpu.vector_load %arg5[%get3A_1124, %get3A_1125] {strides = array<i32>} : memref<26x128xf32, #tpu.memory_space<vmem>>, vector<1x16xf32>,
    %get3A_1127 = vector.shape_cast %get3A_1126 : vector<1x16xf32> to vector<16xf32>
    %mul3A_1128 = arith.constant 0.0384615399 : f32
    %mul3A_1129 = vector.broadcast %mul3A_1128 : f32 to vector<16xf32>
    %mul3A_1130 = arith.mulf %get3A_1127, %mul3A_1129 : vector<16xf32>
    %get3A_1131 = arith.constant 10 : i32
    %get3A_1132 = arith.index_cast %get3A_1131 : i32 to index
    %get3A_1133 = arith.constant 80 : index
    %get3A_1134 = tpu.vector_load %arg5[%get3A_1132, %get3A_1133] {strides = array<i32>} : memref<26x128xf32, #tpu.memory_space<vmem>>, vector<1x16xf32>,
    %get3A_1135 = vector.shape_cast %get3A_1134 : vector<1x16xf32> to vector<16xf32>
    %mul3A_1136 = arith.constant 0.0384615399 : f32
    %mul3A_1137 = vector.broadcast %mul3A_1136 : f32 to vector<16xf32>
    %mul3A_1138 = arith.mulf %get3A_1135, %mul3A_1137 : vector<16xf32>
    %get3A_1139 = arith.constant 11 : i32
    %get3A_1140 = arith.index_cast %get3A_1139 : i32 to index
    %get3A_1141 = arith.constant 80 : index
    %get3A_1142 = tpu.vector_load %arg5[%get3A_1140, %get3A_1141] {strides = array<i32>} : memref<26x128xf32, #tpu.memory_space<vmem>>, vector<1x16xf32>,
    %get3A_1143 = vector.shape_cast %get3A_1142 : vector<1x16xf32> to vector<16xf32>
    %mul3A_1144 = arith.constant 0.0384615399 : f32
    %mul3A_1145 = vector.broadcast %mul3A_1144 : f32 to vector<16xf32>
    %mul3A_1146 = arith.mulf %get3A_1143, %mul3A_1145 : vector<16xf32>
    %get3A_1147 = arith.constant 12 : i32
    %get3A_1148 = arith.index_cast %get3A_1147 : i32 to index
    %get3A_1149 = arith.constant 80 : index
    %get3A_1150 = tpu.vector_load %arg5[%get3A_1148, %get3A_1149] {strides = array<i32>} : memref<26x128xf32, #tpu.memory_space<vmem>>, vector<1x16xf32>,
    %get3A_1151 = vector.shape_cast %get3A_1150 : vector<1x16xf32> to vector<16xf32>
    %mul3A_1152 = arith.constant 0.0384615399 : f32
    %mul3A_1153 = vector.broadcast %mul3A_1152 : f32 to vector<16xf32>
    %mul3A_1154 = arith.mulf %get3A_1151, %mul3A_1153 : vector<16xf32>
    %get3A_1155 = arith.constant 13 : i32
    %get3A_1156 = arith.index_cast %get3A_1155 : i32 to index
    %get3A_1157 = arith.constant 80 : index
    %get3A_1158 = tpu.vector_load %arg5[%get3A_1156, %get3A_1157] {strides = array<i32>} : memref<26x128xf32, #tpu.memory_space<vmem>>, vector<1x16xf32>,
    %get3A_1159 = vector.shape_cast %get3A_1158 : vector<1x16xf32> to vector<16xf32>
    %mul3A_1160 = arith.constant 0.0384615399 : f32
    %mul3A_1161 = vector.broadcast %mul3A_1160 : f32 to vector<16xf32>
    %mul3A_1162 = arith.mulf %get3A_1159, %mul3A_1161 : vector<16xf32>
    %get3A_1163 = arith.constant 14 : i32
    %get3A_1164 = arith.index_cast %get3A_1163 : i32 to index
    %get3A_1165 = arith.constant 80 : index
    %get3A_1166 = tpu.vector_load %arg5[%get3A_1164, %get3A_1165] {strides = array<i32>} : memref<26x128xf32, #tpu.memory_space<vmem>>, vector<1x16xf32>,
    %get3A_1167 = vector.shape_cast %get3A_1166 : vector<1x16xf32> to vector<16xf32>
    %mul3A_1168 = arith.constant 0.0384615399 : f32
    %mul3A_1169 = vector.broadcast %mul3A_1168 : f32 to vector<16xf32>
    %mul3A_1170 = arith.mulf %get3A_1167, %mul3A_1169 : vector<16xf32>
    %get3A_1171 = arith.constant 15 : i32
    %get3A_1172 = arith.index_cast %get3A_1171 : i32 to index
    %get3A_1173 = arith.constant 80 : index
    %get3A_1174 = tpu.vector_load %arg5[%get3A_1172, %get3A_1173] {strides = array<i32>} : memref<26x128xf32, #tpu.memory_space<vmem>>, vector<1x16xf32>,
    %get3A_1175 = vector.shape_cast %get3A_1174 : vector<1x16xf32> to vector<16xf32>
    %mul3A_1176 = arith.constant 0.0384615399 : f32
    %mul3A_1177 = vector.broadcast %mul3A_1176 : f32 to vector<16xf32>
    %mul3A_1178 = arith.mulf %get3A_1175, %mul3A_1177 : vector<16xf32>
    %get3A_1179 = arith.constant 16 : i32
    %get3A_1180 = arith.index_cast %get3A_1179 : i32 to index
    %get3A_1181 = arith.constant 80 : index
    %get3A_1182 = tpu.vector_load %arg5[%get3A_1180, %get3A_1181] {strides = array<i32>} : memref<26x128xf32, #tpu.memory_space<vmem>>, vector<1x16xf32>,
    %get3A_1183 = vector.shape_cast %get3A_1182 : vector<1x16xf32> to vector<16xf32>
    %mul3A_1184 = arith.constant 0.0384615399 : f32
    %mul3A_1185 = vector.broadcast %mul3A_1184 : f32 to vector<16xf32>
    %mul3A_1186 = arith.mulf %get3A_1183, %mul3A_1185 : vector<16xf32>
    %get3A_1187 = arith.constant 17 : i32
    %get3A_1188 = arith.index_cast %get3A_1187 : i32 to index
    %get3A_1189 = arith.constant 80 : index
    %get3A_1190 = tpu.vector_load %arg5[%get3A_1188, %get3A_1189] {strides = array<i32>} : memref<26x128xf32, #tpu.memory_space<vmem>>, vector<1x16xf32>,
    %get3A_1191 = vector.shape_cast %get3A_1190 : vector<1x16xf32> to vector<16xf32>
    %mul3A_1192 = arith.constant 0.0384615399 : f32
    %mul3A_1193 = vector.broadcast %mul3A_1192 : f32 to vector<16xf32>
    %mul3A_1194 = arith.mulf %get3A_1191, %mul3A_1193 : vector<16xf32>
    %get3A_1195 = arith.constant 18 : i32
    %get3A_1196 = arith.index_cast %get3A_1195 : i32 to index
    %get3A_1197 = arith.constant 80 : index
    %get3A_1198 = tpu.vector_load %arg5[%get3A_1196, %get3A_1197] {strides = array<i32>} : memref<26x128xf32, #tpu.memory_space<vmem>>, vector<1x16xf32>,
    %get3A_1199 = vector.shape_cast %get3A_1198 : vector<1x16xf32> to vector<16xf32>
    %mul3A_1200 = arith.constant 0.0384615399 : f32
    %mul3A_1201 = vector.broadcast %mul3A_1200 : f32 to vector<16xf32>
    %mul3A_1202 = arith.mulf %get3A_1199, %mul3A_1201 : vector<16xf32>
    %get3A_1203 = arith.constant 19 : i32
    %get3A_1204 = arith.index_cast %get3A_1203 : i32 to index
    %get3A_1205 = arith.constant 80 : index
    %get3A_1206 = tpu.vector_load %arg5[%get3A_1204, %get3A_1205] {strides = array<i32>} : memref<26x128xf32, #tpu.memory_space<vmem>>, vector<1x16xf32>,
    %get3A_1207 = vector.shape_cast %get3A_1206 : vector<1x16xf32> to vector<16xf32>
    %mul3A_1208 = arith.constant 0.0384615399 : f32
    %mul3A_1209 = vector.broadcast %mul3A_1208 : f32 to vector<16xf32>
    %mul3A_1210 = arith.mulf %get3A_1207, %mul3A_1209 : vector<16xf32>
    %get3A_1211 = arith.constant 20 : i32
    %get3A_1212 = arith.index_cast %get3A_1211 : i32 to index
    %get3A_1213 = arith.constant 80 : index
    %get3A_1214 = tpu.vector_load %arg5[%get3A_1212, %get3A_1213] {strides = array<i32>} : memref<26x128xf32, #tpu.memory_space<vmem>>, vector<1x16xf32>,
    %get3A_1215 = vector.shape_cast %get3A_1214 : vector<1x16xf32> to vector<16xf32>
    %mul3A_1216 = arith.constant 0.0384615399 : f32
    %mul3A_1217 = vector.broadcast %mul3A_1216 : f32 to vector<16xf32>
    %mul3A_1218 = arith.mulf %get3A_1215, %mul3A_1217 : vector<16xf32>
    %get3A_1219 = arith.constant 21 : i32
    %get3A_1220 = arith.index_cast %get3A_1219 : i32 to index
    %get3A_1221 = arith.constant 80 : index
    %get3A_1222 = tpu.vector_load %arg5[%get3A_1220, %get3A_1221] {strides = array<i32>} : memref<26x128xf32, #tpu.memory_space<vmem>>, vector<1x16xf32>,
    %get3A_1223 = vector.shape_cast %get3A_1222 : vector<1x16xf32> to vector<16xf32>
    %mul3A_1224 = arith.constant 0.0384615399 : f32
    %mul3A_1225 = vector.broadcast %mul3A_1224 : f32 to vector<16xf32>
    %mul3A_1226 = arith.mulf %get3A_1223, %mul3A_1225 : vector<16xf32>
    %get3A_1227 = arith.constant 22 : i32
    %get3A_1228 = arith.index_cast %get3A_1227 : i32 to index
    %get3A_1229 = arith.constant 80 : index
    %get3A_1230 = tpu.vector_load %arg5[%get3A_1228, %get3A_1229] {strides = array<i32>} : memref<26x128xf32, #tpu.memory_space<vmem>>, vector<1x16xf32>,
    %get3A_1231 = vector.shape_cast %get3A_1230 : vector<1x16xf32> to vector<16xf32>
    %mul3A_1232 = arith.constant 0.0384615399 : f32
    %mul3A_1233 = vector.broadcast %mul3A_1232 : f32 to vector<16xf32>
    %mul3A_1234 = arith.mulf %get3A_1231, %mul3A_1233 : vector<16xf32>
    %get3A_1235 = arith.constant 23 : i32
    %get3A_1236 = arith.index_cast %get3A_1235 : i32 to index
    %get3A_1237 = arith.constant 80 : index
    %get3A_1238 = tpu.vector_load %arg5[%get3A_1236, %get3A_1237] {strides = array<i32>} : memref<26x128xf32, #tpu.memory_space<vmem>>, vector<1x16xf32>,
    %get3A_1239 = vector.shape_cast %get3A_1238 : vector<1x16xf32> to vector<16xf32>
    %mul3A_1240 = arith.constant 0.0384615399 : f32
    %mul3A_1241 = vector.broadcast %mul3A_1240 : f32 to vector<16xf32>
    %mul3A_1242 = arith.mulf %get3A_1239, %mul3A_1241 : vector<16xf32>
    %get3A_1243 = arith.constant 24 : i32
    %get3A_1244 = arith.index_cast %get3A_1243 : i32 to index
    %get3A_1245 = arith.constant 80 : index
    %get3A_1246 = tpu.vector_load %arg5[%get3A_1244, %get3A_1245] {strides = array<i32>} : memref<26x128xf32, #tpu.memory_space<vmem>>, vector<1x16xf32>,
    %get3A_1247 = vector.shape_cast %get3A_1246 : vector<1x16xf32> to vector<16xf32>
    %mul3A_1248 = arith.constant 0.0384615399 : f32
    %mul3A_1249 = vector.broadcast %mul3A_1248 : f32 to vector<16xf32>
    %mul3A_1250 = arith.mulf %get3A_1247, %mul3A_1249 : vector<16xf32>
    %get3A_1251 = arith.constant 25 : i32
    %get3A_1252 = arith.index_cast %get3A_1251 : i32 to index
    %get3A_1253 = arith.constant 80 : index
    %get3A_1254 = tpu.vector_load %arg5[%get3A_1252, %get3A_1253] {strides = array<i32>} : memref<26x128xf32, #tpu.memory_space<vmem>>, vector<1x16xf32>,
    %get3A_1255 = vector.shape_cast %get3A_1254 : vector<1x16xf32> to vector<16xf32>
    %mul3A_1256 = arith.constant 0.0384615399 : f32
    %mul3A_1257 = vector.broadcast %mul3A_1256 : f32 to vector<16xf32>
    %mul3A_1258 = arith.mulf %get3A_1255, %mul3A_1257 : vector<16xf32>
    %scan3A_1259 = arith.constant 0 : i32
    %scan3A_1260 = arith.constant 32 : i32
    %scan3A_1261 = arith.addi %scan3A_1259, %scan3A_1260 : i32
    %scan3A_1262 = arith.constant 1 : i32
    scf.for %scan3A_1685 = %scan3A_1259 to %scan3A_1261 step %scan3A_1262  : i32 {
      %parallel_loop3A = arith.constant 0 : i32
      %parallel_loop3A_1686 = arith.constant 20 : i32
      %parallel_loop3A_1687 = arith.constant 1 : i32
      scf.for %parallel_loop3A_1688 = %parallel_loop3A to %parallel_loop3A_1686 step %parallel_loop3A_1687  : i32 {
        %parallel_loop3A_1689 = arith.index_cast %scan3A_1685 : i32 to index
        %parallel_loop3A_1690 = arith.index_cast %parallel_loop3A_1688 : i32 to index
        %parallel_loop3A_1691 = arith.constant 0 : index
        %parallel_loop3A_1692 = tpu.vector_load %arg6[%parallel_loop3A_1689, %parallel_loop3A_1690, %parallel_loop3A_1691] {strides = array<i32>} : memref<32x24x32xf32, #tpu.memory_space<vmem>>, vector<1x1x16xf32>,
        %parallel_loop3A_1693 = vector.shape_cast %parallel_loop3A_1692 : vector<1x1x16xf32> to vector<16xf32>
        %parallel_loop3A_1694 = arith.index_cast %scan3A_1685 : i32 to index
        %parallel_loop3A_1695 = arith.index_cast %parallel_loop3A_1688 : i32 to index
        %parallel_loop3A_1696 = arith.constant 10 : index
        %parallel_loop3A_1697 = tpu.vector_load %arg6[%parallel_loop3A_1694, %parallel_loop3A_1695, %parallel_loop3A_1696] {strides = array<i32>} : memref<32x24x32xf32, #tpu.memory_space<vmem>>, vector<1x1x16xf32>,
        %parallel_loop3A_1698 = vector.shape_cast %parallel_loop3A_1697 : vector<1x1x16xf32> to vector<16xf32>
        %parallel_loop3A_1699 = vector.extract_strided_slice %parallel_loop3A_1693 {offsets = [0], sizes = [1], strides = [1]} : vector<16xf32> to vector<1xf32>
        %parallel_loop3A_1700 = vector.extract %parallel_loop3A_1699[0] : f32 from vector<1xf32>
        %parallel_loop3A_1701 = vector.extract_strided_slice %parallel_loop3A_1693 {offsets = [1], sizes = [1], strides = [1]} : vector<16xf32> to vector<1xf32>
        %parallel_loop3A_1702 = vector.extract %parallel_loop3A_1701[0] : f32 from vector<1xf32>
        %parallel_loop3A_1703 = vector.extract_strided_slice %parallel_loop3A_1693 {offsets = [2], sizes = [1], strides = [1]} : vector<16xf32> to vector<1xf32>
        %parallel_loop3A_1704 = vector.extract %parallel_loop3A_1703[0] : f32 from vector<1xf32>
        %parallel_loop3A_1705 = vector.extract_strided_slice %parallel_loop3A_1693 {offsets = [3], sizes = [1], strides = [1]} : vector<16xf32> to vector<1xf32>
        %parallel_loop3A_1706 = vector.extract %parallel_loop3A_1705[0] : f32 from vector<1xf32>
        %parallel_loop3A_1707 = vector.extract_strided_slice %parallel_loop3A_1693 {offsets = [4], sizes = [1], strides = [1]} : vector<16xf32> to vector<1xf32>
        %parallel_loop3A_1708 = vector.extract %parallel_loop3A_1707[0] : f32 from vector<1xf32>
        %parallel_loop3A_1709 = vector.extract_strided_slice %parallel_loop3A_1693 {offsets = [5], sizes = [1], strides = [1]} : vector<16xf32> to vector<1xf32>
        %parallel_loop3A_1710 = vector.extract %parallel_loop3A_1709[0] : f32 from vector<1xf32>
        %parallel_loop3A_1711 = vector.extract_strided_slice %parallel_loop3A_1693 {offsets = [6], sizes = [1], strides = [1]} : vector<16xf32> to vector<1xf32>
        %parallel_loop3A_1712 = vector.extract %parallel_loop3A_1711[0] : f32 from vector<1xf32>
        %parallel_loop3A_1713 = vector.extract_strided_slice %parallel_loop3A_1693 {offsets = [7], sizes = [1], strides = [1]} : vector<16xf32> to vector<1xf32>
        %parallel_loop3A_1714 = vector.extract %parallel_loop3A_1713[0] : f32 from vector<1xf32>
        %parallel_loop3A_1715 = vector.extract_strided_slice %parallel_loop3A_1693 {offsets = [8], sizes = [1], strides = [1]} : vector<16xf32> to vector<1xf32>
        %parallel_loop3A_1716 = vector.extract %parallel_loop3A_1715[0] : f32 from vector<1xf32>
        %parallel_loop3A_1717 = vector.extract_strided_slice %parallel_loop3A_1693 {offsets = [9], sizes = [1], strides = [1]} : vector<16xf32> to vector<1xf32>
        %parallel_loop3A_1718 = vector.extract %parallel_loop3A_1717[0] : f32 from vector<1xf32>
        %parallel_loop3A_1719 = vector.extract_strided_slice %parallel_loop3A_1693 {offsets = [10], sizes = [1], strides = [1]} : vector<16xf32> to vector<1xf32>
        %parallel_loop3A_1720 = vector.extract %parallel_loop3A_1719[0] : f32 from vector<1xf32>
        %parallel_loop3A_1721 = vector.extract_strided_slice %parallel_loop3A_1693 {offsets = [11], sizes = [1], strides = [1]} : vector<16xf32> to vector<1xf32>
        %parallel_loop3A_1722 = vector.extract %parallel_loop3A_1721[0] : f32 from vector<1xf32>
        %parallel_loop3A_1723 = vector.extract_strided_slice %parallel_loop3A_1693 {offsets = [12], sizes = [1], strides = [1]} : vector<16xf32> to vector<1xf32>
        %parallel_loop3A_1724 = vector.extract %parallel_loop3A_1723[0] : f32 from vector<1xf32>
        %parallel_loop3A_1725 = vector.extract_strided_slice %parallel_loop3A_1693 {offsets = [13], sizes = [1], strides = [1]} : vector<16xf32> to vector<1xf32>
        %parallel_loop3A_1726 = vector.extract %parallel_loop3A_1725[0] : f32 from vector<1xf32>
        %parallel_loop3A_1727 = vector.extract_strided_slice %parallel_loop3A_1693 {offsets = [14], sizes = [1], strides = [1]} : vector<16xf32> to vector<1xf32>
        %parallel_loop3A_1728 = vector.extract %parallel_loop3A_1727[0] : f32 from vector<1xf32>
        %parallel_loop3A_1729 = vector.extract_strided_slice %parallel_loop3A_1693 {offsets = [15], sizes = [1], strides = [1]} : vector<16xf32> to vector<1xf32>
        %parallel_loop3A_1730 = vector.extract %parallel_loop3A_1729[0] : f32 from vector<1xf32>
        %parallel_loop3A_1731 = vector.extract_strided_slice %parallel_loop3A_1698 {offsets = [6], sizes = [1], strides = [1]} : vector<16xf32> to vector<1xf32>
        %parallel_loop3A_1732 = vector.extract %parallel_loop3A_1731[0] : f32 from vector<1xf32>
        %parallel_loop3A_1733 = vector.extract_strided_slice %parallel_loop3A_1698 {offsets = [7], sizes = [1], strides = [1]} : vector<16xf32> to vector<1xf32>
        %parallel_loop3A_1734 = vector.extract %parallel_loop3A_1733[0] : f32 from vector<1xf32>
        %parallel_loop3A_1735 = vector.extract_strided_slice %parallel_loop3A_1698 {offsets = [8], sizes = [1], strides = [1]} : vector<16xf32> to vector<1xf32>
        %parallel_loop3A_1736 = vector.extract %parallel_loop3A_1735[0] : f32 from vector<1xf32>
        %parallel_loop3A_1737 = vector.extract_strided_slice %parallel_loop3A_1698 {offsets = [9], sizes = [1], strides = [1]} : vector<16xf32> to vector<1xf32>
        %parallel_loop3A_1738 = vector.extract %parallel_loop3A_1737[0] : f32 from vector<1xf32>
        %parallel_loop3A_1739 = vector.extract_strided_slice %parallel_loop3A_1698 {offsets = [10], sizes = [1], strides = [1]} : vector<16xf32> to vector<1xf32>
        %parallel_loop3A_1740 = vector.extract %parallel_loop3A_1739[0] : f32 from vector<1xf32>
        %parallel_loop3A_1741 = vector.extract_strided_slice %parallel_loop3A_1698 {offsets = [11], sizes = [1], strides = [1]} : vector<16xf32> to vector<1xf32>
        %parallel_loop3A_1742 = vector.extract %parallel_loop3A_1741[0] : f32 from vector<1xf32>
        %parallel_loop3A_1743 = vector.extract_strided_slice %parallel_loop3A_1698 {offsets = [12], sizes = [1], strides = [1]} : vector<16xf32> to vector<1xf32>
        %parallel_loop3A_1744 = vector.extract %parallel_loop3A_1743[0] : f32 from vector<1xf32>
        %parallel_loop3A_1745 = vector.extract_strided_slice %parallel_loop3A_1698 {offsets = [13], sizes = [1], strides = [1]} : vector<16xf32> to vector<1xf32>
        %parallel_loop3A_1746 = vector.extract %parallel_loop3A_1745[0] : f32 from vector<1xf32>
        %parallel_loop3A_1747 = vector.extract_strided_slice %parallel_loop3A_1698 {offsets = [14], sizes = [1], strides = [1]} : vector<16xf32> to vector<1xf32>
        %parallel_loop3A_1748 = vector.extract %parallel_loop3A_1747[0] : f32 from vector<1xf32>
        %parallel_loop3A_1749 = vector.extract_strided_slice %parallel_loop3A_1698 {offsets = [15], sizes = [1], strides = [1]} : vector<16xf32> to vector<1xf32>
        %parallel_loop3A_1750 = vector.extract %parallel_loop3A_1749[0] : f32 from vector<1xf32>
        %parallel_loop3A_1751 = vector.broadcast %parallel_loop3A_1700 : f32 to vector<16xf32>
        %parallel_loop3A_1752 = arith.mulf %parallel_loop3A_1751, %mul3A_850 : vector<16xf32>
        %parallel_loop3A_1753 = vector.broadcast %parallel_loop3A_1700 : f32 to vector<16xf32>
        %parallel_loop3A_1754 = arith.mulf %parallel_loop3A_1753, %mul3A_1058 : vector<16xf32>
        %parallel_loop3A_1755 = vector.broadcast %parallel_loop3A_1702 : f32 to vector<16xf32>
        %parallel_loop3A_1756 = arith.mulf %parallel_loop3A_1755, %mul3A_858 : vector<16xf32>
        %parallel_loop3A_1757 = arith.addf %parallel_loop3A_1752, %parallel_loop3A_1756 : vector<16xf32>
        %parallel_loop3A_1758 = vector.broadcast %parallel_loop3A_1702 : f32 to vector<16xf32>
        %parallel_loop3A_1759 = arith.mulf %parallel_loop3A_1758, %mul3A_1066 : vector<16xf32>
        %parallel_loop3A_1760 = arith.addf %parallel_loop3A_1754, %parallel_loop3A_1759 : vector<16xf32>
        %parallel_loop3A_1761 = vector.broadcast %parallel_loop3A_1704 : f32 to vector<16xf32>
        %parallel_loop3A_1762 = arith.mulf %parallel_loop3A_1761, %mul3A_866 : vector<16xf32>
        %parallel_loop3A_1763 = arith.addf %parallel_loop3A_1757, %parallel_loop3A_1762 : vector<16xf32>
        %parallel_loop3A_1764 = vector.broadcast %parallel_loop3A_1704 : f32 to vector<16xf32>
        %parallel_loop3A_1765 = arith.mulf %parallel_loop3A_1764, %mul3A_1074 : vector<16xf32>
        %parallel_loop3A_1766 = arith.addf %parallel_loop3A_1760, %parallel_loop3A_1765 : vector<16xf32>
        %parallel_loop3A_1767 = vector.broadcast %parallel_loop3A_1706 : f32 to vector<16xf32>
        %parallel_loop3A_1768 = arith.mulf %parallel_loop3A_1767, %mul3A_874 : vector<16xf32>
        %parallel_loop3A_1769 = arith.addf %parallel_loop3A_1763, %parallel_loop3A_1768 : vector<16xf32>
        %parallel_loop3A_1770 = vector.broadcast %parallel_loop3A_1706 : f32 to vector<16xf32>
        %parallel_loop3A_1771 = arith.mulf %parallel_loop3A_1770, %mul3A_1082 : vector<16xf32>
        %parallel_loop3A_1772 = arith.addf %parallel_loop3A_1766, %parallel_loop3A_1771 : vector<16xf32>
        %parallel_loop3A_1773 = vector.broadcast %parallel_loop3A_1708 : f32 to vector<16xf32>
        %parallel_loop3A_1774 = arith.mulf %parallel_loop3A_1773, %mul3A_882 : vector<16xf32>
        %parallel_loop3A_1775 = arith.addf %parallel_loop3A_1769, %parallel_loop3A_1774 : vector<16xf32>
        %parallel_loop3A_1776 = vector.broadcast %parallel_loop3A_1708 : f32 to vector<16xf32>
        %parallel_loop3A_1777 = arith.mulf %parallel_loop3A_1776, %mul3A_1090 : vector<16xf32>
        %parallel_loop3A_1778 = arith.addf %parallel_loop3A_1772, %parallel_loop3A_1777 : vector<16xf32>
        %parallel_loop3A_1779 = vector.broadcast %parallel_loop3A_1710 : f32 to vector<16xf32>
        %parallel_loop3A_1780 = arith.mulf %parallel_loop3A_1779, %mul3A_890 : vector<16xf32>
        %parallel_loop3A_1781 = arith.addf %parallel_loop3A_1775, %parallel_loop3A_1780 : vector<16xf32>
        %parallel_loop3A_1782 = vector.broadcast %parallel_loop3A_1710 : f32 to vector<16xf32>
        %parallel_loop3A_1783 = arith.mulf %parallel_loop3A_1782, %mul3A_1098 : vector<16xf32>
        %parallel_loop3A_1784 = arith.addf %parallel_loop3A_1778, %parallel_loop3A_1783 : vector<16xf32>
        %parallel_loop3A_1785 = vector.broadcast %parallel_loop3A_1712 : f32 to vector<16xf32>
        %parallel_loop3A_1786 = arith.mulf %parallel_loop3A_1785, %mul3A_898 : vector<16xf32>
        %parallel_loop3A_1787 = arith.addf %parallel_loop3A_1781, %parallel_loop3A_1786 : vector<16xf32>
        %parallel_loop3A_1788 = vector.broadcast %parallel_loop3A_1712 : f32 to vector<16xf32>
        %parallel_loop3A_1789 = arith.mulf %parallel_loop3A_1788, %mul3A_1106 : vector<16xf32>
        %parallel_loop3A_1790 = arith.addf %parallel_loop3A_1784, %parallel_loop3A_1789 : vector<16xf32>
        %parallel_loop3A_1791 = vector.broadcast %parallel_loop3A_1714 : f32 to vector<16xf32>
        %parallel_loop3A_1792 = arith.mulf %parallel_loop3A_1791, %mul3A_906 : vector<16xf32>
        %parallel_loop3A_1793 = arith.addf %parallel_loop3A_1787, %parallel_loop3A_1792 : vector<16xf32>
        %parallel_loop3A_1794 = vector.broadcast %parallel_loop3A_1714 : f32 to vector<16xf32>
        %parallel_loop3A_1795 = arith.mulf %parallel_loop3A_1794, %mul3A_1114 : vector<16xf32>
        %parallel_loop3A_1796 = arith.addf %parallel_loop3A_1790, %parallel_loop3A_1795 : vector<16xf32>
        %parallel_loop3A_1797 = vector.broadcast %parallel_loop3A_1716 : f32 to vector<16xf32>
        %parallel_loop3A_1798 = arith.mulf %parallel_loop3A_1797, %mul3A_914 : vector<16xf32>
        %parallel_loop3A_1799 = arith.addf %parallel_loop3A_1793, %parallel_loop3A_1798 : vector<16xf32>
        %parallel_loop3A_1800 = vector.broadcast %parallel_loop3A_1716 : f32 to vector<16xf32>
        %parallel_loop3A_1801 = arith.mulf %parallel_loop3A_1800, %mul3A_1122 : vector<16xf32>
        %parallel_loop3A_1802 = arith.addf %parallel_loop3A_1796, %parallel_loop3A_1801 : vector<16xf32>
        %parallel_loop3A_1803 = vector.broadcast %parallel_loop3A_1718 : f32 to vector<16xf32>
        %parallel_loop3A_1804 = arith.mulf %parallel_loop3A_1803, %mul3A_922 : vector<16xf32>
        %parallel_loop3A_1805 = arith.addf %parallel_loop3A_1799, %parallel_loop3A_1804 : vector<16xf32>
        %parallel_loop3A_1806 = vector.broadcast %parallel_loop3A_1718 : f32 to vector<16xf32>
        %parallel_loop3A_1807 = arith.mulf %parallel_loop3A_1806, %mul3A_1130 : vector<16xf32>
        %parallel_loop3A_1808 = arith.addf %parallel_loop3A_1802, %parallel_loop3A_1807 : vector<16xf32>
        %parallel_loop3A_1809 = vector.broadcast %parallel_loop3A_1720 : f32 to vector<16xf32>
        %parallel_loop3A_1810 = arith.mulf %parallel_loop3A_1809, %mul3A_930 : vector<16xf32>
        %parallel_loop3A_1811 = arith.addf %parallel_loop3A_1805, %parallel_loop3A_1810 : vector<16xf32>
        %parallel_loop3A_1812 = vector.broadcast %parallel_loop3A_1720 : f32 to vector<16xf32>
        %parallel_loop3A_1813 = arith.mulf %parallel_loop3A_1812, %mul3A_1138 : vector<16xf32>
        %parallel_loop3A_1814 = arith.addf %parallel_loop3A_1808, %parallel_loop3A_1813 : vector<16xf32>
        %parallel_loop3A_1815 = vector.broadcast %parallel_loop3A_1722 : f32 to vector<16xf32>
        %parallel_loop3A_1816 = arith.mulf %parallel_loop3A_1815, %mul3A_938 : vector<16xf32>
        %parallel_loop3A_1817 = arith.addf %parallel_loop3A_1811, %parallel_loop3A_1816 : vector<16xf32>
        %parallel_loop3A_1818 = vector.broadcast %parallel_loop3A_1722 : f32 to vector<16xf32>
        %parallel_loop3A_1819 = arith.mulf %parallel_loop3A_1818, %mul3A_1146 : vector<16xf32>
        %parallel_loop3A_1820 = arith.addf %parallel_loop3A_1814, %parallel_loop3A_1819 : vector<16xf32>
        %parallel_loop3A_1821 = vector.broadcast %parallel_loop3A_1724 : f32 to vector<16xf32>
        %parallel_loop3A_1822 = arith.mulf %parallel_loop3A_1821, %mul3A_946 : vector<16xf32>
        %parallel_loop3A_1823 = arith.addf %parallel_loop3A_1817, %parallel_loop3A_1822 : vector<16xf32>
        %parallel_loop3A_1824 = vector.broadcast %parallel_loop3A_1724 : f32 to vector<16xf32>
        %parallel_loop3A_1825 = arith.mulf %parallel_loop3A_1824, %mul3A_1154 : vector<16xf32>
        %parallel_loop3A_1826 = arith.addf %parallel_loop3A_1820, %parallel_loop3A_1825 : vector<16xf32>
        %parallel_loop3A_1827 = vector.broadcast %parallel_loop3A_1726 : f32 to vector<16xf32>
        %parallel_loop3A_1828 = arith.mulf %parallel_loop3A_1827, %mul3A_954 : vector<16xf32>
        %parallel_loop3A_1829 = arith.addf %parallel_loop3A_1823, %parallel_loop3A_1828 : vector<16xf32>
        %parallel_loop3A_1830 = vector.broadcast %parallel_loop3A_1726 : f32 to vector<16xf32>
        %parallel_loop3A_1831 = arith.mulf %parallel_loop3A_1830, %mul3A_1162 : vector<16xf32>
        %parallel_loop3A_1832 = arith.addf %parallel_loop3A_1826, %parallel_loop3A_1831 : vector<16xf32>
        %parallel_loop3A_1833 = vector.broadcast %parallel_loop3A_1728 : f32 to vector<16xf32>
        %parallel_loop3A_1834 = arith.mulf %parallel_loop3A_1833, %mul3A_962 : vector<16xf32>
        %parallel_loop3A_1835 = arith.addf %parallel_loop3A_1829, %parallel_loop3A_1834 : vector<16xf32>
        %parallel_loop3A_1836 = vector.broadcast %parallel_loop3A_1728 : f32 to vector<16xf32>
        %parallel_loop3A_1837 = arith.mulf %parallel_loop3A_1836, %mul3A_1170 : vector<16xf32>
        %parallel_loop3A_1838 = arith.addf %parallel_loop3A_1832, %parallel_loop3A_1837 : vector<16xf32>
        %parallel_loop3A_1839 = vector.broadcast %parallel_loop3A_1730 : f32 to vector<16xf32>
        %parallel_loop3A_1840 = arith.mulf %parallel_loop3A_1839, %mul3A_970 : vector<16xf32>
        %parallel_loop3A_1841 = arith.addf %parallel_loop3A_1835, %parallel_loop3A_1840 : vector<16xf32>
        %parallel_loop3A_1842 = vector.broadcast %parallel_loop3A_1730 : f32 to vector<16xf32>
        %parallel_loop3A_1843 = arith.mulf %parallel_loop3A_1842, %mul3A_1178 : vector<16xf32>
        %parallel_loop3A_1844 = arith.addf %parallel_loop3A_1838, %parallel_loop3A_1843 : vector<16xf32>
        %parallel_loop3A_1845 = vector.broadcast %parallel_loop3A_1732 : f32 to vector<16xf32>
        %parallel_loop3A_1846 = arith.mulf %parallel_loop3A_1845, %mul3A_978 : vector<16xf32>
        %parallel_loop3A_1847 = arith.addf %parallel_loop3A_1841, %parallel_loop3A_1846 : vector<16xf32>
        %parallel_loop3A_1848 = vector.broadcast %parallel_loop3A_1732 : f32 to vector<16xf32>
        %parallel_loop3A_1849 = arith.mulf %parallel_loop3A_1848, %mul3A_1186 : vector<16xf32>
        %parallel_loop3A_1850 = arith.addf %parallel_loop3A_1844, %parallel_loop3A_1849 : vector<16xf32>
        %parallel_loop3A_1851 = vector.broadcast %parallel_loop3A_1734 : f32 to vector<16xf32>
        %parallel_loop3A_1852 = arith.mulf %parallel_loop3A_1851, %mul3A_986 : vector<16xf32>
        %parallel_loop3A_1853 = arith.addf %parallel_loop3A_1847, %parallel_loop3A_1852 : vector<16xf32>
        %parallel_loop3A_1854 = vector.broadcast %parallel_loop3A_1734 : f32 to vector<16xf32>
        %parallel_loop3A_1855 = arith.mulf %parallel_loop3A_1854, %mul3A_1194 : vector<16xf32>
        %parallel_loop3A_1856 = arith.addf %parallel_loop3A_1850, %parallel_loop3A_1855 : vector<16xf32>
        %parallel_loop3A_1857 = vector.broadcast %parallel_loop3A_1736 : f32 to vector<16xf32>
        %parallel_loop3A_1858 = arith.mulf %parallel_loop3A_1857, %mul3A_994 : vector<16xf32>
        %parallel_loop3A_1859 = arith.addf %parallel_loop3A_1853, %parallel_loop3A_1858 : vector<16xf32>
        %parallel_loop3A_1860 = vector.broadcast %parallel_loop3A_1736 : f32 to vector<16xf32>
        %parallel_loop3A_1861 = arith.mulf %parallel_loop3A_1860, %mul3A_1202 : vector<16xf32>
        %parallel_loop3A_1862 = arith.addf %parallel_loop3A_1856, %parallel_loop3A_1861 : vector<16xf32>
        %parallel_loop3A_1863 = vector.broadcast %parallel_loop3A_1738 : f32 to vector<16xf32>
        %parallel_loop3A_1864 = arith.mulf %parallel_loop3A_1863, %mul3A_1002 : vector<16xf32>
        %parallel_loop3A_1865 = arith.addf %parallel_loop3A_1859, %parallel_loop3A_1864 : vector<16xf32>
        %parallel_loop3A_1866 = vector.broadcast %parallel_loop3A_1738 : f32 to vector<16xf32>
        %parallel_loop3A_1867 = arith.mulf %parallel_loop3A_1866, %mul3A_1210 : vector<16xf32>
        %parallel_loop3A_1868 = arith.addf %parallel_loop3A_1862, %parallel_loop3A_1867 : vector<16xf32>
        %parallel_loop3A_1869 = vector.broadcast %parallel_loop3A_1740 : f32 to vector<16xf32>
        %parallel_loop3A_1870 = arith.mulf %parallel_loop3A_1869, %mul3A_1010 : vector<16xf32>
        %parallel_loop3A_1871 = arith.addf %parallel_loop3A_1865, %parallel_loop3A_1870 : vector<16xf32>
        %parallel_loop3A_1872 = vector.broadcast %parallel_loop3A_1740 : f32 to vector<16xf32>
        %parallel_loop3A_1873 = arith.mulf %parallel_loop3A_1872, %mul3A_1218 : vector<16xf32>
        %parallel_loop3A_1874 = arith.addf %parallel_loop3A_1868, %parallel_loop3A_1873 : vector<16xf32>
        %parallel_loop3A_1875 = vector.broadcast %parallel_loop3A_1742 : f32 to vector<16xf32>
        %parallel_loop3A_1876 = arith.mulf %parallel_loop3A_1875, %mul3A_1018 : vector<16xf32>
        %parallel_loop3A_1877 = arith.addf %parallel_loop3A_1871, %parallel_loop3A_1876 : vector<16xf32>
        %parallel_loop3A_1878 = vector.broadcast %parallel_loop3A_1742 : f32 to vector<16xf32>
        %parallel_loop3A_1879 = arith.mulf %parallel_loop3A_1878, %mul3A_1226 : vector<16xf32>
        %parallel_loop3A_1880 = arith.addf %parallel_loop3A_1874, %parallel_loop3A_1879 : vector<16xf32>
        %parallel_loop3A_1881 = vector.broadcast %parallel_loop3A_1744 : f32 to vector<16xf32>
        %parallel_loop3A_1882 = arith.mulf %parallel_loop3A_1881, %mul3A_1026 : vector<16xf32>
        %parallel_loop3A_1883 = arith.addf %parallel_loop3A_1877, %parallel_loop3A_1882 : vector<16xf32>
        %parallel_loop3A_1884 = vector.broadcast %parallel_loop3A_1744 : f32 to vector<16xf32>
        %parallel_loop3A_1885 = arith.mulf %parallel_loop3A_1884, %mul3A_1234 : vector<16xf32>
        %parallel_loop3A_1886 = arith.addf %parallel_loop3A_1880, %parallel_loop3A_1885 : vector<16xf32>
        %parallel_loop3A_1887 = vector.broadcast %parallel_loop3A_1746 : f32 to vector<16xf32>
        %parallel_loop3A_1888 = arith.mulf %parallel_loop3A_1887, %mul3A_1034 : vector<16xf32>
        %parallel_loop3A_1889 = arith.addf %parallel_loop3A_1883, %parallel_loop3A_1888 : vector<16xf32>
        %parallel_loop3A_1890 = vector.broadcast %parallel_loop3A_1746 : f32 to vector<16xf32>
        %parallel_loop3A_1891 = arith.mulf %parallel_loop3A_1890, %mul3A_1242 : vector<16xf32>
        %parallel_loop3A_1892 = arith.addf %parallel_loop3A_1886, %parallel_loop3A_1891 : vector<16xf32>
        %parallel_loop3A_1893 = vector.broadcast %parallel_loop3A_1748 : f32 to vector<16xf32>
        %parallel_loop3A_1894 = arith.mulf %parallel_loop3A_1893, %mul3A_1042 : vector<16xf32>
        %parallel_loop3A_1895 = arith.addf %parallel_loop3A_1889, %parallel_loop3A_1894 : vector<16xf32>
        %parallel_loop3A_1896 = vector.broadcast %parallel_loop3A_1748 : f32 to vector<16xf32>
        %parallel_loop3A_1897 = arith.mulf %parallel_loop3A_1896, %mul3A_1250 : vector<16xf32>
        %parallel_loop3A_1898 = arith.addf %parallel_loop3A_1892, %parallel_loop3A_1897 : vector<16xf32>
        %parallel_loop3A_1899 = vector.broadcast %parallel_loop3A_1750 : f32 to vector<16xf32>
        %parallel_loop3A_1900 = arith.mulf %parallel_loop3A_1899, %mul3A_1050 : vector<16xf32>
        %parallel_loop3A_1901 = arith.addf %parallel_loop3A_1895, %parallel_loop3A_1900 : vector<16xf32>
        %parallel_loop3A_1902 = vector.broadcast %parallel_loop3A_1750 : f32 to vector<16xf32>
        %parallel_loop3A_1903 = arith.mulf %parallel_loop3A_1902, %mul3A_1258 : vector<16xf32>
        %parallel_loop3A_1904 = arith.addf %parallel_loop3A_1898, %parallel_loop3A_1903 : vector<16xf32>
        %parallel_loop3A_1905 = arith.index_cast %parallel_loop3A_1688 : i32 to index
        %parallel_loop3A_1906 = arith.index_cast %scan3A_1685 : i32 to index
        %parallel_loop3A_1907 = arith.constant 64 : index
        %parallel_loop3A_1908 = tpu.vector_load %arg7[%parallel_loop3A_1905, %parallel_loop3A_1906, %parallel_loop3A_1907] {strides = array<i32>} : memref<20x32x128xf32, #tpu.memory_space<vmem>>, vector<1x1x16xf32>,
        %parallel_loop3A_1909 = vector.shape_cast %parallel_loop3A_1908 : vector<1x1x16xf32> to vector<16xf32>
        %parallel_loop3A_1910 = vector.shape_cast %parallel_loop3A_1901 : vector<16xf32> to vector<1x1x16xf32>
        tpu.vector_store %arg7[%parallel_loop3A_1905, %parallel_loop3A_1906, %parallel_loop3A_1907], %parallel_loop3A_1910 {strides = array<i32>} : memref<20x32x128xf32, #tpu.memory_space<vmem>>, vector<1x1x16xf32>,
        %parallel_loop3A_1911 = arith.index_cast %parallel_loop3A_1688 : i32 to index
        %parallel_loop3A_1912 = arith.index_cast %scan3A_1685 : i32 to index
        %parallel_loop3A_1913 = arith.constant 80 : index
        %parallel_loop3A_1914 = tpu.vector_load %arg7[%parallel_loop3A_1911, %parallel_loop3A_1912, %parallel_loop3A_1913] {strides = array<i32>} : memref<20x32x128xf32, #tpu.memory_space<vmem>>, vector<1x1x16xf32>,
        %parallel_loop3A_1915 = vector.shape_cast %parallel_loop3A_1914 : vector<1x1x16xf32> to vector<16xf32>
        %parallel_loop3A_1916 = vector.shape_cast %parallel_loop3A_1904 : vector<16xf32> to vector<1x1x16xf32>
        tpu.vector_store %arg7[%parallel_loop3A_1911, %parallel_loop3A_1912, %parallel_loop3A_1913], %parallel_loop3A_1916 {strides = array<i32>} : memref<20x32x128xf32, #tpu.memory_space<vmem>>, vector<1x1x16xf32>,
      } {sc.loop_unroll_factor = 4 : i64, sc.parallel_access}
    }
    %scan3A_1263 = arith.constant 32 : i32
    %get3A_1264 = arith.constant 0 : i32
    %get3A_1265 = arith.index_cast %get3A_1264 : i32 to index
    %get3A_1266 = arith.constant 96 : index
    %get3A_1267 = tpu.vector_load %arg5[%get3A_1265, %get3A_1266] {strides = array<i32>} : memref<26x128xf32, #tpu.memory_space<vmem>>, vector<1x16xf32>,
    %get3A_1268 = vector.shape_cast %get3A_1267 : vector<1x16xf32> to vector<16xf32>
    %mul3A_1269 = arith.constant 0.0384615399 : f32
    %mul3A_1270 = vector.broadcast %mul3A_1269 : f32 to vector<16xf32>
    %mul3A_1271 = arith.mulf %get3A_1268, %mul3A_1270 : vector<16xf32>
    %get3A_1272 = arith.constant 1 : i32
    %get3A_1273 = arith.index_cast %get3A_1272 : i32 to index
    %get3A_1274 = arith.constant 96 : index
    %get3A_1275 = tpu.vector_load %arg5[%get3A_1273, %get3A_1274] {strides = array<i32>} : memref<26x128xf32, #tpu.memory_space<vmem>>, vector<1x16xf32>,
    %get3A_1276 = vector.shape_cast %get3A_1275 : vector<1x16xf32> to vector<16xf32>
    %mul3A_1277 = arith.constant 0.0384615399 : f32
    %mul3A_1278 = vector.broadcast %mul3A_1277 : f32 to vector<16xf32>
    %mul3A_1279 = arith.mulf %get3A_1276, %mul3A_1278 : vector<16xf32>
    %get3A_1280 = arith.constant 2 : i32
    %get3A_1281 = arith.index_cast %get3A_1280 : i32 to index
    %get3A_1282 = arith.constant 96 : index
    %get3A_1283 = tpu.vector_load %arg5[%get3A_1281, %get3A_1282] {strides = array<i32>} : memref<26x128xf32, #tpu.memory_space<vmem>>, vector<1x16xf32>,
    %get3A_1284 = vector.shape_cast %get3A_1283 : vector<1x16xf32> to vector<16xf32>
    %mul3A_1285 = arith.constant 0.0384615399 : f32
    %mul3A_1286 = vector.broadcast %mul3A_1285 : f32 to vector<16xf32>
    %mul3A_1287 = arith.mulf %get3A_1284, %mul3A_1286 : vector<16xf32>
    %get3A_1288 = arith.constant 3 : i32
    %get3A_1289 = arith.index_cast %get3A_1288 : i32 to index
    %get3A_1290 = arith.constant 96 : index
    %get3A_1291 = tpu.vector_load %arg5[%get3A_1289, %get3A_1290] {strides = array<i32>} : memref<26x128xf32, #tpu.memory_space<vmem>>, vector<1x16xf32>,
    %get3A_1292 = vector.shape_cast %get3A_1291 : vector<1x16xf32> to vector<16xf32>
    %mul3A_1293 = arith.constant 0.0384615399 : f32
    %mul3A_1294 = vector.broadcast %mul3A_1293 : f32 to vector<16xf32>
    %mul3A_1295 = arith.mulf %get3A_1292, %mul3A_1294 : vector<16xf32>
    %get3A_1296 = arith.constant 4 : i32
    %get3A_1297 = arith.index_cast %get3A_1296 : i32 to index
    %get3A_1298 = arith.constant 96 : index
    %get3A_1299 = tpu.vector_load %arg5[%get3A_1297, %get3A_1298] {strides = array<i32>} : memref<26x128xf32, #tpu.memory_space<vmem>>, vector<1x16xf32>,
    %get3A_1300 = vector.shape_cast %get3A_1299 : vector<1x16xf32> to vector<16xf32>
    %mul3A_1301 = arith.constant 0.0384615399 : f32
    %mul3A_1302 = vector.broadcast %mul3A_1301 : f32 to vector<16xf32>
    %mul3A_1303 = arith.mulf %get3A_1300, %mul3A_1302 : vector<16xf32>
    %get3A_1304 = arith.constant 5 : i32
    %get3A_1305 = arith.index_cast %get3A_1304 : i32 to index
    %get3A_1306 = arith.constant 96 : index
    %get3A_1307 = tpu.vector_load %arg5[%get3A_1305, %get3A_1306] {strides = array<i32>} : memref<26x128xf32, #tpu.memory_space<vmem>>, vector<1x16xf32>,
    %get3A_1308 = vector.shape_cast %get3A_1307 : vector<1x16xf32> to vector<16xf32>
    %mul3A_1309 = arith.constant 0.0384615399 : f32
    %mul3A_1310 = vector.broadcast %mul3A_1309 : f32 to vector<16xf32>
    %mul3A_1311 = arith.mulf %get3A_1308, %mul3A_1310 : vector<16xf32>
    %get3A_1312 = arith.constant 6 : i32
    %get3A_1313 = arith.index_cast %get3A_1312 : i32 to index
    %get3A_1314 = arith.constant 96 : index
    %get3A_1315 = tpu.vector_load %arg5[%get3A_1313, %get3A_1314] {strides = array<i32>} : memref<26x128xf32, #tpu.memory_space<vmem>>, vector<1x16xf32>,
    %get3A_1316 = vector.shape_cast %get3A_1315 : vector<1x16xf32> to vector<16xf32>
    %mul3A_1317 = arith.constant 0.0384615399 : f32
    %mul3A_1318 = vector.broadcast %mul3A_1317 : f32 to vector<16xf32>
    %mul3A_1319 = arith.mulf %get3A_1316, %mul3A_1318 : vector<16xf32>
    %get3A_1320 = arith.constant 7 : i32
    %get3A_1321 = arith.index_cast %get3A_1320 : i32 to index
    %get3A_1322 = arith.constant 96 : index
    %get3A_1323 = tpu.vector_load %arg5[%get3A_1321, %get3A_1322] {strides = array<i32>} : memref<26x128xf32, #tpu.memory_space<vmem>>, vector<1x16xf32>,
    %get3A_1324 = vector.shape_cast %get3A_1323 : vector<1x16xf32> to vector<16xf32>
    %mul3A_1325 = arith.constant 0.0384615399 : f32
    %mul3A_1326 = vector.broadcast %mul3A_1325 : f32 to vector<16xf32>
    %mul3A_1327 = arith.mulf %get3A_1324, %mul3A_1326 : vector<16xf32>
    %get3A_1328 = arith.constant 8 : i32
    %get3A_1329 = arith.index_cast %get3A_1328 : i32 to index
    %get3A_1330 = arith.constant 96 : index
    %get3A_1331 = tpu.vector_load %arg5[%get3A_1329, %get3A_1330] {strides = array<i32>} : memref<26x128xf32, #tpu.memory_space<vmem>>, vector<1x16xf32>,
    %get3A_1332 = vector.shape_cast %get3A_1331 : vector<1x16xf32> to vector<16xf32>
    %mul3A_1333 = arith.constant 0.0384615399 : f32
    %mul3A_1334 = vector.broadcast %mul3A_1333 : f32 to vector<16xf32>
    %mul3A_1335 = arith.mulf %get3A_1332, %mul3A_1334 : vector<16xf32>
    %get3A_1336 = arith.constant 9 : i32
    %get3A_1337 = arith.index_cast %get3A_1336 : i32 to index
    %get3A_1338 = arith.constant 96 : index
    %get3A_1339 = tpu.vector_load %arg5[%get3A_1337, %get3A_1338] {strides = array<i32>} : memref<26x128xf32, #tpu.memory_space<vmem>>, vector<1x16xf32>,
    %get3A_1340 = vector.shape_cast %get3A_1339 : vector<1x16xf32> to vector<16xf32>
    %mul3A_1341 = arith.constant 0.0384615399 : f32
    %mul3A_1342 = vector.broadcast %mul3A_1341 : f32 to vector<16xf32>
    %mul3A_1343 = arith.mulf %get3A_1340, %mul3A_1342 : vector<16xf32>
    %get3A_1344 = arith.constant 10 : i32
    %get3A_1345 = arith.index_cast %get3A_1344 : i32 to index
    %get3A_1346 = arith.constant 96 : index
    %get3A_1347 = tpu.vector_load %arg5[%get3A_1345, %get3A_1346] {strides = array<i32>} : memref<26x128xf32, #tpu.memory_space<vmem>>, vector<1x16xf32>,
    %get3A_1348 = vector.shape_cast %get3A_1347 : vector<1x16xf32> to vector<16xf32>
    %mul3A_1349 = arith.constant 0.0384615399 : f32
    %mul3A_1350 = vector.broadcast %mul3A_1349 : f32 to vector<16xf32>
    %mul3A_1351 = arith.mulf %get3A_1348, %mul3A_1350 : vector<16xf32>
    %get3A_1352 = arith.constant 11 : i32
    %get3A_1353 = arith.index_cast %get3A_1352 : i32 to index
    %get3A_1354 = arith.constant 96 : index
    %get3A_1355 = tpu.vector_load %arg5[%get3A_1353, %get3A_1354] {strides = array<i32>} : memref<26x128xf32, #tpu.memory_space<vmem>>, vector<1x16xf32>,
    %get3A_1356 = vector.shape_cast %get3A_1355 : vector<1x16xf32> to vector<16xf32>
    %mul3A_1357 = arith.constant 0.0384615399 : f32
    %mul3A_1358 = vector.broadcast %mul3A_1357 : f32 to vector<16xf32>
    %mul3A_1359 = arith.mulf %get3A_1356, %mul3A_1358 : vector<16xf32>
    %get3A_1360 = arith.constant 12 : i32
    %get3A_1361 = arith.index_cast %get3A_1360 : i32 to index
    %get3A_1362 = arith.constant 96 : index
    %get3A_1363 = tpu.vector_load %arg5[%get3A_1361, %get3A_1362] {strides = array<i32>} : memref<26x128xf32, #tpu.memory_space<vmem>>, vector<1x16xf32>,
    %get3A_1364 = vector.shape_cast %get3A_1363 : vector<1x16xf32> to vector<16xf32>
    %mul3A_1365 = arith.constant 0.0384615399 : f32
    %mul3A_1366 = vector.broadcast %mul3A_1365 : f32 to vector<16xf32>
    %mul3A_1367 = arith.mulf %get3A_1364, %mul3A_1366 : vector<16xf32>
    %get3A_1368 = arith.constant 13 : i32
    %get3A_1369 = arith.index_cast %get3A_1368 : i32 to index
    %get3A_1370 = arith.constant 96 : index
    %get3A_1371 = tpu.vector_load %arg5[%get3A_1369, %get3A_1370] {strides = array<i32>} : memref<26x128xf32, #tpu.memory_space<vmem>>, vector<1x16xf32>,
    %get3A_1372 = vector.shape_cast %get3A_1371 : vector<1x16xf32> to vector<16xf32>
    %mul3A_1373 = arith.constant 0.0384615399 : f32
    %mul3A_1374 = vector.broadcast %mul3A_1373 : f32 to vector<16xf32>
    %mul3A_1375 = arith.mulf %get3A_1372, %mul3A_1374 : vector<16xf32>
    %get3A_1376 = arith.constant 14 : i32
    %get3A_1377 = arith.index_cast %get3A_1376 : i32 to index
    %get3A_1378 = arith.constant 96 : index
    %get3A_1379 = tpu.vector_load %arg5[%get3A_1377, %get3A_1378] {strides = array<i32>} : memref<26x128xf32, #tpu.memory_space<vmem>>, vector<1x16xf32>,
    %get3A_1380 = vector.shape_cast %get3A_1379 : vector<1x16xf32> to vector<16xf32>
    %mul3A_1381 = arith.constant 0.0384615399 : f32
    %mul3A_1382 = vector.broadcast %mul3A_1381 : f32 to vector<16xf32>
    %mul3A_1383 = arith.mulf %get3A_1380, %mul3A_1382 : vector<16xf32>
    %get3A_1384 = arith.constant 15 : i32
    %get3A_1385 = arith.index_cast %get3A_1384 : i32 to index
    %get3A_1386 = arith.constant 96 : index
    %get3A_1387 = tpu.vector_load %arg5[%get3A_1385, %get3A_1386] {strides = array<i32>} : memref<26x128xf32, #tpu.memory_space<vmem>>, vector<1x16xf32>,
    %get3A_1388 = vector.shape_cast %get3A_1387 : vector<1x16xf32> to vector<16xf32>
    %mul3A_1389 = arith.constant 0.0384615399 : f32
    %mul3A_1390 = vector.broadcast %mul3A_1389 : f32 to vector<16xf32>
    %mul3A_1391 = arith.mulf %get3A_1388, %mul3A_1390 : vector<16xf32>
    %get3A_1392 = arith.constant 16 : i32
    %get3A_1393 = arith.index_cast %get3A_1392 : i32 to index
    %get3A_1394 = arith.constant 96 : index
    %get3A_1395 = tpu.vector_load %arg5[%get3A_1393, %get3A_1394] {strides = array<i32>} : memref<26x128xf32, #tpu.memory_space<vmem>>, vector<1x16xf32>,
    %get3A_1396 = vector.shape_cast %get3A_1395 : vector<1x16xf32> to vector<16xf32>
    %mul3A_1397 = arith.constant 0.0384615399 : f32
    %mul3A_1398 = vector.broadcast %mul3A_1397 : f32 to vector<16xf32>
    %mul3A_1399 = arith.mulf %get3A_1396, %mul3A_1398 : vector<16xf32>
    %get3A_1400 = arith.constant 17 : i32
    %get3A_1401 = arith.index_cast %get3A_1400 : i32 to index
    %get3A_1402 = arith.constant 96 : index
    %get3A_1403 = tpu.vector_load %arg5[%get3A_1401, %get3A_1402] {strides = array<i32>} : memref<26x128xf32, #tpu.memory_space<vmem>>, vector<1x16xf32>,
    %get3A_1404 = vector.shape_cast %get3A_1403 : vector<1x16xf32> to vector<16xf32>
    %mul3A_1405 = arith.constant 0.0384615399 : f32
    %mul3A_1406 = vector.broadcast %mul3A_1405 : f32 to vector<16xf32>
    %mul3A_1407 = arith.mulf %get3A_1404, %mul3A_1406 : vector<16xf32>
    %get3A_1408 = arith.constant 18 : i32
    %get3A_1409 = arith.index_cast %get3A_1408 : i32 to index
    %get3A_1410 = arith.constant 96 : index
    %get3A_1411 = tpu.vector_load %arg5[%get3A_1409, %get3A_1410] {strides = array<i32>} : memref<26x128xf32, #tpu.memory_space<vmem>>, vector<1x16xf32>,
    %get3A_1412 = vector.shape_cast %get3A_1411 : vector<1x16xf32> to vector<16xf32>
    %mul3A_1413 = arith.constant 0.0384615399 : f32
    %mul3A_1414 = vector.broadcast %mul3A_1413 : f32 to vector<16xf32>
    %mul3A_1415 = arith.mulf %get3A_1412, %mul3A_1414 : vector<16xf32>
    %get3A_1416 = arith.constant 19 : i32
    %get3A_1417 = arith.index_cast %get3A_1416 : i32 to index
    %get3A_1418 = arith.constant 96 : index
    %get3A_1419 = tpu.vector_load %arg5[%get3A_1417, %get3A_1418] {strides = array<i32>} : memref<26x128xf32, #tpu.memory_space<vmem>>, vector<1x16xf32>,
    %get3A_1420 = vector.shape_cast %get3A_1419 : vector<1x16xf32> to vector<16xf32>
    %mul3A_1421 = arith.constant 0.0384615399 : f32
    %mul3A_1422 = vector.broadcast %mul3A_1421 : f32 to vector<16xf32>
    %mul3A_1423 = arith.mulf %get3A_1420, %mul3A_1422 : vector<16xf32>
    %get3A_1424 = arith.constant 20 : i32
    %get3A_1425 = arith.index_cast %get3A_1424 : i32 to index
    %get3A_1426 = arith.constant 96 : index
    %get3A_1427 = tpu.vector_load %arg5[%get3A_1425, %get3A_1426] {strides = array<i32>} : memref<26x128xf32, #tpu.memory_space<vmem>>, vector<1x16xf32>,
    %get3A_1428 = vector.shape_cast %get3A_1427 : vector<1x16xf32> to vector<16xf32>
    %mul3A_1429 = arith.constant 0.0384615399 : f32
    %mul3A_1430 = vector.broadcast %mul3A_1429 : f32 to vector<16xf32>
    %mul3A_1431 = arith.mulf %get3A_1428, %mul3A_1430 : vector<16xf32>
    %get3A_1432 = arith.constant 21 : i32
    %get3A_1433 = arith.index_cast %get3A_1432 : i32 to index
    %get3A_1434 = arith.constant 96 : index
    %get3A_1435 = tpu.vector_load %arg5[%get3A_1433, %get3A_1434] {strides = array<i32>} : memref<26x128xf32, #tpu.memory_space<vmem>>, vector<1x16xf32>,
    %get3A_1436 = vector.shape_cast %get3A_1435 : vector<1x16xf32> to vector<16xf32>
    %mul3A_1437 = arith.constant 0.0384615399 : f32
    %mul3A_1438 = vector.broadcast %mul3A_1437 : f32 to vector<16xf32>
    %mul3A_1439 = arith.mulf %get3A_1436, %mul3A_1438 : vector<16xf32>
    %get3A_1440 = arith.constant 22 : i32
    %get3A_1441 = arith.index_cast %get3A_1440 : i32 to index
    %get3A_1442 = arith.constant 96 : index
    %get3A_1443 = tpu.vector_load %arg5[%get3A_1441, %get3A_1442] {strides = array<i32>} : memref<26x128xf32, #tpu.memory_space<vmem>>, vector<1x16xf32>,
    %get3A_1444 = vector.shape_cast %get3A_1443 : vector<1x16xf32> to vector<16xf32>
    %mul3A_1445 = arith.constant 0.0384615399 : f32
    %mul3A_1446 = vector.broadcast %mul3A_1445 : f32 to vector<16xf32>
    %mul3A_1447 = arith.mulf %get3A_1444, %mul3A_1446 : vector<16xf32>
    %get3A_1448 = arith.constant 23 : i32
    %get3A_1449 = arith.index_cast %get3A_1448 : i32 to index
    %get3A_1450 = arith.constant 96 : index
    %get3A_1451 = tpu.vector_load %arg5[%get3A_1449, %get3A_1450] {strides = array<i32>} : memref<26x128xf32, #tpu.memory_space<vmem>>, vector<1x16xf32>,
    %get3A_1452 = vector.shape_cast %get3A_1451 : vector<1x16xf32> to vector<16xf32>
    %mul3A_1453 = arith.constant 0.0384615399 : f32
    %mul3A_1454 = vector.broadcast %mul3A_1453 : f32 to vector<16xf32>
    %mul3A_1455 = arith.mulf %get3A_1452, %mul3A_1454 : vector<16xf32>
    %get3A_1456 = arith.constant 24 : i32
    %get3A_1457 = arith.index_cast %get3A_1456 : i32 to index
    %get3A_1458 = arith.constant 96 : index
    %get3A_1459 = tpu.vector_load %arg5[%get3A_1457, %get3A_1458] {strides = array<i32>} : memref<26x128xf32, #tpu.memory_space<vmem>>, vector<1x16xf32>,
    %get3A_1460 = vector.shape_cast %get3A_1459 : vector<1x16xf32> to vector<16xf32>
    %mul3A_1461 = arith.constant 0.0384615399 : f32
    %mul3A_1462 = vector.broadcast %mul3A_1461 : f32 to vector<16xf32>
    %mul3A_1463 = arith.mulf %get3A_1460, %mul3A_1462 : vector<16xf32>
    %get3A_1464 = arith.constant 25 : i32
    %get3A_1465 = arith.index_cast %get3A_1464 : i32 to index
    %get3A_1466 = arith.constant 96 : index
    %get3A_1467 = tpu.vector_load %arg5[%get3A_1465, %get3A_1466] {strides = array<i32>} : memref<26x128xf32, #tpu.memory_space<vmem>>, vector<1x16xf32>,
    %get3A_1468 = vector.shape_cast %get3A_1467 : vector<1x16xf32> to vector<16xf32>
    %mul3A_1469 = arith.constant 0.0384615399 : f32
    %mul3A_1470 = vector.broadcast %mul3A_1469 : f32 to vector<16xf32>
    %mul3A_1471 = arith.mulf %get3A_1468, %mul3A_1470 : vector<16xf32>
    %get3A_1472 = arith.constant 0 : i32
    %get3A_1473 = arith.index_cast %get3A_1472 : i32 to index
    %get3A_1474 = arith.constant 112 : index
    %get3A_1475 = tpu.vector_load %arg5[%get3A_1473, %get3A_1474] {strides = array<i32>} : memref<26x128xf32, #tpu.memory_space<vmem>>, vector<1x16xf32>,
    %get3A_1476 = vector.shape_cast %get3A_1475 : vector<1x16xf32> to vector<16xf32>
    %mul3A_1477 = arith.constant 0.0384615399 : f32
    %mul3A_1478 = vector.broadcast %mul3A_1477 : f32 to vector<16xf32>
    %mul3A_1479 = arith.mulf %get3A_1476, %mul3A_1478 : vector<16xf32>
    %get3A_1480 = arith.constant 1 : i32
    %get3A_1481 = arith.index_cast %get3A_1480 : i32 to index
    %get3A_1482 = arith.constant 112 : index
    %get3A_1483 = tpu.vector_load %arg5[%get3A_1481, %get3A_1482] {strides = array<i32>} : memref<26x128xf32, #tpu.memory_space<vmem>>, vector<1x16xf32>,
    %get3A_1484 = vector.shape_cast %get3A_1483 : vector<1x16xf32> to vector<16xf32>
    %mul3A_1485 = arith.constant 0.0384615399 : f32
    %mul3A_1486 = vector.broadcast %mul3A_1485 : f32 to vector<16xf32>
    %mul3A_1487 = arith.mulf %get3A_1484, %mul3A_1486 : vector<16xf32>
    %get3A_1488 = arith.constant 2 : i32
    %get3A_1489 = arith.index_cast %get3A_1488 : i32 to index
    %get3A_1490 = arith.constant 112 : index
    %get3A_1491 = tpu.vector_load %arg5[%get3A_1489, %get3A_1490] {strides = array<i32>} : memref<26x128xf32, #tpu.memory_space<vmem>>, vector<1x16xf32>,
    %get3A_1492 = vector.shape_cast %get3A_1491 : vector<1x16xf32> to vector<16xf32>
    %mul3A_1493 = arith.constant 0.0384615399 : f32
    %mul3A_1494 = vector.broadcast %mul3A_1493 : f32 to vector<16xf32>
    %mul3A_1495 = arith.mulf %get3A_1492, %mul3A_1494 : vector<16xf32>
    %get3A_1496 = arith.constant 3 : i32
    %get3A_1497 = arith.index_cast %get3A_1496 : i32 to index
    %get3A_1498 = arith.constant 112 : index
    %get3A_1499 = tpu.vector_load %arg5[%get3A_1497, %get3A_1498] {strides = array<i32>} : memref<26x128xf32, #tpu.memory_space<vmem>>, vector<1x16xf32>,
    %get3A_1500 = vector.shape_cast %get3A_1499 : vector<1x16xf32> to vector<16xf32>
    %mul3A_1501 = arith.constant 0.0384615399 : f32
    %mul3A_1502 = vector.broadcast %mul3A_1501 : f32 to vector<16xf32>
    %mul3A_1503 = arith.mulf %get3A_1500, %mul3A_1502 : vector<16xf32>
    %get3A_1504 = arith.constant 4 : i32
    %get3A_1505 = arith.index_cast %get3A_1504 : i32 to index
    %get3A_1506 = arith.constant 112 : index
    %get3A_1507 = tpu.vector_load %arg5[%get3A_1505, %get3A_1506] {strides = array<i32>} : memref<26x128xf32, #tpu.memory_space<vmem>>, vector<1x16xf32>,
    %get3A_1508 = vector.shape_cast %get3A_1507 : vector<1x16xf32> to vector<16xf32>
    %mul3A_1509 = arith.constant 0.0384615399 : f32
    %mul3A_1510 = vector.broadcast %mul3A_1509 : f32 to vector<16xf32>
    %mul3A_1511 = arith.mulf %get3A_1508, %mul3A_1510 : vector<16xf32>
    %get3A_1512 = arith.constant 5 : i32
    %get3A_1513 = arith.index_cast %get3A_1512 : i32 to index
    %get3A_1514 = arith.constant 112 : index
    %get3A_1515 = tpu.vector_load %arg5[%get3A_1513, %get3A_1514] {strides = array<i32>} : memref<26x128xf32, #tpu.memory_space<vmem>>, vector<1x16xf32>,
    %get3A_1516 = vector.shape_cast %get3A_1515 : vector<1x16xf32> to vector<16xf32>
    %mul3A_1517 = arith.constant 0.0384615399 : f32
    %mul3A_1518 = vector.broadcast %mul3A_1517 : f32 to vector<16xf32>
    %mul3A_1519 = arith.mulf %get3A_1516, %mul3A_1518 : vector<16xf32>
    %get3A_1520 = arith.constant 6 : i32
    %get3A_1521 = arith.index_cast %get3A_1520 : i32 to index
    %get3A_1522 = arith.constant 112 : index
    %get3A_1523 = tpu.vector_load %arg5[%get3A_1521, %get3A_1522] {strides = array<i32>} : memref<26x128xf32, #tpu.memory_space<vmem>>, vector<1x16xf32>,
    %get3A_1524 = vector.shape_cast %get3A_1523 : vector<1x16xf32> to vector<16xf32>
    %mul3A_1525 = arith.constant 0.0384615399 : f32
    %mul3A_1526 = vector.broadcast %mul3A_1525 : f32 to vector<16xf32>
    %mul3A_1527 = arith.mulf %get3A_1524, %mul3A_1526 : vector<16xf32>
    %get3A_1528 = arith.constant 7 : i32
    %get3A_1529 = arith.index_cast %get3A_1528 : i32 to index
    %get3A_1530 = arith.constant 112 : index
    %get3A_1531 = tpu.vector_load %arg5[%get3A_1529, %get3A_1530] {strides = array<i32>} : memref<26x128xf32, #tpu.memory_space<vmem>>, vector<1x16xf32>,
    %get3A_1532 = vector.shape_cast %get3A_1531 : vector<1x16xf32> to vector<16xf32>
    %mul3A_1533 = arith.constant 0.0384615399 : f32
    %mul3A_1534 = vector.broadcast %mul3A_1533 : f32 to vector<16xf32>
    %mul3A_1535 = arith.mulf %get3A_1532, %mul3A_1534 : vector<16xf32>
    %get3A_1536 = arith.constant 8 : i32
    %get3A_1537 = arith.index_cast %get3A_1536 : i32 to index
    %get3A_1538 = arith.constant 112 : index
    %get3A_1539 = tpu.vector_load %arg5[%get3A_1537, %get3A_1538] {strides = array<i32>} : memref<26x128xf32, #tpu.memory_space<vmem>>, vector<1x16xf32>,
    %get3A_1540 = vector.shape_cast %get3A_1539 : vector<1x16xf32> to vector<16xf32>
    %mul3A_1541 = arith.constant 0.0384615399 : f32
    %mul3A_1542 = vector.broadcast %mul3A_1541 : f32 to vector<16xf32>
    %mul3A_1543 = arith.mulf %get3A_1540, %mul3A_1542 : vector<16xf32>
    %get3A_1544 = arith.constant 9 : i32
    %get3A_1545 = arith.index_cast %get3A_1544 : i32 to index
    %get3A_1546 = arith.constant 112 : index
    %get3A_1547 = tpu.vector_load %arg5[%get3A_1545, %get3A_1546] {strides = array<i32>} : memref<26x128xf32, #tpu.memory_space<vmem>>, vector<1x16xf32>,
    %get3A_1548 = vector.shape_cast %get3A_1547 : vector<1x16xf32> to vector<16xf32>
    %mul3A_1549 = arith.constant 0.0384615399 : f32
    %mul3A_1550 = vector.broadcast %mul3A_1549 : f32 to vector<16xf32>
    %mul3A_1551 = arith.mulf %get3A_1548, %mul3A_1550 : vector<16xf32>
    %get3A_1552 = arith.constant 10 : i32
    %get3A_1553 = arith.index_cast %get3A_1552 : i32 to index
    %get3A_1554 = arith.constant 112 : index
    %get3A_1555 = tpu.vector_load %arg5[%get3A_1553, %get3A_1554] {strides = array<i32>} : memref<26x128xf32, #tpu.memory_space<vmem>>, vector<1x16xf32>,
    %get3A_1556 = vector.shape_cast %get3A_1555 : vector<1x16xf32> to vector<16xf32>
    %mul3A_1557 = arith.constant 0.0384615399 : f32
    %mul3A_1558 = vector.broadcast %mul3A_1557 : f32 to vector<16xf32>
    %mul3A_1559 = arith.mulf %get3A_1556, %mul3A_1558 : vector<16xf32>
    %get3A_1560 = arith.constant 11 : i32
    %get3A_1561 = arith.index_cast %get3A_1560 : i32 to index
    %get3A_1562 = arith.constant 112 : index
    %get3A_1563 = tpu.vector_load %arg5[%get3A_1561, %get3A_1562] {strides = array<i32>} : memref<26x128xf32, #tpu.memory_space<vmem>>, vector<1x16xf32>,
    %get3A_1564 = vector.shape_cast %get3A_1563 : vector<1x16xf32> to vector<16xf32>
    %mul3A_1565 = arith.constant 0.0384615399 : f32
    %mul3A_1566 = vector.broadcast %mul3A_1565 : f32 to vector<16xf32>
    %mul3A_1567 = arith.mulf %get3A_1564, %mul3A_1566 : vector<16xf32>
    %get3A_1568 = arith.constant 12 : i32
    %get3A_1569 = arith.index_cast %get3A_1568 : i32 to index
    %get3A_1570 = arith.constant 112 : index
    %get3A_1571 = tpu.vector_load %arg5[%get3A_1569, %get3A_1570] {strides = array<i32>} : memref<26x128xf32, #tpu.memory_space<vmem>>, vector<1x16xf32>,
    %get3A_1572 = vector.shape_cast %get3A_1571 : vector<1x16xf32> to vector<16xf32>
    %mul3A_1573 = arith.constant 0.0384615399 : f32
    %mul3A_1574 = vector.broadcast %mul3A_1573 : f32 to vector<16xf32>
    %mul3A_1575 = arith.mulf %get3A_1572, %mul3A_1574 : vector<16xf32>
    %get3A_1576 = arith.constant 13 : i32
    %get3A_1577 = arith.index_cast %get3A_1576 : i32 to index
    %get3A_1578 = arith.constant 112 : index
    %get3A_1579 = tpu.vector_load %arg5[%get3A_1577, %get3A_1578] {strides = array<i32>} : memref<26x128xf32, #tpu.memory_space<vmem>>, vector<1x16xf32>,
    %get3A_1580 = vector.shape_cast %get3A_1579 : vector<1x16xf32> to vector<16xf32>
    %mul3A_1581 = arith.constant 0.0384615399 : f32
    %mul3A_1582 = vector.broadcast %mul3A_1581 : f32 to vector<16xf32>
    %mul3A_1583 = arith.mulf %get3A_1580, %mul3A_1582 : vector<16xf32>
    %get3A_1584 = arith.constant 14 : i32
    %get3A_1585 = arith.index_cast %get3A_1584 : i32 to index
    %get3A_1586 = arith.constant 112 : index
    %get3A_1587 = tpu.vector_load %arg5[%get3A_1585, %get3A_1586] {strides = array<i32>} : memref<26x128xf32, #tpu.memory_space<vmem>>, vector<1x16xf32>,
    %get3A_1588 = vector.shape_cast %get3A_1587 : vector<1x16xf32> to vector<16xf32>
    %mul3A_1589 = arith.constant 0.0384615399 : f32
    %mul3A_1590 = vector.broadcast %mul3A_1589 : f32 to vector<16xf32>
    %mul3A_1591 = arith.mulf %get3A_1588, %mul3A_1590 : vector<16xf32>
    %get3A_1592 = arith.constant 15 : i32
    %get3A_1593 = arith.index_cast %get3A_1592 : i32 to index
    %get3A_1594 = arith.constant 112 : index
    %get3A_1595 = tpu.vector_load %arg5[%get3A_1593, %get3A_1594] {strides = array<i32>} : memref<26x128xf32, #tpu.memory_space<vmem>>, vector<1x16xf32>,
    %get3A_1596 = vector.shape_cast %get3A_1595 : vector<1x16xf32> to vector<16xf32>
    %mul3A_1597 = arith.constant 0.0384615399 : f32
    %mul3A_1598 = vector.broadcast %mul3A_1597 : f32 to vector<16xf32>
    %mul3A_1599 = arith.mulf %get3A_1596, %mul3A_1598 : vector<16xf32>
    %get3A_1600 = arith.constant 16 : i32
    %get3A_1601 = arith.index_cast %get3A_1600 : i32 to index
    %get3A_1602 = arith.constant 112 : index
    %get3A_1603 = tpu.vector_load %arg5[%get3A_1601, %get3A_1602] {strides = array<i32>} : memref<26x128xf32, #tpu.memory_space<vmem>>, vector<1x16xf32>,
    %get3A_1604 = vector.shape_cast %get3A_1603 : vector<1x16xf32> to vector<16xf32>
    %mul3A_1605 = arith.constant 0.0384615399 : f32
    %mul3A_1606 = vector.broadcast %mul3A_1605 : f32 to vector<16xf32>
    %mul3A_1607 = arith.mulf %get3A_1604, %mul3A_1606 : vector<16xf32>
    %get3A_1608 = arith.constant 17 : i32
    %get3A_1609 = arith.index_cast %get3A_1608 : i32 to index
    %get3A_1610 = arith.constant 112 : index
    %get3A_1611 = tpu.vector_load %arg5[%get3A_1609, %get3A_1610] {strides = array<i32>} : memref<26x128xf32, #tpu.memory_space<vmem>>, vector<1x16xf32>,
    %get3A_1612 = vector.shape_cast %get3A_1611 : vector<1x16xf32> to vector<16xf32>
    %mul3A_1613 = arith.constant 0.0384615399 : f32
    %mul3A_1614 = vector.broadcast %mul3A_1613 : f32 to vector<16xf32>
    %mul3A_1615 = arith.mulf %get3A_1612, %mul3A_1614 : vector<16xf32>
    %get3A_1616 = arith.constant 18 : i32
    %get3A_1617 = arith.index_cast %get3A_1616 : i32 to index
    %get3A_1618 = arith.constant 112 : index
    %get3A_1619 = tpu.vector_load %arg5[%get3A_1617, %get3A_1618] {strides = array<i32>} : memref<26x128xf32, #tpu.memory_space<vmem>>, vector<1x16xf32>,
    %get3A_1620 = vector.shape_cast %get3A_1619 : vector<1x16xf32> to vector<16xf32>
    %mul3A_1621 = arith.constant 0.0384615399 : f32
    %mul3A_1622 = vector.broadcast %mul3A_1621 : f32 to vector<16xf32>
    %mul3A_1623 = arith.mulf %get3A_1620, %mul3A_1622 : vector<16xf32>
    %get3A_1624 = arith.constant 19 : i32
    %get3A_1625 = arith.index_cast %get3A_1624 : i32 to index
    %get3A_1626 = arith.constant 112 : index
    %get3A_1627 = tpu.vector_load %arg5[%get3A_1625, %get3A_1626] {strides = array<i32>} : memref<26x128xf32, #tpu.memory_space<vmem>>, vector<1x16xf32>,
    %get3A_1628 = vector.shape_cast %get3A_1627 : vector<1x16xf32> to vector<16xf32>
    %mul3A_1629 = arith.constant 0.0384615399 : f32
    %mul3A_1630 = vector.broadcast %mul3A_1629 : f32 to vector<16xf32>
    %mul3A_1631 = arith.mulf %get3A_1628, %mul3A_1630 : vector<16xf32>
    %get3A_1632 = arith.constant 20 : i32
    %get3A_1633 = arith.index_cast %get3A_1632 : i32 to index
    %get3A_1634 = arith.constant 112 : index
    %get3A_1635 = tpu.vector_load %arg5[%get3A_1633, %get3A_1634] {strides = array<i32>} : memref<26x128xf32, #tpu.memory_space<vmem>>, vector<1x16xf32>,
    %get3A_1636 = vector.shape_cast %get3A_1635 : vector<1x16xf32> to vector<16xf32>
    %mul3A_1637 = arith.constant 0.0384615399 : f32
    %mul3A_1638 = vector.broadcast %mul3A_1637 : f32 to vector<16xf32>
    %mul3A_1639 = arith.mulf %get3A_1636, %mul3A_1638 : vector<16xf32>
    %get3A_1640 = arith.constant 21 : i32
    %get3A_1641 = arith.index_cast %get3A_1640 : i32 to index
    %get3A_1642 = arith.constant 112 : index
    %get3A_1643 = tpu.vector_load %arg5[%get3A_1641, %get3A_1642] {strides = array<i32>} : memref<26x128xf32, #tpu.memory_space<vmem>>, vector<1x16xf32>,
    %get3A_1644 = vector.shape_cast %get3A_1643 : vector<1x16xf32> to vector<16xf32>
    %mul3A_1645 = arith.constant 0.0384615399 : f32
    %mul3A_1646 = vector.broadcast %mul3A_1645 : f32 to vector<16xf32>
    %mul3A_1647 = arith.mulf %get3A_1644, %mul3A_1646 : vector<16xf32>
    %get3A_1648 = arith.constant 22 : i32
    %get3A_1649 = arith.index_cast %get3A_1648 : i32 to index
    %get3A_1650 = arith.constant 112 : index
    %get3A_1651 = tpu.vector_load %arg5[%get3A_1649, %get3A_1650] {strides = array<i32>} : memref<26x128xf32, #tpu.memory_space<vmem>>, vector<1x16xf32>,
    %get3A_1652 = vector.shape_cast %get3A_1651 : vector<1x16xf32> to vector<16xf32>
    %mul3A_1653 = arith.constant 0.0384615399 : f32
    %mul3A_1654 = vector.broadcast %mul3A_1653 : f32 to vector<16xf32>
    %mul3A_1655 = arith.mulf %get3A_1652, %mul3A_1654 : vector<16xf32>
    %get3A_1656 = arith.constant 23 : i32
    %get3A_1657 = arith.index_cast %get3A_1656 : i32 to index
    %get3A_1658 = arith.constant 112 : index
    %get3A_1659 = tpu.vector_load %arg5[%get3A_1657, %get3A_1658] {strides = array<i32>} : memref<26x128xf32, #tpu.memory_space<vmem>>, vector<1x16xf32>,
    %get3A_1660 = vector.shape_cast %get3A_1659 : vector<1x16xf32> to vector<16xf32>
    %mul3A_1661 = arith.constant 0.0384615399 : f32
    %mul3A_1662 = vector.broadcast %mul3A_1661 : f32 to vector<16xf32>
    %mul3A_1663 = arith.mulf %get3A_1660, %mul3A_1662 : vector<16xf32>
    %get3A_1664 = arith.constant 24 : i32
    %get3A_1665 = arith.index_cast %get3A_1664 : i32 to index
    %get3A_1666 = arith.constant 112 : index
    %get3A_1667 = tpu.vector_load %arg5[%get3A_1665, %get3A_1666] {strides = array<i32>} : memref<26x128xf32, #tpu.memory_space<vmem>>, vector<1x16xf32>,
    %get3A_1668 = vector.shape_cast %get3A_1667 : vector<1x16xf32> to vector<16xf32>
    %mul3A_1669 = arith.constant 0.0384615399 : f32
    %mul3A_1670 = vector.broadcast %mul3A_1669 : f32 to vector<16xf32>
    %mul3A_1671 = arith.mulf %get3A_1668, %mul3A_1670 : vector<16xf32>
    %get3A_1672 = arith.constant 25 : i32
    %get3A_1673 = arith.index_cast %get3A_1672 : i32 to index
    %get3A_1674 = arith.constant 112 : index
    %get3A_1675 = tpu.vector_load %arg5[%get3A_1673, %get3A_1674] {strides = array<i32>} : memref<26x128xf32, #tpu.memory_space<vmem>>, vector<1x16xf32>,
    %get3A_1676 = vector.shape_cast %get3A_1675 : vector<1x16xf32> to vector<16xf32>
    %mul3A_1677 = arith.constant 0.0384615399 : f32
    %mul3A_1678 = vector.broadcast %mul3A_1677 : f32 to vector<16xf32>
    %mul3A_1679 = arith.mulf %get3A_1676, %mul3A_1678 : vector<16xf32>
    %scan3A_1680 = arith.constant 0 : i32
    %scan3A_1681 = arith.constant 32 : i32
    %scan3A_1682 = arith.addi %scan3A_1680, %scan3A_1681 : i32
    %scan3A_1683 = arith.constant 1 : i32
    scf.for %scan3A_1685 = %scan3A_1680 to %scan3A_1682 step %scan3A_1683  : i32 {
      %parallel_loop3A = arith.constant 0 : i32
      %parallel_loop3A_1686 = arith.constant 20 : i32
      %parallel_loop3A_1687 = arith.constant 1 : i32
      scf.for %parallel_loop3A_1688 = %parallel_loop3A to %parallel_loop3A_1686 step %parallel_loop3A_1687  : i32 {
        %parallel_loop3A_1689 = arith.index_cast %scan3A_1685 : i32 to index
        %parallel_loop3A_1690 = arith.index_cast %parallel_loop3A_1688 : i32 to index
        %parallel_loop3A_1691 = arith.constant 0 : index
        %parallel_loop3A_1692 = tpu.vector_load %arg6[%parallel_loop3A_1689, %parallel_loop3A_1690, %parallel_loop3A_1691] {strides = array<i32>} : memref<32x24x32xf32, #tpu.memory_space<vmem>>, vector<1x1x16xf32>,
        %parallel_loop3A_1693 = vector.shape_cast %parallel_loop3A_1692 : vector<1x1x16xf32> to vector<16xf32>
        %parallel_loop3A_1694 = arith.index_cast %scan3A_1685 : i32 to index
        %parallel_loop3A_1695 = arith.index_cast %parallel_loop3A_1688 : i32 to index
        %parallel_loop3A_1696 = arith.constant 10 : index
        %parallel_loop3A_1697 = tpu.vector_load %arg6[%parallel_loop3A_1694, %parallel_loop3A_1695, %parallel_loop3A_1696] {strides = array<i32>} : memref<32x24x32xf32, #tpu.memory_space<vmem>>, vector<1x1x16xf32>,
        %parallel_loop3A_1698 = vector.shape_cast %parallel_loop3A_1697 : vector<1x1x16xf32> to vector<16xf32>
        %parallel_loop3A_1699 = vector.extract_strided_slice %parallel_loop3A_1693 {offsets = [0], sizes = [1], strides = [1]} : vector<16xf32> to vector<1xf32>
        %parallel_loop3A_1700 = vector.extract %parallel_loop3A_1699[0] : f32 from vector<1xf32>
        %parallel_loop3A_1701 = vector.extract_strided_slice %parallel_loop3A_1693 {offsets = [1], sizes = [1], strides = [1]} : vector<16xf32> to vector<1xf32>
        %parallel_loop3A_1702 = vector.extract %parallel_loop3A_1701[0] : f32 from vector<1xf32>
        %parallel_loop3A_1703 = vector.extract_strided_slice %parallel_loop3A_1693 {offsets = [2], sizes = [1], strides = [1]} : vector<16xf32> to vector<1xf32>
        %parallel_loop3A_1704 = vector.extract %parallel_loop3A_1703[0] : f32 from vector<1xf32>
        %parallel_loop3A_1705 = vector.extract_strided_slice %parallel_loop3A_1693 {offsets = [3], sizes = [1], strides = [1]} : vector<16xf32> to vector<1xf32>
        %parallel_loop3A_1706 = vector.extract %parallel_loop3A_1705[0] : f32 from vector<1xf32>
        %parallel_loop3A_1707 = vector.extract_strided_slice %parallel_loop3A_1693 {offsets = [4], sizes = [1], strides = [1]} : vector<16xf32> to vector<1xf32>
        %parallel_loop3A_1708 = vector.extract %parallel_loop3A_1707[0] : f32 from vector<1xf32>
        %parallel_loop3A_1709 = vector.extract_strided_slice %parallel_loop3A_1693 {offsets = [5], sizes = [1], strides = [1]} : vector<16xf32> to vector<1xf32>
        %parallel_loop3A_1710 = vector.extract %parallel_loop3A_1709[0] : f32 from vector<1xf32>
        %parallel_loop3A_1711 = vector.extract_strided_slice %parallel_loop3A_1693 {offsets = [6], sizes = [1], strides = [1]} : vector<16xf32> to vector<1xf32>
        %parallel_loop3A_1712 = vector.extract %parallel_loop3A_1711[0] : f32 from vector<1xf32>
        %parallel_loop3A_1713 = vector.extract_strided_slice %parallel_loop3A_1693 {offsets = [7], sizes = [1], strides = [1]} : vector<16xf32> to vector<1xf32>
        %parallel_loop3A_1714 = vector.extract %parallel_loop3A_1713[0] : f32 from vector<1xf32>
        %parallel_loop3A_1715 = vector.extract_strided_slice %parallel_loop3A_1693 {offsets = [8], sizes = [1], strides = [1]} : vector<16xf32> to vector<1xf32>
        %parallel_loop3A_1716 = vector.extract %parallel_loop3A_1715[0] : f32 from vector<1xf32>
        %parallel_loop3A_1717 = vector.extract_strided_slice %parallel_loop3A_1693 {offsets = [9], sizes = [1], strides = [1]} : vector<16xf32> to vector<1xf32>
        %parallel_loop3A_1718 = vector.extract %parallel_loop3A_1717[0] : f32 from vector<1xf32>
        %parallel_loop3A_1719 = vector.extract_strided_slice %parallel_loop3A_1693 {offsets = [10], sizes = [1], strides = [1]} : vector<16xf32> to vector<1xf32>
        %parallel_loop3A_1720 = vector.extract %parallel_loop3A_1719[0] : f32 from vector<1xf32>
        %parallel_loop3A_1721 = vector.extract_strided_slice %parallel_loop3A_1693 {offsets = [11], sizes = [1], strides = [1]} : vector<16xf32> to vector<1xf32>
        %parallel_loop3A_1722 = vector.extract %parallel_loop3A_1721[0] : f32 from vector<1xf32>
        %parallel_loop3A_1723 = vector.extract_strided_slice %parallel_loop3A_1693 {offsets = [12], sizes = [1], strides = [1]} : vector<16xf32> to vector<1xf32>
        %parallel_loop3A_1724 = vector.extract %parallel_loop3A_1723[0] : f32 from vector<1xf32>
        %parallel_loop3A_1725 = vector.extract_strided_slice %parallel_loop3A_1693 {offsets = [13], sizes = [1], strides = [1]} : vector<16xf32> to vector<1xf32>
        %parallel_loop3A_1726 = vector.extract %parallel_loop3A_1725[0] : f32 from vector<1xf32>
        %parallel_loop3A_1727 = vector.extract_strided_slice %parallel_loop3A_1693 {offsets = [14], sizes = [1], strides = [1]} : vector<16xf32> to vector<1xf32>
        %parallel_loop3A_1728 = vector.extract %parallel_loop3A_1727[0] : f32 from vector<1xf32>
        %parallel_loop3A_1729 = vector.extract_strided_slice %parallel_loop3A_1693 {offsets = [15], sizes = [1], strides = [1]} : vector<16xf32> to vector<1xf32>
        %parallel_loop3A_1730 = vector.extract %parallel_loop3A_1729[0] : f32 from vector<1xf32>
        %parallel_loop3A_1731 = vector.extract_strided_slice %parallel_loop3A_1698 {offsets = [6], sizes = [1], strides = [1]} : vector<16xf32> to vector<1xf32>
        %parallel_loop3A_1732 = vector.extract %parallel_loop3A_1731[0] : f32 from vector<1xf32>
        %parallel_loop3A_1733 = vector.extract_strided_slice %parallel_loop3A_1698 {offsets = [7], sizes = [1], strides = [1]} : vector<16xf32> to vector<1xf32>
        %parallel_loop3A_1734 = vector.extract %parallel_loop3A_1733[0] : f32 from vector<1xf32>
        %parallel_loop3A_1735 = vector.extract_strided_slice %parallel_loop3A_1698 {offsets = [8], sizes = [1], strides = [1]} : vector<16xf32> to vector<1xf32>
        %parallel_loop3A_1736 = vector.extract %parallel_loop3A_1735[0] : f32 from vector<1xf32>
        %parallel_loop3A_1737 = vector.extract_strided_slice %parallel_loop3A_1698 {offsets = [9], sizes = [1], strides = [1]} : vector<16xf32> to vector<1xf32>
        %parallel_loop3A_1738 = vector.extract %parallel_loop3A_1737[0] : f32 from vector<1xf32>
        %parallel_loop3A_1739 = vector.extract_strided_slice %parallel_loop3A_1698 {offsets = [10], sizes = [1], strides = [1]} : vector<16xf32> to vector<1xf32>
        %parallel_loop3A_1740 = vector.extract %parallel_loop3A_1739[0] : f32 from vector<1xf32>
        %parallel_loop3A_1741 = vector.extract_strided_slice %parallel_loop3A_1698 {offsets = [11], sizes = [1], strides = [1]} : vector<16xf32> to vector<1xf32>
        %parallel_loop3A_1742 = vector.extract %parallel_loop3A_1741[0] : f32 from vector<1xf32>
        %parallel_loop3A_1743 = vector.extract_strided_slice %parallel_loop3A_1698 {offsets = [12], sizes = [1], strides = [1]} : vector<16xf32> to vector<1xf32>
        %parallel_loop3A_1744 = vector.extract %parallel_loop3A_1743[0] : f32 from vector<1xf32>
        %parallel_loop3A_1745 = vector.extract_strided_slice %parallel_loop3A_1698 {offsets = [13], sizes = [1], strides = [1]} : vector<16xf32> to vector<1xf32>
        %parallel_loop3A_1746 = vector.extract %parallel_loop3A_1745[0] : f32 from vector<1xf32>
        %parallel_loop3A_1747 = vector.extract_strided_slice %parallel_loop3A_1698 {offsets = [14], sizes = [1], strides = [1]} : vector<16xf32> to vector<1xf32>
        %parallel_loop3A_1748 = vector.extract %parallel_loop3A_1747[0] : f32 from vector<1xf32>
        %parallel_loop3A_1749 = vector.extract_strided_slice %parallel_loop3A_1698 {offsets = [15], sizes = [1], strides = [1]} : vector<16xf32> to vector<1xf32>
        %parallel_loop3A_1750 = vector.extract %parallel_loop3A_1749[0] : f32 from vector<1xf32>
        %parallel_loop3A_1751 = vector.broadcast %parallel_loop3A_1700 : f32 to vector<16xf32>
        %parallel_loop3A_1752 = arith.mulf %parallel_loop3A_1751, %mul3A_1271 : vector<16xf32>
        %parallel_loop3A_1753 = vector.broadcast %parallel_loop3A_1700 : f32 to vector<16xf32>
        %parallel_loop3A_1754 = arith.mulf %parallel_loop3A_1753, %mul3A_1479 : vector<16xf32>
        %parallel_loop3A_1755 = vector.broadcast %parallel_loop3A_1702 : f32 to vector<16xf32>
        %parallel_loop3A_1756 = arith.mulf %parallel_loop3A_1755, %mul3A_1279 : vector<16xf32>
        %parallel_loop3A_1757 = arith.addf %parallel_loop3A_1752, %parallel_loop3A_1756 : vector<16xf32>
        %parallel_loop3A_1758 = vector.broadcast %parallel_loop3A_1702 : f32 to vector<16xf32>
        %parallel_loop3A_1759 = arith.mulf %parallel_loop3A_1758, %mul3A_1487 : vector<16xf32>
        %parallel_loop3A_1760 = arith.addf %parallel_loop3A_1754, %parallel_loop3A_1759 : vector<16xf32>
        %parallel_loop3A_1761 = vector.broadcast %parallel_loop3A_1704 : f32 to vector<16xf32>
        %parallel_loop3A_1762 = arith.mulf %parallel_loop3A_1761, %mul3A_1287 : vector<16xf32>
        %parallel_loop3A_1763 = arith.addf %parallel_loop3A_1757, %parallel_loop3A_1762 : vector<16xf32>
        %parallel_loop3A_1764 = vector.broadcast %parallel_loop3A_1704 : f32 to vector<16xf32>
        %parallel_loop3A_1765 = arith.mulf %parallel_loop3A_1764, %mul3A_1495 : vector<16xf32>
        %parallel_loop3A_1766 = arith.addf %parallel_loop3A_1760, %parallel_loop3A_1765 : vector<16xf32>
        %parallel_loop3A_1767 = vector.broadcast %parallel_loop3A_1706 : f32 to vector<16xf32>
        %parallel_loop3A_1768 = arith.mulf %parallel_loop3A_1767, %mul3A_1295 : vector<16xf32>
        %parallel_loop3A_1769 = arith.addf %parallel_loop3A_1763, %parallel_loop3A_1768 : vector<16xf32>
        %parallel_loop3A_1770 = vector.broadcast %parallel_loop3A_1706 : f32 to vector<16xf32>
        %parallel_loop3A_1771 = arith.mulf %parallel_loop3A_1770, %mul3A_1503 : vector<16xf32>
        %parallel_loop3A_1772 = arith.addf %parallel_loop3A_1766, %parallel_loop3A_1771 : vector<16xf32>
        %parallel_loop3A_1773 = vector.broadcast %parallel_loop3A_1708 : f32 to vector<16xf32>
        %parallel_loop3A_1774 = arith.mulf %parallel_loop3A_1773, %mul3A_1303 : vector<16xf32>
        %parallel_loop3A_1775 = arith.addf %parallel_loop3A_1769, %parallel_loop3A_1774 : vector<16xf32>
        %parallel_loop3A_1776 = vector.broadcast %parallel_loop3A_1708 : f32 to vector<16xf32>
        %parallel_loop3A_1777 = arith.mulf %parallel_loop3A_1776, %mul3A_1511 : vector<16xf32>
        %parallel_loop3A_1778 = arith.addf %parallel_loop3A_1772, %parallel_loop3A_1777 : vector<16xf32>
        %parallel_loop3A_1779 = vector.broadcast %parallel_loop3A_1710 : f32 to vector<16xf32>
        %parallel_loop3A_1780 = arith.mulf %parallel_loop3A_1779, %mul3A_1311 : vector<16xf32>
        %parallel_loop3A_1781 = arith.addf %parallel_loop3A_1775, %parallel_loop3A_1780 : vector<16xf32>
        %parallel_loop3A_1782 = vector.broadcast %parallel_loop3A_1710 : f32 to vector<16xf32>
        %parallel_loop3A_1783 = arith.mulf %parallel_loop3A_1782, %mul3A_1519 : vector<16xf32>
        %parallel_loop3A_1784 = arith.addf %parallel_loop3A_1778, %parallel_loop3A_1783 : vector<16xf32>
        %parallel_loop3A_1785 = vector.broadcast %parallel_loop3A_1712 : f32 to vector<16xf32>
        %parallel_loop3A_1786 = arith.mulf %parallel_loop3A_1785, %mul3A_1319 : vector<16xf32>
        %parallel_loop3A_1787 = arith.addf %parallel_loop3A_1781, %parallel_loop3A_1786 : vector<16xf32>
        %parallel_loop3A_1788 = vector.broadcast %parallel_loop3A_1712 : f32 to vector<16xf32>
        %parallel_loop3A_1789 = arith.mulf %parallel_loop3A_1788, %mul3A_1527 : vector<16xf32>
        %parallel_loop3A_1790 = arith.addf %parallel_loop3A_1784, %parallel_loop3A_1789 : vector<16xf32>
        %parallel_loop3A_1791 = vector.broadcast %parallel_loop3A_1714 : f32 to vector<16xf32>
        %parallel_loop3A_1792 = arith.mulf %parallel_loop3A_1791, %mul3A_1327 : vector<16xf32>
        %parallel_loop3A_1793 = arith.addf %parallel_loop3A_1787, %parallel_loop3A_1792 : vector<16xf32>
        %parallel_loop3A_1794 = vector.broadcast %parallel_loop3A_1714 : f32 to vector<16xf32>
        %parallel_loop3A_1795 = arith.mulf %parallel_loop3A_1794, %mul3A_1535 : vector<16xf32>
        %parallel_loop3A_1796 = arith.addf %parallel_loop3A_1790, %parallel_loop3A_1795 : vector<16xf32>
        %parallel_loop3A_1797 = vector.broadcast %parallel_loop3A_1716 : f32 to vector<16xf32>
        %parallel_loop3A_1798 = arith.mulf %parallel_loop3A_1797, %mul3A_1335 : vector<16xf32>
        %parallel_loop3A_1799 = arith.addf %parallel_loop3A_1793, %parallel_loop3A_1798 : vector<16xf32>
        %parallel_loop3A_1800 = vector.broadcast %parallel_loop3A_1716 : f32 to vector<16xf32>
        %parallel_loop3A_1801 = arith.mulf %parallel_loop3A_1800, %mul3A_1543 : vector<16xf32>
        %parallel_loop3A_1802 = arith.addf %parallel_loop3A_1796, %parallel_loop3A_1801 : vector<16xf32>
        %parallel_loop3A_1803 = vector.broadcast %parallel_loop3A_1718 : f32 to vector<16xf32>
        %parallel_loop3A_1804 = arith.mulf %parallel_loop3A_1803, %mul3A_1343 : vector<16xf32>
        %parallel_loop3A_1805 = arith.addf %parallel_loop3A_1799, %parallel_loop3A_1804 : vector<16xf32>
        %parallel_loop3A_1806 = vector.broadcast %parallel_loop3A_1718 : f32 to vector<16xf32>
        %parallel_loop3A_1807 = arith.mulf %parallel_loop3A_1806, %mul3A_1551 : vector<16xf32>
        %parallel_loop3A_1808 = arith.addf %parallel_loop3A_1802, %parallel_loop3A_1807 : vector<16xf32>
        %parallel_loop3A_1809 = vector.broadcast %parallel_loop3A_1720 : f32 to vector<16xf32>
        %parallel_loop3A_1810 = arith.mulf %parallel_loop3A_1809, %mul3A_1351 : vector<16xf32>
        %parallel_loop3A_1811 = arith.addf %parallel_loop3A_1805, %parallel_loop3A_1810 : vector<16xf32>
        %parallel_loop3A_1812 = vector.broadcast %parallel_loop3A_1720 : f32 to vector<16xf32>
        %parallel_loop3A_1813 = arith.mulf %parallel_loop3A_1812, %mul3A_1559 : vector<16xf32>
        %parallel_loop3A_1814 = arith.addf %parallel_loop3A_1808, %parallel_loop3A_1813 : vector<16xf32>
        %parallel_loop3A_1815 = vector.broadcast %parallel_loop3A_1722 : f32 to vector<16xf32>
        %parallel_loop3A_1816 = arith.mulf %parallel_loop3A_1815, %mul3A_1359 : vector<16xf32>
        %parallel_loop3A_1817 = arith.addf %parallel_loop3A_1811, %parallel_loop3A_1816 : vector<16xf32>
        %parallel_loop3A_1818 = vector.broadcast %parallel_loop3A_1722 : f32 to vector<16xf32>
        %parallel_loop3A_1819 = arith.mulf %parallel_loop3A_1818, %mul3A_1567 : vector<16xf32>
        %parallel_loop3A_1820 = arith.addf %parallel_loop3A_1814, %parallel_loop3A_1819 : vector<16xf32>
        %parallel_loop3A_1821 = vector.broadcast %parallel_loop3A_1724 : f32 to vector<16xf32>
        %parallel_loop3A_1822 = arith.mulf %parallel_loop3A_1821, %mul3A_1367 : vector<16xf32>
        %parallel_loop3A_1823 = arith.addf %parallel_loop3A_1817, %parallel_loop3A_1822 : vector<16xf32>
        %parallel_loop3A_1824 = vector.broadcast %parallel_loop3A_1724 : f32 to vector<16xf32>
        %parallel_loop3A_1825 = arith.mulf %parallel_loop3A_1824, %mul3A_1575 : vector<16xf32>
        %parallel_loop3A_1826 = arith.addf %parallel_loop3A_1820, %parallel_loop3A_1825 : vector<16xf32>
        %parallel_loop3A_1827 = vector.broadcast %parallel_loop3A_1726 : f32 to vector<16xf32>
        %parallel_loop3A_1828 = arith.mulf %parallel_loop3A_1827, %mul3A_1375 : vector<16xf32>
        %parallel_loop3A_1829 = arith.addf %parallel_loop3A_1823, %parallel_loop3A_1828 : vector<16xf32>
        %parallel_loop3A_1830 = vector.broadcast %parallel_loop3A_1726 : f32 to vector<16xf32>
        %parallel_loop3A_1831 = arith.mulf %parallel_loop3A_1830, %mul3A_1583 : vector<16xf32>
        %parallel_loop3A_1832 = arith.addf %parallel_loop3A_1826, %parallel_loop3A_1831 : vector<16xf32>
        %parallel_loop3A_1833 = vector.broadcast %parallel_loop3A_1728 : f32 to vector<16xf32>
        %parallel_loop3A_1834 = arith.mulf %parallel_loop3A_1833, %mul3A_1383 : vector<16xf32>
        %parallel_loop3A_1835 = arith.addf %parallel_loop3A_1829, %parallel_loop3A_1834 : vector<16xf32>
        %parallel_loop3A_1836 = vector.broadcast %parallel_loop3A_1728 : f32 to vector<16xf32>
        %parallel_loop3A_1837 = arith.mulf %parallel_loop3A_1836, %mul3A_1591 : vector<16xf32>
        %parallel_loop3A_1838 = arith.addf %parallel_loop3A_1832, %parallel_loop3A_1837 : vector<16xf32>
        %parallel_loop3A_1839 = vector.broadcast %parallel_loop3A_1730 : f32 to vector<16xf32>
        %parallel_loop3A_1840 = arith.mulf %parallel_loop3A_1839, %mul3A_1391 : vector<16xf32>
        %parallel_loop3A_1841 = arith.addf %parallel_loop3A_1835, %parallel_loop3A_1840 : vector<16xf32>
        %parallel_loop3A_1842 = vector.broadcast %parallel_loop3A_1730 : f32 to vector<16xf32>
        %parallel_loop3A_1843 = arith.mulf %parallel_loop3A_1842, %mul3A_1599 : vector<16xf32>
        %parallel_loop3A_1844 = arith.addf %parallel_loop3A_1838, %parallel_loop3A_1843 : vector<16xf32>
        %parallel_loop3A_1845 = vector.broadcast %parallel_loop3A_1732 : f32 to vector<16xf32>
        %parallel_loop3A_1846 = arith.mulf %parallel_loop3A_1845, %mul3A_1399 : vector<16xf32>
        %parallel_loop3A_1847 = arith.addf %parallel_loop3A_1841, %parallel_loop3A_1846 : vector<16xf32>
        %parallel_loop3A_1848 = vector.broadcast %parallel_loop3A_1732 : f32 to vector<16xf32>
        %parallel_loop3A_1849 = arith.mulf %parallel_loop3A_1848, %mul3A_1607 : vector<16xf32>
        %parallel_loop3A_1850 = arith.addf %parallel_loop3A_1844, %parallel_loop3A_1849 : vector<16xf32>
        %parallel_loop3A_1851 = vector.broadcast %parallel_loop3A_1734 : f32 to vector<16xf32>
        %parallel_loop3A_1852 = arith.mulf %parallel_loop3A_1851, %mul3A_1407 : vector<16xf32>
        %parallel_loop3A_1853 = arith.addf %parallel_loop3A_1847, %parallel_loop3A_1852 : vector<16xf32>
        %parallel_loop3A_1854 = vector.broadcast %parallel_loop3A_1734 : f32 to vector<16xf32>
        %parallel_loop3A_1855 = arith.mulf %parallel_loop3A_1854, %mul3A_1615 : vector<16xf32>
        %parallel_loop3A_1856 = arith.addf %parallel_loop3A_1850, %parallel_loop3A_1855 : vector<16xf32>
        %parallel_loop3A_1857 = vector.broadcast %parallel_loop3A_1736 : f32 to vector<16xf32>
        %parallel_loop3A_1858 = arith.mulf %parallel_loop3A_1857, %mul3A_1415 : vector<16xf32>
        %parallel_loop3A_1859 = arith.addf %parallel_loop3A_1853, %parallel_loop3A_1858 : vector<16xf32>
        %parallel_loop3A_1860 = vector.broadcast %parallel_loop3A_1736 : f32 to vector<16xf32>
        %parallel_loop3A_1861 = arith.mulf %parallel_loop3A_1860, %mul3A_1623 : vector<16xf32>
        %parallel_loop3A_1862 = arith.addf %parallel_loop3A_1856, %parallel_loop3A_1861 : vector<16xf32>
        %parallel_loop3A_1863 = vector.broadcast %parallel_loop3A_1738 : f32 to vector<16xf32>
        %parallel_loop3A_1864 = arith.mulf %parallel_loop3A_1863, %mul3A_1423 : vector<16xf32>
        %parallel_loop3A_1865 = arith.addf %parallel_loop3A_1859, %parallel_loop3A_1864 : vector<16xf32>
        %parallel_loop3A_1866 = vector.broadcast %parallel_loop3A_1738 : f32 to vector<16xf32>
        %parallel_loop3A_1867 = arith.mulf %parallel_loop3A_1866, %mul3A_1631 : vector<16xf32>
        %parallel_loop3A_1868 = arith.addf %parallel_loop3A_1862, %parallel_loop3A_1867 : vector<16xf32>
        %parallel_loop3A_1869 = vector.broadcast %parallel_loop3A_1740 : f32 to vector<16xf32>
        %parallel_loop3A_1870 = arith.mulf %parallel_loop3A_1869, %mul3A_1431 : vector<16xf32>
        %parallel_loop3A_1871 = arith.addf %parallel_loop3A_1865, %parallel_loop3A_1870 : vector<16xf32>
        %parallel_loop3A_1872 = vector.broadcast %parallel_loop3A_1740 : f32 to vector<16xf32>
        %parallel_loop3A_1873 = arith.mulf %parallel_loop3A_1872, %mul3A_1639 : vector<16xf32>
        %parallel_loop3A_1874 = arith.addf %parallel_loop3A_1868, %parallel_loop3A_1873 : vector<16xf32>
        %parallel_loop3A_1875 = vector.broadcast %parallel_loop3A_1742 : f32 to vector<16xf32>
        %parallel_loop3A_1876 = arith.mulf %parallel_loop3A_1875, %mul3A_1439 : vector<16xf32>
        %parallel_loop3A_1877 = arith.addf %parallel_loop3A_1871, %parallel_loop3A_1876 : vector<16xf32>
        %parallel_loop3A_1878 = vector.broadcast %parallel_loop3A_1742 : f32 to vector<16xf32>
        %parallel_loop3A_1879 = arith.mulf %parallel_loop3A_1878, %mul3A_1647 : vector<16xf32>
        %parallel_loop3A_1880 = arith.addf %parallel_loop3A_1874, %parallel_loop3A_1879 : vector<16xf32>
        %parallel_loop3A_1881 = vector.broadcast %parallel_loop3A_1744 : f32 to vector<16xf32>
        %parallel_loop3A_1882 = arith.mulf %parallel_loop3A_1881, %mul3A_1447 : vector<16xf32>
        %parallel_loop3A_1883 = arith.addf %parallel_loop3A_1877, %parallel_loop3A_1882 : vector<16xf32>
        %parallel_loop3A_1884 = vector.broadcast %parallel_loop3A_1744 : f32 to vector<16xf32>
        %parallel_loop3A_1885 = arith.mulf %parallel_loop3A_1884, %mul3A_1655 : vector<16xf32>
        %parallel_loop3A_1886 = arith.addf %parallel_loop3A_1880, %parallel_loop3A_1885 : vector<16xf32>
        %parallel_loop3A_1887 = vector.broadcast %parallel_loop3A_1746 : f32 to vector<16xf32>
        %parallel_loop3A_1888 = arith.mulf %parallel_loop3A_1887, %mul3A_1455 : vector<16xf32>
        %parallel_loop3A_1889 = arith.addf %parallel_loop3A_1883, %parallel_loop3A_1888 : vector<16xf32>
        %parallel_loop3A_1890 = vector.broadcast %parallel_loop3A_1746 : f32 to vector<16xf32>
        %parallel_loop3A_1891 = arith.mulf %parallel_loop3A_1890, %mul3A_1663 : vector<16xf32>
        %parallel_loop3A_1892 = arith.addf %parallel_loop3A_1886, %parallel_loop3A_1891 : vector<16xf32>
        %parallel_loop3A_1893 = vector.broadcast %parallel_loop3A_1748 : f32 to vector<16xf32>
        %parallel_loop3A_1894 = arith.mulf %parallel_loop3A_1893, %mul3A_1463 : vector<16xf32>
        %parallel_loop3A_1895 = arith.addf %parallel_loop3A_1889, %parallel_loop3A_1894 : vector<16xf32>
        %parallel_loop3A_1896 = vector.broadcast %parallel_loop3A_1748 : f32 to vector<16xf32>
        %parallel_loop3A_1897 = arith.mulf %parallel_loop3A_1896, %mul3A_1671 : vector<16xf32>
        %parallel_loop3A_1898 = arith.addf %parallel_loop3A_1892, %parallel_loop3A_1897 : vector<16xf32>
        %parallel_loop3A_1899 = vector.broadcast %parallel_loop3A_1750 : f32 to vector<16xf32>
        %parallel_loop3A_1900 = arith.mulf %parallel_loop3A_1899, %mul3A_1471 : vector<16xf32>
        %parallel_loop3A_1901 = arith.addf %parallel_loop3A_1895, %parallel_loop3A_1900 : vector<16xf32>
        %parallel_loop3A_1902 = vector.broadcast %parallel_loop3A_1750 : f32 to vector<16xf32>
        %parallel_loop3A_1903 = arith.mulf %parallel_loop3A_1902, %mul3A_1679 : vector<16xf32>
        %parallel_loop3A_1904 = arith.addf %parallel_loop3A_1898, %parallel_loop3A_1903 : vector<16xf32>
        %parallel_loop3A_1905 = arith.index_cast %parallel_loop3A_1688 : i32 to index
        %parallel_loop3A_1906 = arith.index_cast %scan3A_1685 : i32 to index
        %parallel_loop3A_1907 = arith.constant 96 : index
        %parallel_loop3A_1908 = tpu.vector_load %arg7[%parallel_loop3A_1905, %parallel_loop3A_1906, %parallel_loop3A_1907] {strides = array<i32>} : memref<20x32x128xf32, #tpu.memory_space<vmem>>, vector<1x1x16xf32>,
        %parallel_loop3A_1909 = vector.shape_cast %parallel_loop3A_1908 : vector<1x1x16xf32> to vector<16xf32>
        %parallel_loop3A_1910 = vector.shape_cast %parallel_loop3A_1901 : vector<16xf32> to vector<1x1x16xf32>
        tpu.vector_store %arg7[%parallel_loop3A_1905, %parallel_loop3A_1906, %parallel_loop3A_1907], %parallel_loop3A_1910 {strides = array<i32>} : memref<20x32x128xf32, #tpu.memory_space<vmem>>, vector<1x1x16xf32>,
        %parallel_loop3A_1911 = arith.index_cast %parallel_loop3A_1688 : i32 to index
        %parallel_loop3A_1912 = arith.index_cast %scan3A_1685 : i32 to index
        %parallel_loop3A_1913 = arith.constant 112 : index
        %parallel_loop3A_1914 = tpu.vector_load %arg7[%parallel_loop3A_1911, %parallel_loop3A_1912, %parallel_loop3A_1913] {strides = array<i32>} : memref<20x32x128xf32, #tpu.memory_space<vmem>>, vector<1x1x16xf32>,
        %parallel_loop3A_1915 = vector.shape_cast %parallel_loop3A_1914 : vector<1x1x16xf32> to vector<16xf32>
        %parallel_loop3A_1916 = vector.shape_cast %parallel_loop3A_1904 : vector<16xf32> to vector<1x1x16xf32>
        tpu.vector_store %arg7[%parallel_loop3A_1911, %parallel_loop3A_1912, %parallel_loop3A_1913], %parallel_loop3A_1916 {strides = array<i32>} : memref<20x32x128xf32, #tpu.memory_space<vmem>>, vector<1x1x16xf32>,
      } {sc.loop_unroll_factor = 4 : i64, sc.parallel_access}
    }
    %scan3A_1684 = arith.constant 32 : i32
    "tpu.region"() ({
      %run_scoped3A = tpu.sem_alloc : memref<!tpu.dma_semaphore, #tpu.memory_space<semaphore_mem>>
      %dma_start3A = arith.constant 0 : i32
      %dma_start3A_1685 = arith.constant 0 : i32
      %dma_start3A_1686 = tpu.memref_slice %arg4[%dma_start3A, %mul3A_2, %dma_start3A_1685] : memref<20x1024x128xf32, #tpu.memory_space<hbm>> -> memref<20x32x128xf32, #tpu.memory_space<hbm>>
      %dma_start3A_1687 = arith.constant 0 : i32
      %dma_start3A_1688 = arith.constant 0 : i32
      %dma_start3A_1689 = tpu.memref_slice %arg4[%dma_start3A_1687, %mul3A_2, %dma_start3A_1688] : memref<20x1024x128xf32, #tpu.memory_space<hbm>> -> memref<20x32x128xf32, #tpu.memory_space<hbm>>
      tpu.enqueue_dma source(%arg7 : memref<20x32x128xf32, #tpu.memory_space<vmem>>) target(%dma_start3A_1689 : memref<20x32x128xf32, #tpu.memory_space<hbm>>) target_semaphore(%run_scoped3A : memref<!tpu.dma_semaphore, #tpu.memory_space<semaphore_mem>>)
      %dma_wait3A = arith.constant 0 : i32
      %dma_wait3A_1690 = arith.constant 0 : i32
      %dma_wait3A_1691 = tpu.memref_slice %arg4[%dma_wait3A, %mul3A_2, %dma_wait3A_1690] : memref<20x1024x128xf32, #tpu.memory_space<hbm>> -> memref<20x32x128xf32, #tpu.memory_space<hbm>>
      %dma_wait3A_1692 = arith.constant 0 : i32
      %dma_wait3A_1693 = arith.constant 0 : i32
      %dma_wait3A_1694 = tpu.memref_slice %arg4[%dma_wait3A_1692, %mul3A_2, %dma_wait3A_1693] : memref<20x1024x128xf32, #tpu.memory_space<hbm>> -> memref<20x32x128xf32, #tpu.memory_space<hbm>>
      tpu.wait_dma2 semaphore(%run_scoped3A : memref<!tpu.dma_semaphore, #tpu.memory_space<semaphore_mem>>) src(%arg7 : memref<20x32x128xf32, #tpu.memory_space<vmem>>) dst(%dma_wait3A_1694 : memref<20x32x128xf32, #tpu.memory_space<hbm>>)
      tpu.yield
    }) : () -> ()
    return
  }
}

</mosaic_0001>

<sc_bundles>
// kernel: kernel.3.cloned.1.call-start
scs
__scs_entry_jumppad:
0x0: {  	(pc) =	sbr.rel $0x88, $3  }
0x1: {  	(tag) =	ssettag $0x0;
	lr =	simm.s32 $0x1  }
0x2: {  	[smem:$0x3F9F] =	sst lr;
	_ =	strace $0xD0000000  }
0x3: {  	_ = 	snop  }
0x4: {  	_ = 	snop  }
0x5: {  	_ = 	snop  }
0x6: {  	_ = 	snop  }
0x7: {  	_ = 	snop  }
__scs_overlays_trampoline_lowered:
0x8: {  	[smem:$0x3FAE] =	sst s0  }
0x9: {  	[smem:$0x3FAF] =	sst s1  }
0xa: {  	[smem:$0x3FB0] =	sst s2  }
0xb: {  	[smem:$0x3FB1] =	sst s3  }
0xc: {  	[smem:$0x3FB2] =	sst s4  }
0xd: {  	[smem:$0x3FB3] =	sst s5  }
0xe: {  	[smem:$0x3FB4] =	sst s6  }
0xf: {  	[smem:$0x3FB5] =	sst s7  }
0x10: {  	[smem:$0x3FB6] =	sst s8  }
0x11: {  	[smem:$0x3FB7] =	sst s9;
	s0 =	simm.s32 @!p0 $0x0  }
0x12: {  	s1 =	sld [smem:$0x3F9D];
	s0 =	simm.s32 @p0 $0x1  }
0x13: {  	[smem:$0x3FB8] =	sst s0;
	s0 =	simm.s32 @!p1 $0x0  }
0x14: {  	s2 =	sld [smem:$0x3F9C];
	s0 =	simm.s32 @p1 $0x1  }
0x15: {  	[smem:$0x3FB9] =	sst s0;
	s0 =	simm.s32 @!p2 $0x0  }
0x16: {  	s3 =	sld [smem:$0x3FDB];
	s0 =	simm.s32 @p2 $0x1  }
0x17: {  	s4 =	simm.s32 $0x1BF5;
	[smem:$0x3FBB] =	sst s0  }
0x18: {  	s0 =	sld [smem:$0x3F9E];
	_ =	swait.ge [sflag:s4], $0x0  }
0x19: {  	s7 =	sld [smem:$0x3F9F]  }
0x1a: {  	s8 =	sadd.s32 $0xFFFFE003, lr  }
0x1b: {  	s9 =	sadd.s32 $0xFFFFFEF7, lr;
	s5 =	simm.s32 $0xFFFFFFFF;
	p2 =	slt.u32 s8, $0xFFFFF086  }
0x1c: {  	p1 =	slt.u32 s9, $0xF7A;
	s5 =	simm.s32 @!p2 $0x0  }
0x1d: {  	s5 =	simm.s32 @p1 $0x1;
	p0 =	seq.s32 s7, s2  }
0x1e: {  	s7 =	smul.u32 @!p0 $0xF7A, s2;
	p2 =	seq.s32 @!p0 s5, $0x0  }
0x1f: {  	s9 =	smul.u32 $0xF7A, s1;
	s8 =	simm.s32 @!p0 $0x1BF5;
	p2 =	por !p2, p0  }
0x20: {  	[sflag:s8] =	ssyncset.s32 @!p0 $0xFFFFF086;
	s6 =	sadd.s32 @!p0 s3, s7;
	s7 =	simm.s32 @!p0 $0x108  }
0x21: {  	s3 =	sadd.s32 s3, s9;
	s6 =	sadd.s32 @!p0 $0x88, s6;
	s7 =	simm.s32 @p2 $0x1082  }
0x22: {  	[simem:s7], [sflag:s8] =	dma.local @!p0 [hbm:s6], $0xF7A  }
0x23: {  	s9 =	sor.u32 $0xD0000000, s2;
	s6 =	simm.s32 $0x108;
	_ =	swait.ge @!p0 [sflag:s8], $0x0  }
0x24: {  	s3 =	sadd.s32 $0x88, s3;
	s6 =	simm.s32 @!p1 $0x1082;
	[sflag:s4] =	ssyncset.s32 $0xFFFFF086  }
0x25: {  	[simem:s6], [sflag:s4] =	dma.local [hbm:s3], $0xF7A  }
0x26: {  	[smem:$0x3F9F] =	sst s1;
	(tag) =	ssettag s2;
	_ =	strace s9  }
0x27: {  	s1 =	sld [smem:$0x3FAF]  }
0x28: {  	s2 =	sld [smem:$0x3FB0]  }
0x29: {  	s4 =	sld [smem:$0x3FB2]  }
0x2a: {  	p0 =	seq.s32 s5, $0x0;
	s5 =	sld [smem:$0x3FB3]  }
0x2b: {  	s6 =	sld [smem:$0x3FB4]  }
0x2c: {  	s7 =	sld [smem:$0x3FB5]  }
0x2d: {  	s3 =	simm.s32 $0x108;
	s8 =	sld [smem:$0x3FB6]  }
0x2e: {  	s3 =	simm.s32 @!p0 $0x1082;
	s9 =	sld [smem:$0x3FB7]  }
0x2f: {  	lr =	sadd.s32 s0, s3;
	s0 =	sld [smem:$0x3FAE]  }
0x30: {  	s3 =	sld [smem:$0x3FB1]  }
0x31: {  	[smem:$0x3FBA] =	sst s10  }
0x32: {  	s10 =	sld [smem:$0x3FB8];
	_ =	sdelay $0x3  }
0x33: {  	p0 =	seq.s32 s10, $0x1;
	s10 =	sld [smem:$0x3FBA];
	_ =	sdelay $0x3  }
0x34: {  	[smem:$0x3FBA] =	sst s10  }
0x35: {  	s10 =	sld [smem:$0x3FB9];
	_ =	sdelay $0x3  }
0x36: {  	p1 =	seq.s32 s10, $0x1;
	s10 =	sld [smem:$0x3FBA];
	_ =	sdelay $0x3  }
0x37: {  	[smem:$0x3FBA] =	sst s10  }
0x38: {  	s10 =	sld [smem:$0x3FBB]  }
0x39: {  	_ = 	snop;
	(pc) =	sbr.ind lr, $3  }
0x3a: {  	_ = 	snop  }
0x3b: {  	_ = 	snop  }
0x3c: {  	p2 =	seq.s32 s10, $0x1;
	s10 =	sld [smem:$0x3FBA]  }
0x3d: {  	_ =	shalt  }
0x3e: {  	_ =	shalt  }
0x3f: {  	_ =	shalt  }
0x40: {  	_ =	shalt  }
0x41: {  	_ =	shalt  }
0x42: {  	_ =	shalt  }
0x43: {  	_ =	shalt  }
0x44: {  	_ =	shalt  }
0x45: {  	_ =	shalt  }
0x46: {  	_ =	shalt  }
0x47: {  	_ =	shalt  }
0x48: {  	_ =	shalt  }
0x49: {  	_ =	shalt  }
0x4a: {  	_ =	shalt  }
0x4b: {  	_ =	shalt  }
0x4c: {  	_ =	shalt  }
0x4d: {  	_ =	shalt  }
0x4e: {  	_ =	shalt  }
0x4f: {  	_ =	shalt  }
0x50: {  	_ =	shalt  }
0x51: {  	_ =	shalt  }
0x52: {  	_ =	shalt  }
0x53: {  	_ =	shalt  }
0x54: {  	_ =	shalt  }
0x55: {  	_ =	shalt  }
0x56: {  	_ =	shalt  }
0x57: {  	_ =	shalt  }
0x58: {  	_ =	shalt  }
0x59: {  	_ =	shalt  }
0x5a: {  	_ =	shalt  }
0x5b: {  	_ =	shalt  }
0x5c: {  	_ =	shalt  }
0x5d: {  	_ =	shalt  }
0x5e: {  	_ =	shalt  }
0x5f: {  	_ =	shalt  }
0x60: {  	_ =	shalt  }
0x61: {  	_ =	shalt  }
0x62: {  	_ =	shalt  }
0x63: {  	_ =	shalt  }
0x64: {  	_ =	shalt  }
0x65: {  	_ =	shalt  }
0x66: {  	_ =	shalt  }
0x67: {  	_ =	shalt  }
0x68: {  	_ =	shalt  }
0x69: {  	_ =	shalt  }
0x6a: {  	_ =	shalt  }
0x6b: {  	_ =	shalt  }
0x6c: {  	_ =	shalt  }
0x6d: {  	_ =	shalt  }
0x6e: {  	_ =	shalt  }
0x6f: {  	_ =	shalt  }
0x70: {  	_ =	shalt  }
0x71: {  	_ =	shalt  }
0x72: {  	_ =	shalt  }
0x73: {  	_ =	shalt  }
0x74: {  	_ =	shalt  }
0x75: {  	_ =	shalt  }
0x76: {  	_ =	shalt  }
0x77: {  	_ =	shalt  }
0x78: {  	_ =	shalt  }
0x79: {  	_ =	shalt  }
0x7a: {  	_ =	shalt  }
0x7b: {  	_ =	shalt  }
0x7c: {  	_ =	shalt  }
0x7d: {  	_ =	shalt  }
0x7e: {  	_ =	shalt  }
0x7f: {  	_ =	shalt  }
0x80: {  	_ =	shalt  }
0x81: {  	_ =	shalt  }
0x82: {  	_ =	shalt  }
0x83: {  	_ =	shalt  }
0x84: {  	_ =	shalt  }
0x85: {  	_ =	shalt  }
0x86: {  	_ =	shalt  }
0x87: {  	_ =	shalt  }
.Lfunc_end0:
.L_simem_size_0:
called_computation_lowered:
.L_overlay_start_0:
0x88: {  	s2 =	sld [smem:$0x3FD9]  }
0x89: {  	s3 =	sld [smem:$0x3FFE];
	_ =	sdelay $0x1  }
0x8a: {  	s1 =	srdreg.scid  }
0x8b: {  	s0 =	sand.u32 $0x1, s1  }
0x8c: {  	s17 =	sshll.u32 s0, $0xA;
	s2 =	sadd.s32 s3, s2  }
0x8d: {  	s2 =	sadd.s32 s2, s17  }
0x8e: {  	[smem:$0x3FC6] =	sst s2  }
0x8f: {  	_ = 	snop  }
0x90: {  	s2 =	sld [smem:$0x3FC8]  }
0x91: {  	s18 =	sld [smem:$0x3FD0];
	(tm) =	ssettm $0x1  }
0x92: {  	s4 =	sld [smem:$0x3FFB];
	_ =	sdelay $0x3  }
0x93: {  	_ =	strace s4  }
0x94: {  	s4 =	sld [smem:$0x3FFC];
	_ =	sdelay $0x3  }
0x95: {  	_ =	strace s4  }
0x96: {  	s4 =	sld [smem:$0x3FFD];
	_ =	sdelay $0x3  }
0x97: {  	_ =	strace s4  }
0x98: {  	_ =	strace $0x8FFFFFFF  }
0x99: {  	s19 =	sld [smem:$0x3FDB];
	_ =	sdelay $0x1  }
0x9a: {  	s5 =	simm.s32 $_scs_section_size  }
0x9b: {  	s6 =	simm.s32 $_size__tile_overlayer_lowered;
	s7 =	simm.s32 $_tile_overlayer_lowered  }
0x9c: {  	s22 =	simm.s32 $0x1BFF;
	s21 =	sshll.u32 s7, $0x1;
	s4 =	sadd.s32 s5, s19  }
0x9d: {  	s8 =	simm.s32 $0x0;
	s20 =	sshll.u32 s6, $0x1;
	s6 =	sadd.s32 s21, s4  }
0x9e: {  	[timem:s8], [sflag:s22] =	dma.local [hbm:s6], s20  }
0x9f: {  	_ =	swait.ge [sflag:s22], s20  }
0xa0: {  	s5 =	ssub.s32 $0x0, s20;
	[sflag:s22] =	ssyncset.done $0x0  }
0xa1: {  	[sflag:s22] =	ssyncadd.s32 s5;
	_ =	sdelay $0x1  }
0xa2: {  	s23 =	simm.s32 $0x1B8B  }
0xa3: {  	_ =	swait.ge [sflag:s23], $0x1  }
0xa4: {  	[sflag:s23] =	ssyncset.done $0x0  }
0xa5: {  	s25 =	simm.s32 $0x1B8E;
	s24 =	sld [smem:$0x3FFE];
	[sflag:s23] =	ssyncadd.s32 $0xFFFFFFFF  }
0xa6: {  	s26 =	simm.s32 $execute0_lowered;
	[smem:$0x3FD2] =	sst s25  }
0xa7: {  	s6 =	sshll.u32 s26, $0x1;
	_ =	strace $0x80000046;
	[dreg:$0x1] =	wrdreg $0xFFFFFFFF  }
0xa8: {  	s28 =	simm.s32 $_size_execute0_lowered;
	s4 =	sadd.s32 s4, s6;
	[dreg:$0x0] =	wrdreg $0x0  }
0xa9: {  	s6 =	sshll.u32 s28, $0x1;
	[dreg:$0x2] =	wrdreg s4  }
0xaa: {  	[dreg:$0x3] =	wrdreg s6  }
0xab: {  	[dreg:$0x4] =	wrdreg $0xC0  }
0xac: {  	_ =	task [dreg:s8], $0x5FFFF  }
0xad: {  	[dreg:$0x1] =	wrdreg $0xFFFFFFFF  }
0xae: {  	[dreg:$0x0] =	wrdreg $0x60  }
0xaf: {  	[dreg:$0x2] =	wrdreg s24  }
0xb0: {  	[dreg:$0x3] =	wrdreg s2  }
0xb1: {  	[dreg:$0x4] =	wrdreg s18  }
0xb2: {  	[dreg:$0x5] =	wrdreg $0x9  }
0xb3: {  	_ =	task.clear_ibuf [dreg:s8], $0x6FFFF;
	_ =	strace $0x90000046  }
0xb4: {  	s29 =	simm.s32 $0x9;
	_ =	strace $0x80000048  }
0xb5: {  	_ =	swait.ge [sflag:s29], $0x1  }
0xb6: {  	[sflag:s29] =	ssyncadd.s32 $0xFFFFFFFF  }
0xb7: {  	_ =	strace $0x90000048  }
0xb8: {  	_ =	sfence  }
0xb9: {  	s30 =	sld [smem:$0x0];
	_ =	sdelay $0x2  }
0xba: {  	s31 =	sshll.u32 s1, $0xD;
	s1 =	sshrl.u32 s1, $0x2  }
0xbb: {  	s3 =	sand.u32 $0x4000, s31;
	s1 =	sadd.s32 s1, s30  }
0xbc: {  	s0 =	sor.u32 s3, s0;
	s1 =	sshll.u32 s1, $0x11  }
0xbd: {  	s0 =	sor.u32 s1, s0  }
0xbe: {  	s0 =	sadd.s32 $0x8F2B, s0  }
0xbf: {  	[sflag:s0] =	ssyncadd.remote.s32 $0x1  }
0xc0: {  	_ =	sfence.sel $0xFFFF  }
0xc1: {  	[dreg:$0x0] =	wrdreg $0xFFFFFFFF;
	(pc) =	sbr.abs _section_cstart, $3  }
0xc2: {  	[dreg:$0x1] =	wrdreg $0xFFFFFFFF  }
0xc3: {  	_ =	task.clear_ibuf [dreg:s8], $0x2FFFF;
	_ =	strace $0x9FFFFFFF  }
0xc4: {  	(tm) =	ssettm $0x7FFFFFFF  }
0xc5: {  	_ =	shalt  }
tec
execute0_lowered:
.L_overlay_start_1:
0x0: {  	(tag) =	ssettag $0x1  }
0x1: {  	s4 =	rddreg [dreg:$0x0]  }
0x2: {  	s1 =	srdreg.scid;
	s2 =	rddreg [dreg:$0x1]  }
0x3: {  	s0 =	stileid.u32;
	s6 =	rddreg [dreg:$0x2];
	s3 =	simm.s32 $0x0  }
0x4: {  	s9 =	simm.s32 $0x80;
	s10 =	simm.s32 $0xD00;
	s5 =	sand.u32 $0x1, s1  }
0x5: {  	s11 =	simm.s32 $0x1000;
	s7 =	sshll.u32 s0, $0x6;
	s8 =	sshll.u32 s5, $0x5  }
0x6: {  	s12 =	simm.s32 $0x20000;
	s13 =	simm.s32 $0x6D00;
	s7 =	sor.u32 s8, s7  }
0x7: {  	s14 =	simm.s32 $0x0;
	[smem:$0x7FF] =	sst s3;
	s8 =	smul.u32 $0x180, s7  }
0x8: {  	s1 =	rddreg [dreg:$0x3];
	_ =	strace $0x80000047;
	s5 =	ssub.s32 $0x2, s5  }
0x9: {  	s31 =	sshrl.u32 s5, $0x1;
	s7 =	sshll.u32 s7, $0x4;
	s4 =	sadd.s32 s8, s4  }
0xa: {  	s8 =	ssub.s32 s5, s31;
	s5 =	sadd.s32 s6, s7;
	s7 =	simm.s32 $0x1  }
0xb: {  	s4 =	sadd.s32 $0x400, s4;
	s6 =	smax.u32 s8, $0x1;
	s8 =	simm.s32 $0x20  }
.LBB2_1:
0xc: {  	[tilespmem:s3], [sflag:$0x1] =	stream.linear.gather [hbm4b:s2+s3], $0xD00, $0x38;
	[tilespmem:$0x1AD00] =	vst v63  }
0xd: {  	_ =	swait.ge [sflag:s7], $0xD00  }
0xe: {  	[sflag:s7] =	ssyncset.done $0x0  }
0xf: {  	[sflag:s7] =	ssyncadd.s32 $0xFFFFF300  }
0x10: {  	[tilespmem:s10], [sflag:$0x1] =	stream.strided.gather [hbm4b:s4+s8], $0x6000, s9, s8, $0x38;
	[tilespmem:$0x1AD00] =	vst v63  }
0x11: {  	_ =	swait.ge [sflag:s7], $0x6000  }
0x12: {  	[sflag:s7] =	ssyncset.done $0x0  }
0x13: {  	[sflag:s7] =	ssyncadd.s32 $0xFFFFA000  }
0x14: {  	v0 =	vld [tilespmem:$0x0]  }
0x15: {  	v1 =	vld [tilespmem:$0x80]  }
0x16: {  	v2 =	vld [tilespmem:$0x100]  }
0x17: {  	v3 =	vld [tilespmem:$0x180]  }
0x18: {  	v4 =	vld [tilespmem:$0x200]  }
0x19: {  	v5 =	vld [tilespmem:$0x280]  }
0x1a: {  	v6 =	vld [tilespmem:$0x300]  }
0x1b: {  	v7 =	vld [tilespmem:$0x380]  }
0x1c: {  	v8 =	vld [tilespmem:$0x400]  }
0x1d: {  	v9 =	vld [tilespmem:$0x480]  }
0x1e: {  	v16 =	vld [tilespmem:$0x800];
	v57 =	vmul.f32 $3.846153990e-02, v3  }
0x1f: {  	v34 =	vld [tilespmem:$0x90];
	v61 =	vmul.f32 $3.846153990e-02, v4  }
0x20: {  	v38 =	vld [tilespmem:$0x190];
	v62 =	vmul.f32 $3.846153990e-02, v5;
	[tilespmem:$0x1FD20] =	vst v57  }
0x21: {  	v56 =	vld [tilespmem:$0x290];
	v50 =	vmul.f32 $3.846153990e-02, v6;
	[tilespmem:$0x1FD30] =	vst v61  }
0x22: {  	v54 =	vld [tilespmem:$0x810];
	v51 =	vmul.f32 $3.846153990e-02, v7;
	[tilespmem:$0x1FD40] =	vst v62  }
0x23: {  	v55 =	vld [tilespmem:$0x890];
	v52 =	vmul.f32 $3.846153990e-02, v9;
	[tilespmem:$0x1FD50] =	vst v50  }
0x24: {  	v17 =	vld [tilespmem:$0x880];
	v59 =	vmul.f32 $3.846153990e-02, v34;
	[tilespmem:$0x1FD60] =	vst v51  }
0x25: {  	v18 =	vld [tilespmem:$0x900];
	v60 =	vmul.f32 $3.846153990e-02, v38;
	[tilespmem:$0x1FD70] =	vst v52  }
0x26: {  	v19 =	vld [tilespmem:$0x980];
	v31 =	vmul.f32 $3.846153990e-02, v0;
	v0 =	vmul.f32 $3.846153990e-02, v56;
	[tilespmem:$0x1FD80] =	vst v59  }
0x27: {  	v20 =	vld [tilespmem:$0xA00];
	v54 =	vmul.f32 $3.846153990e-02, v54;
	[tilespmem:$0x1FD90] =	vst v60  }
0x28: {  	v25 =	vld [tilespmem:$0xC80];
	v55 =	vmul.f32 $3.846153990e-02, v55;
	[tilespmem:$0x1FDA0] =	vst v0  }
0x29: {  	v21 =	vld [tilespmem:$0xA80];
	v29 =	vmul.f32 $3.846153990e-02, v16;
	v16 =	vmul.f32 $3.846153990e-02, v17;
	[tilespmem:$0x1FE00] =	vst v54  }
0x2a: {  	v22 =	vld [tilespmem:$0xB00];
	v17 =	vmul.f32 $3.846153990e-02, v18;
	[tilespmem:$0x1FE10] =	vst v55  }
0x2b: {  	v23 =	vld [tilespmem:$0xB80];
	v18 =	vmul.f32 $3.846153990e-02, v19;
	[tilespmem:$0x1FEA0] =	vst v16  }
0x2c: {  	v10 =	vld [tilespmem:$0x500];
	v19 =	vmul.f32 $3.846153990e-02, v20;
	[tilespmem:$0x1FEB0] =	vst v17  }
0x2d: {  	v15 =	vld [tilespmem:$0x780];
	v45 =	vmul.f32 $3.846153990e-02, v25;
	[tilespmem:$0x1FEC0] =	vst v18  }
0x2e: {  	v13 =	vld [tilespmem:$0x680];
	v43 =	vmul.f32 $3.846153990e-02, v21;
	[tilespmem:$0x1FED0] =	vst v19  }
0x2f: {  	v12 =	vld [tilespmem:$0x600];
	v36 =	vmul.f32 $3.846153990e-02, v22;
	[tilespmem:$0x1FEE0] =	vst v45  }
0x30: {  	v11 =	vld [tilespmem:$0x580];
	v37 =	vmul.f32 $3.846153990e-02, v23;
	[tilespmem:$0x1FEF0] =	vst v43  }
0x31: {  	v14 =	vld [tilespmem:$0x700];
	[tilespmem:$0x1FF10] =	vst v36  }
0x32: {  	v24 =	vld [tilespmem:$0xC00];
	v33 =	vmul.f32 $3.846153990e-02, v15;
	[tilespmem:$0x1FF50] =	vst v37  }
0x33: {  	v40 =	vld [tilespmem:$0x110];
	v30 =	vmul.f32 $3.846153990e-02, v13;
	[tilespmem:$0x1FF60] =	vst v29  }
0x34: {  	v28 =	vld [tilespmem:$0x210];
	v26 =	vmul.f32 $3.846153990e-02, v12;
	[tilespmem:$0x1FF70] =	vst v33  }
0x35: {  	v58 =	vld [tilespmem:$0x310];
	v41 =	vmul.f32 $3.846153990e-02, v10;
	[tilespmem:$0x1FF90] =	vst v30  }
0x36: {  	v63 =	vld [tilespmem:$0x390];
	v32 =	vmul.f32 $3.846153990e-02, v1;
	[tilespmem:$0x1FFA0] =	vst v26  }
0x37: {  	v53 =	vld [tilespmem:$0x490];
	v11 =	vmul.f32 $3.846153990e-02, v11;
	v20 =	vmov v31;
	[tilespmem:$0x1FFF0] =	vst v41  }
0x38: {  	v6 =	vld [tilespmem:$0x590];
	v21 =	vmov v32;
	[tilespmem:$0x1FF00] =	vst v20  }
0x39: {  	v7 =	vld [tilespmem:$0x610];
	v22 =	vmov v11;
	v31 =	vmul.f32 $3.846153990e-02, v28;
	[tilespmem:$0x1FF40] =	vst v21  }
0x3a: {  	v39 =	vmul.f32 $3.846153990e-02, v8;
	v8 =	vld [tilespmem:$0x690];
	v50 =	vmul.f32 $3.846153990e-02, v14;
	[tilespmem:$0x1FFB0] =	vst v22  }
0x3b: {  	v42 =	vmul.f32 $3.846153990e-02, v2;
	v9 =	vld [tilespmem:$0x710];
	v57 =	vmul.f32 $3.846153990e-02, v63;
	[tilespmem:$0x1FF30] =	vst v31  }
0x3c: {  	v10 =	vld [tilespmem:$0x790];
	v51 =	vmul.f32 $3.846153990e-02, v53;
	[tilespmem:$0x1FF80] =	vst v50  }
0x3d: {  	v35 =	vmul.f32 $3.846153990e-02, v24;
	v13 =	vld [tilespmem:$0x910];
	v24 =	vmov v42;
	[tilespmem:$0x1FFD0] =	vst v57;
	v42 =	vmul.f32 $3.846153990e-02, v6  }
0x3e: {  	v38 =	vld [tilespmem:$0xB10];
	[tilespmem:$0x1FFE0] =	vst v51;
	v46 =	vmul.f32 $3.846153990e-02, v7  }
0x3f: {  	v5 =	vld [tilespmem:$0x510];
	v47 =	vmul.f32 $3.846153990e-02, v8;
	[tilespmem:$0x1FDB0] =	vst v42  }
0x40: {  	v3 =	vld [tilespmem:$0x410];
	v49 =	vmul.f32 $3.846153990e-02, v9;
	[tilespmem:$0x1FDC0] =	vst v46  }
0x41: {  	v61 =	vld [tilespmem:$0x990];
	v52 =	vmul.f32 $3.846153990e-02, v10;
	[tilespmem:$0x1FDD0] =	vst v47  }
0x42: {  	v62 =	vld [tilespmem:$0xA10];
	v56 =	vmul.f32 $3.846153990e-02, v13;
	[tilespmem:$0x1FDE0] =	vst v49  }
0x43: {  	v63 =	vld [tilespmem:$0xA90];
	v60 =	vmul.f32 $3.846153990e-02, v38;
	[tilespmem:$0x1FDF0] =	vst v52  }
0x44: {  	v44 =	vld [tilespmem:$0xB90];
	v28 =	vmul.f32 $3.846153990e-02, v5;
	[tilespmem:$0x1FE20] =	vst v56  }
0x45: {  	v48 =	vld [tilespmem:$0xC10];
	v25 =	vmov v39;
	v39 =	vmul.f32 $3.846153990e-02, v40;
	v32 =	vmul.f32 $3.846153990e-02, v3;
	[tilespmem:$0x1FE60] =	vst v60  }
0x46: {  	v40 =	vmul.f32 $3.846153990e-02, v58;
	v53 =	vld [tilespmem:$0xC90];
	v58 =	vmul.f32 $3.846153990e-02, v61;
	[tilespmem:$0x1FF20] =	vst v28  }
0x47: {  	v0 =	vmul.f32 $3.846153990e-02, v62;
	[tilespmem:$0x1FFC0] =	vst v32  }
0x48: {  	v27 =	vld [tilespmem:$0x10];
	v59 =	vmul.f32 $3.846153990e-02, v63;
	[tilespmem:$0x1FE30] =	vst v58  }
0x49: {  	v61 =	vmul.f32 $3.846153990e-02, v44;
	[tilespmem:$0x1FE40] =	vst v0  }
0x4a: {  	v62 =	vmul.f32 $3.846153990e-02, v48;
	[tilespmem:$0x1FE50] =	vst v59  }
0x4b: {  	v63 =	vmul.f32 $3.846153990e-02, v53;
	[tilespmem:$0x1FE70] =	vst v61  }
0x4c: {  	[tilespmem:$0x1FE80] =	vst v62  }
0x4d: {  	s15 =	simm.s32 $0x8D00;
	s16 =	simm.s32 $0xD40;
	s17 =	simm.s32 $0x0;
	v27 =	vmul.f32 $3.846153990e-02, v27;
	v23 =	vmov v41;
	[tilespmem:$0x1FE90] =	vst v63  }
.LBB2_2:
0x4e: {  	v0 =	vld [tilespmem:s16+$0x20];
	_ =	sdelay $0x1  }
0x4f: {  	v5 =	vld [tilespmem:$0x1FD80];
	_ =	sdelay $0x2  }
0x50: {  	v1 =	vbroadcast v0, $0x0;
	v3 =	vbroadcast v0, $0x1  }
0x51: {  	v42 =	vld [tilespmem:$0x1FD90];
	v15 =	vbroadcast v0, $0x2  }
0x52: {  	v4 =	vmul.f32 v1, v27;
	v6 =	vmul.f32 v3, v5;
	_ =	sdelay $0x1  }
0x53: {  	v53 =	vld [tilespmem:s16+$0xFFFFFFE0];
	v48 =	vbroadcast v0, $0x3;
	v4 =	vadd.f32 v6, v4;
	v6 =	vmul.f32 v15, v39  }
0x54: {  	v49 =	vld [tilespmem:$0x1FDA0]  }
0x55: {  	v54 =	vld [tilespmem:s16+$0xFFFFFFC0];
	v58 =	vbroadcast v0, $0x4;
	v4 =	vadd.f32 v4, v6;
	v6 =	vmul.f32 v48, v42;
	_ =	sdelay $0x1  }
0x56: {  	v60 =	vbroadcast v0, $0x5;
	v4 =	vadd.f32 v4, v6;
	v6 =	vmul.f32 v58, v31;
	_ =	sdelay $0x1  }
0x57: {  	v14 =	vld [tilespmem:s16+$0x0];
	v52 =	vbroadcast v0, $0x6;
	v4 =	vadd.f32 v4, v6;
	v6 =	vmul.f32 v60, v49  }
0x58: {  	v7 =	vbroadcast v53, $0x0;
	v8 =	vbroadcast v54, $0x0  }
0x59: {  	v2 =	vbroadcast v0, $0x7;
	v4 =	vadd.f32 v4, v6;
	v6 =	vmul.f32 v52, v40  }
0x5a: {  	v9 =	vbroadcast v54, $0x1;
	v10 =	vbroadcast v53, $0x1  }
0x5b: {  	[tilespmem:$0x1FC10] =	vst v2;
	v4 =	vadd.f32 v4, v6;
	v6 =	vmul.f32 v2, v57;
	v2 =	vbroadcast v0, $0x8  }
0x5c: {  	v11 =	vbroadcast v14, $0x0;
	v55 =	vbroadcast v14, $0x1  }
0x5d: {  	[tilespmem:$0x1FC20] =	vst v2;
	v4 =	vadd.f32 v4, v6;
	v6 =	vmul.f32 v2, v32;
	v2 =	vbroadcast v0, $0x9  }
0x5e: {  	v12 =	vmul.f32 v8, v20;
	v8 =	vmul.f32 v8, v27  }
0x5f: {  	v13 =	vmul.f32 v9, v21;
	[tilespmem:$0x1FC30] =	vst v2;
	v4 =	vadd.f32 v4, v6;
	v6 =	vmul.f32 v2, v51;
	v2 =	vld [tilespmem:$0x1FF20]  }
0x60: {  	v9 =	vmul.f32 v9, v5;
	v56 =	vmul.f32 v7, v20  }
0x61: {  	v7 =	vmul.f32 v7, v27;
	v34 =	vmul.f32 v11, v27;
	v62 =	vadd.f32 v13, v12  }
0x62: {  	v61 =	vld [tilespmem:$0x1FDB0];
	v12 =	vmul.f32 v10, v21;
	v13 =	vadd.f32 v9, v8;
	v8 =	vbroadcast v0, $0xA  }
0x63: {  	v9 =	vmul.f32 v10, v5;
	v10 =	vmul.f32 v11, v20  }
0x64: {  	v44 =	vld [tilespmem:$0x1FDC0];
	v11 =	vmul.f32 v55, v21;
	v4 =	vadd.f32 v4, v6;
	v6 =	vmul.f32 v8, v2  }
0x65: {  	[tilespmem:$0x1FC40] =	vst v8;
	v2 =	vbroadcast v0, $0xB;
	v8 =	vadd.f32 v9, v7;
	v9 =	vmul.f32 v55, v5  }
0x66: {  	v46 =	vld [tilespmem:$0x1FDD0];
	v5 =	vmul.f32 v3, v21;
	v3 =	vbroadcast v0, $0xD  }
0x67: {  	[tilespmem:$0x1FC50] =	vst v2;
	v4 =	vadd.f32 v4, v6;
	v6 =	vmul.f32 v2, v61;
	v2 =	vbroadcast v0, $0xC  }
0x68: {  	v28 =	vld [tilespmem:$0x1FDE0];
	v63 =	vadd.f32 v12, v56;
	[tilespmem:$0x1FC70] =	vst v3  }
0x69: {  	v47 =	vld [tilespmem:$0x1FDF0];
	v55 =	vadd.f32 v11, v10;
	[tilespmem:$0x1FC60] =	vst v2;
	v10 =	vadd.f32 v4, v6;
	v6 =	vmul.f32 v2, v44  }
0x6a: {  	v7 =	vmul.f32 v1, v20;
	v1 =	vbroadcast v54, $0x2;
	v12 =	vadd.f32 v9, v34;
	v4 =	vld [tilespmem:s16+$0x2A]  }
0x6b: {  	v3 =	vmul.f32 v3, v46;
	v9 =	vbroadcast v0, $0xE;
	v6 =	vadd.f32 v10, v6  }
0x6c: {  	v56 =	vld [tilespmem:$0x1FE00];
	v11 =	vadd.f32 v5, v7;
	v5 =	vmul.f32 v1, v24  }
0x6d: {  	v0 =	vbroadcast v0, $0xF;
	v3 =	vadd.f32 v6, v3;
	v6 =	vmul.f32 v9, v28  }
0x6e: {  	v1 =	vmul.f32 v1, v39;
	v10 =	vadd.f32 v62, v5;
	v62 =	vld [tilespmem:$0x1FE10]  }
0x6f: {  	[tilespmem:$0x1FC90] =	vst v0;
	v3 =	vadd.f32 v3, v6;
	v6 =	vmul.f32 v0, v47;
	v0 =	vbroadcast v4, $0x6  }
0x70: {  	v59 =	vld [tilespmem:$0x1FE20];
	[tilespmem:$0x1FC80] =	vst v9;
	v9 =	vadd.f32 v13, v1  }
0x71: {  	v1 =	vbroadcast v4, $0x7;
	v3 =	vadd.f32 v3, v6;
	v6 =	vmul.f32 v0, v56;
	_ =	sdelay $0x1  }
0x72: {  	v34 =	vbroadcast v4, $0x8;
	v3 =	vadd.f32 v3, v6;
	v6 =	vmul.f32 v1, v62;
	_ =	sdelay $0x1  }
0x73: {  	v38 =	vbroadcast v53, $0x2;
	[tilespmem:$0x1FCC0] =	vst v34;
	v3 =	vadd.f32 v3, v6;
	v6 =	vmul.f32 v34, v59;
	v34 =	vld [tilespmem:$0x1FE30]  }
0x74: {  	v2 =	vbroadcast v14, $0x2  }
0x75: {  	v41 =	vmul.f32 v38, v24;
	v5 =	vmul.f32 v38, v39  }
0x76: {  	v7 =	vmul.f32 v2, v24;
	v38 =	vbroadcast v4, $0x9;
	_ =	sdelay $0x1  }
0x77: {  	v55 =	vadd.f32 v55, v7;
	v3 =	vadd.f32 v3, v6;
	v7 =	vmul.f32 v38, v34;
	_ =	sdelay $0x1  }
0x78: {  	v3 =	vadd.f32 v3, v7;
	v7 =	vld [tilespmem:$0x1FE40]  }
0x79: {  	v63 =	vadd.f32 v63, v41;
	v41 =	vld [tilespmem:$0x1FD20];
	_ =	sdelay $0x1  }
0x7a: {  	v15 =	vmul.f32 v15, v24;
	[tilespmem:$0x1FCD0] =	vst v38;
	v38 =	vbroadcast v4, $0xA  }
0x7b: {  	[tilespmem:$0x1FCA0] =	vst v0;
	v0 =	vbroadcast v54, $0x3  }
0x7c: {  	v11 =	vadd.f32 v11, v15;
	v13 =	vmul.f32 v2, v39;
	v15 =	vmul.f32 v38, v7  }
0x7d: {  	v8 =	vadd.f32 v8, v5;
	[tilespmem:$0x1FCB0] =	vst v1;
	v1 =	vbroadcast v53, $0x3;
	v5 =	vmul.f32 v0, v41  }
0x7e: {  	v2 =	vbroadcast v14, $0x3;
	v6 =	vmul.f32 v0, v42;
	v15 =	vadd.f32 v3, v15;
	v3 =	vld [tilespmem:$0x1FE50]  }
0x7f: {  	v5 =	vadd.f32 v10, v5;
	v10 =	vmul.f32 v1, v42  }
0x80: {  	v0 =	vbroadcast v4, $0xB;
	v6 =	vadd.f32 v9, v6;
	v9 =	vmul.f32 v2, v42;
	v42 =	vld [tilespmem:$0x1FE60];
	_ =	sdelay $0x1  }
0x81: {  	[tilespmem:$0x1FCF0] =	vst v0  }
0x82: {  	[tilespmem:$0x1FCE0] =	vst v38;
	v38 =	vbroadcast v4, $0xC;
	v0 =	vmul.f32 v0, v3  }
0x83: {  	v12 =	vadd.f32 v12, v13;
	v13 =	vmul.f32 v1, v41;
	v1 =	vmul.f32 v2, v41  }
0x84: {  	v2 =	vmul.f32 v48, v41;
	v41 =	vmul.f32 v38, v42;
	v15 =	vadd.f32 v15, v0;
	v0 =	vld [tilespmem:$0x1FE70];
	_ =	sdelay $0x1  }
0x85: {  	v8 =	vadd.f32 v8, v10;
	v10 =	vadd.f32 v15, v41;
	v15 =	vld [tilespmem:$0x1FE80]  }
0x86: {  	v48 =	vbroadcast v4, $0xD;
	_ =	sdelay $0x1  }
0x87: {  	[tilespmem:$0x1FD00] =	vst v48;
	v41 =	vmul.f32 v48, v0;
	v48 =	vbroadcast v4, $0xE;
	_ =	sdelay $0x1  }
0x88: {  	v9 =	vadd.f32 v12, v9;
	v10 =	vadd.f32 v10, v41;
	v12 =	vmul.f32 v48, v15  }
0x89: {  	v41 =	vld [tilespmem:$0x1FD30]  }
0x8a: {  	v10 =	vadd.f32 v10, v12;
	v12 =	vld [tilespmem:$0x1FE90];
	_ =	sdelay $0x1  }
0x8b: {  	v13 =	vadd.f32 v63, v13;
	v63 =	vbroadcast v54, $0x4  }
0x8c: {  	v1 =	vadd.f32 v55, v1;
	v55 =	vbroadcast v53, $0x4;
	[tilespmem:$0x1FD10] =	vst v48;
	v48 =	vbroadcast v4, $0xF  }
0x8d: {  	v11 =	vadd.f32 v11, v2;
	v2 =	vmul.f32 v63, v31;
	v4 =	vmul.f32 v63, v41  }
0x8e: {  	v63 =	vbroadcast v14, $0x4;
	v12 =	vmul.f32 v48, v12  }
0x8f: {  	v4 =	vadd.f32 v5, v4;
	v5 =	vadd.f32 v6, v2;
	v6 =	vmul.f32 v55, v41  }
0x90: {  	v55 =	vmul.f32 v55, v31;
	v2 =	vadd.f32 v10, v12;
	v12 =	vmul.f32 v63, v31;
	v31 =	vld [tilespmem:$0x1FD40];
	_ =	sdelay $0x2  }
0x91: {  	v6 =	vadd.f32 v13, v6;
	v13 =	vbroadcast v54, $0x5  }
0x92: {  	v10 =	vmul.f32 v63, v41  }
0x93: {  	v63 =	vbroadcast v14, $0x5;
	v9 =	vadd.f32 v9, v12;
	v12 =	vmul.f32 v13, v31  }
0x94: {  	v1 =	vadd.f32 v1, v10;
	v10 =	vbroadcast v53, $0x5;
	v13 =	vmul.f32 v13, v49  }
0x95: {  	v60 =	vmul.f32 v60, v31;
	v4 =	vadd.f32 v4, v12  }
0x96: {  	v12 =	vmul.f32 v10, v31;
	v5 =	vadd.f32 v5, v13;
	v13 =	vmul.f32 v63, v31;
	v31 =	vld [tilespmem:$0x1FD50];
	_ =	sdelay $0x1  }
0x97: {  	v8 =	vadd.f32 v8, v55;
	v10 =	vmul.f32 v10, v49  }
0x98: {  	v58 =	vmul.f32 v58, v41;
	v6 =	vadd.f32 v6, v12;
	v12 =	vbroadcast v54, $0x6  }
0x99: {  	v41 =	vbroadcast v14, $0x6;
	v8 =	vadd.f32 v8, v10;
	v10 =	vbroadcast v53, $0x6  }
0x9a: {  	v1 =	vadd.f32 v1, v13;
	v13 =	vmul.f32 v12, v31;
	v12 =	vmul.f32 v12, v40  }
0x9b: {  	[tilespmem:$0x1FC00] =	vst v48;
	v55 =	vmul.f32 v63, v49;
	v48 =	vmul.f32 v10, v31  }
0x9c: {  	v49 =	vmul.f32 v52, v31;
	v5 =	vadd.f32 v5, v12;
	v12 =	vmul.f32 v41, v31;
	v31 =	vld [tilespmem:$0x1FD60];
	_ =	sdelay $0x1  }
0x9d: {  	v10 =	vmul.f32 v10, v40  }
0x9e: {  	v4 =	vadd.f32 v4, v13;
	v13 =	vbroadcast v54, $0x7  }
0x9f: {  	v8 =	vadd.f32 v8, v10  }
0xa0: {  	v10 =	vbroadcast v53, $0x7;
	v1 =	vadd.f32 v1, v12;
	v12 =	vmul.f32 v13, v31;
	_ =	sdelay $0x1  }
0xa1: {  	v4 =	vadd.f32 v4, v12;
	v12 =	vmul.f32 v10, v31;
	v10 =	vmul.f32 v10, v57;
	_ =	sdelay $0x1  }
0xa2: {  	v8 =	vadd.f32 v8, v10;
	v10 =	vld [tilespmem:$0x1FC10];
	_ =	sdelay $0x1  }
0xa3: {  	v11 =	vadd.f32 v11, v58  }
0xa4: {  	v58 =	vbroadcast v14, $0x7;
	v9 =	vadd.f32 v9, v55;
	v13 =	vmul.f32 v13, v57  }
0xa5: {  	v55 =	vmul.f32 v41, v40;
	v11 =	vadd.f32 v11, v60;
	v6 =	vadd.f32 v6, v48  }
0xa6: {  	v5 =	vadd.f32 v5, v13;
	v13 =	vmul.f32 v58, v31;
	v10 =	vmul.f32 v10, v31;
	v31 =	vld [tilespmem:$0x1FC20]  }
0xa7: {  	v9 =	vadd.f32 v9, v55;
	v55 =	vmul.f32 v58, v57  }
0xa8: {  	v11 =	vadd.f32 v11, v49;
	v6 =	vadd.f32 v6, v12;
	v12 =	vbroadcast v54, $0x8  }
0xa9: {  	v48 =	vbroadcast v54, $0x9;
	v1 =	vadd.f32 v1, v13;
	v13 =	vbroadcast v53, $0x8  }
0xaa: {  	v9 =	vadd.f32 v9, v55;
	v60 =	vmul.f32 v12, v25;
	v12 =	vmul.f32 v12, v32  }
0xab: {  	v10 =	vadd.f32 v11, v10;
	v11 =	vbroadcast v14, $0x8;
	v41 =	vmul.f32 v31, v25;
	v31 =	vld [tilespmem:$0x1FD70]  }
0xac: {  	v63 =	vmul.f32 v13, v25;
	v13 =	vmul.f32 v13, v32;
	v4 =	vadd.f32 v4, v60;
	v60 =	vld [tilespmem:$0x1FC30]  }
0xad: {  	v5 =	vadd.f32 v5, v12;
	v12 =	vmul.f32 v11, v25;
	v11 =	vmul.f32 v11, v32  }
0xae: {  	v49 =	vbroadcast v14, $0x9;
	v8 =	vadd.f32 v8, v13;
	v13 =	vbroadcast v53, $0x9  }
0xaf: {  	v6 =	vadd.f32 v6, v63;
	v9 =	vadd.f32 v9, v11;
	v11 =	vmul.f32 v48, v51  }
0xb0: {  	v1 =	vadd.f32 v1, v12;
	v12 =	vmul.f32 v48, v31;
	v52 =	vmul.f32 v13, v31  }
0xb1: {  	v5 =	vadd.f32 v5, v11;
	v11 =	vmul.f32 v49, v31;
	v63 =	vmul.f32 v60, v31;
	v31 =	vld [tilespmem:$0x1FF20];
	_ =	sdelay $0x2  }
0xb2: {  	v4 =	vadd.f32 v4, v12;
	v12 =	vmul.f32 v13, v51;
	v13 =	vbroadcast v54, $0xA;
	_ =	sdelay $0x1  }
0xb3: {  	v1 =	vadd.f32 v1, v11;
	v11 =	vmul.f32 v13, v23;
	v13 =	vmul.f32 v13, v31;
	v31 =	vld [tilespmem:$0x1FF20];
	_ =	sdelay $0x2  }
0xb4: {  	v8 =	vadd.f32 v8, v12;
	v12 =	vbroadcast v53, $0xA;
	_ =	sdelay $0x1  }
0xb5: {  	v4 =	vadd.f32 v4, v11;
	v11 =	vmul.f32 v12, v23;
	v12 =	vmul.f32 v12, v31;
	_ =	sdelay $0x1  }
0xb6: {  	v8 =	vadd.f32 v8, v12;
	v12 =	vld [tilespmem:$0x1FC40]  }
0xb7: {  	v10 =	vadd.f32 v10, v41;
	v41 =	vbroadcast v14, $0xA  }
0xb8: {  	v55 =	vmul.f32 v49, v51;
	v6 =	vadd.f32 v6, v52  }
0xb9: {  	v60 =	vbroadcast v54, $0xC;
	v5 =	vadd.f32 v5, v13;
	v13 =	vmul.f32 v41, v23;
	v31 =	vld [tilespmem:$0x1FF20]  }
0xba: {  	v10 =	vadd.f32 v10, v63;
	v6 =	vadd.f32 v6, v11;
	v11 =	vbroadcast v54, $0xB  }
0xbb: {  	v1 =	vadd.f32 v1, v13;
	v13 =	vbroadcast v53, $0xB;
	v12 =	vmul.f32 v12, v23  }
0xbc: {  	v48 =	vmul.f32 v11, v22;
	v11 =	vmul.f32 v11, v61  }
0xbd: {  	v49 =	vmul.f32 v13, v22;
	v10 =	vadd.f32 v10, v12;
	v12 =	vbroadcast v14, $0xB  }
0xbe: {  	v9 =	vadd.f32 v9, v55;
	v13 =	vmul.f32 v13, v61;
	v55 =	vmul.f32 v41, v31  }
0xbf: {  	v4 =	vadd.f32 v4, v48;
	v5 =	vadd.f32 v5, v11;
	v11 =	vmul.f32 v12, v22  }
0xc0: {  	v8 =	vadd.f32 v8, v13;
	v9 =	vadd.f32 v9, v55;
	v12 =	vmul.f32 v12, v61  }
0xc1: {  	v13 =	vbroadcast v53, $0xC;
	v1 =	vadd.f32 v1, v11;
	v11 =	vmul.f32 v60, v26  }
0xc2: {  	v63 =	vbroadcast v14, $0xC;
	v31 =	vld [tilespmem:$0x1FC50];
	v9 =	vadd.f32 v9, v12;
	v12 =	vmul.f32 v60, v44  }
0xc3: {  	v32 =	vmul.f32 v13, v26;
	v4 =	vadd.f32 v4, v11;
	v11 =	vmul.f32 v13, v44  }
0xc4: {  	v5 =	vadd.f32 v5, v12;
	v12 =	vmul.f32 v63, v26;
	v13 =	vbroadcast v54, $0xD  }
0xc5: {  	v8 =	vadd.f32 v8, v11  }
0xc6: {  	v11 =	vbroadcast v53, $0xD;
	v1 =	vadd.f32 v1, v12;
	v12 =	vmul.f32 v13, v30  }
0xc7: {  	v51 =	vmul.f32 v31, v22  }
0xc8: {  	v31 =	vld [tilespmem:$0x1FC60];
	v4 =	vadd.f32 v4, v12;
	v12 =	vmul.f32 v11, v30;
	v11 =	vmul.f32 v11, v46;
	_ =	sdelay $0x1  }
0xc9: {  	v8 =	vadd.f32 v8, v11;
	v11 =	vld [tilespmem:$0x1FC70];
	_ =	sdelay $0x2  }
0xca: {  	v10 =	vadd.f32 v10, v51;
	v41 =	vmul.f32 v31, v26  }
0xcb: {  	v6 =	vadd.f32 v6, v49  }
0xcc: {  	v13 =	vmul.f32 v13, v46;
	v10 =	vadd.f32 v10, v41;
	v11 =	vmul.f32 v11, v30  }
0xcd: {  	v55 =	vmul.f32 v63, v44;
	v6 =	vadd.f32 v6, v32;
	v44 =	vbroadcast v14, $0xD  }
0xce: {  	v5 =	vadd.f32 v5, v13;
	v57 =	vadd.f32 v10, v11;
	v10 =	vbroadcast v14, $0xE  }
0xcf: {  	v13 =	vmul.f32 v44, v30;
	v6 =	vadd.f32 v6, v12;
	v12 =	vbroadcast v54, $0xE  }
0xd0: {  	v49 =	vmul.f32 v10, v50;
	v51 =	vmul.f32 v10, v28;
	v10 =	vld [tilespmem:$0x1FC80]  }
0xd1: {  	v31 =	vbroadcast v53, $0xF;
	v1 =	vadd.f32 v1, v13;
	v13 =	vbroadcast v53, $0xE  }
0xd2: {  	v9 =	vadd.f32 v9, v55;
	v55 =	vmul.f32 v44, v46;
	v48 =	vmul.f32 v12, v50  }
0xd3: {  	v11 =	vmul.f32 v12, v28;
	v12 =	vmul.f32 v13, v50  }
0xd4: {  	v54 =	vbroadcast v54, $0xF;
	v13 =	vmul.f32 v13, v28  }
0xd5: {  	v9 =	vadd.f32 v9, v55;
	v6 =	vadd.f32 v6, v12;
	v12 =	vmul.f32 v10, v50;
	v10 =	vld [tilespmem:s16+$0xFFFFFFEA]  }
0xd6: {  	v4 =	vadd.f32 v4, v48;
	v8 =	vadd.f32 v8, v13;
	v13 =	vmul.f32 v54, v33  }
0xd7: {  	v14 =	vbroadcast v14, $0xF;
	v5 =	vadd.f32 v5, v11;
	v11 =	vld [tilespmem:s16+$0xFFFFFFCA]  }
0xd8: {  	v9 =	vadd.f32 v9, v51;
	v51 =	vld [tilespmem:s16+$0xA];
	v4 =	vadd.f32 v4, v13;
	v13 =	vmul.f32 v31, v47  }
0xd9: {  	v60 =	vmul.f32 v31, v33;
	v54 =	vmul.f32 v54, v47;
	v31 =	vld [tilespmem:$0x1FC90]  }
0xda: {  	v48 =	vmovc v61;
	v61 =	vmul.f32 v14, v33;
	v8 =	vadd.f32 v8, v13;
	v13 =	vbroadcast v10, $0x6  }
0xdb: {  	v14 =	vmul.f32 v14, v47;
	v1 =	vadd.f32 v1, v49;
	v5 =	vadd.f32 v5, v54  }
0xdc: {  	v6 =	vadd.f32 v6, v60;
	v41 =	vmul.f32 v13, v29;
	v13 =	vmul.f32 v13, v56  }
0xdd: {  	v9 =	vadd.f32 v9, v14;
	v63 =	vbroadcast v11, $0x6;
	v46 =	vbroadcast v11, $0x7  }
0xde: {  	v32 =	vmul.f32 v31, v33;
	v14 =	vbroadcast v51, $0x6;
	v8 =	vadd.f32 v8, v13;
	v13 =	vld [tilespmem:$0x1FCA0]  }
0xdf: {  	v12 =	vadd.f32 v57, v12;
	v33 =	vmul.f32 v63, v29;
	v55 =	vmul.f32 v63, v56  }
0xe0: {  	v1 =	vadd.f32 v1, v61;
	v44 =	vmul.f32 v14, v29;
	v14 =	vmul.f32 v14, v56  }
0xe1: {  	v54 =	vmul.f32 v46, v62;
	v12 =	vadd.f32 v12, v32;
	v4 =	vadd.f32 v4, v33  }
0xe2: {  	v47 =	vbroadcast v10, $0x7;
	v9 =	vadd.f32 v9, v14;
	v14 =	vmul.f32 v46, v16  }
0xe3: {  	v5 =	vadd.f32 v5, v55;
	v60 =	vbroadcast v10, $0x8;
	v13 =	vmul.f32 v13, v29  }
0xe4: {  	v4 =	vadd.f32 v4, v14;
	v14 =	vmul.f32 v47, v16;
	v6 =	vadd.f32 v6, v41  }
0xe5: {  	v31 =	vld [tilespmem:$0x1FCB0];
	v32 =	vbroadcast v10, $0x9;
	v12 =	vadd.f32 v12, v13;
	v13 =	vbroadcast v51, $0x7  }
0xe6: {  	v46 =	vbroadcast v51, $0xA;
	v6 =	vadd.f32 v6, v14;
	v14 =	vbroadcast v11, $0x8  }
0xe7: {  	v1 =	vadd.f32 v1, v44;
	v49 =	vmul.f32 v13, v16;
	v13 =	vmul.f32 v13, v62  }
0xe8: {  	v5 =	vadd.f32 v5, v54;
	v55 =	vmul.f32 v47, v62;
	v61 =	vmul.f32 v14, v17  }
0xe9: {  	v9 =	vadd.f32 v9, v13;
	v13 =	vmul.f32 v14, v59;
	v14 =	vbroadcast v51, $0x8  }
0xea: {  	v50 =	vmul.f32 v31, v16;
	v16 =	vbroadcast v11, $0x9  }
0xeb: {  	v1 =	vadd.f32 v1, v49;
	v5 =	vadd.f32 v5, v13;
	v13 =	vmul.f32 v14, v17  }
0xec: {  	v63 =	vmul.f32 v60, v59;
	v4 =	vadd.f32 v4, v61;
	v14 =	vmul.f32 v14, v59  }
0xed: {  	v62 =	vmul.f32 v60, v17;
	v1 =	vadd.f32 v1, v13;
	v13 =	vmul.f32 v16, v18  }
0xee: {  	v8 =	vadd.f32 v8, v55;
	v9 =	vadd.f32 v9, v14;
	v14 =	vbroadcast v51, $0x9  }
0xef: {  	v6 =	vadd.f32 v6, v62;
	v4 =	vadd.f32 v4, v13;
	v13 =	vmul.f32 v32, v18  }
0xf0: {  	v31 =	vld [tilespmem:$0x1FCC0];
	v54 =	vmul.f32 v32, v34;
	v8 =	vadd.f32 v8, v63;
	v33 =	vmul.f32 v14, v18  }
0xf1: {  	v14 =	vmul.f32 v14, v34;
	v6 =	vadd.f32 v6, v13;
	v13 =	vbroadcast v11, $0xA  }
0xf2: {  	v44 =	vbroadcast v10, $0xA;
	v8 =	vadd.f32 v8, v54;
	v55 =	vmul.f32 v16, v34  }
0xf3: {  	v54 =	vmul.f32 v46, v7;
	v9 =	vadd.f32 v9, v14;
	v14 =	vmul.f32 v13, v19  }
0xf4: {  	v12 =	vadd.f32 v12, v50;
	v5 =	vadd.f32 v5, v55;
	v13 =	vmul.f32 v13, v7  }
0xf5: {  	v17 =	vmul.f32 v31, v17;
	v31 =	vld [tilespmem:$0x1FCD0];
	v4 =	vadd.f32 v4, v14;
	v14 =	vmul.f32 v44, v19  }
0xf6: {  	v50 =	vbroadcast v51, $0xB;
	v1 =	vadd.f32 v1, v33;
	v5 =	vadd.f32 v5, v13  }
0xf7: {  	v13 =	vmul.f32 v46, v19;
	v6 =	vadd.f32 v6, v14;
	v14 =	vbroadcast v11, $0xB  }
0xf8: {  	v49 =	vbroadcast v10, $0xB;
	v55 =	vmul.f32 v44, v7;
	v7 =	vld [tilespmem:$0x1FCE0]  }
0xf9: {  	v12 =	vadd.f32 v12, v17;
	v1 =	vadd.f32 v1, v13;
	v13 =	vmul.f32 v14, v43  }
0xfa: {  	v41 =	vmul.f32 v31, v18;
	v9 =	vadd.f32 v9, v54;
	v54 =	vmul.f32 v50, v3  }
0xfb: {  	v14 =	vmul.f32 v14, v3;
	v4 =	vadd.f32 v4, v13;
	v13 =	vmul.f32 v49, v3;
	v3 =	vld [tilespmem:$0x1FCF0];
	_ =	sdelay $0x1  }
0xfc: {  	v12 =	vadd.f32 v12, v41;
	v47 =	vmul.f32 v7, v19  }
0xfd: {  	v58 =	vbroadcast v11, $0xC;
	v53 =	vmul.f32 v49, v43;
	v8 =	vadd.f32 v8, v55  }
0xfe: {  	v12 =	vadd.f32 v12, v47;
	v5 =	vadd.f32 v5, v14;
	v14 =	vmul.f32 v50, v43  }
0xff: {  	v8 =	vadd.f32 v8, v13;
	v13 =	vbroadcast v10, $0xC;
	v7 =	vmul.f32 v3, v43  }
0x100: {  	v59 =	vbroadcast v51, $0xC;
	v1 =	vadd.f32 v1, v14;
	v14 =	vmul.f32 v58, v36  }
0x101: {  	v6 =	vadd.f32 v6, v53;
	v7 =	vadd.f32 v12, v7;
	v12 =	vmul.f32 v13, v36  }
0x102: {  	v55 =	vmul.f32 v58, v42;
	v4 =	vadd.f32 v4, v14;
	v14 =	vmul.f32 v59, v36  }
0x103: {  	v13 =	vmul.f32 v13, v42;
	v6 =	vadd.f32 v6, v12;
	v12 =	vbroadcast v11, $0xD  }
0x104: {  	v5 =	vadd.f32 v5, v55;
	v3 =	vmul.f32 v38, v36;
	v1 =	vadd.f32 v1, v14  }
0x105: {  	v8 =	vadd.f32 v8, v13;
	v13 =	vbroadcast v10, $0xD;
	v14 =	vmul.f32 v12, v37  }
0x106: {  	v7 =	vadd.f32 v7, v3;
	v3 =	vbroadcast v51, $0xD;
	v12 =	vmul.f32 v12, v0  }
0x107: {  	v14 =	vadd.f32 v4, v14;
	v4 =	vmul.f32 v13, v37;
	v13 =	vmul.f32 v13, v0  }
0x108: {  	v60 =	vadd.f32 v5, v12;
	v12 =	vmul.f32 v3, v37;
	v3 =	vmul.f32 v3, v0;
	v0 =	vld [tilespmem:$0x1FD00];
	_ =	sdelay $0x3  }
0x109: {  	v9 =	vadd.f32 v9, v54;
	v54 =	vmul.f32 v59, v42  }
0x10a: {  	v61 =	vadd.f32 v6, v4;
	v6 =	vbroadcast v11, $0xE;
	v0 =	vmul.f32 v0, v37  }
0x10b: {  	v9 =	vadd.f32 v9, v54  }
0x10c: {  	v4 =	vadd.f32 v1, v12;
	v1 =	vadd.f32 v7, v0;
	v0 =	vmul.f32 v6, v15  }
0x10d: {  	v62 =	vbroadcast v51, $0xE  }
0x10e: {  	v3 =	vadd.f32 v9, v3;
	v9 =	vmul.f32 v6, v35;
	v6 =	vadd.f32 v60, v0;
	v0 =	vld [tilespmem:$0x1FD10]  }
0x10f: {  	v5 =	vadd.f32 v8, v13;
	v8 =	vbroadcast v10, $0xE  }
0x110: {  	v12 =	vmul.f32 v62, v35  }
0x111: {  	v11 =	vbroadcast v11, $0xF;
	v63 =	vmul.f32 v8, v35  }
0x112: {  	v10 =	vbroadcast v10, $0xF;
	v13 =	vmul.f32 v8, v15;
	v7 =	vadd.f32 v14, v9  }
0x113: {  	s19 =	simm.s32 $0x0;
	s20 =	sadd.s32 $0x80, s16;
	s18 =	smov.u32 s15;
	v28 =	vld [tilespmem:$0x1FF20];
	v9 =	vmul.f32 v62, v15;
	[tilespmem:s15+$0x1010] =	vst v2;
	v2 =	vadd.f32 v61, v63;
	v8 =	vmul.f32 v0, v35  }
.LBB2_3:
0x114: {  	v14 =	vld [tilespmem:$0x1FE90];
	_ =	sdelay $0x1  }
0x115: {  	v0 =	vld [tilespmem:s20+$0x20]  }
0x116: {  	v5 =	vadd.f32 v5, v13;
	v4 =	vadd.f32 v4, v12  }
0x117: {  	v57 =	vld [tilespmem:s20+$0xFFFFFFE0];
	v12 =	vbroadcast v51, $0xF;
	v3 =	vadd.f32 v3, v9;
	v13 =	vmul.f32 v11, v45  }
0x118: {  	v30 =	vld [tilespmem:$0x1FD80];
	v1 =	vadd.f32 v1, v8;
	v9 =	vmul.f32 v10, v45;
	v8 =	vmul.f32 v11, v14  }
0x119: {  	v58 =	vld [tilespmem:s20+$0x0];
	v10 =	vmul.f32 v10, v14;
	v11 =	vmul.f32 v12, v45  }
0x11a: {  	v56 =	vbroadcast v0, $0x0;
	v6 =	vadd.f32 v6, v8;
	v8 =	vmul.f32 v12, v14;
	v12 =	vld [tilespmem:$0x1FC00]  }
0x11b: {  	v60 =	vld [tilespmem:s20+$0xFFFFFFC0];
	v59 =	vbroadcast v0, $0x1;
	v61 =	vbroadcast v0, $0x2  }
0x11c: {  	v29 =	vld [tilespmem:$0x1FD90];
	v52 =	vbroadcast v0, $0x3;
	v15 =	vbroadcast v0, $0x4;
	v2 =	vadd.f32 v2, v9  }
0x11d: {  	v54 =	vld [tilespmem:s20+$0xFFFFFFCA];
	v5 =	vadd.f32 v5, v10;
	v9 =	vmul.f32 v59, v30;
	[tilespmem:s18+$0xFFFFE010] =	vst v6;
	v6 =	vmul.f32 v56, v27  }
0x11e: {  	v62 =	vbroadcast v58, $0x1;
	v7 =	vadd.f32 v7, v13;
	v3 =	vadd.f32 v3, v8  }
0x11f: {  	v55 =	vld [tilespmem:s20+$0xFFFFFFEA];
	[tilespmem:s18+$0xFFFFF010] =	vst v5;
	v5 =	vadd.f32 v9, v6;
	v6 =	vmul.f32 v61, v39;
	v12 =	vmul.f32 v12, v45  }
0x120: {  	v51 =	vld [tilespmem:s20+$0xA];
	v10 =	vbroadcast v60, $0x1;
	[tilespmem:s18+$0xFFFFF000] =	vst v2;
	v2 =	vadd.f32 v4, v11;
	v4 =	vbroadcast v60, $0x0  }
0x121: {  	[tilespmem:s18+$0x10] =	vst v3;
	v9 =	vld [tilespmem:$0x1FF30];
	v3 =	vadd.f32 v5, v6;
	v5 =	vmul.f32 v52, v29;
	v1 =	vadd.f32 v1, v12  }
0x122: {  	v13 =	vbroadcast v0, $0x6;
	[tilespmem:s18+$0xFFFFE000] =	vst v7;
	v7 =	vbroadcast v57, $0x0  }
0x123: {  	v37 =	vld [tilespmem:$0x1FDA0];
	v6 =	vmul.f32 v4, v20;
	[tilespmem:s18+$0x1000] =	vst v1;
	v1 =	vadd.f32 v3, v5;
	v5 =	vmul.f32 v10, v21  }
0x124: {  	v11 =	vbroadcast v0, $0x5;
	v8 =	vbroadcast v58, $0x0  }
0x125: {  	v4 =	vmul.f32 v4, v27;
	v63 =	vadd.f32 v5, v6;
	v5 =	vmul.f32 v10, v30  }
0x126: {  	[tilespmem:s18+$0x0] =	vst v2;
	v2 =	vbroadcast v57, $0x1;
	v3 =	vmul.f32 v15, v9  }
0x127: {  	v6 =	vmul.f32 v7, v20;
	v16 =	vadd.f32 v5, v4;
	v4 =	vmul.f32 v7, v27;
	v7 =	vld [tilespmem:$0x1FFD0]  }
0x128: {  	v1 =	vadd.f32 v1, v3;
	v3 =	vmul.f32 v11, v37;
	v5 =	vmul.f32 v2, v21  }
0x129: {  	v33 =	vld [tilespmem:$0x1FFC0];
	v12 =	vbroadcast v0, $0x7;
	v2 =	vmul.f32 v2, v30  }
0x12a: {  	v1 =	vadd.f32 v1, v3;
	v3 =	vmul.f32 v13, v40;
	v17 =	vadd.f32 v5, v6  }
0x12b: {  	v50 =	vld [tilespmem:$0x1FFE0];
	v5 =	vmul.f32 v8, v20;
	v18 =	vadd.f32 v2, v4;
	v4 =	vmul.f32 v62, v21  }
0x12c: {  	v10 =	vbroadcast v0, $0x8;
	v1 =	vadd.f32 v1, v3;
	v3 =	vmul.f32 v12, v7  }
0x12d: {  	v2 =	vmul.f32 v8, v27;
	v19 =	vadd.f32 v4, v5;
	v4 =	vmul.f32 v62, v30  }
0x12e: {  	v43 =	vbroadcast v0, $0x9;
	v1 =	vadd.f32 v1, v3;
	v3 =	vmul.f32 v10, v33  }
0x12f: {  	v45 =	vbroadcast v0, $0xA;
	v5 =	vmul.f32 v56, v20;
	v62 =	vadd.f32 v4, v2  }
0x130: {  	v2 =	vmul.f32 v59, v21;
	v1 =	vadd.f32 v1, v3;
	v3 =	vmul.f32 v43, v50  }
0x131: {  	v46 =	vbroadcast v0, $0xB  }
0x132: {  	v20 =	vadd.f32 v2, v5;
	v5 =	vld [tilespmem:$0x1FDC0];
	v1 =	vadd.f32 v1, v3;
	v3 =	vmul.f32 v45, v28;
	_ =	sdelay $0x1  }
0x133: {  	v42 =	vbroadcast v60, $0x2;
	v6 =	vld [tilespmem:$0x1FDD0];
	v1 =	vadd.f32 v1, v3;
	v3 =	vmul.f32 v46, v48  }
0x134: {  	v47 =	vbroadcast v0, $0xC  }
0x135: {  	v53 =	vld [tilespmem:$0x1FDE0];
	v1 =	vadd.f32 v1, v3;
	v3 =	vmul.f32 v42, v24  }
0x136: {  	v49 =	vbroadcast v0, $0xD;
	v21 =	vld [tilespmem:s20+$0x2A];
	v2 =	vmul.f32 v47, v5  }
0x137: {  	v4 =	vbroadcast v57, $0x2;
	v22 =	vadd.f32 v63, v3;
	v3 =	vld [tilespmem:$0x1FDF0]  }
0x138: {  	v8 =	vbroadcast v0, $0xE;
	v1 =	vadd.f32 v1, v2;
	v2 =	vmul.f32 v49, v6  }
0x139: {  	v31 =	vld [tilespmem:$0x1FE00];
	v32 =	vmul.f32 v4, v24;
	v23 =	vmul.f32 v4, v39  }
0x13a: {  	v4 =	vbroadcast v0, $0xF;
	v1 =	vadd.f32 v1, v2;
	v2 =	vmul.f32 v8, v53;
	_ =	sdelay $0x1  }
0x13b: {  	[tilespmem:$0x1FBA0] =	vst v4;
	v1 =	vadd.f32 v1, v2;
	v2 =	vmul.f32 v4, v3;
	v4 =	vbroadcast v21, $0x6;
	_ =	sdelay $0x1  }
0x13c: {  	v17 =	vadd.f32 v17, v32;
	v32 =	vld [tilespmem:$0x1FE10];
	v1 =	vadd.f32 v1, v2;
	v34 =	vmul.f32 v4, v31;
	_ =	sdelay $0x1  }
0x13d: {  	v44 =	vbroadcast v58, $0x2;
	v56 =	vmul.f32 v42, v39;
	v63 =	vadd.f32 v1, v34;
	v1 =	vld [tilespmem:$0x1FE20]  }
0x13e: {  	v2 =	vbroadcast v21, $0x7  }
0x13f: {  	v16 =	vadd.f32 v16, v56;
	v56 =	vmul.f32 v44, v39;
	[tilespmem:$0x1FBB0] =	vst v4;
	v34 =	vld [tilespmem:$0x1FE30]  }
0x140: {  	[tilespmem:$0x1FBC0] =	vst v2;
	v4 =	vmovc v39;
	v39 =	vmov v25;
	v25 =	vmul.f32 v2, v32;
	v2 =	vbroadcast v21, $0x8  }
0x141: {  	v30 =	vld [tilespmem:$0x1FD20];
	v42 =	vmov v27;
	v27 =	vadd.f32 v62, v56  }
0x142: {  	v48 =	vmovc v35;
	v62 =	vbroadcast v21, $0x9;
	v25 =	vadd.f32 v63, v25;
	v35 =	vmul.f32 v2, v1;
	_ =	sdelay $0x1  }
0x143: {  	v38 =	vld [tilespmem:$0x1FE40];
	v59 =	vbroadcast v60, $0x3;
	v41 =	vmul.f32 v62, v34;
	v25 =	vadd.f32 v25, v35  }
0x144: {  	v61 =	vmul.f32 v61, v24;
	v0 =	vmul.f32 v44, v24  }
0x145: {  	v26 =	vmul.f32 v59, v30;
	v59 =	vmul.f32 v59, v29;
	v25 =	vadd.f32 v25, v41;
	v41 =	vld [tilespmem:$0x1FE50]  }
0x146: {  	v52 =	vmul.f32 v52, v30;
	v63 =	vbroadcast v21, $0xA  }
0x147: {  	v18 =	vadd.f32 v18, v23;
	v23 =	vbroadcast v57, $0x3;
	v16 =	vadd.f32 v16, v59;
	v59 =	vld [tilespmem:$0x1FE60]  }
0x148: {  	v20 =	vadd.f32 v20, v61;
	v61 =	vbroadcast v21, $0xB;
	v44 =	vmul.f32 v63, v38  }
0x149: {  	[tilespmem:$0x1FB90] =	vst v8;
	v19 =	vadd.f32 v19, v0;
	v0 =	vbroadcast v21, $0xC;
	v8 =	vmovc v24;
	v24 =	vbroadcast v58, $0x3  }
0x14a: {  	v28 =	vmul.f32 v23, v30;
	v25 =	vadd.f32 v25, v44;
	v35 =	vmul.f32 v61, v41  }
0x14b: {  	v23 =	vmul.f32 v23, v29;
	v22 =	vadd.f32 v22, v26;
	v26 =	vmul.f32 v24, v30;
	v30 =	vld [tilespmem:$0x1FD30]  }
0x14c: {  	v44 =	vmul.f32 v0, v59;
	v25 =	vadd.f32 v25, v35  }
0x14d: {  	v17 =	vadd.f32 v17, v28;
	v28 =	vbroadcast v57, $0x4;
	v18 =	vadd.f32 v18, v23  }
0x14e: {  	v23 =	vbroadcast v58, $0x4;
	v24 =	vmul.f32 v24, v29;
	v25 =	vadd.f32 v25, v44;
	v44 =	vld [tilespmem:$0x1FE70]  }
0x14f: {  	v20 =	vadd.f32 v20, v52;
	v56 =	vbroadcast v21, $0xE;
	v29 =	vbroadcast v60, $0x4  }
0x150: {  	v52 =	vld [tilespmem:$0x1FE80];
	v24 =	vadd.f32 v27, v24;
	v27 =	vmul.f32 v28, v30;
	v28 =	vmul.f32 v28, v9  }
0x151: {  	[tilespmem:$0x1FBE0] =	vst v0;
	v19 =	vadd.f32 v19, v26;
	v15 =	vmul.f32 v15, v30;
	v0 =	vbroadcast v21, $0xD  }
0x152: {  	v36 =	vld [tilespmem:$0x1FD40];
	v17 =	vadd.f32 v17, v27;
	v27 =	vbroadcast v58, $0x5;
	v35 =	vmul.f32 v29, v30  }
0x153: {  	v18 =	vadd.f32 v18, v28;
	v15 =	vadd.f32 v20, v15;
	v26 =	vmul.f32 v0, v44  }
0x154: {  	[tilespmem:$0x1FBF0] =	vst v0;
	v0 =	vbroadcast v21, $0xF;
	v21 =	vadd.f32 v22, v35;
	v22 =	vmul.f32 v29, v9  }
0x155: {  	v29 =	vbroadcast v60, $0x5;
	v25 =	vadd.f32 v25, v26;
	v26 =	vmul.f32 v56, v52  }
0x156: {  	v16 =	vadd.f32 v16, v22;
	v22 =	vmul.f32 v23, v30;
	v23 =	vmul.f32 v23, v9  }
0x157: {  	v35 =	vmul.f32 v29, v36;
	v25 =	vadd.f32 v25, v26;
	v26 =	vmul.f32 v0, v14  }
0x158: {  	[tilespmem:$0x1FC00] =	vst v0;
	v19 =	vadd.f32 v19, v22;
	v22 =	vmul.f32 v29, v37;
	v0 =	vld [tilespmem:$0x1FD50];
	v23 =	vadd.f32 v24, v23  }
0x159: {  	v14 =	vmul.f32 v11, v36;
	v25 =	vadd.f32 v25, v26;
	v26 =	vbroadcast v57, $0x5  }
0x15a: {  	v20 =	vadd.f32 v21, v35;
	v16 =	vadd.f32 v16, v22;
	v22 =	vmul.f32 v27, v36  }
0x15b: {  	s18 =	sadd.s32 $0x4000, s18;
	v14 =	vadd.f32 v15, v14;
	v21 =	vmul.f32 v26, v36;
	v24 =	vmul.f32 v26, v37  }
0x15c: {  	[tilespmem:s18+$0x1010] =	vst v25;
	v25 =	vmul.f32 v27, v37;
	v26 =	vbroadcast v60, $0x6;
	v19 =	vadd.f32 v19, v22  }
0x15d: {  	v9 =	vld [tilespmem:$0x1FD60];
	v13 =	vmul.f32 v13, v0;
	v17 =	vadd.f32 v17, v21;
	v21 =	vbroadcast v57, $0x6  }
0x15e: {  	v18 =	vadd.f32 v18, v24;
	v24 =	vbroadcast v58, $0x6;
	v27 =	vmul.f32 v26, v0  }
0x15f: {  	v22 =	vadd.f32 v23, v25;
	v23 =	vmul.f32 v26, v40;
	v25 =	vmul.f32 v21, v0  }
0x160: {  	v15 =	vadd.f32 v20, v27;
	v20 =	vmul.f32 v21, v40;
	v21 =	vmul.f32 v24, v0  }
0x161: {  	v16 =	vadd.f32 v16, v23;
	v23 =	vmul.f32 v24, v40;
	v24 =	vbroadcast v60, $0x7  }
0x162: {  	v12 =	vmul.f32 v12, v9;
	v13 =	vadd.f32 v14, v13;
	v17 =	vadd.f32 v17, v25  }
0x163: {  	v25 =	vbroadcast v57, $0x7;
	v19 =	vadd.f32 v19, v21;
	v21 =	vmul.f32 v24, v9  }
0x164: {  	v18 =	vadd.f32 v18, v20;
	v20 =	vbroadcast v58, $0x7;
	v14 =	vmul.f32 v24, v7  }
0x165: {  	[tilespmem:$0x1FBD0] =	vst v2;
	v2 =	vld [tilespmem:$0x1FD70];
	v22 =	vadd.f32 v22, v23;
	v23 =	vmul.f32 v25, v9;
	v15 =	vadd.f32 v15, v21  }
0x166: {  	v21 =	vmul.f32 v25, v7;
	v24 =	vmul.f32 v20, v9;
	v14 =	vadd.f32 v16, v14  }
0x167: {  	v16 =	vmul.f32 v20, v7;
	v20 =	vbroadcast v60, $0x8;
	v17 =	vadd.f32 v17, v23  }
0x168: {  	v25 =	vmovc v39;
	v23 =	vbroadcast v57, $0x8;
	v18 =	vadd.f32 v18, v21;
	v21 =	vbroadcast v58, $0x8  }
0x169: {  	v12 =	vadd.f32 v13, v12;
	v13 =	vmul.f32 v20, v33;
	v0 =	vmul.f32 v20, v25  }
0x16a: {  	v19 =	vadd.f32 v19, v24;
	v11 =	vmul.f32 v10, v25;
	v10 =	vmul.f32 v43, v2  }
0x16b: {  	v16 =	vadd.f32 v22, v16;
	v20 =	vmul.f32 v23, v25;
	v22 =	vmul.f32 v23, v33  }
0x16c: {  	v23 =	vmul.f32 v21, v25;
	v13 =	vadd.f32 v14, v13;
	v14 =	vmul.f32 v21, v33  }
0x16d: {  	v21 =	vbroadcast v60, $0x9;
	v15 =	vadd.f32 v15, v0;
	v11 =	vadd.f32 v12, v11  }
0x16e: {  	v26 =	vld [tilespmem:$0x1FFA0];
	v17 =	vadd.f32 v17, v20;
	v20 =	vbroadcast v57, $0x9;
	v18 =	vadd.f32 v18, v22  }
0x16f: {  	v28 =	vld [tilespmem:$0x1FF20];
	v19 =	vadd.f32 v19, v23;
	v22 =	vbroadcast v58, $0x9;
	v23 =	vmul.f32 v21, v2  }
0x170: {  	v14 =	vadd.f32 v16, v14;
	v12 =	vmul.f32 v21, v50;
	v16 =	vmul.f32 v20, v2  }
0x171: {  	v15 =	vadd.f32 v15, v23;
	v23 =	vld [tilespmem:$0x1FFF0];
	v20 =	vmul.f32 v20, v50;
	v21 =	vmul.f32 v22, v2  }
0x172: {  	v12 =	vadd.f32 v13, v12;
	v13 =	vmul.f32 v22, v50;
	v22 =	vbroadcast v60, $0xA  }
0x173: {  	v7 =	vmul.f32 v47, v26;
	v10 =	vadd.f32 v11, v10  }
0x174: {  	v18 =	vadd.f32 v18, v20;
	v20 =	vbroadcast v58, $0xA;
	v11 =	vmul.f32 v22, v28  }
0x175: {  	v35 =	vmovc v48;
	v48 =	vld [tilespmem:$0x1FDB0];
	v16 =	vadd.f32 v17, v16;
	v17 =	vbroadcast v57, $0xA;
	v19 =	vadd.f32 v19, v21  }
0x176: {  	v11 =	vadd.f32 v12, v11;
	v12 =	vmul.f32 v20, v28;
	v21 =	vmul.f32 v22, v23;
	v22 =	vld [tilespmem:$0x1FFB0]  }
0x177: {  	v13 =	vadd.f32 v14, v13;
	v14 =	vmul.f32 v17, v23;
	v17 =	vmul.f32 v17, v28  }
0x178: {  	v9 =	vmul.f32 v45, v23;
	v15 =	vadd.f32 v15, v21;
	v21 =	vmul.f32 v20, v23  }
0x179: {  	v20 =	vbroadcast v60, $0xB;
	v14 =	vadd.f32 v16, v14;
	v16 =	vbroadcast v57, $0xB  }
0x17a: {  	v17 =	vadd.f32 v18, v17;
	v18 =	vadd.f32 v19, v21;
	v19 =	vbroadcast v58, $0xB  }
0x17b: {  	v9 =	vadd.f32 v10, v9;
	v10 =	vmul.f32 v20, v48;
	v21 =	vmul.f32 v20, v22  }
0x17c: {  	v12 =	vadd.f32 v13, v12;
	v13 =	vmul.f32 v16, v22;
	v16 =	vmul.f32 v16, v48  }
0x17d: {  	v24 =	vmovc v8;
	v8 =	vmul.f32 v46, v22;
	v20 =	vmul.f32 v19, v22;
	v10 =	vadd.f32 v11, v10  }
0x17e: {  	v0 =	vld [tilespmem:$0x1FB90];
	v11 =	vmul.f32 v19, v48;
	v19 =	vbroadcast v60, $0xC;
	v15 =	vadd.f32 v15, v21  }
0x17f: {  	v50 =	vld [tilespmem:$0x1FF80];
	v13 =	vadd.f32 v14, v13;
	v14 =	vbroadcast v57, $0xC;
	v16 =	vadd.f32 v17, v16  }
0x180: {  	v8 =	vadd.f32 v9, v8;
	v17 =	vadd.f32 v18, v20;
	v18 =	vbroadcast v58, $0xC  }
0x181: {  	v30 =	vld [tilespmem:$0x1FF90];
	v20 =	vmul.f32 v19, v26;
	v11 =	vadd.f32 v12, v11;
	v9 =	vmul.f32 v19, v5  }
0x182: {  	v12 =	vmul.f32 v14, v26;
	v14 =	vmul.f32 v14, v5;
	v7 =	vadd.f32 v8, v7  }
0x183: {  	v19 =	vmul.f32 v18, v26;
	v9 =	vadd.f32 v10, v9;
	v10 =	vmul.f32 v18, v5  }
0x184: {  	v15 =	vadd.f32 v15, v20;
	v18 =	vbroadcast v60, $0xD;
	v5 =	vmul.f32 v0, v50  }
0x185: {  	v33 =	vld [tilespmem:$0x1FF70];
	v12 =	vadd.f32 v13, v12;
	v13 =	vbroadcast v57, $0xD;
	v14 =	vadd.f32 v16, v14  }
0x186: {  	v0 =	vld [tilespmem:$0x1FBA0];
	v16 =	vadd.f32 v17, v19;
	v17 =	vbroadcast v58, $0xD;
	v19 =	vmul.f32 v18, v30  }
0x187: {  	v10 =	vadd.f32 v11, v10;
	v8 =	vmul.f32 v18, v6;
	v11 =	vmul.f32 v13, v30  }
0x188: {  	v13 =	vmul.f32 v13, v6;
	v15 =	vadd.f32 v15, v19;
	v18 =	vmul.f32 v17, v30  }
0x189: {  	v8 =	vadd.f32 v9, v8;
	v9 =	vmul.f32 v17, v6;
	v6 =	vmul.f32 v49, v30  }
0x18a: {  	v17 =	vbroadcast v60, $0xE;
	v11 =	vadd.f32 v12, v11;
	v12 =	vbroadcast v57, $0xE  }
0x18b: {  	v39 =	vmovc v4;
	v13 =	vadd.f32 v14, v13;
	v4 =	vmul.f32 v0, v33;
	v14 =	vadd.f32 v16, v18  }
0x18c: {  	v16 =	vbroadcast v58, $0xE;
	v18 =	vmul.f32 v17, v50;
	v9 =	vadd.f32 v10, v9  }
0x18d: {  	v6 =	vadd.f32 v7, v6;
	v7 =	vmul.f32 v17, v53;
	v10 =	vmul.f32 v12, v50  }
0x18e: {  	v12 =	vmul.f32 v12, v53;
	v15 =	vadd.f32 v15, v18;
	v17 =	vmul.f32 v16, v50  }
0x18f: {  	v29 =	vld [tilespmem:$0x1FF60];
	v7 =	vadd.f32 v8, v7;
	v8 =	vmul.f32 v16, v53;
	v16 =	vbroadcast v60, $0xF  }
0x190: {  	v0 =	vld [tilespmem:$0x1FBB0];
	v5 =	vadd.f32 v6, v5;
	v10 =	vadd.f32 v11, v10;
	v11 =	vbroadcast v57, $0xF  }
0x191: {  	v12 =	vadd.f32 v13, v12;
	v13 =	vadd.f32 v14, v17;
	v14 =	vbroadcast v58, $0xF  }
0x192: {  	v17 =	vmul.f32 v16, v33;
	v8 =	vadd.f32 v9, v8;
	v6 =	vmul.f32 v16, v3  }
0x193: {  	v4 =	vadd.f32 v5, v4;
	v9 =	vmul.f32 v11, v33;
	v11 =	vmul.f32 v11, v3  }
0x194: {  	v16 =	vmul.f32 v14, v33;
	v6 =	vadd.f32 v7, v6;
	v7 =	vmul.f32 v14, v3  }
0x195: {  	v15 =	vadd.f32 v15, v17;
	v14 =	vbroadcast v54, $0x6;
	v3 =	vmul.f32 v0, v29  }
0x196: {  	v9 =	vadd.f32 v10, v9;
	v10 =	vbroadcast v55, $0x6;
	v11 =	vadd.f32 v12, v11  }
0x197: {  	v12 =	vadd.f32 v13, v16;
	v13 =	vbroadcast v51, $0x6;
	v16 =	vmul.f32 v14, v29  }
0x198: {  	v7 =	vadd.f32 v8, v7;
	v5 =	vmul.f32 v14, v31;
	v8 =	vmul.f32 v10, v29  }
0x199: {  	v10 =	vmul.f32 v10, v31;
	v14 =	vadd.f32 v15, v16;
	v15 =	vmul.f32 v13, v29  }
0x19a: {  	v16 =	vld [tilespmem:$0x1FEA0];
	v5 =	vadd.f32 v6, v5;
	v6 =	vmul.f32 v13, v31;
	v13 =	vbroadcast v54, $0x7  }
0x19b: {  	v0 =	vld [tilespmem:$0x1FBC0];
	v3 =	vadd.f32 v4, v3;
	v10 =	vadd.f32 v11, v10  }
0x19c: {  	v11 =	vadd.f32 v12, v15;
	v12 =	vbroadcast v51, $0x7;
	v4 =	vmul.f32 v13, v32  }
0x19d: {  	v8 =	vadd.f32 v9, v8;
	v9 =	vbroadcast v55, $0x7  }
0x19e: {  	v17 =	vld [tilespmem:$0x1FEB0];
	v6 =	vadd.f32 v7, v6;
	v4 =	vadd.f32 v5, v4;
	v5 =	vmul.f32 v12, v32  }
0x19f: {  	v15 =	vmul.f32 v13, v16;
	v7 =	vmul.f32 v9, v16  }
0x1a0: {  	v9 =	vmul.f32 v9, v32;
	v2 =	vmul.f32 v0, v16;
	v5 =	vadd.f32 v6, v5  }
0x1a1: {  	v0 =	vld [tilespmem:$0x1FBD0];
	v13 =	vadd.f32 v14, v15;
	v14 =	vmul.f32 v12, v16;
	v12 =	vbroadcast v54, $0x8  }
0x1a2: {  	v7 =	vadd.f32 v8, v7;
	v8 =	vbroadcast v55, $0x8;
	v9 =	vadd.f32 v10, v9  }
0x1a3: {  	v18 =	vld [tilespmem:$0x1FEC0];
	v10 =	vadd.f32 v11, v14;
	v11 =	vbroadcast v51, $0x8;
	v14 =	vmul.f32 v12, v17  }
0x1a4: {  	v2 =	vadd.f32 v3, v2;
	v3 =	vmul.f32 v12, v1;
	v6 =	vmul.f32 v8, v17  }
0x1a5: {  	v8 =	vmul.f32 v8, v1;
	v12 =	vadd.f32 v13, v14;
	v13 =	vmul.f32 v11, v17  }
0x1a6: {  	v3 =	vadd.f32 v4, v3;
	v4 =	vmul.f32 v11, v1;
	v1 =	vmul.f32 v0, v17  }
0x1a7: {  	v11 =	vbroadcast v54, $0x9;
	v6 =	vadd.f32 v7, v6;
	v7 =	vbroadcast v55, $0x9  }
0x1a8: {  	v8 =	vadd.f32 v9, v8;
	v0 =	vmul.f32 v62, v18;
	v9 =	vadd.f32 v10, v13  }
0x1a9: {  	v19 =	vld [tilespmem:$0x1FED0];
	v10 =	vbroadcast v51, $0x9;
	v13 =	vmul.f32 v11, v18;
	v4 =	vadd.f32 v5, v4  }
0x1aa: {  	v1 =	vadd.f32 v2, v1;
	v2 =	vmul.f32 v11, v34;
	v5 =	vmul.f32 v7, v18  }
0x1ab: {  	v7 =	vmul.f32 v7, v34;
	v11 =	vadd.f32 v12, v13;
	v12 =	vmul.f32 v10, v18  }
0x1ac: {  	v2 =	vadd.f32 v3, v2;
	v3 =	vmul.f32 v10, v34;
	v10 =	vbroadcast v54, $0xA  }
0x1ad: {  	v5 =	vadd.f32 v6, v5;
	v6 =	vbroadcast v55, $0xA;
	v7 =	vadd.f32 v8, v7  }
0x1ae: {  	v0 =	vadd.f32 v1, v0;
	v8 =	vadd.f32 v9, v12;
	v12 =	vmul.f32 v10, v19  }
0x1af: {  	v43 =	vld [tilespmem:$0x1FEF0];
	v9 =	vbroadcast v51, $0xA;
	v3 =	vadd.f32 v4, v3;
	v1 =	vmul.f32 v10, v38  }
0x1b0: {  	v4 =	vmul.f32 v6, v19;
	v6 =	vmul.f32 v6, v38;
	v10 =	vadd.f32 v11, v12  }
0x1b1: {  	v11 =	vmul.f32 v9, v19;
	v1 =	vadd.f32 v2, v1;
	v2 =	vmul.f32 v9, v38  }
0x1b2: {  	v9 =	vmul.f32 v63, v19;
	v12 =	vbroadcast v54, $0xB;
	v4 =	vadd.f32 v5, v4  }
0x1b3: {  	v5 =	vbroadcast v55, $0xB;
	v6 =	vadd.f32 v7, v6;
	v7 =	vadd.f32 v8, v11  }
0x1b4: {  	v36 =	vld [tilespmem:$0x1FF10];
	v8 =	vbroadcast v51, $0xB;
	v11 =	vmul.f32 v12, v43;
	v2 =	vadd.f32 v3, v2  }
0x1b5: {  	v0 =	vadd.f32 v0, v9;
	v3 =	vmul.f32 v12, v41;
	v9 =	vmul.f32 v5, v43  }
0x1b6: {  	v5 =	vmul.f32 v5, v41;
	v12 =	vbroadcast v54, $0xC  }
0x1b7: {  	v10 =	vadd.f32 v10, v11;
	v11 =	vmul.f32 v8, v43;
	v1 =	vadd.f32 v1, v3  }
0x1b8: {  	v3 =	vmul.f32 v8, v41;
	v8 =	vmul.f32 v61, v43;
	v4 =	vadd.f32 v4, v9  }
0x1b9: {  	v5 =	vadd.f32 v6, v5;
	v6 =	vadd.f32 v7, v11;
	v11 =	vmul.f32 v12, v36  }
0x1ba: {  	v7 =	vbroadcast v51, $0xC;
	v2 =	vadd.f32 v2, v3;
	v3 =	vmul.f32 v12, v59  }
0x1bb: {  	v9 =	vbroadcast v55, $0xC;
	v12 =	vbroadcast v54, $0xD;
	v10 =	vadd.f32 v10, v11  }
0x1bc: {  	v11 =	vmul.f32 v7, v36;
	v1 =	vadd.f32 v1, v3;
	v3 =	vmul.f32 v7, v59;
	v7 =	vld [tilespmem:$0x1FBE0]  }
0x1bd: {  	v37 =	vld [tilespmem:$0x1FF50];
	v0 =	vadd.f32 v0, v8  }
0x1be: {  	v8 =	vmul.f32 v9, v36;
	v2 =	vadd.f32 v2, v3;
	v3 =	vmul.f32 v12, v44  }
0x1bf: {  	v9 =	vmul.f32 v9, v59  }
0x1c0: {  	v13 =	vbroadcast v55, $0xE;
	v4 =	vadd.f32 v4, v8;
	v14 =	vadd.f32 v1, v3;
	v3 =	vld [tilespmem:$0x1FBF0]  }
0x1c1: {  	v8 =	vbroadcast v55, $0xD;
	v5 =	vadd.f32 v5, v9;
	v7 =	vmul.f32 v7, v36  }
0x1c2: {  	v9 =	vbroadcast v51, $0xD;
	v6 =	vadd.f32 v6, v11;
	v11 =	vmul.f32 v12, v37  }
0x1c3: {  	v12 =	vbroadcast v54, $0xE;
	v0 =	vadd.f32 v0, v7;
	v7 =	vmul.f32 v8, v37  }
0x1c4: {  	v10 =	vadd.f32 v10, v11;
	v11 =	vmul.f32 v9, v37;
	v8 =	vmul.f32 v8, v44  }
0x1c5: {  	s19 =	sadd.s32 $0x4, s19;
	v1 =	vmul.f32 v9, v44;
	v9 =	vmul.f32 v3, v37;
	v15 =	vadd.f32 v4, v7  }
0x1c6: {  	p0 =	slt.u32 s19, $0x10;
	v5 =	vadd.f32 v5, v8;
	v4 =	vadd.f32 v6, v11;
	v8 =	vbroadcast v51, $0xE  }
.Ltmp0:
0x1c7: {  	v6 =	vmul.f32 v12, v35;
	v3 =	vadd.f32 v2, v1;
	v2 =	vmul.f32 v13, v35;
	(pc) =	sbr.rel @p0 .LBB2_3-.Ltmp0, $4  }
0x1c8: {  	v13 =	vmul.f32 v13, v52;
	v11 =	vbroadcast v54, $0xF  }
0x1c9: {  	v45 =	vld [tilespmem:$0x1FEE0];
	v1 =	vadd.f32 v0, v9;
	v0 =	vmul.f32 v12, v52;
	v12 =	vmul.f32 v8, v35  }
0x1ca: {  	v21 =	vld [tilespmem:$0x1FF40];
	v7 =	vadd.f32 v10, v6;
	v9 =	vmul.f32 v8, v52;
	v8 =	vmul.f32 v56, v35  }
0x1cb: {  	s20 =	sadd.s32 $0x80, s20;
	v27 =	vmovc v42;
	v20 =	vld [tilespmem:$0x1FF00];
	v2 =	vadd.f32 v15, v2;
	v10 =	vbroadcast v55, $0xF;
	v6 =	vadd.f32 v14, v0  }
0x1cc: {  	v15 =	vld [tilespmem:$0x1FE90];
	_ =	sdelay $0x3  }
0x1cd: {  	v0 =	vmul.f32 v11, v45  }
0x1ce: {  	v55 =	vmul.f32 v11, v15  }
0x1cf: {  	v0 =	vadd.f32 v7, v0  }
0x1d0: {  	v6 =	vadd.f32 v6, v55  }
0x1d1: {  	[tilespmem:s18+$0xFFFFE000] =	vst v0  }
0x1d2: {  	[tilespmem:s18+$0xFFFFE010] =	vst v6  }
0x1d3: {  	v6 =	vld [tilespmem:$0x1FC00]  }
0x1d4: {  	v14 =	vbroadcast v51, $0xF;
	v56 =	vmul.f32 v10, v45  }
0x1d5: {  	v5 =	vadd.f32 v5, v13;
	v57 =	vmul.f32 v10, v15  }
0x1d6: {  	v4 =	vadd.f32 v4, v12;
	v58 =	vmul.f32 v14, v45;
	v59 =	vadd.f32 v2, v56  }
0x1d7: {  	v60 =	vadd.f32 v3, v9;
	v61 =	vmul.f32 v14, v15;
	v5 =	vadd.f32 v5, v57  }
0x1d8: {  	v1 =	vadd.f32 v1, v8;
	v62 =	vadd.f32 v4, v58;
	[tilespmem:s18+$0xFFFFF000] =	vst v59;
	v6 =	vmul.f32 v6, v45  }
0x1d9: {  	v2 =	vadd.f32 v60, v61;
	[tilespmem:s18+$0xFFFFF010] =	vst v5  }
0x1da: {  	s17 =	sadd.s32 $0x1, s17;
	[tilespmem:s18+$0x0] =	vst v62;
	v63 =	vadd.f32 v1, v6  }
0x1db: {  	p0 =	sne.s32 s17, $0x20;
	[tilespmem:s18+$0x10] =	vst v2  }
.Ltmp1:
0x1dc: {  	[tilespmem:s18+$0x1000] =	vst v63;
	(pc) =	sbr.rel @p0 .LBB2_2-.Ltmp1, $4  }
0x1dd: {  	v31 =	vld [tilespmem:$0x1FF30]  }
0x1de: {  	v57 =	vld [tilespmem:$0x1FFD0]  }
0x1df: {  	v32 =	vld [tilespmem:$0x1FFC0]  }
0x1e0: {  	s15 =	sadd.s32 $0x80, s15;
	s16 =	sadd.s32 $0x300, s16;
	v51 =	vld [tilespmem:$0x1FFE0]  }
0x1e1: {  	v0 =	vld [tilespmem:$0x20]  }
0x1e2: {  	v1 =	vld [tilespmem:$0xA0]  }
0x1e3: {  	v2 =	vld [tilespmem:$0x120]  }
0x1e4: {  	v3 =	vld [tilespmem:$0x1A0]  }
0x1e5: {  	v4 =	vld [tilespmem:$0x220]  }
0x1e6: {  	v5 =	vld [tilespmem:$0x2A0]  }
0x1e7: {  	v6 =	vld [tilespmem:$0x320]  }
0x1e8: {  	v7 =	vld [tilespmem:$0x3A0]  }
0x1e9: {  	v8 =	vld [tilespmem:$0x420]  }
0x1ea: {  	v9 =	vld [tilespmem:$0x4A0]  }
0x1eb: {  	v16 =	vld [tilespmem:$0x820];
	v57 =	vmul.f32 $3.846153990e-02, v3  }
0x1ec: {  	v34 =	vld [tilespmem:$0xB0];
	v61 =	vmul.f32 $3.846153990e-02, v4  }
0x1ed: {  	v38 =	vld [tilespmem:$0x1B0];
	v62 =	vmul.f32 $3.846153990e-02, v5;
	[tilespmem:$0x1F8B0] =	vst v57  }
0x1ee: {  	v56 =	vld [tilespmem:$0x2B0];
	v50 =	vmul.f32 $3.846153990e-02, v6;
	[tilespmem:$0x1F8C0] =	vst v61  }
0x1ef: {  	v54 =	vld [tilespmem:$0x830];
	v51 =	vmul.f32 $3.846153990e-02, v7;
	[tilespmem:$0x1F8D0] =	vst v62  }
0x1f0: {  	v55 =	vld [tilespmem:$0x8B0];
	v52 =	vmul.f32 $3.846153990e-02, v9;
	[tilespmem:$0x1F8E0] =	vst v50  }
0x1f1: {  	v17 =	vld [tilespmem:$0x8A0];
	v59 =	vmul.f32 $3.846153990e-02, v34;
	[tilespmem:$0x1F8F0] =	vst v51  }
0x1f2: {  	v18 =	vld [tilespmem:$0x920];
	v60 =	vmul.f32 $3.846153990e-02, v38;
	[tilespmem:$0x1F900] =	vst v52  }
0x1f3: {  	v19 =	vld [tilespmem:$0x9A0];
	v31 =	vmul.f32 $3.846153990e-02, v0;
	v0 =	vmul.f32 $3.846153990e-02, v56;
	[tilespmem:$0x1F910] =	vst v59  }
0x1f4: {  	v20 =	vld [tilespmem:$0xA20];
	v54 =	vmul.f32 $3.846153990e-02, v54;
	[tilespmem:$0x1F920] =	vst v60  }
0x1f5: {  	v25 =	vld [tilespmem:$0xCA0];
	v55 =	vmul.f32 $3.846153990e-02, v55;
	[tilespmem:$0x1F930] =	vst v0  }
0x1f6: {  	v21 =	vld [tilespmem:$0xAA0];
	v29 =	vmul.f32 $3.846153990e-02, v16;
	v16 =	vmul.f32 $3.846153990e-02, v17;
	[tilespmem:$0x1F990] =	vst v54  }
0x1f7: {  	v22 =	vld [tilespmem:$0xB20];
	v17 =	vmul.f32 $3.846153990e-02, v18;
	[tilespmem:$0x1F9A0] =	vst v55  }
0x1f8: {  	v23 =	vld [tilespmem:$0xBA0];
	v18 =	vmul.f32 $3.846153990e-02, v19;
	[tilespmem:$0x1FA30] =	vst v16  }
0x1f9: {  	v10 =	vld [tilespmem:$0x520];
	v19 =	vmul.f32 $3.846153990e-02, v20;
	[tilespmem:$0x1FA40] =	vst v17  }
0x1fa: {  	v15 =	vld [tilespmem:$0x7A0];
	v45 =	vmul.f32 $3.846153990e-02, v25;
	[tilespmem:$0x1FA50] =	vst v18  }
0x1fb: {  	v13 =	vld [tilespmem:$0x6A0];
	v43 =	vmul.f32 $3.846153990e-02, v21;
	[tilespmem:$0x1FA60] =	vst v19  }
0x1fc: {  	v12 =	vld [tilespmem:$0x620];
	v36 =	vmul.f32 $3.846153990e-02, v22;
	[tilespmem:$0x1FA70] =	vst v45  }
0x1fd: {  	v11 =	vld [tilespmem:$0x5A0];
	v37 =	vmul.f32 $3.846153990e-02, v23;
	[tilespmem:$0x1FA80] =	vst v43  }
0x1fe: {  	v14 =	vld [tilespmem:$0x720];
	[tilespmem:$0x1FAA0] =	vst v36  }
0x1ff: {  	v24 =	vld [tilespmem:$0xC20];
	v33 =	vmul.f32 $3.846153990e-02, v15;
	[tilespmem:$0x1FAE0] =	vst v37  }
0x200: {  	v40 =	vld [tilespmem:$0x130];
	v30 =	vmul.f32 $3.846153990e-02, v13;
	[tilespmem:$0x1FAF0] =	vst v29  }
0x201: {  	v28 =	vld [tilespmem:$0x230];
	v26 =	vmul.f32 $3.846153990e-02, v12;
	[tilespmem:$0x1FB00] =	vst v33  }
0x202: {  	v58 =	vld [tilespmem:$0x330];
	v41 =	vmul.f32 $3.846153990e-02, v10;
	[tilespmem:$0x1FB20] =	vst v30  }
0x203: {  	v63 =	vld [tilespmem:$0x3B0];
	v32 =	vmul.f32 $3.846153990e-02, v1;
	[tilespmem:$0x1FB30] =	vst v26  }
0x204: {  	v53 =	vld [tilespmem:$0x4B0];
	v11 =	vmul.f32 $3.846153990e-02, v11;
	v20 =	vmov v31;
	[tilespmem:$0x1FB80] =	vst v41  }
0x205: {  	v6 =	vld [tilespmem:$0x5B0];
	v21 =	vmov v32;
	[tilespmem:$0x1FA90] =	vst v20  }
0x206: {  	v7 =	vld [tilespmem:$0x630];
	v22 =	vmov v11;
	v31 =	vmul.f32 $3.846153990e-02, v28;
	[tilespmem:$0x1FAD0] =	vst v21  }
0x207: {  	v39 =	vmul.f32 $3.846153990e-02, v8;
	v8 =	vld [tilespmem:$0x6B0];
	v50 =	vmul.f32 $3.846153990e-02, v14;
	[tilespmem:$0x1FB40] =	vst v22  }
0x208: {  	v42 =	vmul.f32 $3.846153990e-02, v2;
	v9 =	vld [tilespmem:$0x730];
	v57 =	vmul.f32 $3.846153990e-02, v63;
	[tilespmem:$0x1FAC0] =	vst v31  }
0x209: {  	v10 =	vld [tilespmem:$0x7B0];
	v51 =	vmul.f32 $3.846153990e-02, v53;
	[tilespmem:$0x1FB10] =	vst v50  }
0x20a: {  	v35 =	vmul.f32 $3.846153990e-02, v24;
	v13 =	vld [tilespmem:$0x930];
	v24 =	vmov v42;
	[tilespmem:$0x1FB60] =	vst v57;
	v42 =	vmul.f32 $3.846153990e-02, v6  }
0x20b: {  	v38 =	vld [tilespmem:$0xB30];
	[tilespmem:$0x1FB70] =	vst v51;
	v46 =	vmul.f32 $3.846153990e-02, v7  }
0x20c: {  	v5 =	vld [tilespmem:$0x530];
	v47 =	vmul.f32 $3.846153990e-02, v8;
	[tilespmem:$0x1F940] =	vst v42  }
0x20d: {  	v3 =	vld [tilespmem:$0x430];
	v49 =	vmul.f32 $3.846153990e-02, v9;
	[tilespmem:$0x1F950] =	vst v46  }
0x20e: {  	v61 =	vld [tilespmem:$0x9B0];
	v52 =	vmul.f32 $3.846153990e-02, v10;
	[tilespmem:$0x1F960] =	vst v47  }
0x20f: {  	v62 =	vld [tilespmem:$0xA30];
	v56 =	vmul.f32 $3.846153990e-02, v13;
	[tilespmem:$0x1F970] =	vst v49  }
0x210: {  	v63 =	vld [tilespmem:$0xAB0];
	v60 =	vmul.f32 $3.846153990e-02, v38;
	[tilespmem:$0x1F980] =	vst v52  }
0x211: {  	v44 =	vld [tilespmem:$0xBB0];
	v28 =	vmul.f32 $3.846153990e-02, v5;
	[tilespmem:$0x1F9B0] =	vst v56  }
0x212: {  	v48 =	vld [tilespmem:$0xC30];
	v25 =	vmov v39;
	v39 =	vmul.f32 $3.846153990e-02, v40;
	v32 =	vmul.f32 $3.846153990e-02, v3;
	[tilespmem:$0x1F9F0] =	vst v60  }
0x213: {  	v40 =	vmul.f32 $3.846153990e-02, v58;
	v53 =	vld [tilespmem:$0xCB0];
	v58 =	vmul.f32 $3.846153990e-02, v61;
	[tilespmem:$0x1FAB0] =	vst v28  }
0x214: {  	v0 =	vmul.f32 $3.846153990e-02, v62;
	[tilespmem:$0x1FB50] =	vst v32  }
0x215: {  	v27 =	vld [tilespmem:$0x30];
	v59 =	vmul.f32 $3.846153990e-02, v63;
	[tilespmem:$0x1F9C0] =	vst v58  }
0x216: {  	v61 =	vmul.f32 $3.846153990e-02, v44;
	[tilespmem:$0x1F9D0] =	vst v0  }
0x217: {  	v62 =	vmul.f32 $3.846153990e-02, v48;
	[tilespmem:$0x1F9E0] =	vst v59  }
0x218: {  	v63 =	vmul.f32 $3.846153990e-02, v53;
	[tilespmem:$0x1FA00] =	vst v61  }
0x219: {  	[tilespmem:$0x1FA10] =	vst v62  }
0x21a: {  	s15 =	simm.s32 $0x0;
	s16 =	simm.s32 $0x8D20;
	s17 =	simm.s32 $0xD40;
	v27 =	vmul.f32 $3.846153990e-02, v27;
	v23 =	vmov v41;
	[tilespmem:$0x1FA20] =	vst v63  }
.LBB2_6:
0x21b: {  	v0 =	vld [tilespmem:s17+$0x20];
	_ =	sdelay $0x1  }
0x21c: {  	v5 =	vld [tilespmem:$0x1F910];
	_ =	sdelay $0x2  }
0x21d: {  	v1 =	vbroadcast v0, $0x0;
	v3 =	vbroadcast v0, $0x1  }
0x21e: {  	v42 =	vld [tilespmem:$0x1F920];
	v15 =	vbroadcast v0, $0x2  }
0x21f: {  	v4 =	vmul.f32 v1, v27;
	v6 =	vmul.f32 v3, v5;
	_ =	sdelay $0x1  }
0x220: {  	v53 =	vld [tilespmem:s17+$0xFFFFFFE0];
	v48 =	vbroadcast v0, $0x3;
	v4 =	vadd.f32 v6, v4;
	v6 =	vmul.f32 v15, v39  }
0x221: {  	v49 =	vld [tilespmem:$0x1F930]  }
0x222: {  	v54 =	vld [tilespmem:s17+$0xFFFFFFC0];
	v58 =	vbroadcast v0, $0x4;
	v4 =	vadd.f32 v4, v6;
	v6 =	vmul.f32 v48, v42;
	_ =	sdelay $0x1  }
0x223: {  	v60 =	vbroadcast v0, $0x5;
	v4 =	vadd.f32 v4, v6;
	v6 =	vmul.f32 v58, v31;
	_ =	sdelay $0x1  }
0x224: {  	v14 =	vld [tilespmem:s17+$0x0];
	v52 =	vbroadcast v0, $0x6;
	v4 =	vadd.f32 v4, v6;
	v6 =	vmul.f32 v60, v49  }
0x225: {  	v7 =	vbroadcast v53, $0x0;
	v8 =	vbroadcast v54, $0x0  }
0x226: {  	v2 =	vbroadcast v0, $0x7;
	v4 =	vadd.f32 v4, v6;
	v6 =	vmul.f32 v52, v40  }
0x227: {  	v9 =	vbroadcast v54, $0x1;
	v10 =	vbroadcast v53, $0x1  }
0x228: {  	[tilespmem:$0x1F7A0] =	vst v2;
	v4 =	vadd.f32 v4, v6;
	v6 =	vmul.f32 v2, v57;
	v2 =	vbroadcast v0, $0x8  }
0x229: {  	v11 =	vbroadcast v14, $0x0;
	v55 =	vbroadcast v14, $0x1  }
0x22a: {  	[tilespmem:$0x1F7B0] =	vst v2;
	v4 =	vadd.f32 v4, v6;
	v6 =	vmul.f32 v2, v32;
	v2 =	vbroadcast v0, $0x9  }
0x22b: {  	v12 =	vmul.f32 v8, v20;
	v8 =	vmul.f32 v8, v27  }
0x22c: {  	v13 =	vmul.f32 v9, v21;
	[tilespmem:$0x1F7C0] =	vst v2;
	v4 =	vadd.f32 v4, v6;
	v6 =	vmul.f32 v2, v51;
	v2 =	vld [tilespmem:$0x1FAB0]  }
0x22d: {  	v9 =	vmul.f32 v9, v5;
	v56 =	vmul.f32 v7, v20  }
0x22e: {  	v7 =	vmul.f32 v7, v27;
	v34 =	vmul.f32 v11, v27;
	v62 =	vadd.f32 v13, v12  }
0x22f: {  	v61 =	vld [tilespmem:$0x1F940];
	v12 =	vmul.f32 v10, v21;
	v13 =	vadd.f32 v9, v8;
	v8 =	vbroadcast v0, $0xA  }
0x230: {  	v9 =	vmul.f32 v10, v5;
	v10 =	vmul.f32 v11, v20  }
0x231: {  	v44 =	vld [tilespmem:$0x1F950];
	v11 =	vmul.f32 v55, v21;
	v4 =	vadd.f32 v4, v6;
	v6 =	vmul.f32 v8, v2  }
0x232: {  	[tilespmem:$0x1F7D0] =	vst v8;
	v2 =	vbroadcast v0, $0xB;
	v8 =	vadd.f32 v9, v7;
	v9 =	vmul.f32 v55, v5  }
0x233: {  	v46 =	vld [tilespmem:$0x1F960];
	v5 =	vmul.f32 v3, v21;
	v3 =	vbroadcast v0, $0xD  }
0x234: {  	[tilespmem:$0x1F7E0] =	vst v2;
	v4 =	vadd.f32 v4, v6;
	v6 =	vmul.f32 v2, v61;
	v2 =	vbroadcast v0, $0xC  }
0x235: {  	v28 =	vld [tilespmem:$0x1F970];
	v63 =	vadd.f32 v12, v56;
	[tilespmem:$0x1F800] =	vst v3  }
0x236: {  	v47 =	vld [tilespmem:$0x1F980];
	v55 =	vadd.f32 v11, v10;
	[tilespmem:$0x1F7F0] =	vst v2;
	v10 =	vadd.f32 v4, v6;
	v6 =	vmul.f32 v2, v44  }
0x237: {  	v7 =	vmul.f32 v1, v20;
	v1 =	vbroadcast v54, $0x2;
	v12 =	vadd.f32 v9, v34;
	v4 =	vld [tilespmem:s17+$0x2A]  }
0x238: {  	v3 =	vmul.f32 v3, v46;
	v9 =	vbroadcast v0, $0xE;
	v6 =	vadd.f32 v10, v6  }
0x239: {  	v56 =	vld [tilespmem:$0x1F990];
	v11 =	vadd.f32 v5, v7;
	v5 =	vmul.f32 v1, v24  }
0x23a: {  	v0 =	vbroadcast v0, $0xF;
	v3 =	vadd.f32 v6, v3;
	v6 =	vmul.f32 v9, v28  }
0x23b: {  	v1 =	vmul.f32 v1, v39;
	v10 =	vadd.f32 v62, v5;
	v62 =	vld [tilespmem:$0x1F9A0]  }
0x23c: {  	[tilespmem:$0x1F820] =	vst v0;
	v3 =	vadd.f32 v3, v6;
	v6 =	vmul.f32 v0, v47;
	v0 =	vbroadcast v4, $0x6  }
0x23d: {  	v59 =	vld [tilespmem:$0x1F9B0];
	[tilespmem:$0x1F810] =	vst v9;
	v9 =	vadd.f32 v13, v1  }
0x23e: {  	v1 =	vbroadcast v4, $0x7;
	v3 =	vadd.f32 v3, v6;
	v6 =	vmul.f32 v0, v56;
	_ =	sdelay $0x1  }
0x23f: {  	v34 =	vbroadcast v4, $0x8;
	v3 =	vadd.f32 v3, v6;
	v6 =	vmul.f32 v1, v62;
	_ =	sdelay $0x1  }
0x240: {  	v38 =	vbroadcast v53, $0x2;
	[tilespmem:$0x1F850] =	vst v34;
	v3 =	vadd.f32 v3, v6;
	v6 =	vmul.f32 v34, v59;
	v34 =	vld [tilespmem:$0x1F9C0]  }
0x241: {  	v2 =	vbroadcast v14, $0x2  }
0x242: {  	v41 =	vmul.f32 v38, v24;
	v5 =	vmul.f32 v38, v39  }
0x243: {  	v7 =	vmul.f32 v2, v24;
	v38 =	vbroadcast v4, $0x9;
	_ =	sdelay $0x1  }
0x244: {  	v55 =	vadd.f32 v55, v7;
	v3 =	vadd.f32 v3, v6;
	v7 =	vmul.f32 v38, v34;
	_ =	sdelay $0x1  }
0x245: {  	v3 =	vadd.f32 v3, v7;
	v7 =	vld [tilespmem:$0x1F9D0]  }
0x246: {  	v63 =	vadd.f32 v63, v41;
	v41 =	vld [tilespmem:$0x1F8B0];
	_ =	sdelay $0x1  }
0x247: {  	v15 =	vmul.f32 v15, v24;
	[tilespmem:$0x1F860] =	vst v38;
	v38 =	vbroadcast v4, $0xA  }
0x248: {  	[tilespmem:$0x1F830] =	vst v0;
	v0 =	vbroadcast v54, $0x3  }
0x249: {  	v11 =	vadd.f32 v11, v15;
	v13 =	vmul.f32 v2, v39;
	v15 =	vmul.f32 v38, v7  }
0x24a: {  	v8 =	vadd.f32 v8, v5;
	[tilespmem:$0x1F840] =	vst v1;
	v1 =	vbroadcast v53, $0x3;
	v5 =	vmul.f32 v0, v41  }
0x24b: {  	v2 =	vbroadcast v14, $0x3;
	v6 =	vmul.f32 v0, v42;
	v15 =	vadd.f32 v3, v15;
	v3 =	vld [tilespmem:$0x1F9E0]  }
0x24c: {  	v5 =	vadd.f32 v10, v5;
	v10 =	vmul.f32 v1, v42  }
0x24d: {  	v0 =	vbroadcast v4, $0xB;
	v6 =	vadd.f32 v9, v6;
	v9 =	vmul.f32 v2, v42;
	v42 =	vld [tilespmem:$0x1F9F0];
	_ =	sdelay $0x1  }
0x24e: {  	[tilespmem:$0x1F880] =	vst v0  }
0x24f: {  	[tilespmem:$0x1F870] =	vst v38;
	v38 =	vbroadcast v4, $0xC;
	v0 =	vmul.f32 v0, v3  }
0x250: {  	v12 =	vadd.f32 v12, v13;
	v13 =	vmul.f32 v1, v41;
	v1 =	vmul.f32 v2, v41  }
0x251: {  	v2 =	vmul.f32 v48, v41;
	v41 =	vmul.f32 v38, v42;
	v15 =	vadd.f32 v15, v0;
	v0 =	vld [tilespmem:$0x1FA00];
	_ =	sdelay $0x1  }
0x252: {  	v8 =	vadd.f32 v8, v10;
	v10 =	vadd.f32 v15, v41;
	v15 =	vld [tilespmem:$0x1FA10]  }
0x253: {  	v48 =	vbroadcast v4, $0xD;
	_ =	sdelay $0x1  }
0x254: {  	[tilespmem:$0x1F890] =	vst v48;
	v41 =	vmul.f32 v48, v0;
	v48 =	vbroadcast v4, $0xE;
	_ =	sdelay $0x1  }
0x255: {  	v9 =	vadd.f32 v12, v9;
	v10 =	vadd.f32 v10, v41;
	v12 =	vmul.f32 v48, v15  }
0x256: {  	v41 =	vld [tilespmem:$0x1F8C0]  }
0x257: {  	v10 =	vadd.f32 v10, v12;
	v12 =	vld [tilespmem:$0x1FA20];
	_ =	sdelay $0x1  }
0x258: {  	v13 =	vadd.f32 v63, v13;
	v63 =	vbroadcast v54, $0x4  }
0x259: {  	v1 =	vadd.f32 v55, v1;
	v55 =	vbroadcast v53, $0x4;
	[tilespmem:$0x1F8A0] =	vst v48;
	v48 =	vbroadcast v4, $0xF  }
0x25a: {  	v11 =	vadd.f32 v11, v2;
	v2 =	vmul.f32 v63, v31;
	v4 =	vmul.f32 v63, v41  }
0x25b: {  	v63 =	vbroadcast v14, $0x4;
	v12 =	vmul.f32 v48, v12  }
0x25c: {  	v4 =	vadd.f32 v5, v4;
	v5 =	vadd.f32 v6, v2;
	v6 =	vmul.f32 v55, v41  }
0x25d: {  	v55 =	vmul.f32 v55, v31;
	v2 =	vadd.f32 v10, v12;
	v12 =	vmul.f32 v63, v31;
	v31 =	vld [tilespmem:$0x1F8D0];
	_ =	sdelay $0x2  }
0x25e: {  	v6 =	vadd.f32 v13, v6;
	v13 =	vbroadcast v54, $0x5  }
0x25f: {  	v10 =	vmul.f32 v63, v41  }
0x260: {  	v63 =	vbroadcast v14, $0x5;
	v9 =	vadd.f32 v9, v12;
	v12 =	vmul.f32 v13, v31  }
0x261: {  	v1 =	vadd.f32 v1, v10;
	v10 =	vbroadcast v53, $0x5;
	v13 =	vmul.f32 v13, v49  }
0x262: {  	v60 =	vmul.f32 v60, v31;
	v4 =	vadd.f32 v4, v12  }
0x263: {  	v12 =	vmul.f32 v10, v31;
	v5 =	vadd.f32 v5, v13;
	v13 =	vmul.f32 v63, v31;
	v31 =	vld [tilespmem:$0x1F8E0];
	_ =	sdelay $0x1  }
0x264: {  	v8 =	vadd.f32 v8, v55;
	v10 =	vmul.f32 v10, v49  }
0x265: {  	v58 =	vmul.f32 v58, v41;
	v6 =	vadd.f32 v6, v12;
	v12 =	vbroadcast v54, $0x6  }
0x266: {  	v41 =	vbroadcast v14, $0x6;
	v8 =	vadd.f32 v8, v10;
	v10 =	vbroadcast v53, $0x6  }
0x267: {  	v1 =	vadd.f32 v1, v13;
	v13 =	vmul.f32 v12, v31;
	v12 =	vmul.f32 v12, v40  }
0x268: {  	[tilespmem:$0x1F790] =	vst v48;
	v55 =	vmul.f32 v63, v49;
	v48 =	vmul.f32 v10, v31  }
0x269: {  	v49 =	vmul.f32 v52, v31;
	v5 =	vadd.f32 v5, v12;
	v12 =	vmul.f32 v41, v31;
	v31 =	vld [tilespmem:$0x1F8F0];
	_ =	sdelay $0x1  }
0x26a: {  	v10 =	vmul.f32 v10, v40  }
0x26b: {  	v4 =	vadd.f32 v4, v13;
	v13 =	vbroadcast v54, $0x7  }
0x26c: {  	v8 =	vadd.f32 v8, v10  }
0x26d: {  	v10 =	vbroadcast v53, $0x7;
	v1 =	vadd.f32 v1, v12;
	v12 =	vmul.f32 v13, v31;
	_ =	sdelay $0x1  }
0x26e: {  	v4 =	vadd.f32 v4, v12;
	v12 =	vmul.f32 v10, v31;
	v10 =	vmul.f32 v10, v57;
	_ =	sdelay $0x1  }
0x26f: {  	v8 =	vadd.f32 v8, v10;
	v10 =	vld [tilespmem:$0x1F7A0];
	_ =	sdelay $0x1  }
0x270: {  	v11 =	vadd.f32 v11, v58  }
0x271: {  	v58 =	vbroadcast v14, $0x7;
	v9 =	vadd.f32 v9, v55;
	v13 =	vmul.f32 v13, v57  }
0x272: {  	v55 =	vmul.f32 v41, v40;
	v11 =	vadd.f32 v11, v60;
	v6 =	vadd.f32 v6, v48  }
0x273: {  	v5 =	vadd.f32 v5, v13;
	v13 =	vmul.f32 v58, v31;
	v10 =	vmul.f32 v10, v31;
	v31 =	vld [tilespmem:$0x1F7B0]  }
0x274: {  	v9 =	vadd.f32 v9, v55;
	v55 =	vmul.f32 v58, v57  }
0x275: {  	v11 =	vadd.f32 v11, v49;
	v6 =	vadd.f32 v6, v12;
	v12 =	vbroadcast v54, $0x8  }
0x276: {  	v48 =	vbroadcast v54, $0x9;
	v1 =	vadd.f32 v1, v13;
	v13 =	vbroadcast v53, $0x8  }
0x277: {  	v9 =	vadd.f32 v9, v55;
	v60 =	vmul.f32 v12, v25;
	v12 =	vmul.f32 v12, v32  }
0x278: {  	v10 =	vadd.f32 v11, v10;
	v11 =	vbroadcast v14, $0x8;
	v41 =	vmul.f32 v31, v25;
	v31 =	vld [tilespmem:$0x1F900]  }
0x279: {  	v63 =	vmul.f32 v13, v25;
	v13 =	vmul.f32 v13, v32;
	v4 =	vadd.f32 v4, v60;
	v60 =	vld [tilespmem:$0x1F7C0]  }
0x27a: {  	v5 =	vadd.f32 v5, v12;
	v12 =	vmul.f32 v11, v25;
	v11 =	vmul.f32 v11, v32  }
0x27b: {  	v49 =	vbroadcast v14, $0x9;
	v8 =	vadd.f32 v8, v13;
	v13 =	vbroadcast v53, $0x9  }
0x27c: {  	v6 =	vadd.f32 v6, v63;
	v9 =	vadd.f32 v9, v11;
	v11 =	vmul.f32 v48, v51  }
0x27d: {  	v1 =	vadd.f32 v1, v12;
	v12 =	vmul.f32 v48, v31;
	v52 =	vmul.f32 v13, v31  }
0x27e: {  	v5 =	vadd.f32 v5, v11;
	v11 =	vmul.f32 v49, v31;
	v63 =	vmul.f32 v60, v31;
	v31 =	vld [tilespmem:$0x1FAB0];
	_ =	sdelay $0x2  }
0x27f: {  	v4 =	vadd.f32 v4, v12;
	v12 =	vmul.f32 v13, v51;
	v13 =	vbroadcast v54, $0xA;
	_ =	sdelay $0x1  }
0x280: {  	v1 =	vadd.f32 v1, v11;
	v11 =	vmul.f32 v13, v23;
	v13 =	vmul.f32 v13, v31;
	v31 =	vld [tilespmem:$0x1FAB0];
	_ =	sdelay $0x2  }
0x281: {  	v8 =	vadd.f32 v8, v12;
	v12 =	vbroadcast v53, $0xA;
	_ =	sdelay $0x1  }
0x282: {  	v4 =	vadd.f32 v4, v11;
	v11 =	vmul.f32 v12, v23;
	v12 =	vmul.f32 v12, v31;
	_ =	sdelay $0x1  }
0x283: {  	v8 =	vadd.f32 v8, v12;
	v12 =	vld [tilespmem:$0x1F7D0]  }
0x284: {  	v10 =	vadd.f32 v10, v41;
	v41 =	vbroadcast v14, $0xA  }
0x285: {  	v55 =	vmul.f32 v49, v51;
	v6 =	vadd.f32 v6, v52  }
0x286: {  	v60 =	vbroadcast v54, $0xC;
	v5 =	vadd.f32 v5, v13;
	v13 =	vmul.f32 v41, v23;
	v31 =	vld [tilespmem:$0x1FAB0]  }
0x287: {  	v10 =	vadd.f32 v10, v63;
	v6 =	vadd.f32 v6, v11;
	v11 =	vbroadcast v54, $0xB  }
0x288: {  	v1 =	vadd.f32 v1, v13;
	v13 =	vbroadcast v53, $0xB;
	v12 =	vmul.f32 v12, v23  }
0x289: {  	v48 =	vmul.f32 v11, v22;
	v11 =	vmul.f32 v11, v61  }
0x28a: {  	v49 =	vmul.f32 v13, v22;
	v10 =	vadd.f32 v10, v12;
	v12 =	vbroadcast v14, $0xB  }
0x28b: {  	v9 =	vadd.f32 v9, v55;
	v13 =	vmul.f32 v13, v61;
	v55 =	vmul.f32 v41, v31  }
0x28c: {  	v4 =	vadd.f32 v4, v48;
	v5 =	vadd.f32 v5, v11;
	v11 =	vmul.f32 v12, v22  }
0x28d: {  	v8 =	vadd.f32 v8, v13;
	v9 =	vadd.f32 v9, v55;
	v12 =	vmul.f32 v12, v61  }
0x28e: {  	v13 =	vbroadcast v53, $0xC;
	v1 =	vadd.f32 v1, v11;
	v11 =	vmul.f32 v60, v26  }
0x28f: {  	v63 =	vbroadcast v14, $0xC;
	v31 =	vld [tilespmem:$0x1F7E0];
	v9 =	vadd.f32 v9, v12;
	v12 =	vmul.f32 v60, v44  }
0x290: {  	v32 =	vmul.f32 v13, v26;
	v4 =	vadd.f32 v4, v11;
	v11 =	vmul.f32 v13, v44  }
0x291: {  	v5 =	vadd.f32 v5, v12;
	v12 =	vmul.f32 v63, v26;
	v13 =	vbroadcast v54, $0xD  }
0x292: {  	v8 =	vadd.f32 v8, v11  }
0x293: {  	v11 =	vbroadcast v53, $0xD;
	v1 =	vadd.f32 v1, v12;
	v12 =	vmul.f32 v13, v30  }
0x294: {  	v51 =	vmul.f32 v31, v22  }
0x295: {  	v31 =	vld [tilespmem:$0x1F7F0];
	v4 =	vadd.f32 v4, v12;
	v12 =	vmul.f32 v11, v30;
	v11 =	vmul.f32 v11, v46;
	_ =	sdelay $0x1  }
0x296: {  	v8 =	vadd.f32 v8, v11;
	v11 =	vld [tilespmem:$0x1F800];
	_ =	sdelay $0x2  }
0x297: {  	v10 =	vadd.f32 v10, v51;
	v41 =	vmul.f32 v31, v26  }
0x298: {  	v6 =	vadd.f32 v6, v49  }
0x299: {  	v13 =	vmul.f32 v13, v46;
	v10 =	vadd.f32 v10, v41;
	v11 =	vmul.f32 v11, v30  }
0x29a: {  	v55 =	vmul.f32 v63, v44;
	v6 =	vadd.f32 v6, v32;
	v44 =	vbroadcast v14, $0xD  }
0x29b: {  	v5 =	vadd.f32 v5, v13;
	v57 =	vadd.f32 v10, v11;
	v10 =	vbroadcast v14, $0xE  }
0x29c: {  	v13 =	vmul.f32 v44, v30;
	v6 =	vadd.f32 v6, v12;
	v12 =	vbroadcast v54, $0xE  }
0x29d: {  	v49 =	vmul.f32 v10, v50;
	v51 =	vmul.f32 v10, v28;
	v10 =	vld [tilespmem:$0x1F810]  }
0x29e: {  	v31 =	vbroadcast v53, $0xF;
	v1 =	vadd.f32 v1, v13;
	v13 =	vbroadcast v53, $0xE  }
0x29f: {  	v9 =	vadd.f32 v9, v55;
	v55 =	vmul.f32 v44, v46;
	v48 =	vmul.f32 v12, v50  }
0x2a0: {  	v11 =	vmul.f32 v12, v28;
	v12 =	vmul.f32 v13, v50  }
0x2a1: {  	v54 =	vbroadcast v54, $0xF;
	v13 =	vmul.f32 v13, v28  }
0x2a2: {  	v9 =	vadd.f32 v9, v55;
	v6 =	vadd.f32 v6, v12;
	v12 =	vmul.f32 v10, v50;
	v10 =	vld [tilespmem:s17+$0xFFFFFFEA]  }
0x2a3: {  	v4 =	vadd.f32 v4, v48;
	v8 =	vadd.f32 v8, v13;
	v13 =	vmul.f32 v54, v33  }
0x2a4: {  	v14 =	vbroadcast v14, $0xF;
	v5 =	vadd.f32 v5, v11;
	v11 =	vld [tilespmem:s17+$0xFFFFFFCA]  }
0x2a5: {  	v9 =	vadd.f32 v9, v51;
	v51 =	vld [tilespmem:s17+$0xA];
	v4 =	vadd.f32 v4, v13;
	v13 =	vmul.f32 v31, v47  }
0x2a6: {  	v60 =	vmul.f32 v31, v33;
	v54 =	vmul.f32 v54, v47;
	v31 =	vld [tilespmem:$0x1F820]  }
0x2a7: {  	v48 =	vmovc v61;
	v61 =	vmul.f32 v14, v33;
	v8 =	vadd.f32 v8, v13;
	v13 =	vbroadcast v10, $0x6  }
0x2a8: {  	v14 =	vmul.f32 v14, v47;
	v1 =	vadd.f32 v1, v49;
	v5 =	vadd.f32 v5, v54  }
0x2a9: {  	v6 =	vadd.f32 v6, v60;
	v41 =	vmul.f32 v13, v29;
	v13 =	vmul.f32 v13, v56  }
0x2aa: {  	v9 =	vadd.f32 v9, v14;
	v63 =	vbroadcast v11, $0x6;
	v46 =	vbroadcast v11, $0x7  }
0x2ab: {  	v32 =	vmul.f32 v31, v33;
	v14 =	vbroadcast v51, $0x6;
	v8 =	vadd.f32 v8, v13;
	v13 =	vld [tilespmem:$0x1F830]  }
0x2ac: {  	v12 =	vadd.f32 v57, v12;
	v33 =	vmul.f32 v63, v29;
	v55 =	vmul.f32 v63, v56  }
0x2ad: {  	v1 =	vadd.f32 v1, v61;
	v44 =	vmul.f32 v14, v29;
	v14 =	vmul.f32 v14, v56  }
0x2ae: {  	v54 =	vmul.f32 v46, v62;
	v12 =	vadd.f32 v12, v32;
	v4 =	vadd.f32 v4, v33  }
0x2af: {  	v47 =	vbroadcast v10, $0x7;
	v9 =	vadd.f32 v9, v14;
	v14 =	vmul.f32 v46, v16  }
0x2b0: {  	v5 =	vadd.f32 v5, v55;
	v60 =	vbroadcast v10, $0x8;
	v13 =	vmul.f32 v13, v29  }
0x2b1: {  	v4 =	vadd.f32 v4, v14;
	v14 =	vmul.f32 v47, v16;
	v6 =	vadd.f32 v6, v41  }
0x2b2: {  	v31 =	vld [tilespmem:$0x1F840];
	v32 =	vbroadcast v10, $0x9;
	v12 =	vadd.f32 v12, v13;
	v13 =	vbroadcast v51, $0x7  }
0x2b3: {  	v46 =	vbroadcast v51, $0xA;
	v6 =	vadd.f32 v6, v14;
	v14 =	vbroadcast v11, $0x8  }
0x2b4: {  	v1 =	vadd.f32 v1, v44;
	v49 =	vmul.f32 v13, v16;
	v13 =	vmul.f32 v13, v62  }
0x2b5: {  	v5 =	vadd.f32 v5, v54;
	v55 =	vmul.f32 v47, v62;
	v61 =	vmul.f32 v14, v17  }
0x2b6: {  	v9 =	vadd.f32 v9, v13;
	v13 =	vmul.f32 v14, v59;
	v14 =	vbroadcast v51, $0x8  }
0x2b7: {  	v50 =	vmul.f32 v31, v16;
	v16 =	vbroadcast v11, $0x9  }
0x2b8: {  	v1 =	vadd.f32 v1, v49;
	v5 =	vadd.f32 v5, v13;
	v13 =	vmul.f32 v14, v17  }
0x2b9: {  	v63 =	vmul.f32 v60, v59;
	v4 =	vadd.f32 v4, v61;
	v14 =	vmul.f32 v14, v59  }
0x2ba: {  	v62 =	vmul.f32 v60, v17;
	v1 =	vadd.f32 v1, v13;
	v13 =	vmul.f32 v16, v18  }
0x2bb: {  	v8 =	vadd.f32 v8, v55;
	v9 =	vadd.f32 v9, v14;
	v14 =	vbroadcast v51, $0x9  }
0x2bc: {  	v6 =	vadd.f32 v6, v62;
	v4 =	vadd.f32 v4, v13;
	v13 =	vmul.f32 v32, v18  }
0x2bd: {  	v31 =	vld [tilespmem:$0x1F850];
	v54 =	vmul.f32 v32, v34;
	v8 =	vadd.f32 v8, v63;
	v33 =	vmul.f32 v14, v18  }
0x2be: {  	v14 =	vmul.f32 v14, v34;
	v6 =	vadd.f32 v6, v13;
	v13 =	vbroadcast v11, $0xA  }
0x2bf: {  	v44 =	vbroadcast v10, $0xA;
	v8 =	vadd.f32 v8, v54;
	v55 =	vmul.f32 v16, v34  }
0x2c0: {  	v54 =	vmul.f32 v46, v7;
	v9 =	vadd.f32 v9, v14;
	v14 =	vmul.f32 v13, v19  }
0x2c1: {  	v12 =	vadd.f32 v12, v50;
	v5 =	vadd.f32 v5, v55;
	v13 =	vmul.f32 v13, v7  }
0x2c2: {  	v17 =	vmul.f32 v31, v17;
	v31 =	vld [tilespmem:$0x1F860];
	v4 =	vadd.f32 v4, v14;
	v14 =	vmul.f32 v44, v19  }
0x2c3: {  	v50 =	vbroadcast v51, $0xB;
	v1 =	vadd.f32 v1, v33;
	v5 =	vadd.f32 v5, v13  }
0x2c4: {  	v13 =	vmul.f32 v46, v19;
	v6 =	vadd.f32 v6, v14;
	v14 =	vbroadcast v11, $0xB  }
0x2c5: {  	v49 =	vbroadcast v10, $0xB;
	v55 =	vmul.f32 v44, v7;
	v7 =	vld [tilespmem:$0x1F870]  }
0x2c6: {  	v12 =	vadd.f32 v12, v17;
	v1 =	vadd.f32 v1, v13;
	v13 =	vmul.f32 v14, v43  }
0x2c7: {  	v41 =	vmul.f32 v31, v18;
	v9 =	vadd.f32 v9, v54;
	v54 =	vmul.f32 v50, v3  }
0x2c8: {  	v14 =	vmul.f32 v14, v3;
	v4 =	vadd.f32 v4, v13;
	v13 =	vmul.f32 v49, v3;
	v3 =	vld [tilespmem:$0x1F880];
	_ =	sdelay $0x1  }
0x2c9: {  	v12 =	vadd.f32 v12, v41;
	v47 =	vmul.f32 v7, v19  }
0x2ca: {  	v58 =	vbroadcast v11, $0xC;
	v53 =	vmul.f32 v49, v43;
	v8 =	vadd.f32 v8, v55  }
0x2cb: {  	v12 =	vadd.f32 v12, v47;
	v5 =	vadd.f32 v5, v14;
	v14 =	vmul.f32 v50, v43  }
0x2cc: {  	v8 =	vadd.f32 v8, v13;
	v13 =	vbroadcast v10, $0xC;
	v7 =	vmul.f32 v3, v43  }
0x2cd: {  	v59 =	vbroadcast v51, $0xC;
	v1 =	vadd.f32 v1, v14;
	v14 =	vmul.f32 v58, v36  }
0x2ce: {  	v6 =	vadd.f32 v6, v53;
	v7 =	vadd.f32 v12, v7;
	v12 =	vmul.f32 v13, v36  }
0x2cf: {  	v55 =	vmul.f32 v58, v42;
	v4 =	vadd.f32 v4, v14;
	v14 =	vmul.f32 v59, v36  }
0x2d0: {  	v13 =	vmul.f32 v13, v42;
	v6 =	vadd.f32 v6, v12;
	v12 =	vbroadcast v11, $0xD  }
0x2d1: {  	v5 =	vadd.f32 v5, v55;
	v3 =	vmul.f32 v38, v36;
	v1 =	vadd.f32 v1, v14  }
0x2d2: {  	v8 =	vadd.f32 v8, v13;
	v13 =	vbroadcast v10, $0xD;
	v14 =	vmul.f32 v12, v37  }
0x2d3: {  	v7 =	vadd.f32 v7, v3;
	v3 =	vbroadcast v51, $0xD;
	v12 =	vmul.f32 v12, v0  }
0x2d4: {  	v14 =	vadd.f32 v4, v14;
	v4 =	vmul.f32 v13, v37;
	v13 =	vmul.f32 v13, v0  }
0x2d5: {  	v60 =	vadd.f32 v5, v12;
	v12 =	vmul.f32 v3, v37;
	v3 =	vmul.f32 v3, v0;
	v0 =	vld [tilespmem:$0x1F890];
	_ =	sdelay $0x3  }
0x2d6: {  	v9 =	vadd.f32 v9, v54;
	v54 =	vmul.f32 v59, v42  }
0x2d7: {  	v61 =	vadd.f32 v6, v4;
	v6 =	vbroadcast v11, $0xE;
	v0 =	vmul.f32 v0, v37  }
0x2d8: {  	v9 =	vadd.f32 v9, v54  }
0x2d9: {  	v4 =	vadd.f32 v1, v12;
	v1 =	vadd.f32 v7, v0;
	v0 =	vmul.f32 v6, v15  }
0x2da: {  	v62 =	vbroadcast v51, $0xE  }
0x2db: {  	v3 =	vadd.f32 v9, v3;
	v9 =	vmul.f32 v6, v35;
	v6 =	vadd.f32 v60, v0;
	v0 =	vld [tilespmem:$0x1F8A0]  }
0x2dc: {  	v5 =	vadd.f32 v8, v13;
	v8 =	vbroadcast v10, $0xE  }
0x2dd: {  	v12 =	vmul.f32 v62, v35  }
0x2de: {  	v11 =	vbroadcast v11, $0xF;
	v63 =	vmul.f32 v8, v35  }
0x2df: {  	v10 =	vbroadcast v10, $0xF;
	v13 =	vmul.f32 v8, v15;
	v7 =	vadd.f32 v14, v9  }
0x2e0: {  	s19 =	simm.s32 $0x0;
	s20 =	sadd.s32 $0x80, s17;
	s18 =	smov.u32 s16;
	v28 =	vld [tilespmem:$0x1FAB0];
	v9 =	vmul.f32 v62, v15;
	[tilespmem:s16+$0x1010] =	vst v2;
	v2 =	vadd.f32 v61, v63;
	v8 =	vmul.f32 v0, v35  }
.LBB2_7:
0x2e1: {  	v14 =	vld [tilespmem:$0x1FA20];
	_ =	sdelay $0x1  }
0x2e2: {  	v0 =	vld [tilespmem:s20+$0x20]  }
0x2e3: {  	v5 =	vadd.f32 v5, v13;
	v4 =	vadd.f32 v4, v12  }
0x2e4: {  	v57 =	vld [tilespmem:s20+$0xFFFFFFE0];
	v12 =	vbroadcast v51, $0xF;
	v3 =	vadd.f32 v3, v9;
	v13 =	vmul.f32 v11, v45  }
0x2e5: {  	v30 =	vld [tilespmem:$0x1F910];
	v1 =	vadd.f32 v1, v8;
	v9 =	vmul.f32 v10, v45;
	v8 =	vmul.f32 v11, v14  }
0x2e6: {  	v58 =	vld [tilespmem:s20+$0x0];
	v10 =	vmul.f32 v10, v14;
	v11 =	vmul.f32 v12, v45  }
0x2e7: {  	v56 =	vbroadcast v0, $0x0;
	v6 =	vadd.f32 v6, v8;
	v8 =	vmul.f32 v12, v14;
	v12 =	vld [tilespmem:$0x1F790]  }
0x2e8: {  	v60 =	vld [tilespmem:s20+$0xFFFFFFC0];
	v59 =	vbroadcast v0, $0x1;
	v61 =	vbroadcast v0, $0x2  }
0x2e9: {  	v29 =	vld [tilespmem:$0x1F920];
	v52 =	vbroadcast v0, $0x3;
	v15 =	vbroadcast v0, $0x4;
	v2 =	vadd.f32 v2, v9  }
0x2ea: {  	v54 =	vld [tilespmem:s20+$0xFFFFFFCA];
	v5 =	vadd.f32 v5, v10;
	v9 =	vmul.f32 v59, v30;
	[tilespmem:s18+$0xFFFFE010] =	vst v6;
	v6 =	vmul.f32 v56, v27  }
0x2eb: {  	v62 =	vbroadcast v58, $0x1;
	v7 =	vadd.f32 v7, v13;
	v3 =	vadd.f32 v3, v8  }
0x2ec: {  	v55 =	vld [tilespmem:s20+$0xFFFFFFEA];
	[tilespmem:s18+$0xFFFFF010] =	vst v5;
	v5 =	vadd.f32 v9, v6;
	v6 =	vmul.f32 v61, v39;
	v12 =	vmul.f32 v12, v45  }
0x2ed: {  	v51 =	vld [tilespmem:s20+$0xA];
	v10 =	vbroadcast v60, $0x1;
	[tilespmem:s18+$0xFFFFF000] =	vst v2;
	v2 =	vadd.f32 v4, v11;
	v4 =	vbroadcast v60, $0x0  }
0x2ee: {  	[tilespmem:s18+$0x10] =	vst v3;
	v9 =	vld [tilespmem:$0x1FAC0];
	v3 =	vadd.f32 v5, v6;
	v5 =	vmul.f32 v52, v29;
	v1 =	vadd.f32 v1, v12  }
0x2ef: {  	v13 =	vbroadcast v0, $0x6;
	[tilespmem:s18+$0xFFFFE000] =	vst v7;
	v7 =	vbroadcast v57, $0x0  }
0x2f0: {  	v37 =	vld [tilespmem:$0x1F930];
	v6 =	vmul.f32 v4, v20;
	[tilespmem:s18+$0x1000] =	vst v1;
	v1 =	vadd.f32 v3, v5;
	v5 =	vmul.f32 v10, v21  }
0x2f1: {  	v11 =	vbroadcast v0, $0x5;
	v8 =	vbroadcast v58, $0x0  }
0x2f2: {  	v4 =	vmul.f32 v4, v27;
	v63 =	vadd.f32 v5, v6;
	v5 =	vmul.f32 v10, v30  }
0x2f3: {  	[tilespmem:s18+$0x0] =	vst v2;
	v2 =	vbroadcast v57, $0x1;
	v3 =	vmul.f32 v15, v9  }
0x2f4: {  	v6 =	vmul.f32 v7, v20;
	v16 =	vadd.f32 v5, v4;
	v4 =	vmul.f32 v7, v27;
	v7 =	vld [tilespmem:$0x1FB60]  }
0x2f5: {  	v1 =	vadd.f32 v1, v3;
	v3 =	vmul.f32 v11, v37;
	v5 =	vmul.f32 v2, v21  }
0x2f6: {  	v33 =	vld [tilespmem:$0x1FB50];
	v12 =	vbroadcast v0, $0x7;
	v2 =	vmul.f32 v2, v30  }
0x2f7: {  	v1 =	vadd.f32 v1, v3;
	v3 =	vmul.f32 v13, v40;
	v17 =	vadd.f32 v5, v6  }
0x2f8: {  	v50 =	vld [tilespmem:$0x1FB70];
	v5 =	vmul.f32 v8, v20;
	v18 =	vadd.f32 v2, v4;
	v4 =	vmul.f32 v62, v21  }
0x2f9: {  	v10 =	vbroadcast v0, $0x8;
	v1 =	vadd.f32 v1, v3;
	v3 =	vmul.f32 v12, v7  }
0x2fa: {  	v2 =	vmul.f32 v8, v27;
	v19 =	vadd.f32 v4, v5;
	v4 =	vmul.f32 v62, v30  }
0x2fb: {  	v43 =	vbroadcast v0, $0x9;
	v1 =	vadd.f32 v1, v3;
	v3 =	vmul.f32 v10, v33  }
0x2fc: {  	v45 =	vbroadcast v0, $0xA;
	v5 =	vmul.f32 v56, v20;
	v62 =	vadd.f32 v4, v2  }
0x2fd: {  	v2 =	vmul.f32 v59, v21;
	v1 =	vadd.f32 v1, v3;
	v3 =	vmul.f32 v43, v50  }
0x2fe: {  	v46 =	vbroadcast v0, $0xB  }
0x2ff: {  	v20 =	vadd.f32 v2, v5;
	v5 =	vld [tilespmem:$0x1F950];
	v1 =	vadd.f32 v1, v3;
	v3 =	vmul.f32 v45, v28;
	_ =	sdelay $0x1  }
0x300: {  	v42 =	vbroadcast v60, $0x2;
	v6 =	vld [tilespmem:$0x1F960];
	v1 =	vadd.f32 v1, v3;
	v3 =	vmul.f32 v46, v48  }
0x301: {  	v47 =	vbroadcast v0, $0xC  }
0x302: {  	v53 =	vld [tilespmem:$0x1F970];
	v1 =	vadd.f32 v1, v3;
	v3 =	vmul.f32 v42, v24  }
0x303: {  	v49 =	vbroadcast v0, $0xD;
	v21 =	vld [tilespmem:s20+$0x2A];
	v2 =	vmul.f32 v47, v5  }
0x304: {  	v4 =	vbroadcast v57, $0x2;
	v22 =	vadd.f32 v63, v3;
	v3 =	vld [tilespmem:$0x1F980]  }
0x305: {  	v8 =	vbroadcast v0, $0xE;
	v1 =	vadd.f32 v1, v2;
	v2 =	vmul.f32 v49, v6  }
0x306: {  	v31 =	vld [tilespmem:$0x1F990];
	v32 =	vmul.f32 v4, v24;
	v23 =	vmul.f32 v4, v39  }
0x307: {  	v4 =	vbroadcast v0, $0xF;
	v1 =	vadd.f32 v1, v2;
	v2 =	vmul.f32 v8, v53;
	_ =	sdelay $0x1  }
0x308: {  	[tilespmem:$0x1F730] =	vst v4;
	v1 =	vadd.f32 v1, v2;
	v2 =	vmul.f32 v4, v3;
	v4 =	vbroadcast v21, $0x6;
	_ =	sdelay $0x1  }
0x309: {  	v17 =	vadd.f32 v17, v32;
	v32 =	vld [tilespmem:$0x1F9A0];
	v1 =	vadd.f32 v1, v2;
	v34 =	vmul.f32 v4, v31;
	_ =	sdelay $0x1  }
0x30a: {  	v44 =	vbroadcast v58, $0x2;
	v56 =	vmul.f32 v42, v39;
	v63 =	vadd.f32 v1, v34;
	v1 =	vld [tilespmem:$0x1F9B0]  }
0x30b: {  	v2 =	vbroadcast v21, $0x7  }
0x30c: {  	v16 =	vadd.f32 v16, v56;
	v56 =	vmul.f32 v44, v39;
	[tilespmem:$0x1F740] =	vst v4;
	v34 =	vld [tilespmem:$0x1F9C0]  }
0x30d: {  	[tilespmem:$0x1F750] =	vst v2;
	v4 =	vmovc v39;
	v39 =	vmov v25;
	v25 =	vmul.f32 v2, v32;
	v2 =	vbroadcast v21, $0x8  }
0x30e: {  	v30 =	vld [tilespmem:$0x1F8B0];
	v42 =	vmov v27;
	v27 =	vadd.f32 v62, v56  }
0x30f: {  	v48 =	vmovc v35;
	v62 =	vbroadcast v21, $0x9;
	v25 =	vadd.f32 v63, v25;
	v35 =	vmul.f32 v2, v1;
	_ =	sdelay $0x1  }
0x310: {  	v38 =	vld [tilespmem:$0x1F9D0];
	v59 =	vbroadcast v60, $0x3;
	v41 =	vmul.f32 v62, v34;
	v25 =	vadd.f32 v25, v35  }
0x311: {  	v61 =	vmul.f32 v61, v24;
	v0 =	vmul.f32 v44, v24  }
0x312: {  	v26 =	vmul.f32 v59, v30;
	v59 =	vmul.f32 v59, v29;
	v25 =	vadd.f32 v25, v41;
	v41 =	vld [tilespmem:$0x1F9E0]  }
0x313: {  	v52 =	vmul.f32 v52, v30;
	v63 =	vbroadcast v21, $0xA  }
0x314: {  	v18 =	vadd.f32 v18, v23;
	v23 =	vbroadcast v57, $0x3;
	v16 =	vadd.f32 v16, v59;
	v59 =	vld [tilespmem:$0x1F9F0]  }
0x315: {  	v20 =	vadd.f32 v20, v61;
	v61 =	vbroadcast v21, $0xB;
	v44 =	vmul.f32 v63, v38  }
0x316: {  	[tilespmem:$0x1F720] =	vst v8;
	v19 =	vadd.f32 v19, v0;
	v0 =	vbroadcast v21, $0xC;
	v8 =	vmovc v24;
	v24 =	vbroadcast v58, $0x3  }
0x317: {  	v28 =	vmul.f32 v23, v30;
	v25 =	vadd.f32 v25, v44;
	v35 =	vmul.f32 v61, v41  }
0x318: {  	v23 =	vmul.f32 v23, v29;
	v22 =	vadd.f32 v22, v26;
	v26 =	vmul.f32 v24, v30;
	v30 =	vld [tilespmem:$0x1F8C0]  }
0x319: {  	v44 =	vmul.f32 v0, v59;
	v25 =	vadd.f32 v25, v35  }
0x31a: {  	v17 =	vadd.f32 v17, v28;
	v28 =	vbroadcast v57, $0x4;
	v18 =	vadd.f32 v18, v23  }
0x31b: {  	v23 =	vbroadcast v58, $0x4;
	v24 =	vmul.f32 v24, v29;
	v25 =	vadd.f32 v25, v44;
	v44 =	vld [tilespmem:$0x1FA00]  }
0x31c: {  	v20 =	vadd.f32 v20, v52;
	v56 =	vbroadcast v21, $0xE;
	v29 =	vbroadcast v60, $0x4  }
0x31d: {  	v52 =	vld [tilespmem:$0x1FA10];
	v24 =	vadd.f32 v27, v24;
	v27 =	vmul.f32 v28, v30;
	v28 =	vmul.f32 v28, v9  }
0x31e: {  	[tilespmem:$0x1F770] =	vst v0;
	v19 =	vadd.f32 v19, v26;
	v15 =	vmul.f32 v15, v30;
	v0 =	vbroadcast v21, $0xD  }
0x31f: {  	v36 =	vld [tilespmem:$0x1F8D0];
	v17 =	vadd.f32 v17, v27;
	v27 =	vbroadcast v58, $0x5;
	v35 =	vmul.f32 v29, v30  }
0x320: {  	v18 =	vadd.f32 v18, v28;
	v15 =	vadd.f32 v20, v15;
	v26 =	vmul.f32 v0, v44  }
0x321: {  	[tilespmem:$0x1F780] =	vst v0;
	v0 =	vbroadcast v21, $0xF;
	v21 =	vadd.f32 v22, v35;
	v22 =	vmul.f32 v29, v9  }
0x322: {  	v29 =	vbroadcast v60, $0x5;
	v25 =	vadd.f32 v25, v26;
	v26 =	vmul.f32 v56, v52  }
0x323: {  	v16 =	vadd.f32 v16, v22;
	v22 =	vmul.f32 v23, v30;
	v23 =	vmul.f32 v23, v9  }
0x324: {  	v35 =	vmul.f32 v29, v36;
	v25 =	vadd.f32 v25, v26;
	v26 =	vmul.f32 v0, v14  }
0x325: {  	[tilespmem:$0x1F790] =	vst v0;
	v19 =	vadd.f32 v19, v22;
	v22 =	vmul.f32 v29, v37;
	v0 =	vld [tilespmem:$0x1F8E0];
	v23 =	vadd.f32 v24, v23  }
0x326: {  	v14 =	vmul.f32 v11, v36;
	v25 =	vadd.f32 v25, v26;
	v26 =	vbroadcast v57, $0x5  }
0x327: {  	v20 =	vadd.f32 v21, v35;
	v16 =	vadd.f32 v16, v22;
	v22 =	vmul.f32 v27, v36  }
0x328: {  	s18 =	sadd.s32 $0x4000, s18;
	v14 =	vadd.f32 v15, v14;
	v21 =	vmul.f32 v26, v36;
	v24 =	vmul.f32 v26, v37  }
0x329: {  	[tilespmem:s18+$0x1010] =	vst v25;
	v25 =	vmul.f32 v27, v37;
	v26 =	vbroadcast v60, $0x6;
	v19 =	vadd.f32 v19, v22  }
0x32a: {  	v9 =	vld [tilespmem:$0x1F8F0];
	v13 =	vmul.f32 v13, v0;
	v17 =	vadd.f32 v17, v21;
	v21 =	vbroadcast v57, $0x6  }
0x32b: {  	v18 =	vadd.f32 v18, v24;
	v24 =	vbroadcast v58, $0x6;
	v27 =	vmul.f32 v26, v0  }
0x32c: {  	v22 =	vadd.f32 v23, v25;
	v23 =	vmul.f32 v26, v40;
	v25 =	vmul.f32 v21, v0  }
0x32d: {  	v15 =	vadd.f32 v20, v27;
	v20 =	vmul.f32 v21, v40;
	v21 =	vmul.f32 v24, v0  }
0x32e: {  	v16 =	vadd.f32 v16, v23;
	v23 =	vmul.f32 v24, v40;
	v24 =	vbroadcast v60, $0x7  }
0x32f: {  	v12 =	vmul.f32 v12, v9;
	v13 =	vadd.f32 v14, v13;
	v17 =	vadd.f32 v17, v25  }
0x330: {  	v25 =	vbroadcast v57, $0x7;
	v19 =	vadd.f32 v19, v21;
	v21 =	vmul.f32 v24, v9  }
0x331: {  	v18 =	vadd.f32 v18, v20;
	v20 =	vbroadcast v58, $0x7;
	v14 =	vmul.f32 v24, v7  }
0x332: {  	[tilespmem:$0x1F760] =	vst v2;
	v2 =	vld [tilespmem:$0x1F900];
	v22 =	vadd.f32 v22, v23;
	v23 =	vmul.f32 v25, v9;
	v15 =	vadd.f32 v15, v21  }
0x333: {  	v21 =	vmul.f32 v25, v7;
	v24 =	vmul.f32 v20, v9;
	v14 =	vadd.f32 v16, v14  }
0x334: {  	v16 =	vmul.f32 v20, v7;
	v20 =	vbroadcast v60, $0x8;
	v17 =	vadd.f32 v17, v23  }
0x335: {  	v25 =	vmovc v39;
	v23 =	vbroadcast v57, $0x8;
	v18 =	vadd.f32 v18, v21;
	v21 =	vbroadcast v58, $0x8  }
0x336: {  	v12 =	vadd.f32 v13, v12;
	v13 =	vmul.f32 v20, v33;
	v0 =	vmul.f32 v20, v25  }
0x337: {  	v19 =	vadd.f32 v19, v24;
	v11 =	vmul.f32 v10, v25;
	v10 =	vmul.f32 v43, v2  }
0x338: {  	v16 =	vadd.f32 v22, v16;
	v20 =	vmul.f32 v23, v25;
	v22 =	vmul.f32 v23, v33  }
0x339: {  	v23 =	vmul.f32 v21, v25;
	v13 =	vadd.f32 v14, v13;
	v14 =	vmul.f32 v21, v33  }
0x33a: {  	v21 =	vbroadcast v60, $0x9;
	v15 =	vadd.f32 v15, v0;
	v11 =	vadd.f32 v12, v11  }
0x33b: {  	v26 =	vld [tilespmem:$0x1FB30];
	v17 =	vadd.f32 v17, v20;
	v20 =	vbroadcast v57, $0x9;
	v18 =	vadd.f32 v18, v22  }
0x33c: {  	v28 =	vld [tilespmem:$0x1FAB0];
	v19 =	vadd.f32 v19, v23;
	v22 =	vbroadcast v58, $0x9;
	v23 =	vmul.f32 v21, v2  }
0x33d: {  	v14 =	vadd.f32 v16, v14;
	v12 =	vmul.f32 v21, v50;
	v16 =	vmul.f32 v20, v2  }
0x33e: {  	v15 =	vadd.f32 v15, v23;
	v23 =	vld [tilespmem:$0x1FB80];
	v20 =	vmul.f32 v20, v50;
	v21 =	vmul.f32 v22, v2  }
0x33f: {  	v12 =	vadd.f32 v13, v12;
	v13 =	vmul.f32 v22, v50;
	v22 =	vbroadcast v60, $0xA  }
0x340: {  	v7 =	vmul.f32 v47, v26;
	v10 =	vadd.f32 v11, v10  }
0x341: {  	v18 =	vadd.f32 v18, v20;
	v20 =	vbroadcast v58, $0xA;
	v11 =	vmul.f32 v22, v28  }
0x342: {  	v35 =	vmovc v48;
	v48 =	vld [tilespmem:$0x1F940];
	v16 =	vadd.f32 v17, v16;
	v17 =	vbroadcast v57, $0xA;
	v19 =	vadd.f32 v19, v21  }
0x343: {  	v11 =	vadd.f32 v12, v11;
	v12 =	vmul.f32 v20, v28;
	v21 =	vmul.f32 v22, v23;
	v22 =	vld [tilespmem:$0x1FB40]  }
0x344: {  	v13 =	vadd.f32 v14, v13;
	v14 =	vmul.f32 v17, v23;
	v17 =	vmul.f32 v17, v28  }
0x345: {  	v9 =	vmul.f32 v45, v23;
	v15 =	vadd.f32 v15, v21;
	v21 =	vmul.f32 v20, v23  }
0x346: {  	v20 =	vbroadcast v60, $0xB;
	v14 =	vadd.f32 v16, v14;
	v16 =	vbroadcast v57, $0xB  }
0x347: {  	v17 =	vadd.f32 v18, v17;
	v18 =	vadd.f32 v19, v21;
	v19 =	vbroadcast v58, $0xB  }
0x348: {  	v9 =	vadd.f32 v10, v9;
	v10 =	vmul.f32 v20, v48;
	v21 =	vmul.f32 v20, v22  }
0x349: {  	v12 =	vadd.f32 v13, v12;
	v13 =	vmul.f32 v16, v22;
	v16 =	vmul.f32 v16, v48  }
0x34a: {  	v24 =	vmovc v8;
	v8 =	vmul.f32 v46, v22;
	v20 =	vmul.f32 v19, v22;
	v10 =	vadd.f32 v11, v10  }
0x34b: {  	v0 =	vld [tilespmem:$0x1F720];
	v11 =	vmul.f32 v19, v48;
	v19 =	vbroadcast v60, $0xC;
	v15 =	vadd.f32 v15, v21  }
0x34c: {  	v50 =	vld [tilespmem:$0x1FB10];
	v13 =	vadd.f32 v14, v13;
	v14 =	vbroadcast v57, $0xC;
	v16 =	vadd.f32 v17, v16  }
0x34d: {  	v8 =	vadd.f32 v9, v8;
	v17 =	vadd.f32 v18, v20;
	v18 =	vbroadcast v58, $0xC  }
0x34e: {  	v30 =	vld [tilespmem:$0x1FB20];
	v20 =	vmul.f32 v19, v26;
	v11 =	vadd.f32 v12, v11;
	v9 =	vmul.f32 v19, v5  }
0x34f: {  	v12 =	vmul.f32 v14, v26;
	v14 =	vmul.f32 v14, v5;
	v7 =	vadd.f32 v8, v7  }
0x350: {  	v19 =	vmul.f32 v18, v26;
	v9 =	vadd.f32 v10, v9;
	v10 =	vmul.f32 v18, v5  }
0x351: {  	v15 =	vadd.f32 v15, v20;
	v18 =	vbroadcast v60, $0xD;
	v5 =	vmul.f32 v0, v50  }
0x352: {  	v33 =	vld [tilespmem:$0x1FB00];
	v12 =	vadd.f32 v13, v12;
	v13 =	vbroadcast v57, $0xD;
	v14 =	vadd.f32 v16, v14  }
0x353: {  	v0 =	vld [tilespmem:$0x1F730];
	v16 =	vadd.f32 v17, v19;
	v17 =	vbroadcast v58, $0xD;
	v19 =	vmul.f32 v18, v30  }
0x354: {  	v10 =	vadd.f32 v11, v10;
	v8 =	vmul.f32 v18, v6;
	v11 =	vmul.f32 v13, v30  }
0x355: {  	v13 =	vmul.f32 v13, v6;
	v15 =	vadd.f32 v15, v19;
	v18 =	vmul.f32 v17, v30  }
0x356: {  	v8 =	vadd.f32 v9, v8;
	v9 =	vmul.f32 v17, v6;
	v6 =	vmul.f32 v49, v30  }
0x357: {  	v17 =	vbroadcast v60, $0xE;
	v11 =	vadd.f32 v12, v11;
	v12 =	vbroadcast v57, $0xE  }
0x358: {  	v39 =	vmovc v4;
	v13 =	vadd.f32 v14, v13;
	v4 =	vmul.f32 v0, v33;
	v14 =	vadd.f32 v16, v18  }
0x359: {  	v16 =	vbroadcast v58, $0xE;
	v18 =	vmul.f32 v17, v50;
	v9 =	vadd.f32 v10, v9  }
0x35a: {  	v6 =	vadd.f32 v7, v6;
	v7 =	vmul.f32 v17, v53;
	v10 =	vmul.f32 v12, v50  }
0x35b: {  	v12 =	vmul.f32 v12, v53;
	v15 =	vadd.f32 v15, v18;
	v17 =	vmul.f32 v16, v50  }
0x35c: {  	v29 =	vld [tilespmem:$0x1FAF0];
	v7 =	vadd.f32 v8, v7;
	v8 =	vmul.f32 v16, v53;
	v16 =	vbroadcast v60, $0xF  }
0x35d: {  	v0 =	vld [tilespmem:$0x1F740];
	v5 =	vadd.f32 v6, v5;
	v10 =	vadd.f32 v11, v10;
	v11 =	vbroadcast v57, $0xF  }
0x35e: {  	v12 =	vadd.f32 v13, v12;
	v13 =	vadd.f32 v14, v17;
	v14 =	vbroadcast v58, $0xF  }
0x35f: {  	v17 =	vmul.f32 v16, v33;
	v8 =	vadd.f32 v9, v8;
	v6 =	vmul.f32 v16, v3  }
0x360: {  	v4 =	vadd.f32 v5, v4;
	v9 =	vmul.f32 v11, v33;
	v11 =	vmul.f32 v11, v3  }
0x361: {  	v16 =	vmul.f32 v14, v33;
	v6 =	vadd.f32 v7, v6;
	v7 =	vmul.f32 v14, v3  }
0x362: {  	v15 =	vadd.f32 v15, v17;
	v14 =	vbroadcast v54, $0x6;
	v3 =	vmul.f32 v0, v29  }
0x363: {  	v9 =	vadd.f32 v10, v9;
	v10 =	vbroadcast v55, $0x6;
	v11 =	vadd.f32 v12, v11  }
0x364: {  	v12 =	vadd.f32 v13, v16;
	v13 =	vbroadcast v51, $0x6;
	v16 =	vmul.f32 v14, v29  }
0x365: {  	v7 =	vadd.f32 v8, v7;
	v5 =	vmul.f32 v14, v31;
	v8 =	vmul.f32 v10, v29  }
0x366: {  	v10 =	vmul.f32 v10, v31;
	v14 =	vadd.f32 v15, v16;
	v15 =	vmul.f32 v13, v29  }
0x367: {  	v16 =	vld [tilespmem:$0x1FA30];
	v5 =	vadd.f32 v6, v5;
	v6 =	vmul.f32 v13, v31;
	v13 =	vbroadcast v54, $0x7  }
0x368: {  	v0 =	vld [tilespmem:$0x1F750];
	v3 =	vadd.f32 v4, v3;
	v10 =	vadd.f32 v11, v10  }
0x369: {  	v11 =	vadd.f32 v12, v15;
	v12 =	vbroadcast v51, $0x7;
	v4 =	vmul.f32 v13, v32  }
0x36a: {  	v8 =	vadd.f32 v9, v8;
	v9 =	vbroadcast v55, $0x7  }
0x36b: {  	v17 =	vld [tilespmem:$0x1FA40];
	v6 =	vadd.f32 v7, v6;
	v4 =	vadd.f32 v5, v4;
	v5 =	vmul.f32 v12, v32  }
0x36c: {  	v15 =	vmul.f32 v13, v16;
	v7 =	vmul.f32 v9, v16  }
0x36d: {  	v9 =	vmul.f32 v9, v32;
	v2 =	vmul.f32 v0, v16;
	v5 =	vadd.f32 v6, v5  }
0x36e: {  	v0 =	vld [tilespmem:$0x1F760];
	v13 =	vadd.f32 v14, v15;
	v14 =	vmul.f32 v12, v16;
	v12 =	vbroadcast v54, $0x8  }
0x36f: {  	v7 =	vadd.f32 v8, v7;
	v8 =	vbroadcast v55, $0x8;
	v9 =	vadd.f32 v10, v9  }
0x370: {  	v18 =	vld [tilespmem:$0x1FA50];
	v10 =	vadd.f32 v11, v14;
	v11 =	vbroadcast v51, $0x8;
	v14 =	vmul.f32 v12, v17  }
0x371: {  	v2 =	vadd.f32 v3, v2;
	v3 =	vmul.f32 v12, v1;
	v6 =	vmul.f32 v8, v17  }
0x372: {  	v8 =	vmul.f32 v8, v1;
	v12 =	vadd.f32 v13, v14;
	v13 =	vmul.f32 v11, v17  }
0x373: {  	v3 =	vadd.f32 v4, v3;
	v4 =	vmul.f32 v11, v1;
	v1 =	vmul.f32 v0, v17  }
0x374: {  	v11 =	vbroadcast v54, $0x9;
	v6 =	vadd.f32 v7, v6;
	v7 =	vbroadcast v55, $0x9  }
0x375: {  	v8 =	vadd.f32 v9, v8;
	v0 =	vmul.f32 v62, v18;
	v9 =	vadd.f32 v10, v13  }
0x376: {  	v19 =	vld [tilespmem:$0x1FA60];
	v10 =	vbroadcast v51, $0x9;
	v13 =	vmul.f32 v11, v18;
	v4 =	vadd.f32 v5, v4  }
0x377: {  	v1 =	vadd.f32 v2, v1;
	v2 =	vmul.f32 v11, v34;
	v5 =	vmul.f32 v7, v18  }
0x378: {  	v7 =	vmul.f32 v7, v34;
	v11 =	vadd.f32 v12, v13;
	v12 =	vmul.f32 v10, v18  }
0x379: {  	v2 =	vadd.f32 v3, v2;
	v3 =	vmul.f32 v10, v34;
	v10 =	vbroadcast v54, $0xA  }
0x37a: {  	v5 =	vadd.f32 v6, v5;
	v6 =	vbroadcast v55, $0xA;
	v7 =	vadd.f32 v8, v7  }
0x37b: {  	v0 =	vadd.f32 v1, v0;
	v8 =	vadd.f32 v9, v12;
	v12 =	vmul.f32 v10, v19  }
0x37c: {  	v43 =	vld [tilespmem:$0x1FA80];
	v9 =	vbroadcast v51, $0xA;
	v3 =	vadd.f32 v4, v3;
	v1 =	vmul.f32 v10, v38  }
0x37d: {  	v4 =	vmul.f32 v6, v19;
	v6 =	vmul.f32 v6, v38;
	v10 =	vadd.f32 v11, v12  }
0x37e: {  	v11 =	vmul.f32 v9, v19;
	v1 =	vadd.f32 v2, v1;
	v2 =	vmul.f32 v9, v38  }
0x37f: {  	v9 =	vmul.f32 v63, v19;
	v12 =	vbroadcast v54, $0xB;
	v4 =	vadd.f32 v5, v4  }
0x380: {  	v5 =	vbroadcast v55, $0xB;
	v6 =	vadd.f32 v7, v6;
	v7 =	vadd.f32 v8, v11  }
0x381: {  	v36 =	vld [tilespmem:$0x1FAA0];
	v8 =	vbroadcast v51, $0xB;
	v11 =	vmul.f32 v12, v43;
	v2 =	vadd.f32 v3, v2  }
0x382: {  	v0 =	vadd.f32 v0, v9;
	v3 =	vmul.f32 v12, v41;
	v9 =	vmul.f32 v5, v43  }
0x383: {  	v5 =	vmul.f32 v5, v41;
	v12 =	vbroadcast v54, $0xC  }
0x384: {  	v10 =	vadd.f32 v10, v11;
	v11 =	vmul.f32 v8, v43;
	v1 =	vadd.f32 v1, v3  }
0x385: {  	v3 =	vmul.f32 v8, v41;
	v8 =	vmul.f32 v61, v43;
	v4 =	vadd.f32 v4, v9  }
0x386: {  	v5 =	vadd.f32 v6, v5;
	v6 =	vadd.f32 v7, v11;
	v11 =	vmul.f32 v12, v36  }
0x387: {  	v7 =	vbroadcast v51, $0xC;
	v2 =	vadd.f32 v2, v3;
	v3 =	vmul.f32 v12, v59  }
0x388: {  	v9 =	vbroadcast v55, $0xC;
	v12 =	vbroadcast v54, $0xD;
	v10 =	vadd.f32 v10, v11  }
0x389: {  	v11 =	vmul.f32 v7, v36;
	v1 =	vadd.f32 v1, v3;
	v3 =	vmul.f32 v7, v59;
	v7 =	vld [tilespmem:$0x1F770]  }
0x38a: {  	v37 =	vld [tilespmem:$0x1FAE0];
	v0 =	vadd.f32 v0, v8  }
0x38b: {  	v8 =	vmul.f32 v9, v36;
	v2 =	vadd.f32 v2, v3;
	v3 =	vmul.f32 v12, v44  }
0x38c: {  	v9 =	vmul.f32 v9, v59  }
0x38d: {  	v13 =	vbroadcast v55, $0xE;
	v4 =	vadd.f32 v4, v8;
	v14 =	vadd.f32 v1, v3;
	v3 =	vld [tilespmem:$0x1F780]  }
0x38e: {  	v8 =	vbroadcast v55, $0xD;
	v5 =	vadd.f32 v5, v9;
	v7 =	vmul.f32 v7, v36  }
0x38f: {  	v9 =	vbroadcast v51, $0xD;
	v6 =	vadd.f32 v6, v11;
	v11 =	vmul.f32 v12, v37  }
0x390: {  	v12 =	vbroadcast v54, $0xE;
	v0 =	vadd.f32 v0, v7;
	v7 =	vmul.f32 v8, v37  }
0x391: {  	v10 =	vadd.f32 v10, v11;
	v11 =	vmul.f32 v9, v37;
	v8 =	vmul.f32 v8, v44  }
0x392: {  	s19 =	sadd.s32 $0x4, s19;
	v1 =	vmul.f32 v9, v44;
	v9 =	vmul.f32 v3, v37;
	v15 =	vadd.f32 v4, v7  }
0x393: {  	p0 =	slt.u32 s19, $0x10;
	v5 =	vadd.f32 v5, v8;
	v4 =	vadd.f32 v6, v11;
	v8 =	vbroadcast v51, $0xE  }
.Ltmp2:
0x394: {  	v6 =	vmul.f32 v12, v35;
	v3 =	vadd.f32 v2, v1;
	v2 =	vmul.f32 v13, v35;
	(pc) =	sbr.rel @p0 .LBB2_7-.Ltmp2, $4  }
0x395: {  	v13 =	vmul.f32 v13, v52;
	v11 =	vbroadcast v54, $0xF  }
0x396: {  	v45 =	vld [tilespmem:$0x1FA70];
	v1 =	vadd.f32 v0, v9;
	v0 =	vmul.f32 v12, v52;
	v12 =	vmul.f32 v8, v35  }
0x397: {  	v21 =	vld [tilespmem:$0x1FAD0];
	v7 =	vadd.f32 v10, v6;
	v9 =	vmul.f32 v8, v52;
	v8 =	vmul.f32 v56, v35  }
0x398: {  	s20 =	sadd.s32 $0x80, s20;
	v27 =	vmovc v42;
	v20 =	vld [tilespmem:$0x1FA90];
	v2 =	vadd.f32 v15, v2;
	v10 =	vbroadcast v55, $0xF;
	v6 =	vadd.f32 v14, v0  }
0x399: {  	v15 =	vld [tilespmem:$0x1FA20];
	_ =	sdelay $0x3  }
0x39a: {  	v0 =	vmul.f32 v11, v45  }
0x39b: {  	v55 =	vmul.f32 v11, v15  }
0x39c: {  	v0 =	vadd.f32 v7, v0  }
0x39d: {  	v6 =	vadd.f32 v6, v55  }
0x39e: {  	[tilespmem:s18+$0xFFFFE000] =	vst v0  }
0x39f: {  	[tilespmem:s18+$0xFFFFE010] =	vst v6  }
0x3a0: {  	v6 =	vld [tilespmem:$0x1F790]  }
0x3a1: {  	v14 =	vbroadcast v51, $0xF;
	v56 =	vmul.f32 v10, v45  }
0x3a2: {  	v5 =	vadd.f32 v5, v13;
	v57 =	vmul.f32 v10, v15  }
0x3a3: {  	v4 =	vadd.f32 v4, v12;
	v58 =	vmul.f32 v14, v45;
	v59 =	vadd.f32 v2, v56  }
0x3a4: {  	v60 =	vadd.f32 v3, v9;
	v61 =	vmul.f32 v14, v15;
	v5 =	vadd.f32 v5, v57  }
0x3a5: {  	v1 =	vadd.f32 v1, v8;
	v62 =	vadd.f32 v4, v58;
	[tilespmem:s18+$0xFFFFF000] =	vst v59;
	v6 =	vmul.f32 v6, v45  }
0x3a6: {  	v2 =	vadd.f32 v60, v61;
	[tilespmem:s18+$0xFFFFF010] =	vst v5  }
0x3a7: {  	s15 =	sadd.s32 $0x1, s15;
	[tilespmem:s18+$0x0] =	vst v62;
	v63 =	vadd.f32 v1, v6  }
0x3a8: {  	p0 =	sne.s32 s15, $0x20;
	[tilespmem:s18+$0x10] =	vst v2  }
.Ltmp3:
0x3a9: {  	[tilespmem:s18+$0x1000] =	vst v63;
	(pc) =	sbr.rel @p0 .LBB2_6-.Ltmp3, $4  }
0x3aa: {  	v31 =	vld [tilespmem:$0x1FAC0]  }
0x3ab: {  	v57 =	vld [tilespmem:$0x1FB60]  }
0x3ac: {  	v32 =	vld [tilespmem:$0x1FB50]  }
0x3ad: {  	s16 =	sadd.s32 $0x80, s16;
	s17 =	sadd.s32 $0x300, s17;
	v51 =	vld [tilespmem:$0x1FB70]  }
0x3ae: {  	v0 =	vld [tilespmem:$0x40]  }
0x3af: {  	v1 =	vld [tilespmem:$0xC0]  }
0x3b0: {  	v2 =	vld [tilespmem:$0x140]  }
0x3b1: {  	v3 =	vld [tilespmem:$0x1C0]  }
0x3b2: {  	v4 =	vld [tilespmem:$0x240]  }
0x3b3: {  	v5 =	vld [tilespmem:$0x2C0]  }
0x3b4: {  	v6 =	vld [tilespmem:$0x340]  }
0x3b5: {  	v7 =	vld [tilespmem:$0x3C0]  }
0x3b6: {  	v8 =	vld [tilespmem:$0x440]  }
0x3b7: {  	v9 =	vld [tilespmem:$0x4C0]  }
0x3b8: {  	v16 =	vld [tilespmem:$0x840];
	v57 =	vmul.f32 $3.846153990e-02, v3  }
0x3b9: {  	v34 =	vld [tilespmem:$0xD0];
	v61 =	vmul.f32 $3.846153990e-02, v4  }
0x3ba: {  	v38 =	vld [tilespmem:$0x1D0];
	v62 =	vmul.f32 $3.846153990e-02, v5;
	[tilespmem:$0x1F440] =	vst v57  }
0x3bb: {  	v56 =	vld [tilespmem:$0x2D0];
	v50 =	vmul.f32 $3.846153990e-02, v6;
	[tilespmem:$0x1F450] =	vst v61  }
0x3bc: {  	v54 =	vld [tilespmem:$0x850];
	v51 =	vmul.f32 $3.846153990e-02, v7;
	[tilespmem:$0x1F460] =	vst v62  }
0x3bd: {  	v55 =	vld [tilespmem:$0x8D0];
	v52 =	vmul.f32 $3.846153990e-02, v9;
	[tilespmem:$0x1F470] =	vst v50  }
0x3be: {  	v17 =	vld [tilespmem:$0x8C0];
	v59 =	vmul.f32 $3.846153990e-02, v34;
	[tilespmem:$0x1F480] =	vst v51  }
0x3bf: {  	v18 =	vld [tilespmem:$0x940];
	v60 =	vmul.f32 $3.846153990e-02, v38;
	[tilespmem:$0x1F490] =	vst v52  }
0x3c0: {  	v19 =	vld [tilespmem:$0x9C0];
	v31 =	vmul.f32 $3.846153990e-02, v0;
	v0 =	vmul.f32 $3.846153990e-02, v56;
	[tilespmem:$0x1F4A0] =	vst v59  }
0x3c1: {  	v20 =	vld [tilespmem:$0xA40];
	v54 =	vmul.f32 $3.846153990e-02, v54;
	[tilespmem:$0x1F4B0] =	vst v60  }
0x3c2: {  	v25 =	vld [tilespmem:$0xCC0];
	v55 =	vmul.f32 $3.846153990e-02, v55;
	[tilespmem:$0x1F4C0] =	vst v0  }
0x3c3: {  	v21 =	vld [tilespmem:$0xAC0];
	v29 =	vmul.f32 $3.846153990e-02, v16;
	v16 =	vmul.f32 $3.846153990e-02, v17;
	[tilespmem:$0x1F520] =	vst v54  }
0x3c4: {  	v22 =	vld [tilespmem:$0xB40];
	v17 =	vmul.f32 $3.846153990e-02, v18;
	[tilespmem:$0x1F530] =	vst v55  }
0x3c5: {  	v23 =	vld [tilespmem:$0xBC0];
	v18 =	vmul.f32 $3.846153990e-02, v19;
	[tilespmem:$0x1F5C0] =	vst v16  }
0x3c6: {  	v10 =	vld [tilespmem:$0x540];
	v19 =	vmul.f32 $3.846153990e-02, v20;
	[tilespmem:$0x1F5D0] =	vst v17  }
0x3c7: {  	v15 =	vld [tilespmem:$0x7C0];
	v45 =	vmul.f32 $3.846153990e-02, v25;
	[tilespmem:$0x1F5E0] =	vst v18  }
0x3c8: {  	v13 =	vld [tilespmem:$0x6C0];
	v43 =	vmul.f32 $3.846153990e-02, v21;
	[tilespmem:$0x1F5F0] =	vst v19  }
0x3c9: {  	v12 =	vld [tilespmem:$0x640];
	v36 =	vmul.f32 $3.846153990e-02, v22;
	[tilespmem:$0x1F600] =	vst v45  }
0x3ca: {  	v11 =	vld [tilespmem:$0x5C0];
	v37 =	vmul.f32 $3.846153990e-02, v23;
	[tilespmem:$0x1F610] =	vst v43  }
0x3cb: {  	v14 =	vld [tilespmem:$0x740];
	[tilespmem:$0x1F630] =	vst v36  }
0x3cc: {  	v24 =	vld [tilespmem:$0xC40];
	v33 =	vmul.f32 $3.846153990e-02, v15;
	[tilespmem:$0x1F670] =	vst v37  }
0x3cd: {  	v40 =	vld [tilespmem:$0x150];
	v30 =	vmul.f32 $3.846153990e-02, v13;
	[tilespmem:$0x1F680] =	vst v29  }
0x3ce: {  	v28 =	vld [tilespmem:$0x250];
	v26 =	vmul.f32 $3.846153990e-02, v12;
	[tilespmem:$0x1F690] =	vst v33  }
0x3cf: {  	v58 =	vld [tilespmem:$0x350];
	v41 =	vmul.f32 $3.846153990e-02, v10;
	[tilespmem:$0x1F6B0] =	vst v30  }
0x3d0: {  	v63 =	vld [tilespmem:$0x3D0];
	v32 =	vmul.f32 $3.846153990e-02, v1;
	[tilespmem:$0x1F6C0] =	vst v26  }
0x3d1: {  	v53 =	vld [tilespmem:$0x4D0];
	v11 =	vmul.f32 $3.846153990e-02, v11;
	v20 =	vmov v31;
	[tilespmem:$0x1F710] =	vst v41  }
0x3d2: {  	v6 =	vld [tilespmem:$0x5D0];
	v21 =	vmov v32;
	[tilespmem:$0x1F620] =	vst v20  }
0x3d3: {  	v7 =	vld [tilespmem:$0x650];
	v22 =	vmov v11;
	v31 =	vmul.f32 $3.846153990e-02, v28;
	[tilespmem:$0x1F660] =	vst v21  }
0x3d4: {  	v39 =	vmul.f32 $3.846153990e-02, v8;
	v8 =	vld [tilespmem:$0x6D0];
	v50 =	vmul.f32 $3.846153990e-02, v14;
	[tilespmem:$0x1F6D0] =	vst v22  }
0x3d5: {  	v42 =	vmul.f32 $3.846153990e-02, v2;
	v9 =	vld [tilespmem:$0x750];
	v57 =	vmul.f32 $3.846153990e-02, v63;
	[tilespmem:$0x1F650] =	vst v31  }
0x3d6: {  	v10 =	vld [tilespmem:$0x7D0];
	v51 =	vmul.f32 $3.846153990e-02, v53;
	[tilespmem:$0x1F6A0] =	vst v50  }
0x3d7: {  	v35 =	vmul.f32 $3.846153990e-02, v24;
	v13 =	vld [tilespmem:$0x950];
	v24 =	vmov v42;
	[tilespmem:$0x1F6F0] =	vst v57;
	v42 =	vmul.f32 $3.846153990e-02, v6  }
0x3d8: {  	v38 =	vld [tilespmem:$0xB50];
	[tilespmem:$0x1F700] =	vst v51;
	v46 =	vmul.f32 $3.846153990e-02, v7  }
0x3d9: {  	v5 =	vld [tilespmem:$0x550];
	v47 =	vmul.f32 $3.846153990e-02, v8;
	[tilespmem:$0x1F4D0] =	vst v42  }
0x3da: {  	v3 =	vld [tilespmem:$0x450];
	v49 =	vmul.f32 $3.846153990e-02, v9;
	[tilespmem:$0x1F4E0] =	vst v46  }
0x3db: {  	v61 =	vld [tilespmem:$0x9D0];
	v52 =	vmul.f32 $3.846153990e-02, v10;
	[tilespmem:$0x1F4F0] =	vst v47  }
0x3dc: {  	v62 =	vld [tilespmem:$0xA50];
	v56 =	vmul.f32 $3.846153990e-02, v13;
	[tilespmem:$0x1F500] =	vst v49  }
0x3dd: {  	v63 =	vld [tilespmem:$0xAD0];
	v60 =	vmul.f32 $3.846153990e-02, v38;
	[tilespmem:$0x1F510] =	vst v52  }
0x3de: {  	v44 =	vld [tilespmem:$0xBD0];
	v28 =	vmul.f32 $3.846153990e-02, v5;
	[tilespmem:$0x1F540] =	vst v56  }
0x3df: {  	v48 =	vld [tilespmem:$0xC50];
	v25 =	vmov v39;
	v39 =	vmul.f32 $3.846153990e-02, v40;
	v32 =	vmul.f32 $3.846153990e-02, v3;
	[tilespmem:$0x1F580] =	vst v60  }
0x3e0: {  	v40 =	vmul.f32 $3.846153990e-02, v58;
	v53 =	vld [tilespmem:$0xCD0];
	v58 =	vmul.f32 $3.846153990e-02, v61;
	[tilespmem:$0x1F640] =	vst v28  }
0x3e1: {  	v0 =	vmul.f32 $3.846153990e-02, v62;
	[tilespmem:$0x1F6E0] =	vst v32  }
0x3e2: {  	v27 =	vld [tilespmem:$0x50];
	v59 =	vmul.f32 $3.846153990e-02, v63;
	[tilespmem:$0x1F550] =	vst v58  }
0x3e3: {  	v61 =	vmul.f32 $3.846153990e-02, v44;
	[tilespmem:$0x1F560] =	vst v0  }
0x3e4: {  	v62 =	vmul.f32 $3.846153990e-02, v48;
	[tilespmem:$0x1F570] =	vst v59  }
0x3e5: {  	v63 =	vmul.f32 $3.846153990e-02, v53;
	[tilespmem:$0x1F590] =	vst v61  }
0x3e6: {  	[tilespmem:$0x1F5A0] =	vst v62  }
0x3e7: {  	s15 =	simm.s32 $0x0;
	s16 =	simm.s32 $0x8D40;
	s17 =	simm.s32 $0xD40;
	v27 =	vmul.f32 $3.846153990e-02, v27;
	v23 =	vmov v41;
	[tilespmem:$0x1F5B0] =	vst v63  }
.LBB2_10:
0x3e8: {  	v0 =	vld [tilespmem:s17+$0x20];
	_ =	sdelay $0x1  }
0x3e9: {  	v5 =	vld [tilespmem:$0x1F4A0];
	_ =	sdelay $0x2  }
0x3ea: {  	v1 =	vbroadcast v0, $0x0;
	v3 =	vbroadcast v0, $0x1  }
0x3eb: {  	v42 =	vld [tilespmem:$0x1F4B0];
	v15 =	vbroadcast v0, $0x2  }
0x3ec: {  	v4 =	vmul.f32 v1, v27;
	v6 =	vmul.f32 v3, v5;
	_ =	sdelay $0x1  }
0x3ed: {  	v53 =	vld [tilespmem:s17+$0xFFFFFFE0];
	v48 =	vbroadcast v0, $0x3;
	v4 =	vadd.f32 v6, v4;
	v6 =	vmul.f32 v15, v39  }
0x3ee: {  	v49 =	vld [tilespmem:$0x1F4C0]  }
0x3ef: {  	v54 =	vld [tilespmem:s17+$0xFFFFFFC0];
	v58 =	vbroadcast v0, $0x4;
	v4 =	vadd.f32 v4, v6;
	v6 =	vmul.f32 v48, v42;
	_ =	sdelay $0x1  }
0x3f0: {  	v60 =	vbroadcast v0, $0x5;
	v4 =	vadd.f32 v4, v6;
	v6 =	vmul.f32 v58, v31;
	_ =	sdelay $0x1  }
0x3f1: {  	v14 =	vld [tilespmem:s17+$0x0];
	v52 =	vbroadcast v0, $0x6;
	v4 =	vadd.f32 v4, v6;
	v6 =	vmul.f32 v60, v49  }
0x3f2: {  	v7 =	vbroadcast v53, $0x0;
	v8 =	vbroadcast v54, $0x0  }
0x3f3: {  	v2 =	vbroadcast v0, $0x7;
	v4 =	vadd.f32 v4, v6;
	v6 =	vmul.f32 v52, v40  }
0x3f4: {  	v9 =	vbroadcast v54, $0x1;
	v10 =	vbroadcast v53, $0x1  }
0x3f5: {  	[tilespmem:$0x1F330] =	vst v2;
	v4 =	vadd.f32 v4, v6;
	v6 =	vmul.f32 v2, v57;
	v2 =	vbroadcast v0, $0x8  }
0x3f6: {  	v11 =	vbroadcast v14, $0x0;
	v55 =	vbroadcast v14, $0x1  }
0x3f7: {  	[tilespmem:$0x1F340] =	vst v2;
	v4 =	vadd.f32 v4, v6;
	v6 =	vmul.f32 v2, v32;
	v2 =	vbroadcast v0, $0x9  }
0x3f8: {  	v12 =	vmul.f32 v8, v20;
	v8 =	vmul.f32 v8, v27  }
0x3f9: {  	v13 =	vmul.f32 v9, v21;
	[tilespmem:$0x1F350] =	vst v2;
	v4 =	vadd.f32 v4, v6;
	v6 =	vmul.f32 v2, v51;
	v2 =	vld [tilespmem:$0x1F640]  }
0x3fa: {  	v9 =	vmul.f32 v9, v5;
	v56 =	vmul.f32 v7, v20  }
0x3fb: {  	v7 =	vmul.f32 v7, v27;
	v34 =	vmul.f32 v11, v27;
	v62 =	vadd.f32 v13, v12  }
0x3fc: {  	v61 =	vld [tilespmem:$0x1F4D0];
	v12 =	vmul.f32 v10, v21;
	v13 =	vadd.f32 v9, v8;
	v8 =	vbroadcast v0, $0xA  }
0x3fd: {  	v9 =	vmul.f32 v10, v5;
	v10 =	vmul.f32 v11, v20  }
0x3fe: {  	v44 =	vld [tilespmem:$0x1F4E0];
	v11 =	vmul.f32 v55, v21;
	v4 =	vadd.f32 v4, v6;
	v6 =	vmul.f32 v8, v2  }
0x3ff: {  	[tilespmem:$0x1F360] =	vst v8;
	v2 =	vbroadcast v0, $0xB;
	v8 =	vadd.f32 v9, v7;
	v9 =	vmul.f32 v55, v5  }
0x400: {  	v46 =	vld [tilespmem:$0x1F4F0];
	v5 =	vmul.f32 v3, v21;
	v3 =	vbroadcast v0, $0xD  }
0x401: {  	[tilespmem:$0x1F370] =	vst v2;
	v4 =	vadd.f32 v4, v6;
	v6 =	vmul.f32 v2, v61;
	v2 =	vbroadcast v0, $0xC  }
0x402: {  	v28 =	vld [tilespmem:$0x1F500];
	v63 =	vadd.f32 v12, v56;
	[tilespmem:$0x1F390] =	vst v3  }
0x403: {  	v47 =	vld [tilespmem:$0x1F510];
	v55 =	vadd.f32 v11, v10;
	[tilespmem:$0x1F380] =	vst v2;
	v10 =	vadd.f32 v4, v6;
	v6 =	vmul.f32 v2, v44  }
0x404: {  	v7 =	vmul.f32 v1, v20;
	v1 =	vbroadcast v54, $0x2;
	v12 =	vadd.f32 v9, v34;
	v4 =	vld [tilespmem:s17+$0x2A]  }
0x405: {  	v3 =	vmul.f32 v3, v46;
	v9 =	vbroadcast v0, $0xE;
	v6 =	vadd.f32 v10, v6  }
0x406: {  	v56 =	vld [tilespmem:$0x1F520];
	v11 =	vadd.f32 v5, v7;
	v5 =	vmul.f32 v1, v24  }
0x407: {  	v0 =	vbroadcast v0, $0xF;
	v3 =	vadd.f32 v6, v3;
	v6 =	vmul.f32 v9, v28  }
0x408: {  	v1 =	vmul.f32 v1, v39;
	v10 =	vadd.f32 v62, v5;
	v62 =	vld [tilespmem:$0x1F530]  }
0x409: {  	[tilespmem:$0x1F3B0] =	vst v0;
	v3 =	vadd.f32 v3, v6;
	v6 =	vmul.f32 v0, v47;
	v0 =	vbroadcast v4, $0x6  }
0x40a: {  	v59 =	vld [tilespmem:$0x1F540];
	[tilespmem:$0x1F3A0] =	vst v9;
	v9 =	vadd.f32 v13, v1  }
0x40b: {  	v1 =	vbroadcast v4, $0x7;
	v3 =	vadd.f32 v3, v6;
	v6 =	vmul.f32 v0, v56;
	_ =	sdelay $0x1  }
0x40c: {  	v34 =	vbroadcast v4, $0x8;
	v3 =	vadd.f32 v3, v6;
	v6 =	vmul.f32 v1, v62;
	_ =	sdelay $0x1  }
0x40d: {  	v38 =	vbroadcast v53, $0x2;
	[tilespmem:$0x1F3E0] =	vst v34;
	v3 =	vadd.f32 v3, v6;
	v6 =	vmul.f32 v34, v59;
	v34 =	vld [tilespmem:$0x1F550]  }
0x40e: {  	v2 =	vbroadcast v14, $0x2  }
0x40f: {  	v41 =	vmul.f32 v38, v24;
	v5 =	vmul.f32 v38, v39  }
0x410: {  	v7 =	vmul.f32 v2, v24;
	v38 =	vbroadcast v4, $0x9;
	_ =	sdelay $0x1  }
0x411: {  	v55 =	vadd.f32 v55, v7;
	v3 =	vadd.f32 v3, v6;
	v7 =	vmul.f32 v38, v34;
	_ =	sdelay $0x1  }
0x412: {  	v3 =	vadd.f32 v3, v7;
	v7 =	vld [tilespmem:$0x1F560]  }
0x413: {  	v63 =	vadd.f32 v63, v41;
	v41 =	vld [tilespmem:$0x1F440];
	_ =	sdelay $0x1  }
0x414: {  	v15 =	vmul.f32 v15, v24;
	[tilespmem:$0x1F3F0] =	vst v38;
	v38 =	vbroadcast v4, $0xA  }
0x415: {  	[tilespmem:$0x1F3C0] =	vst v0;
	v0 =	vbroadcast v54, $0x3  }
0x416: {  	v11 =	vadd.f32 v11, v15;
	v13 =	vmul.f32 v2, v39;
	v15 =	vmul.f32 v38, v7  }
0x417: {  	v8 =	vadd.f32 v8, v5;
	[tilespmem:$0x1F3D0] =	vst v1;
	v1 =	vbroadcast v53, $0x3;
	v5 =	vmul.f32 v0, v41  }
0x418: {  	v2 =	vbroadcast v14, $0x3;
	v6 =	vmul.f32 v0, v42;
	v15 =	vadd.f32 v3, v15;
	v3 =	vld [tilespmem:$0x1F570]  }
0x419: {  	v5 =	vadd.f32 v10, v5;
	v10 =	vmul.f32 v1, v42  }
0x41a: {  	v0 =	vbroadcast v4, $0xB;
	v6 =	vadd.f32 v9, v6;
	v9 =	vmul.f32 v2, v42;
	v42 =	vld [tilespmem:$0x1F580];
	_ =	sdelay $0x1  }
0x41b: {  	[tilespmem:$0x1F410] =	vst v0  }
0x41c: {  	[tilespmem:$0x1F400] =	vst v38;
	v38 =	vbroadcast v4, $0xC;
	v0 =	vmul.f32 v0, v3  }
0x41d: {  	v12 =	vadd.f32 v12, v13;
	v13 =	vmul.f32 v1, v41;
	v1 =	vmul.f32 v2, v41  }
0x41e: {  	v2 =	vmul.f32 v48, v41;
	v41 =	vmul.f32 v38, v42;
	v15 =	vadd.f32 v15, v0;
	v0 =	vld [tilespmem:$0x1F590];
	_ =	sdelay $0x1  }
0x41f: {  	v8 =	vadd.f32 v8, v10;
	v10 =	vadd.f32 v15, v41;
	v15 =	vld [tilespmem:$0x1F5A0]  }
0x420: {  	v48 =	vbroadcast v4, $0xD;
	_ =	sdelay $0x1  }
0x421: {  	[tilespmem:$0x1F420] =	vst v48;
	v41 =	vmul.f32 v48, v0;
	v48 =	vbroadcast v4, $0xE;
	_ =	sdelay $0x1  }
0x422: {  	v9 =	vadd.f32 v12, v9;
	v10 =	vadd.f32 v10, v41;
	v12 =	vmul.f32 v48, v15  }
0x423: {  	v41 =	vld [tilespmem:$0x1F450]  }
0x424: {  	v10 =	vadd.f32 v10, v12;
	v12 =	vld [tilespmem:$0x1F5B0];
	_ =	sdelay $0x1  }
0x425: {  	v13 =	vadd.f32 v63, v13;
	v63 =	vbroadcast v54, $0x4  }
0x426: {  	v1 =	vadd.f32 v55, v1;
	v55 =	vbroadcast v53, $0x4;
	[tilespmem:$0x1F430] =	vst v48;
	v48 =	vbroadcast v4, $0xF  }
0x427: {  	v11 =	vadd.f32 v11, v2;
	v2 =	vmul.f32 v63, v31;
	v4 =	vmul.f32 v63, v41  }
0x428: {  	v63 =	vbroadcast v14, $0x4;
	v12 =	vmul.f32 v48, v12  }
0x429: {  	v4 =	vadd.f32 v5, v4;
	v5 =	vadd.f32 v6, v2;
	v6 =	vmul.f32 v55, v41  }
0x42a: {  	v55 =	vmul.f32 v55, v31;
	v2 =	vadd.f32 v10, v12;
	v12 =	vmul.f32 v63, v31;
	v31 =	vld [tilespmem:$0x1F460];
	_ =	sdelay $0x2  }
0x42b: {  	v6 =	vadd.f32 v13, v6;
	v13 =	vbroadcast v54, $0x5  }
0x42c: {  	v10 =	vmul.f32 v63, v41  }
0x42d: {  	v63 =	vbroadcast v14, $0x5;
	v9 =	vadd.f32 v9, v12;
	v12 =	vmul.f32 v13, v31  }
0x42e: {  	v1 =	vadd.f32 v1, v10;
	v10 =	vbroadcast v53, $0x5;
	v13 =	vmul.f32 v13, v49  }
0x42f: {  	v60 =	vmul.f32 v60, v31;
	v4 =	vadd.f32 v4, v12  }
0x430: {  	v12 =	vmul.f32 v10, v31;
	v5 =	vadd.f32 v5, v13;
	v13 =	vmul.f32 v63, v31;
	v31 =	vld [tilespmem:$0x1F470];
	_ =	sdelay $0x1  }
0x431: {  	v8 =	vadd.f32 v8, v55;
	v10 =	vmul.f32 v10, v49  }
0x432: {  	v58 =	vmul.f32 v58, v41;
	v6 =	vadd.f32 v6, v12;
	v12 =	vbroadcast v54, $0x6  }
0x433: {  	v41 =	vbroadcast v14, $0x6;
	v8 =	vadd.f32 v8, v10;
	v10 =	vbroadcast v53, $0x6  }
0x434: {  	v1 =	vadd.f32 v1, v13;
	v13 =	vmul.f32 v12, v31;
	v12 =	vmul.f32 v12, v40  }
0x435: {  	[tilespmem:$0x1F320] =	vst v48;
	v55 =	vmul.f32 v63, v49;
	v48 =	vmul.f32 v10, v31  }
0x436: {  	v49 =	vmul.f32 v52, v31;
	v5 =	vadd.f32 v5, v12;
	v12 =	vmul.f32 v41, v31;
	v31 =	vld [tilespmem:$0x1F480];
	_ =	sdelay $0x1  }
0x437: {  	v10 =	vmul.f32 v10, v40  }
0x438: {  	v4 =	vadd.f32 v4, v13;
	v13 =	vbroadcast v54, $0x7  }
0x439: {  	v8 =	vadd.f32 v8, v10  }
0x43a: {  	v10 =	vbroadcast v53, $0x7;
	v1 =	vadd.f32 v1, v12;
	v12 =	vmul.f32 v13, v31;
	_ =	sdelay $0x1  }
0x43b: {  	v4 =	vadd.f32 v4, v12;
	v12 =	vmul.f32 v10, v31;
	v10 =	vmul.f32 v10, v57;
	_ =	sdelay $0x1  }
0x43c: {  	v8 =	vadd.f32 v8, v10;
	v10 =	vld [tilespmem:$0x1F330];
	_ =	sdelay $0x1  }
0x43d: {  	v11 =	vadd.f32 v11, v58  }
0x43e: {  	v58 =	vbroadcast v14, $0x7;
	v9 =	vadd.f32 v9, v55;
	v13 =	vmul.f32 v13, v57  }
0x43f: {  	v55 =	vmul.f32 v41, v40;
	v11 =	vadd.f32 v11, v60;
	v6 =	vadd.f32 v6, v48  }
0x440: {  	v5 =	vadd.f32 v5, v13;
	v13 =	vmul.f32 v58, v31;
	v10 =	vmul.f32 v10, v31;
	v31 =	vld [tilespmem:$0x1F340]  }
0x441: {  	v9 =	vadd.f32 v9, v55;
	v55 =	vmul.f32 v58, v57  }
0x442: {  	v11 =	vadd.f32 v11, v49;
	v6 =	vadd.f32 v6, v12;
	v12 =	vbroadcast v54, $0x8  }
0x443: {  	v48 =	vbroadcast v54, $0x9;
	v1 =	vadd.f32 v1, v13;
	v13 =	vbroadcast v53, $0x8  }
0x444: {  	v9 =	vadd.f32 v9, v55;
	v60 =	vmul.f32 v12, v25;
	v12 =	vmul.f32 v12, v32  }
0x445: {  	v10 =	vadd.f32 v11, v10;
	v11 =	vbroadcast v14, $0x8;
	v41 =	vmul.f32 v31, v25;
	v31 =	vld [tilespmem:$0x1F490]  }
0x446: {  	v63 =	vmul.f32 v13, v25;
	v13 =	vmul.f32 v13, v32;
	v4 =	vadd.f32 v4, v60;
	v60 =	vld [tilespmem:$0x1F350]  }
0x447: {  	v5 =	vadd.f32 v5, v12;
	v12 =	vmul.f32 v11, v25;
	v11 =	vmul.f32 v11, v32  }
0x448: {  	v49 =	vbroadcast v14, $0x9;
	v8 =	vadd.f32 v8, v13;
	v13 =	vbroadcast v53, $0x9  }
0x449: {  	v6 =	vadd.f32 v6, v63;
	v9 =	vadd.f32 v9, v11;
	v11 =	vmul.f32 v48, v51  }
0x44a: {  	v1 =	vadd.f32 v1, v12;
	v12 =	vmul.f32 v48, v31;
	v52 =	vmul.f32 v13, v31  }
0x44b: {  	v5 =	vadd.f32 v5, v11;
	v11 =	vmul.f32 v49, v31;
	v63 =	vmul.f32 v60, v31;
	v31 =	vld [tilespmem:$0x1F640];
	_ =	sdelay $0x2  }
0x44c: {  	v4 =	vadd.f32 v4, v12;
	v12 =	vmul.f32 v13, v51;
	v13 =	vbroadcast v54, $0xA;
	_ =	sdelay $0x1  }
0x44d: {  	v1 =	vadd.f32 v1, v11;
	v11 =	vmul.f32 v13, v23;
	v13 =	vmul.f32 v13, v31;
	v31 =	vld [tilespmem:$0x1F640];
	_ =	sdelay $0x2  }
0x44e: {  	v8 =	vadd.f32 v8, v12;
	v12 =	vbroadcast v53, $0xA;
	_ =	sdelay $0x1  }
0x44f: {  	v4 =	vadd.f32 v4, v11;
	v11 =	vmul.f32 v12, v23;
	v12 =	vmul.f32 v12, v31;
	_ =	sdelay $0x1  }
0x450: {  	v8 =	vadd.f32 v8, v12;
	v12 =	vld [tilespmem:$0x1F360]  }
0x451: {  	v10 =	vadd.f32 v10, v41;
	v41 =	vbroadcast v14, $0xA  }
0x452: {  	v55 =	vmul.f32 v49, v51;
	v6 =	vadd.f32 v6, v52  }
0x453: {  	v60 =	vbroadcast v54, $0xC;
	v5 =	vadd.f32 v5, v13;
	v13 =	vmul.f32 v41, v23;
	v31 =	vld [tilespmem:$0x1F640]  }
0x454: {  	v10 =	vadd.f32 v10, v63;
	v6 =	vadd.f32 v6, v11;
	v11 =	vbroadcast v54, $0xB  }
0x455: {  	v1 =	vadd.f32 v1, v13;
	v13 =	vbroadcast v53, $0xB;
	v12 =	vmul.f32 v12, v23  }
0x456: {  	v48 =	vmul.f32 v11, v22;
	v11 =	vmul.f32 v11, v61  }
0x457: {  	v49 =	vmul.f32 v13, v22;
	v10 =	vadd.f32 v10, v12;
	v12 =	vbroadcast v14, $0xB  }
0x458: {  	v9 =	vadd.f32 v9, v55;
	v13 =	vmul.f32 v13, v61;
	v55 =	vmul.f32 v41, v31  }
0x459: {  	v4 =	vadd.f32 v4, v48;
	v5 =	vadd.f32 v5, v11;
	v11 =	vmul.f32 v12, v22  }
0x45a: {  	v8 =	vadd.f32 v8, v13;
	v9 =	vadd.f32 v9, v55;
	v12 =	vmul.f32 v12, v61  }
0x45b: {  	v13 =	vbroadcast v53, $0xC;
	v1 =	vadd.f32 v1, v11;
	v11 =	vmul.f32 v60, v26  }
0x45c: {  	v63 =	vbroadcast v14, $0xC;
	v31 =	vld [tilespmem:$0x1F370];
	v9 =	vadd.f32 v9, v12;
	v12 =	vmul.f32 v60, v44  }
0x45d: {  	v32 =	vmul.f32 v13, v26;
	v4 =	vadd.f32 v4, v11;
	v11 =	vmul.f32 v13, v44  }
0x45e: {  	v5 =	vadd.f32 v5, v12;
	v12 =	vmul.f32 v63, v26;
	v13 =	vbroadcast v54, $0xD  }
0x45f: {  	v8 =	vadd.f32 v8, v11  }
0x460: {  	v11 =	vbroadcast v53, $0xD;
	v1 =	vadd.f32 v1, v12;
	v12 =	vmul.f32 v13, v30  }
0x461: {  	v51 =	vmul.f32 v31, v22  }
0x462: {  	v31 =	vld [tilespmem:$0x1F380];
	v4 =	vadd.f32 v4, v12;
	v12 =	vmul.f32 v11, v30;
	v11 =	vmul.f32 v11, v46;
	_ =	sdelay $0x1  }
0x463: {  	v8 =	vadd.f32 v8, v11;
	v11 =	vld [tilespmem:$0x1F390];
	_ =	sdelay $0x2  }
0x464: {  	v10 =	vadd.f32 v10, v51;
	v41 =	vmul.f32 v31, v26  }
0x465: {  	v6 =	vadd.f32 v6, v49  }
0x466: {  	v13 =	vmul.f32 v13, v46;
	v10 =	vadd.f32 v10, v41;
	v11 =	vmul.f32 v11, v30  }
0x467: {  	v55 =	vmul.f32 v63, v44;
	v6 =	vadd.f32 v6, v32;
	v44 =	vbroadcast v14, $0xD  }
0x468: {  	v5 =	vadd.f32 v5, v13;
	v57 =	vadd.f32 v10, v11;
	v10 =	vbroadcast v14, $0xE  }
0x469: {  	v13 =	vmul.f32 v44, v30;
	v6 =	vadd.f32 v6, v12;
	v12 =	vbroadcast v54, $0xE  }
0x46a: {  	v49 =	vmul.f32 v10, v50;
	v51 =	vmul.f32 v10, v28;
	v10 =	vld [tilespmem:$0x1F3A0]  }
0x46b: {  	v31 =	vbroadcast v53, $0xF;
	v1 =	vadd.f32 v1, v13;
	v13 =	vbroadcast v53, $0xE  }
0x46c: {  	v9 =	vadd.f32 v9, v55;
	v55 =	vmul.f32 v44, v46;
	v48 =	vmul.f32 v12, v50  }
0x46d: {  	v11 =	vmul.f32 v12, v28;
	v12 =	vmul.f32 v13, v50  }
0x46e: {  	v54 =	vbroadcast v54, $0xF;
	v13 =	vmul.f32 v13, v28  }
0x46f: {  	v9 =	vadd.f32 v9, v55;
	v6 =	vadd.f32 v6, v12;
	v12 =	vmul.f32 v10, v50;
	v10 =	vld [tilespmem:s17+$0xFFFFFFEA]  }
0x470: {  	v4 =	vadd.f32 v4, v48;
	v8 =	vadd.f32 v8, v13;
	v13 =	vmul.f32 v54, v33  }
0x471: {  	v14 =	vbroadcast v14, $0xF;
	v5 =	vadd.f32 v5, v11;
	v11 =	vld [tilespmem:s17+$0xFFFFFFCA]  }
0x472: {  	v9 =	vadd.f32 v9, v51;
	v51 =	vld [tilespmem:s17+$0xA];
	v4 =	vadd.f32 v4, v13;
	v13 =	vmul.f32 v31, v47  }
0x473: {  	v60 =	vmul.f32 v31, v33;
	v54 =	vmul.f32 v54, v47;
	v31 =	vld [tilespmem:$0x1F3B0]  }
0x474: {  	v48 =	vmovc v61;
	v61 =	vmul.f32 v14, v33;
	v8 =	vadd.f32 v8, v13;
	v13 =	vbroadcast v10, $0x6  }
0x475: {  	v14 =	vmul.f32 v14, v47;
	v1 =	vadd.f32 v1, v49;
	v5 =	vadd.f32 v5, v54  }
0x476: {  	v6 =	vadd.f32 v6, v60;
	v41 =	vmul.f32 v13, v29;
	v13 =	vmul.f32 v13, v56  }
0x477: {  	v9 =	vadd.f32 v9, v14;
	v63 =	vbroadcast v11, $0x6;
	v46 =	vbroadcast v11, $0x7  }
0x478: {  	v32 =	vmul.f32 v31, v33;
	v14 =	vbroadcast v51, $0x6;
	v8 =	vadd.f32 v8, v13;
	v13 =	vld [tilespmem:$0x1F3C0]  }
0x479: {  	v12 =	vadd.f32 v57, v12;
	v33 =	vmul.f32 v63, v29;
	v55 =	vmul.f32 v63, v56  }
0x47a: {  	v1 =	vadd.f32 v1, v61;
	v44 =	vmul.f32 v14, v29;
	v14 =	vmul.f32 v14, v56  }
0x47b: {  	v54 =	vmul.f32 v46, v62;
	v12 =	vadd.f32 v12, v32;
	v4 =	vadd.f32 v4, v33  }
0x47c: {  	v47 =	vbroadcast v10, $0x7;
	v9 =	vadd.f32 v9, v14;
	v14 =	vmul.f32 v46, v16  }
0x47d: {  	v5 =	vadd.f32 v5, v55;
	v60 =	vbroadcast v10, $0x8;
	v13 =	vmul.f32 v13, v29  }
0x47e: {  	v4 =	vadd.f32 v4, v14;
	v14 =	vmul.f32 v47, v16;
	v6 =	vadd.f32 v6, v41  }
0x47f: {  	v31 =	vld [tilespmem:$0x1F3D0];
	v32 =	vbroadcast v10, $0x9;
	v12 =	vadd.f32 v12, v13;
	v13 =	vbroadcast v51, $0x7  }
0x480: {  	v46 =	vbroadcast v51, $0xA;
	v6 =	vadd.f32 v6, v14;
	v14 =	vbroadcast v11, $0x8  }
0x481: {  	v1 =	vadd.f32 v1, v44;
	v49 =	vmul.f32 v13, v16;
	v13 =	vmul.f32 v13, v62  }
0x482: {  	v5 =	vadd.f32 v5, v54;
	v55 =	vmul.f32 v47, v62;
	v61 =	vmul.f32 v14, v17  }
0x483: {  	v9 =	vadd.f32 v9, v13;
	v13 =	vmul.f32 v14, v59;
	v14 =	vbroadcast v51, $0x8  }
0x484: {  	v50 =	vmul.f32 v31, v16;
	v16 =	vbroadcast v11, $0x9  }
0x485: {  	v1 =	vadd.f32 v1, v49;
	v5 =	vadd.f32 v5, v13;
	v13 =	vmul.f32 v14, v17  }
0x486: {  	v63 =	vmul.f32 v60, v59;
	v4 =	vadd.f32 v4, v61;
	v14 =	vmul.f32 v14, v59  }
0x487: {  	v62 =	vmul.f32 v60, v17;
	v1 =	vadd.f32 v1, v13;
	v13 =	vmul.f32 v16, v18  }
0x488: {  	v8 =	vadd.f32 v8, v55;
	v9 =	vadd.f32 v9, v14;
	v14 =	vbroadcast v51, $0x9  }
0x489: {  	v6 =	vadd.f32 v6, v62;
	v4 =	vadd.f32 v4, v13;
	v13 =	vmul.f32 v32, v18  }
0x48a: {  	v31 =	vld [tilespmem:$0x1F3E0];
	v54 =	vmul.f32 v32, v34;
	v8 =	vadd.f32 v8, v63;
	v33 =	vmul.f32 v14, v18  }
0x48b: {  	v14 =	vmul.f32 v14, v34;
	v6 =	vadd.f32 v6, v13;
	v13 =	vbroadcast v11, $0xA  }
0x48c: {  	v44 =	vbroadcast v10, $0xA;
	v8 =	vadd.f32 v8, v54;
	v55 =	vmul.f32 v16, v34  }
0x48d: {  	v54 =	vmul.f32 v46, v7;
	v9 =	vadd.f32 v9, v14;
	v14 =	vmul.f32 v13, v19  }
0x48e: {  	v12 =	vadd.f32 v12, v50;
	v5 =	vadd.f32 v5, v55;
	v13 =	vmul.f32 v13, v7  }
0x48f: {  	v17 =	vmul.f32 v31, v17;
	v31 =	vld [tilespmem:$0x1F3F0];
	v4 =	vadd.f32 v4, v14;
	v14 =	vmul.f32 v44, v19  }
0x490: {  	v50 =	vbroadcast v51, $0xB;
	v1 =	vadd.f32 v1, v33;
	v5 =	vadd.f32 v5, v13  }
0x491: {  	v13 =	vmul.f32 v46, v19;
	v6 =	vadd.f32 v6, v14;
	v14 =	vbroadcast v11, $0xB  }
0x492: {  	v49 =	vbroadcast v10, $0xB;
	v55 =	vmul.f32 v44, v7;
	v7 =	vld [tilespmem:$0x1F400]  }
0x493: {  	v12 =	vadd.f32 v12, v17;
	v1 =	vadd.f32 v1, v13;
	v13 =	vmul.f32 v14, v43  }
0x494: {  	v41 =	vmul.f32 v31, v18;
	v9 =	vadd.f32 v9, v54;
	v54 =	vmul.f32 v50, v3  }
0x495: {  	v14 =	vmul.f32 v14, v3;
	v4 =	vadd.f32 v4, v13;
	v13 =	vmul.f32 v49, v3;
	v3 =	vld [tilespmem:$0x1F410];
	_ =	sdelay $0x1  }
0x496: {  	v12 =	vadd.f32 v12, v41;
	v47 =	vmul.f32 v7, v19  }
0x497: {  	v58 =	vbroadcast v11, $0xC;
	v53 =	vmul.f32 v49, v43;
	v8 =	vadd.f32 v8, v55  }
0x498: {  	v12 =	vadd.f32 v12, v47;
	v5 =	vadd.f32 v5, v14;
	v14 =	vmul.f32 v50, v43  }
0x499: {  	v8 =	vadd.f32 v8, v13;
	v13 =	vbroadcast v10, $0xC;
	v7 =	vmul.f32 v3, v43  }
0x49a: {  	v59 =	vbroadcast v51, $0xC;
	v1 =	vadd.f32 v1, v14;
	v14 =	vmul.f32 v58, v36  }
0x49b: {  	v6 =	vadd.f32 v6, v53;
	v7 =	vadd.f32 v12, v7;
	v12 =	vmul.f32 v13, v36  }
0x49c: {  	v55 =	vmul.f32 v58, v42;
	v4 =	vadd.f32 v4, v14;
	v14 =	vmul.f32 v59, v36  }
0x49d: {  	v13 =	vmul.f32 v13, v42;
	v6 =	vadd.f32 v6, v12;
	v12 =	vbroadcast v11, $0xD  }
0x49e: {  	v5 =	vadd.f32 v5, v55;
	v3 =	vmul.f32 v38, v36;
	v1 =	vadd.f32 v1, v14  }
0x49f: {  	v8 =	vadd.f32 v8, v13;
	v13 =	vbroadcast v10, $0xD;
	v14 =	vmul.f32 v12, v37  }
0x4a0: {  	v7 =	vadd.f32 v7, v3;
	v3 =	vbroadcast v51, $0xD;
	v12 =	vmul.f32 v12, v0  }
0x4a1: {  	v14 =	vadd.f32 v4, v14;
	v4 =	vmul.f32 v13, v37;
	v13 =	vmul.f32 v13, v0  }
0x4a2: {  	v60 =	vadd.f32 v5, v12;
	v12 =	vmul.f32 v3, v37;
	v3 =	vmul.f32 v3, v0;
	v0 =	vld [tilespmem:$0x1F420];
	_ =	sdelay $0x3  }
0x4a3: {  	v9 =	vadd.f32 v9, v54;
	v54 =	vmul.f32 v59, v42  }
0x4a4: {  	v61 =	vadd.f32 v6, v4;
	v6 =	vbroadcast v11, $0xE;
	v0 =	vmul.f32 v0, v37  }
0x4a5: {  	v9 =	vadd.f32 v9, v54  }
0x4a6: {  	v4 =	vadd.f32 v1, v12;
	v1 =	vadd.f32 v7, v0;
	v0 =	vmul.f32 v6, v15  }
0x4a7: {  	v62 =	vbroadcast v51, $0xE  }
0x4a8: {  	v3 =	vadd.f32 v9, v3;
	v9 =	vmul.f32 v6, v35;
	v6 =	vadd.f32 v60, v0;
	v0 =	vld [tilespmem:$0x1F430]  }
0x4a9: {  	v5 =	vadd.f32 v8, v13;
	v8 =	vbroadcast v10, $0xE  }
0x4aa: {  	v12 =	vmul.f32 v62, v35  }
0x4ab: {  	v11 =	vbroadcast v11, $0xF;
	v63 =	vmul.f32 v8, v35  }
0x4ac: {  	v10 =	vbroadcast v10, $0xF;
	v13 =	vmul.f32 v8, v15;
	v7 =	vadd.f32 v14, v9  }
0x4ad: {  	s19 =	simm.s32 $0x0;
	s20 =	sadd.s32 $0x80, s17;
	s18 =	smov.u32 s16;
	v28 =	vld [tilespmem:$0x1F640];
	v9 =	vmul.f32 v62, v15;
	[tilespmem:s16+$0x1010] =	vst v2;
	v2 =	vadd.f32 v61, v63;
	v8 =	vmul.f32 v0, v35  }
.LBB2_11:
0x4ae: {  	v14 =	vld [tilespmem:$0x1F5B0];
	_ =	sdelay $0x1  }
0x4af: {  	v0 =	vld [tilespmem:s20+$0x20]  }
0x4b0: {  	v5 =	vadd.f32 v5, v13;
	v4 =	vadd.f32 v4, v12  }
0x4b1: {  	v57 =	vld [tilespmem:s20+$0xFFFFFFE0];
	v12 =	vbroadcast v51, $0xF;
	v3 =	vadd.f32 v3, v9;
	v13 =	vmul.f32 v11, v45  }
0x4b2: {  	v30 =	vld [tilespmem:$0x1F4A0];
	v1 =	vadd.f32 v1, v8;
	v9 =	vmul.f32 v10, v45;
	v8 =	vmul.f32 v11, v14  }
0x4b3: {  	v58 =	vld [tilespmem:s20+$0x0];
	v10 =	vmul.f32 v10, v14;
	v11 =	vmul.f32 v12, v45  }
0x4b4: {  	v56 =	vbroadcast v0, $0x0;
	v6 =	vadd.f32 v6, v8;
	v8 =	vmul.f32 v12, v14;
	v12 =	vld [tilespmem:$0x1F320]  }
0x4b5: {  	v60 =	vld [tilespmem:s20+$0xFFFFFFC0];
	v59 =	vbroadcast v0, $0x1;
	v61 =	vbroadcast v0, $0x2  }
0x4b6: {  	v29 =	vld [tilespmem:$0x1F4B0];
	v52 =	vbroadcast v0, $0x3;
	v15 =	vbroadcast v0, $0x4;
	v2 =	vadd.f32 v2, v9  }
0x4b7: {  	v54 =	vld [tilespmem:s20+$0xFFFFFFCA];
	v5 =	vadd.f32 v5, v10;
	v9 =	vmul.f32 v59, v30;
	[tilespmem:s18+$0xFFFFE010] =	vst v6;
	v6 =	vmul.f32 v56, v27  }
0x4b8: {  	v62 =	vbroadcast v58, $0x1;
	v7 =	vadd.f32 v7, v13;
	v3 =	vadd.f32 v3, v8  }
0x4b9: {  	v55 =	vld [tilespmem:s20+$0xFFFFFFEA];
	[tilespmem:s18+$0xFFFFF010] =	vst v5;
	v5 =	vadd.f32 v9, v6;
	v6 =	vmul.f32 v61, v39;
	v12 =	vmul.f32 v12, v45  }
0x4ba: {  	v51 =	vld [tilespmem:s20+$0xA];
	v10 =	vbroadcast v60, $0x1;
	[tilespmem:s18+$0xFFFFF000] =	vst v2;
	v2 =	vadd.f32 v4, v11;
	v4 =	vbroadcast v60, $0x0  }
0x4bb: {  	[tilespmem:s18+$0x10] =	vst v3;
	v9 =	vld [tilespmem:$0x1F650];
	v3 =	vadd.f32 v5, v6;
	v5 =	vmul.f32 v52, v29;
	v1 =	vadd.f32 v1, v12  }
0x4bc: {  	v13 =	vbroadcast v0, $0x6;
	[tilespmem:s18+$0xFFFFE000] =	vst v7;
	v7 =	vbroadcast v57, $0x0  }
0x4bd: {  	v37 =	vld [tilespmem:$0x1F4C0];
	v6 =	vmul.f32 v4, v20;
	[tilespmem:s18+$0x1000] =	vst v1;
	v1 =	vadd.f32 v3, v5;
	v5 =	vmul.f32 v10, v21  }
0x4be: {  	v11 =	vbroadcast v0, $0x5;
	v8 =	vbroadcast v58, $0x0  }
0x4bf: {  	v4 =	vmul.f32 v4, v27;
	v63 =	vadd.f32 v5, v6;
	v5 =	vmul.f32 v10, v30  }
0x4c0: {  	[tilespmem:s18+$0x0] =	vst v2;
	v2 =	vbroadcast v57, $0x1;
	v3 =	vmul.f32 v15, v9  }
0x4c1: {  	v6 =	vmul.f32 v7, v20;
	v16 =	vadd.f32 v5, v4;
	v4 =	vmul.f32 v7, v27;
	v7 =	vld [tilespmem:$0x1F6F0]  }
0x4c2: {  	v1 =	vadd.f32 v1, v3;
	v3 =	vmul.f32 v11, v37;
	v5 =	vmul.f32 v2, v21  }
0x4c3: {  	v33 =	vld [tilespmem:$0x1F6E0];
	v12 =	vbroadcast v0, $0x7;
	v2 =	vmul.f32 v2, v30  }
0x4c4: {  	v1 =	vadd.f32 v1, v3;
	v3 =	vmul.f32 v13, v40;
	v17 =	vadd.f32 v5, v6  }
0x4c5: {  	v50 =	vld [tilespmem:$0x1F700];
	v5 =	vmul.f32 v8, v20;
	v18 =	vadd.f32 v2, v4;
	v4 =	vmul.f32 v62, v21  }
0x4c6: {  	v10 =	vbroadcast v0, $0x8;
	v1 =	vadd.f32 v1, v3;
	v3 =	vmul.f32 v12, v7  }
0x4c7: {  	v2 =	vmul.f32 v8, v27;
	v19 =	vadd.f32 v4, v5;
	v4 =	vmul.f32 v62, v30  }
0x4c8: {  	v43 =	vbroadcast v0, $0x9;
	v1 =	vadd.f32 v1, v3;
	v3 =	vmul.f32 v10, v33  }
0x4c9: {  	v45 =	vbroadcast v0, $0xA;
	v5 =	vmul.f32 v56, v20;
	v62 =	vadd.f32 v4, v2  }
0x4ca: {  	v2 =	vmul.f32 v59, v21;
	v1 =	vadd.f32 v1, v3;
	v3 =	vmul.f32 v43, v50  }
0x4cb: {  	v46 =	vbroadcast v0, $0xB  }
0x4cc: {  	v20 =	vadd.f32 v2, v5;
	v5 =	vld [tilespmem:$0x1F4E0];
	v1 =	vadd.f32 v1, v3;
	v3 =	vmul.f32 v45, v28;
	_ =	sdelay $0x1  }
0x4cd: {  	v42 =	vbroadcast v60, $0x2;
	v6 =	vld [tilespmem:$0x1F4F0];
	v1 =	vadd.f32 v1, v3;
	v3 =	vmul.f32 v46, v48  }
0x4ce: {  	v47 =	vbroadcast v0, $0xC  }
0x4cf: {  	v53 =	vld [tilespmem:$0x1F500];
	v1 =	vadd.f32 v1, v3;
	v3 =	vmul.f32 v42, v24  }
0x4d0: {  	v49 =	vbroadcast v0, $0xD;
	v21 =	vld [tilespmem:s20+$0x2A];
	v2 =	vmul.f32 v47, v5  }
0x4d1: {  	v4 =	vbroadcast v57, $0x2;
	v22 =	vadd.f32 v63, v3;
	v3 =	vld [tilespmem:$0x1F510]  }
0x4d2: {  	v8 =	vbroadcast v0, $0xE;
	v1 =	vadd.f32 v1, v2;
	v2 =	vmul.f32 v49, v6  }
0x4d3: {  	v31 =	vld [tilespmem:$0x1F520];
	v32 =	vmul.f32 v4, v24;
	v23 =	vmul.f32 v4, v39  }
0x4d4: {  	v4 =	vbroadcast v0, $0xF;
	v1 =	vadd.f32 v1, v2;
	v2 =	vmul.f32 v8, v53;
	_ =	sdelay $0x1  }
0x4d5: {  	[tilespmem:$0x1F2C0] =	vst v4;
	v1 =	vadd.f32 v1, v2;
	v2 =	vmul.f32 v4, v3;
	v4 =	vbroadcast v21, $0x6;
	_ =	sdelay $0x1  }
0x4d6: {  	v17 =	vadd.f32 v17, v32;
	v32 =	vld [tilespmem:$0x1F530];
	v1 =	vadd.f32 v1, v2;
	v34 =	vmul.f32 v4, v31;
	_ =	sdelay $0x1  }
0x4d7: {  	v44 =	vbroadcast v58, $0x2;
	v56 =	vmul.f32 v42, v39;
	v63 =	vadd.f32 v1, v34;
	v1 =	vld [tilespmem:$0x1F540]  }
0x4d8: {  	v2 =	vbroadcast v21, $0x7  }
0x4d9: {  	v16 =	vadd.f32 v16, v56;
	v56 =	vmul.f32 v44, v39;
	[tilespmem:$0x1F2D0] =	vst v4;
	v34 =	vld [tilespmem:$0x1F550]  }
0x4da: {  	[tilespmem:$0x1F2E0] =	vst v2;
	v4 =	vmovc v39;
	v39 =	vmov v25;
	v25 =	vmul.f32 v2, v32;
	v2 =	vbroadcast v21, $0x8  }
0x4db: {  	v30 =	vld [tilespmem:$0x1F440];
	v42 =	vmov v27;
	v27 =	vadd.f32 v62, v56  }
0x4dc: {  	v48 =	vmovc v35;
	v62 =	vbroadcast v21, $0x9;
	v25 =	vadd.f32 v63, v25;
	v35 =	vmul.f32 v2, v1;
	_ =	sdelay $0x1  }
0x4dd: {  	v38 =	vld [tilespmem:$0x1F560];
	v59 =	vbroadcast v60, $0x3;
	v41 =	vmul.f32 v62, v34;
	v25 =	vadd.f32 v25, v35  }
0x4de: {  	v61 =	vmul.f32 v61, v24;
	v0 =	vmul.f32 v44, v24  }
0x4df: {  	v26 =	vmul.f32 v59, v30;
	v59 =	vmul.f32 v59, v29;
	v25 =	vadd.f32 v25, v41;
	v41 =	vld [tilespmem:$0x1F570]  }
0x4e0: {  	v52 =	vmul.f32 v52, v30;
	v63 =	vbroadcast v21, $0xA  }
0x4e1: {  	v18 =	vadd.f32 v18, v23;
	v23 =	vbroadcast v57, $0x3;
	v16 =	vadd.f32 v16, v59;
	v59 =	vld [tilespmem:$0x1F580]  }
0x4e2: {  	v20 =	vadd.f32 v20, v61;
	v61 =	vbroadcast v21, $0xB;
	v44 =	vmul.f32 v63, v38  }
0x4e3: {  	[tilespmem:$0x1F2B0] =	vst v8;
	v19 =	vadd.f32 v19, v0;
	v0 =	vbroadcast v21, $0xC;
	v8 =	vmovc v24;
	v24 =	vbroadcast v58, $0x3  }
0x4e4: {  	v28 =	vmul.f32 v23, v30;
	v25 =	vadd.f32 v25, v44;
	v35 =	vmul.f32 v61, v41  }
0x4e5: {  	v23 =	vmul.f32 v23, v29;
	v22 =	vadd.f32 v22, v26;
	v26 =	vmul.f32 v24, v30;
	v30 =	vld [tilespmem:$0x1F450]  }
0x4e6: {  	v44 =	vmul.f32 v0, v59;
	v25 =	vadd.f32 v25, v35  }
0x4e7: {  	v17 =	vadd.f32 v17, v28;
	v28 =	vbroadcast v57, $0x4;
	v18 =	vadd.f32 v18, v23  }
0x4e8: {  	v23 =	vbroadcast v58, $0x4;
	v24 =	vmul.f32 v24, v29;
	v25 =	vadd.f32 v25, v44;
	v44 =	vld [tilespmem:$0x1F590]  }
0x4e9: {  	v20 =	vadd.f32 v20, v52;
	v56 =	vbroadcast v21, $0xE;
	v29 =	vbroadcast v60, $0x4  }
0x4ea: {  	v52 =	vld [tilespmem:$0x1F5A0];
	v24 =	vadd.f32 v27, v24;
	v27 =	vmul.f32 v28, v30;
	v28 =	vmul.f32 v28, v9  }
0x4eb: {  	[tilespmem:$0x1F300] =	vst v0;
	v19 =	vadd.f32 v19, v26;
	v15 =	vmul.f32 v15, v30;
	v0 =	vbroadcast v21, $0xD  }
0x4ec: {  	v36 =	vld [tilespmem:$0x1F460];
	v17 =	vadd.f32 v17, v27;
	v27 =	vbroadcast v58, $0x5;
	v35 =	vmul.f32 v29, v30  }
0x4ed: {  	v18 =	vadd.f32 v18, v28;
	v15 =	vadd.f32 v20, v15;
	v26 =	vmul.f32 v0, v44  }
0x4ee: {  	[tilespmem:$0x1F310] =	vst v0;
	v0 =	vbroadcast v21, $0xF;
	v21 =	vadd.f32 v22, v35;
	v22 =	vmul.f32 v29, v9  }
0x4ef: {  	v29 =	vbroadcast v60, $0x5;
	v25 =	vadd.f32 v25, v26;
	v26 =	vmul.f32 v56, v52  }
0x4f0: {  	v16 =	vadd.f32 v16, v22;
	v22 =	vmul.f32 v23, v30;
	v23 =	vmul.f32 v23, v9  }
0x4f1: {  	v35 =	vmul.f32 v29, v36;
	v25 =	vadd.f32 v25, v26;
	v26 =	vmul.f32 v0, v14  }
0x4f2: {  	[tilespmem:$0x1F320] =	vst v0;
	v19 =	vadd.f32 v19, v22;
	v22 =	vmul.f32 v29, v37;
	v0 =	vld [tilespmem:$0x1F470];
	v23 =	vadd.f32 v24, v23  }
0x4f3: {  	v14 =	vmul.f32 v11, v36;
	v25 =	vadd.f32 v25, v26;
	v26 =	vbroadcast v57, $0x5  }
0x4f4: {  	v20 =	vadd.f32 v21, v35;
	v16 =	vadd.f32 v16, v22;
	v22 =	vmul.f32 v27, v36  }
0x4f5: {  	s18 =	sadd.s32 $0x4000, s18;
	v14 =	vadd.f32 v15, v14;
	v21 =	vmul.f32 v26, v36;
	v24 =	vmul.f32 v26, v37  }
0x4f6: {  	[tilespmem:s18+$0x1010] =	vst v25;
	v25 =	vmul.f32 v27, v37;
	v26 =	vbroadcast v60, $0x6;
	v19 =	vadd.f32 v19, v22  }
0x4f7: {  	v9 =	vld [tilespmem:$0x1F480];
	v13 =	vmul.f32 v13, v0;
	v17 =	vadd.f32 v17, v21;
	v21 =	vbroadcast v57, $0x6  }
0x4f8: {  	v18 =	vadd.f32 v18, v24;
	v24 =	vbroadcast v58, $0x6;
	v27 =	vmul.f32 v26, v0  }
0x4f9: {  	v22 =	vadd.f32 v23, v25;
	v23 =	vmul.f32 v26, v40;
	v25 =	vmul.f32 v21, v0  }
0x4fa: {  	v15 =	vadd.f32 v20, v27;
	v20 =	vmul.f32 v21, v40;
	v21 =	vmul.f32 v24, v0  }
0x4fb: {  	v16 =	vadd.f32 v16, v23;
	v23 =	vmul.f32 v24, v40;
	v24 =	vbroadcast v60, $0x7  }
0x4fc: {  	v12 =	vmul.f32 v12, v9;
	v13 =	vadd.f32 v14, v13;
	v17 =	vadd.f32 v17, v25  }
0x4fd: {  	v25 =	vbroadcast v57, $0x7;
	v19 =	vadd.f32 v19, v21;
	v21 =	vmul.f32 v24, v9  }
0x4fe: {  	v18 =	vadd.f32 v18, v20;
	v20 =	vbroadcast v58, $0x7;
	v14 =	vmul.f32 v24, v7  }
0x4ff: {  	[tilespmem:$0x1F2F0] =	vst v2;
	v2 =	vld [tilespmem:$0x1F490];
	v22 =	vadd.f32 v22, v23;
	v23 =	vmul.f32 v25, v9;
	v15 =	vadd.f32 v15, v21  }
0x500: {  	v21 =	vmul.f32 v25, v7;
	v24 =	vmul.f32 v20, v9;
	v14 =	vadd.f32 v16, v14  }
0x501: {  	v16 =	vmul.f32 v20, v7;
	v20 =	vbroadcast v60, $0x8;
	v17 =	vadd.f32 v17, v23  }
0x502: {  	v25 =	vmovc v39;
	v23 =	vbroadcast v57, $0x8;
	v18 =	vadd.f32 v18, v21;
	v21 =	vbroadcast v58, $0x8  }
0x503: {  	v12 =	vadd.f32 v13, v12;
	v13 =	vmul.f32 v20, v33;
	v0 =	vmul.f32 v20, v25  }
0x504: {  	v19 =	vadd.f32 v19, v24;
	v11 =	vmul.f32 v10, v25;
	v10 =	vmul.f32 v43, v2  }
0x505: {  	v16 =	vadd.f32 v22, v16;
	v20 =	vmul.f32 v23, v25;
	v22 =	vmul.f32 v23, v33  }
0x506: {  	v23 =	vmul.f32 v21, v25;
	v13 =	vadd.f32 v14, v13;
	v14 =	vmul.f32 v21, v33  }
0x507: {  	v21 =	vbroadcast v60, $0x9;
	v15 =	vadd.f32 v15, v0;
	v11 =	vadd.f32 v12, v11  }
0x508: {  	v26 =	vld [tilespmem:$0x1F6C0];
	v17 =	vadd.f32 v17, v20;
	v20 =	vbroadcast v57, $0x9;
	v18 =	vadd.f32 v18, v22  }
0x509: {  	v28 =	vld [tilespmem:$0x1F640];
	v19 =	vadd.f32 v19, v23;
	v22 =	vbroadcast v58, $0x9;
	v23 =	vmul.f32 v21, v2  }
0x50a: {  	v14 =	vadd.f32 v16, v14;
	v12 =	vmul.f32 v21, v50;
	v16 =	vmul.f32 v20, v2  }
0x50b: {  	v15 =	vadd.f32 v15, v23;
	v23 =	vld [tilespmem:$0x1F710];
	v20 =	vmul.f32 v20, v50;
	v21 =	vmul.f32 v22, v2  }
0x50c: {  	v12 =	vadd.f32 v13, v12;
	v13 =	vmul.f32 v22, v50;
	v22 =	vbroadcast v60, $0xA  }
0x50d: {  	v7 =	vmul.f32 v47, v26;
	v10 =	vadd.f32 v11, v10  }
0x50e: {  	v18 =	vadd.f32 v18, v20;
	v20 =	vbroadcast v58, $0xA;
	v11 =	vmul.f32 v22, v28  }
0x50f: {  	v35 =	vmovc v48;
	v48 =	vld [tilespmem:$0x1F4D0];
	v16 =	vadd.f32 v17, v16;
	v17 =	vbroadcast v57, $0xA;
	v19 =	vadd.f32 v19, v21  }
0x510: {  	v11 =	vadd.f32 v12, v11;
	v12 =	vmul.f32 v20, v28;
	v21 =	vmul.f32 v22, v23;
	v22 =	vld [tilespmem:$0x1F6D0]  }
0x511: {  	v13 =	vadd.f32 v14, v13;
	v14 =	vmul.f32 v17, v23;
	v17 =	vmul.f32 v17, v28  }
0x512: {  	v9 =	vmul.f32 v45, v23;
	v15 =	vadd.f32 v15, v21;
	v21 =	vmul.f32 v20, v23  }
0x513: {  	v20 =	vbroadcast v60, $0xB;
	v14 =	vadd.f32 v16, v14;
	v16 =	vbroadcast v57, $0xB  }
0x514: {  	v17 =	vadd.f32 v18, v17;
	v18 =	vadd.f32 v19, v21;
	v19 =	vbroadcast v58, $0xB  }
0x515: {  	v9 =	vadd.f32 v10, v9;
	v10 =	vmul.f32 v20, v48;
	v21 =	vmul.f32 v20, v22  }
0x516: {  	v12 =	vadd.f32 v13, v12;
	v13 =	vmul.f32 v16, v22;
	v16 =	vmul.f32 v16, v48  }
0x517: {  	v24 =	vmovc v8;
	v8 =	vmul.f32 v46, v22;
	v20 =	vmul.f32 v19, v22;
	v10 =	vadd.f32 v11, v10  }
0x518: {  	v0 =	vld [tilespmem:$0x1F2B0];
	v11 =	vmul.f32 v19, v48;
	v19 =	vbroadcast v60, $0xC;
	v15 =	vadd.f32 v15, v21  }
0x519: {  	v50 =	vld [tilespmem:$0x1F6A0];
	v13 =	vadd.f32 v14, v13;
	v14 =	vbroadcast v57, $0xC;
	v16 =	vadd.f32 v17, v16  }
0x51a: {  	v8 =	vadd.f32 v9, v8;
	v17 =	vadd.f32 v18, v20;
	v18 =	vbroadcast v58, $0xC  }
0x51b: {  	v30 =	vld [tilespmem:$0x1F6B0];
	v20 =	vmul.f32 v19, v26;
	v11 =	vadd.f32 v12, v11;
	v9 =	vmul.f32 v19, v5  }
0x51c: {  	v12 =	vmul.f32 v14, v26;
	v14 =	vmul.f32 v14, v5;
	v7 =	vadd.f32 v8, v7  }
0x51d: {  	v19 =	vmul.f32 v18, v26;
	v9 =	vadd.f32 v10, v9;
	v10 =	vmul.f32 v18, v5  }
0x51e: {  	v15 =	vadd.f32 v15, v20;
	v18 =	vbroadcast v60, $0xD;
	v5 =	vmul.f32 v0, v50  }
0x51f: {  	v33 =	vld [tilespmem:$0x1F690];
	v12 =	vadd.f32 v13, v12;
	v13 =	vbroadcast v57, $0xD;
	v14 =	vadd.f32 v16, v14  }
0x520: {  	v0 =	vld [tilespmem:$0x1F2C0];
	v16 =	vadd.f32 v17, v19;
	v17 =	vbroadcast v58, $0xD;
	v19 =	vmul.f32 v18, v30  }
0x521: {  	v10 =	vadd.f32 v11, v10;
	v8 =	vmul.f32 v18, v6;
	v11 =	vmul.f32 v13, v30  }
0x522: {  	v13 =	vmul.f32 v13, v6;
	v15 =	vadd.f32 v15, v19;
	v18 =	vmul.f32 v17, v30  }
0x523: {  	v8 =	vadd.f32 v9, v8;
	v9 =	vmul.f32 v17, v6;
	v6 =	vmul.f32 v49, v30  }
0x524: {  	v17 =	vbroadcast v60, $0xE;
	v11 =	vadd.f32 v12, v11;
	v12 =	vbroadcast v57, $0xE  }
0x525: {  	v39 =	vmovc v4;
	v13 =	vadd.f32 v14, v13;
	v4 =	vmul.f32 v0, v33;
	v14 =	vadd.f32 v16, v18  }
0x526: {  	v16 =	vbroadcast v58, $0xE;
	v18 =	vmul.f32 v17, v50;
	v9 =	vadd.f32 v10, v9  }
0x527: {  	v6 =	vadd.f32 v7, v6;
	v7 =	vmul.f32 v17, v53;
	v10 =	vmul.f32 v12, v50  }
0x528: {  	v12 =	vmul.f32 v12, v53;
	v15 =	vadd.f32 v15, v18;
	v17 =	vmul.f32 v16, v50  }
0x529: {  	v29 =	vld [tilespmem:$0x1F680];
	v7 =	vadd.f32 v8, v7;
	v8 =	vmul.f32 v16, v53;
	v16 =	vbroadcast v60, $0xF  }
0x52a: {  	v0 =	vld [tilespmem:$0x1F2D0];
	v5 =	vadd.f32 v6, v5;
	v10 =	vadd.f32 v11, v10;
	v11 =	vbroadcast v57, $0xF  }
0x52b: {  	v12 =	vadd.f32 v13, v12;
	v13 =	vadd.f32 v14, v17;
	v14 =	vbroadcast v58, $0xF  }
0x52c: {  	v17 =	vmul.f32 v16, v33;
	v8 =	vadd.f32 v9, v8;
	v6 =	vmul.f32 v16, v3  }
0x52d: {  	v4 =	vadd.f32 v5, v4;
	v9 =	vmul.f32 v11, v33;
	v11 =	vmul.f32 v11, v3  }
0x52e: {  	v16 =	vmul.f32 v14, v33;
	v6 =	vadd.f32 v7, v6;
	v7 =	vmul.f32 v14, v3  }
0x52f: {  	v15 =	vadd.f32 v15, v17;
	v14 =	vbroadcast v54, $0x6;
	v3 =	vmul.f32 v0, v29  }
0x530: {  	v9 =	vadd.f32 v10, v9;
	v10 =	vbroadcast v55, $0x6;
	v11 =	vadd.f32 v12, v11  }
0x531: {  	v12 =	vadd.f32 v13, v16;
	v13 =	vbroadcast v51, $0x6;
	v16 =	vmul.f32 v14, v29  }
0x532: {  	v7 =	vadd.f32 v8, v7;
	v5 =	vmul.f32 v14, v31;
	v8 =	vmul.f32 v10, v29  }
0x533: {  	v10 =	vmul.f32 v10, v31;
	v14 =	vadd.f32 v15, v16;
	v15 =	vmul.f32 v13, v29  }
0x534: {  	v16 =	vld [tilespmem:$0x1F5C0];
	v5 =	vadd.f32 v6, v5;
	v6 =	vmul.f32 v13, v31;
	v13 =	vbroadcast v54, $0x7  }
0x535: {  	v0 =	vld [tilespmem:$0x1F2E0];
	v3 =	vadd.f32 v4, v3;
	v10 =	vadd.f32 v11, v10  }
0x536: {  	v11 =	vadd.f32 v12, v15;
	v12 =	vbroadcast v51, $0x7;
	v4 =	vmul.f32 v13, v32  }
0x537: {  	v8 =	vadd.f32 v9, v8;
	v9 =	vbroadcast v55, $0x7  }
0x538: {  	v17 =	vld [tilespmem:$0x1F5D0];
	v6 =	vadd.f32 v7, v6;
	v4 =	vadd.f32 v5, v4;
	v5 =	vmul.f32 v12, v32  }
0x539: {  	v15 =	vmul.f32 v13, v16;
	v7 =	vmul.f32 v9, v16  }
0x53a: {  	v9 =	vmul.f32 v9, v32;
	v2 =	vmul.f32 v0, v16;
	v5 =	vadd.f32 v6, v5  }
0x53b: {  	v0 =	vld [tilespmem:$0x1F2F0];
	v13 =	vadd.f32 v14, v15;
	v14 =	vmul.f32 v12, v16;
	v12 =	vbroadcast v54, $0x8  }
0x53c: {  	v7 =	vadd.f32 v8, v7;
	v8 =	vbroadcast v55, $0x8;
	v9 =	vadd.f32 v10, v9  }
0x53d: {  	v18 =	vld [tilespmem:$0x1F5E0];
	v10 =	vadd.f32 v11, v14;
	v11 =	vbroadcast v51, $0x8;
	v14 =	vmul.f32 v12, v17  }
0x53e: {  	v2 =	vadd.f32 v3, v2;
	v3 =	vmul.f32 v12, v1;
	v6 =	vmul.f32 v8, v17  }
0x53f: {  	v8 =	vmul.f32 v8, v1;
	v12 =	vadd.f32 v13, v14;
	v13 =	vmul.f32 v11, v17  }
0x540: {  	v3 =	vadd.f32 v4, v3;
	v4 =	vmul.f32 v11, v1;
	v1 =	vmul.f32 v0, v17  }
0x541: {  	v11 =	vbroadcast v54, $0x9;
	v6 =	vadd.f32 v7, v6;
	v7 =	vbroadcast v55, $0x9  }
0x542: {  	v8 =	vadd.f32 v9, v8;
	v0 =	vmul.f32 v62, v18;
	v9 =	vadd.f32 v10, v13  }
0x543: {  	v19 =	vld [tilespmem:$0x1F5F0];
	v10 =	vbroadcast v51, $0x9;
	v13 =	vmul.f32 v11, v18;
	v4 =	vadd.f32 v5, v4  }
0x544: {  	v1 =	vadd.f32 v2, v1;
	v2 =	vmul.f32 v11, v34;
	v5 =	vmul.f32 v7, v18  }
0x545: {  	v7 =	vmul.f32 v7, v34;
	v11 =	vadd.f32 v12, v13;
	v12 =	vmul.f32 v10, v18  }
0x546: {  	v2 =	vadd.f32 v3, v2;
	v3 =	vmul.f32 v10, v34;
	v10 =	vbroadcast v54, $0xA  }
0x547: {  	v5 =	vadd.f32 v6, v5;
	v6 =	vbroadcast v55, $0xA;
	v7 =	vadd.f32 v8, v7  }
0x548: {  	v0 =	vadd.f32 v1, v0;
	v8 =	vadd.f32 v9, v12;
	v12 =	vmul.f32 v10, v19  }
0x549: {  	v43 =	vld [tilespmem:$0x1F610];
	v9 =	vbroadcast v51, $0xA;
	v3 =	vadd.f32 v4, v3;
	v1 =	vmul.f32 v10, v38  }
0x54a: {  	v4 =	vmul.f32 v6, v19;
	v6 =	vmul.f32 v6, v38;
	v10 =	vadd.f32 v11, v12  }
0x54b: {  	v11 =	vmul.f32 v9, v19;
	v1 =	vadd.f32 v2, v1;
	v2 =	vmul.f32 v9, v38  }
0x54c: {  	v9 =	vmul.f32 v63, v19;
	v12 =	vbroadcast v54, $0xB;
	v4 =	vadd.f32 v5, v4  }
0x54d: {  	v5 =	vbroadcast v55, $0xB;
	v6 =	vadd.f32 v7, v6;
	v7 =	vadd.f32 v8, v11  }
0x54e: {  	v36 =	vld [tilespmem:$0x1F630];
	v8 =	vbroadcast v51, $0xB;
	v11 =	vmul.f32 v12, v43;
	v2 =	vadd.f32 v3, v2  }
0x54f: {  	v0 =	vadd.f32 v0, v9;
	v3 =	vmul.f32 v12, v41;
	v9 =	vmul.f32 v5, v43  }
0x550: {  	v5 =	vmul.f32 v5, v41;
	v12 =	vbroadcast v54, $0xC  }
0x551: {  	v10 =	vadd.f32 v10, v11;
	v11 =	vmul.f32 v8, v43;
	v1 =	vadd.f32 v1, v3  }
0x552: {  	v3 =	vmul.f32 v8, v41;
	v8 =	vmul.f32 v61, v43;
	v4 =	vadd.f32 v4, v9  }
0x553: {  	v5 =	vadd.f32 v6, v5;
	v6 =	vadd.f32 v7, v11;
	v11 =	vmul.f32 v12, v36  }
0x554: {  	v7 =	vbroadcast v51, $0xC;
	v2 =	vadd.f32 v2, v3;
	v3 =	vmul.f32 v12, v59  }
0x555: {  	v9 =	vbroadcast v55, $0xC;
	v12 =	vbroadcast v54, $0xD;
	v10 =	vadd.f32 v10, v11  }
0x556: {  	v11 =	vmul.f32 v7, v36;
	v1 =	vadd.f32 v1, v3;
	v3 =	vmul.f32 v7, v59;
	v7 =	vld [tilespmem:$0x1F300]  }
0x557: {  	v37 =	vld [tilespmem:$0x1F670];
	v0 =	vadd.f32 v0, v8  }
0x558: {  	v8 =	vmul.f32 v9, v36;
	v2 =	vadd.f32 v2, v3;
	v3 =	vmul.f32 v12, v44  }
0x559: {  	v9 =	vmul.f32 v9, v59  }
0x55a: {  	v13 =	vbroadcast v55, $0xE;
	v4 =	vadd.f32 v4, v8;
	v14 =	vadd.f32 v1, v3;
	v3 =	vld [tilespmem:$0x1F310]  }
0x55b: {  	v8 =	vbroadcast v55, $0xD;
	v5 =	vadd.f32 v5, v9;
	v7 =	vmul.f32 v7, v36  }
0x55c: {  	v9 =	vbroadcast v51, $0xD;
	v6 =	vadd.f32 v6, v11;
	v11 =	vmul.f32 v12, v37  }
0x55d: {  	v12 =	vbroadcast v54, $0xE;
	v0 =	vadd.f32 v0, v7;
	v7 =	vmul.f32 v8, v37  }
0x55e: {  	v10 =	vadd.f32 v10, v11;
	v11 =	vmul.f32 v9, v37;
	v8 =	vmul.f32 v8, v44  }
0x55f: {  	s19 =	sadd.s32 $0x4, s19;
	v1 =	vmul.f32 v9, v44;
	v9 =	vmul.f32 v3, v37;
	v15 =	vadd.f32 v4, v7  }
0x560: {  	p0 =	slt.u32 s19, $0x10;
	v5 =	vadd.f32 v5, v8;
	v4 =	vadd.f32 v6, v11;
	v8 =	vbroadcast v51, $0xE  }
.Ltmp4:
0x561: {  	v6 =	vmul.f32 v12, v35;
	v3 =	vadd.f32 v2, v1;
	v2 =	vmul.f32 v13, v35;
	(pc) =	sbr.rel @p0 .LBB2_11-.Ltmp4, $4  }
0x562: {  	v13 =	vmul.f32 v13, v52;
	v11 =	vbroadcast v54, $0xF  }
0x563: {  	v45 =	vld [tilespmem:$0x1F600];
	v1 =	vadd.f32 v0, v9;
	v0 =	vmul.f32 v12, v52;
	v12 =	vmul.f32 v8, v35  }
0x564: {  	v21 =	vld [tilespmem:$0x1F660];
	v7 =	vadd.f32 v10, v6;
	v9 =	vmul.f32 v8, v52;
	v8 =	vmul.f32 v56, v35  }
0x565: {  	s20 =	sadd.s32 $0x80, s20;
	v27 =	vmovc v42;
	v20 =	vld [tilespmem:$0x1F620];
	v2 =	vadd.f32 v15, v2;
	v10 =	vbroadcast v55, $0xF;
	v6 =	vadd.f32 v14, v0  }
0x566: {  	v15 =	vld [tilespmem:$0x1F5B0];
	_ =	sdelay $0x3  }
0x567: {  	v0 =	vmul.f32 v11, v45  }
0x568: {  	v55 =	vmul.f32 v11, v15  }
0x569: {  	v0 =	vadd.f32 v7, v0  }
0x56a: {  	v6 =	vadd.f32 v6, v55  }
0x56b: {  	[tilespmem:s18+$0xFFFFE000] =	vst v0  }
0x56c: {  	[tilespmem:s18+$0xFFFFE010] =	vst v6  }
0x56d: {  	v6 =	vld [tilespmem:$0x1F320]  }
0x56e: {  	v14 =	vbroadcast v51, $0xF;
	v56 =	vmul.f32 v10, v45  }
0x56f: {  	v5 =	vadd.f32 v5, v13;
	v57 =	vmul.f32 v10, v15  }
0x570: {  	v4 =	vadd.f32 v4, v12;
	v58 =	vmul.f32 v14, v45;
	v59 =	vadd.f32 v2, v56  }
0x571: {  	v60 =	vadd.f32 v3, v9;
	v61 =	vmul.f32 v14, v15;
	v5 =	vadd.f32 v5, v57  }
0x572: {  	v1 =	vadd.f32 v1, v8;
	v62 =	vadd.f32 v4, v58;
	[tilespmem:s18+$0xFFFFF000] =	vst v59;
	v6 =	vmul.f32 v6, v45  }
0x573: {  	v2 =	vadd.f32 v60, v61;
	[tilespmem:s18+$0xFFFFF010] =	vst v5  }
0x574: {  	s15 =	sadd.s32 $0x1, s15;
	[tilespmem:s18+$0x0] =	vst v62;
	v63 =	vadd.f32 v1, v6  }
0x575: {  	p0 =	sne.s32 s15, $0x20;
	[tilespmem:s18+$0x10] =	vst v2  }
.Ltmp5:
0x576: {  	[tilespmem:s18+$0x1000] =	vst v63;
	(pc) =	sbr.rel @p0 .LBB2_10-.Ltmp5, $4  }
0x577: {  	v31 =	vld [tilespmem:$0x1F650]  }
0x578: {  	v57 =	vld [tilespmem:$0x1F6F0]  }
0x579: {  	v32 =	vld [tilespmem:$0x1F6E0]  }
0x57a: {  	s16 =	sadd.s32 $0x80, s16;
	s17 =	sadd.s32 $0x300, s17;
	v51 =	vld [tilespmem:$0x1F700]  }
0x57b: {  	v0 =	vld [tilespmem:$0x60]  }
0x57c: {  	v1 =	vld [tilespmem:$0xE0]  }
0x57d: {  	v2 =	vld [tilespmem:$0x160]  }
0x57e: {  	v3 =	vld [tilespmem:$0x1E0]  }
0x57f: {  	v4 =	vld [tilespmem:$0x260]  }
0x580: {  	v5 =	vld [tilespmem:$0x2E0]  }
0x581: {  	v6 =	vld [tilespmem:$0x360]  }
0x582: {  	v7 =	vld [tilespmem:$0x3E0]  }
0x583: {  	v8 =	vld [tilespmem:$0x460]  }
0x584: {  	v9 =	vld [tilespmem:$0x4E0]  }
0x585: {  	v16 =	vld [tilespmem:$0x860];
	v57 =	vmul.f32 $3.846153990e-02, v3  }
0x586: {  	v34 =	vld [tilespmem:$0xF0];
	v61 =	vmul.f32 $3.846153990e-02, v4  }
0x587: {  	v38 =	vld [tilespmem:$0x1F0];
	v62 =	vmul.f32 $3.846153990e-02, v5;
	[tilespmem:$0x1EFD0] =	vst v57  }
0x588: {  	v56 =	vld [tilespmem:$0x2F0];
	v50 =	vmul.f32 $3.846153990e-02, v6;
	[tilespmem:$0x1EFE0] =	vst v61  }
0x589: {  	v54 =	vld [tilespmem:$0x870];
	v51 =	vmul.f32 $3.846153990e-02, v7;
	[tilespmem:$0x1EFF0] =	vst v62  }
0x58a: {  	v55 =	vld [tilespmem:$0x8F0];
	v52 =	vmul.f32 $3.846153990e-02, v9;
	[tilespmem:$0x1F000] =	vst v50  }
0x58b: {  	v17 =	vld [tilespmem:$0x8E0];
	v59 =	vmul.f32 $3.846153990e-02, v34;
	[tilespmem:$0x1F010] =	vst v51  }
0x58c: {  	v18 =	vld [tilespmem:$0x960];
	v60 =	vmul.f32 $3.846153990e-02, v38;
	[tilespmem:$0x1F020] =	vst v52  }
0x58d: {  	v19 =	vld [tilespmem:$0x9E0];
	v31 =	vmul.f32 $3.846153990e-02, v0;
	v0 =	vmul.f32 $3.846153990e-02, v56;
	[tilespmem:$0x1F030] =	vst v59  }
0x58e: {  	v20 =	vld [tilespmem:$0xA60];
	v54 =	vmul.f32 $3.846153990e-02, v54;
	[tilespmem:$0x1F040] =	vst v60  }
0x58f: {  	v25 =	vld [tilespmem:$0xCE0];
	v55 =	vmul.f32 $3.846153990e-02, v55;
	[tilespmem:$0x1F050] =	vst v0  }
0x590: {  	v21 =	vld [tilespmem:$0xAE0];
	v29 =	vmul.f32 $3.846153990e-02, v16;
	v16 =	vmul.f32 $3.846153990e-02, v17;
	[tilespmem:$0x1F0B0] =	vst v54  }
0x591: {  	v22 =	vld [tilespmem:$0xB60];
	v17 =	vmul.f32 $3.846153990e-02, v18;
	[tilespmem:$0x1F0C0] =	vst v55  }
0x592: {  	v23 =	vld [tilespmem:$0xBE0];
	v18 =	vmul.f32 $3.846153990e-02, v19;
	[tilespmem:$0x1F150] =	vst v16  }
0x593: {  	v10 =	vld [tilespmem:$0x560];
	v19 =	vmul.f32 $3.846153990e-02, v20;
	[tilespmem:$0x1F160] =	vst v17  }
0x594: {  	v15 =	vld [tilespmem:$0x7E0];
	v45 =	vmul.f32 $3.846153990e-02, v25;
	[tilespmem:$0x1F170] =	vst v18  }
0x595: {  	v13 =	vld [tilespmem:$0x6E0];
	v43 =	vmul.f32 $3.846153990e-02, v21;
	[tilespmem:$0x1F180] =	vst v19  }
0x596: {  	v12 =	vld [tilespmem:$0x660];
	v36 =	vmul.f32 $3.846153990e-02, v22;
	[tilespmem:$0x1F190] =	vst v45  }
0x597: {  	v11 =	vld [tilespmem:$0x5E0];
	v37 =	vmul.f32 $3.846153990e-02, v23;
	[tilespmem:$0x1F1A0] =	vst v43  }
0x598: {  	v14 =	vld [tilespmem:$0x760];
	[tilespmem:$0x1F1C0] =	vst v36  }
0x599: {  	v24 =	vld [tilespmem:$0xC60];
	v33 =	vmul.f32 $3.846153990e-02, v15;
	[tilespmem:$0x1F200] =	vst v37  }
0x59a: {  	v40 =	vld [tilespmem:$0x170];
	v30 =	vmul.f32 $3.846153990e-02, v13;
	[tilespmem:$0x1F210] =	vst v29  }
0x59b: {  	v28 =	vld [tilespmem:$0x270];
	v26 =	vmul.f32 $3.846153990e-02, v12;
	[tilespmem:$0x1F220] =	vst v33  }
0x59c: {  	v58 =	vld [tilespmem:$0x370];
	v41 =	vmul.f32 $3.846153990e-02, v10;
	[tilespmem:$0x1F240] =	vst v30  }
0x59d: {  	v63 =	vld [tilespmem:$0x3F0];
	v32 =	vmul.f32 $3.846153990e-02, v1;
	[tilespmem:$0x1F250] =	vst v26  }
0x59e: {  	v53 =	vld [tilespmem:$0x4F0];
	v11 =	vmul.f32 $3.846153990e-02, v11;
	v20 =	vmov v31;
	[tilespmem:$0x1F2A0] =	vst v41  }
0x59f: {  	v6 =	vld [tilespmem:$0x5F0];
	v21 =	vmov v32;
	[tilespmem:$0x1F1B0] =	vst v20  }
0x5a0: {  	v7 =	vld [tilespmem:$0x670];
	v22 =	vmov v11;
	v31 =	vmul.f32 $3.846153990e-02, v28;
	[tilespmem:$0x1F1F0] =	vst v21  }
0x5a1: {  	v39 =	vmul.f32 $3.846153990e-02, v8;
	v8 =	vld [tilespmem:$0x6F0];
	v50 =	vmul.f32 $3.846153990e-02, v14;
	[tilespmem:$0x1F260] =	vst v22  }
0x5a2: {  	v42 =	vmul.f32 $3.846153990e-02, v2;
	v9 =	vld [tilespmem:$0x770];
	v57 =	vmul.f32 $3.846153990e-02, v63;
	[tilespmem:$0x1F1E0] =	vst v31  }
0x5a3: {  	v10 =	vld [tilespmem:$0x7F0];
	v51 =	vmul.f32 $3.846153990e-02, v53;
	[tilespmem:$0x1F230] =	vst v50  }
0x5a4: {  	v35 =	vmul.f32 $3.846153990e-02, v24;
	v13 =	vld [tilespmem:$0x970];
	v24 =	vmov v42;
	[tilespmem:$0x1F280] =	vst v57;
	v42 =	vmul.f32 $3.846153990e-02, v6  }
0x5a5: {  	v38 =	vld [tilespmem:$0xB70];
	[tilespmem:$0x1F290] =	vst v51;
	v46 =	vmul.f32 $3.846153990e-02, v7  }
0x5a6: {  	v5 =	vld [tilespmem:$0x570];
	v47 =	vmul.f32 $3.846153990e-02, v8;
	[tilespmem:$0x1F060] =	vst v42  }
0x5a7: {  	v3 =	vld [tilespmem:$0x470];
	v49 =	vmul.f32 $3.846153990e-02, v9;
	[tilespmem:$0x1F070] =	vst v46  }
0x5a8: {  	v61 =	vld [tilespmem:$0x9F0];
	v52 =	vmul.f32 $3.846153990e-02, v10;
	[tilespmem:$0x1F080] =	vst v47  }
0x5a9: {  	v62 =	vld [tilespmem:$0xA70];
	v56 =	vmul.f32 $3.846153990e-02, v13;
	[tilespmem:$0x1F090] =	vst v49  }
0x5aa: {  	v63 =	vld [tilespmem:$0xAF0];
	v60 =	vmul.f32 $3.846153990e-02, v38;
	[tilespmem:$0x1F0A0] =	vst v52  }
0x5ab: {  	v44 =	vld [tilespmem:$0xBF0];
	v28 =	vmul.f32 $3.846153990e-02, v5;
	[tilespmem:$0x1F0D0] =	vst v56  }
0x5ac: {  	v48 =	vld [tilespmem:$0xC70];
	v25 =	vmov v39;
	v39 =	vmul.f32 $3.846153990e-02, v40;
	v32 =	vmul.f32 $3.846153990e-02, v3;
	[tilespmem:$0x1F110] =	vst v60  }
0x5ad: {  	v40 =	vmul.f32 $3.846153990e-02, v58;
	v53 =	vld [tilespmem:$0xCF0];
	v58 =	vmul.f32 $3.846153990e-02, v61;
	[tilespmem:$0x1F1D0] =	vst v28  }
0x5ae: {  	v0 =	vmul.f32 $3.846153990e-02, v62;
	[tilespmem:$0x1F270] =	vst v32  }
0x5af: {  	v27 =	vld [tilespmem:$0x70];
	v59 =	vmul.f32 $3.846153990e-02, v63;
	[tilespmem:$0x1F0E0] =	vst v58  }
0x5b0: {  	v61 =	vmul.f32 $3.846153990e-02, v44;
	[tilespmem:$0x1F0F0] =	vst v0  }
0x5b1: {  	v62 =	vmul.f32 $3.846153990e-02, v48;
	[tilespmem:$0x1F100] =	vst v59  }
0x5b2: {  	v63 =	vmul.f32 $3.846153990e-02, v53;
	[tilespmem:$0x1F120] =	vst v61  }
0x5b3: {  	[tilespmem:$0x1F130] =	vst v62  }
0x5b4: {  	s15 =	simm.s32 $0x0;
	s16 =	simm.s32 $0x8D60;
	s17 =	simm.s32 $0xD40;
	v27 =	vmul.f32 $3.846153990e-02, v27;
	v23 =	vmov v41;
	[tilespmem:$0x1F140] =	vst v63  }
.LBB2_14:
0x5b5: {  	v0 =	vld [tilespmem:s17+$0x20];
	_ =	sdelay $0x1  }
0x5b6: {  	v5 =	vld [tilespmem:$0x1F030];
	_ =	sdelay $0x2  }
0x5b7: {  	v1 =	vbroadcast v0, $0x0;
	v3 =	vbroadcast v0, $0x1  }
0x5b8: {  	v42 =	vld [tilespmem:$0x1F040];
	v15 =	vbroadcast v0, $0x2  }
0x5b9: {  	v4 =	vmul.f32 v1, v27;
	v6 =	vmul.f32 v3, v5;
	_ =	sdelay $0x1  }
0x5ba: {  	v53 =	vld [tilespmem:s17+$0xFFFFFFE0];
	v48 =	vbroadcast v0, $0x3;
	v4 =	vadd.f32 v6, v4;
	v6 =	vmul.f32 v15, v39  }
0x5bb: {  	v49 =	vld [tilespmem:$0x1F050]  }
0x5bc: {  	v54 =	vld [tilespmem:s17+$0xFFFFFFC0];
	v58 =	vbroadcast v0, $0x4;
	v4 =	vadd.f32 v4, v6;
	v6 =	vmul.f32 v48, v42;
	_ =	sdelay $0x1  }
0x5bd: {  	v60 =	vbroadcast v0, $0x5;
	v4 =	vadd.f32 v4, v6;
	v6 =	vmul.f32 v58, v31;
	_ =	sdelay $0x1  }
0x5be: {  	v14 =	vld [tilespmem:s17+$0x0];
	v52 =	vbroadcast v0, $0x6;
	v4 =	vadd.f32 v4, v6;
	v6 =	vmul.f32 v60, v49  }
0x5bf: {  	v7 =	vbroadcast v53, $0x0;
	v8 =	vbroadcast v54, $0x0  }
0x5c0: {  	v2 =	vbroadcast v0, $0x7;
	v4 =	vadd.f32 v4, v6;
	v6 =	vmul.f32 v52, v40  }
0x5c1: {  	v9 =	vbroadcast v54, $0x1;
	v10 =	vbroadcast v53, $0x1  }
0x5c2: {  	[tilespmem:$0x1EEC0] =	vst v2;
	v4 =	vadd.f32 v4, v6;
	v6 =	vmul.f32 v2, v57;
	v2 =	vbroadcast v0, $0x8  }
0x5c3: {  	v11 =	vbroadcast v14, $0x0;
	v55 =	vbroadcast v14, $0x1  }
0x5c4: {  	[tilespmem:$0x1EED0] =	vst v2;
	v4 =	vadd.f32 v4, v6;
	v6 =	vmul.f32 v2, v32;
	v2 =	vbroadcast v0, $0x9  }
0x5c5: {  	v12 =	vmul.f32 v8, v20;
	v8 =	vmul.f32 v8, v27  }
0x5c6: {  	v13 =	vmul.f32 v9, v21;
	[tilespmem:$0x1EEE0] =	vst v2;
	v4 =	vadd.f32 v4, v6;
	v6 =	vmul.f32 v2, v51;
	v2 =	vld [tilespmem:$0x1F1D0]  }
0x5c7: {  	v9 =	vmul.f32 v9, v5;
	v56 =	vmul.f32 v7, v20  }
0x5c8: {  	v7 =	vmul.f32 v7, v27;
	v34 =	vmul.f32 v11, v27;
	v62 =	vadd.f32 v13, v12  }
0x5c9: {  	v61 =	vld [tilespmem:$0x1F060];
	v12 =	vmul.f32 v10, v21;
	v13 =	vadd.f32 v9, v8;
	v8 =	vbroadcast v0, $0xA  }
0x5ca: {  	v9 =	vmul.f32 v10, v5;
	v10 =	vmul.f32 v11, v20  }
0x5cb: {  	v44 =	vld [tilespmem:$0x1F070];
	v11 =	vmul.f32 v55, v21;
	v4 =	vadd.f32 v4, v6;
	v6 =	vmul.f32 v8, v2  }
0x5cc: {  	[tilespmem:$0x1EEF0] =	vst v8;
	v2 =	vbroadcast v0, $0xB;
	v8 =	vadd.f32 v9, v7;
	v9 =	vmul.f32 v55, v5  }
0x5cd: {  	v46 =	vld [tilespmem:$0x1F080];
	v5 =	vmul.f32 v3, v21;
	v3 =	vbroadcast v0, $0xD  }
0x5ce: {  	[tilespmem:$0x1EF00] =	vst v2;
	v4 =	vadd.f32 v4, v6;
	v6 =	vmul.f32 v2, v61;
	v2 =	vbroadcast v0, $0xC  }
0x5cf: {  	v28 =	vld [tilespmem:$0x1F090];
	v63 =	vadd.f32 v12, v56;
	[tilespmem:$0x1EF20] =	vst v3  }
0x5d0: {  	v47 =	vld [tilespmem:$0x1F0A0];
	v55 =	vadd.f32 v11, v10;
	[tilespmem:$0x1EF10] =	vst v2;
	v10 =	vadd.f32 v4, v6;
	v6 =	vmul.f32 v2, v44  }
0x5d1: {  	v7 =	vmul.f32 v1, v20;
	v1 =	vbroadcast v54, $0x2;
	v12 =	vadd.f32 v9, v34;
	v4 =	vld [tilespmem:s17+$0x2A]  }
0x5d2: {  	v3 =	vmul.f32 v3, v46;
	v9 =	vbroadcast v0, $0xE;
	v6 =	vadd.f32 v10, v6  }
0x5d3: {  	v56 =	vld [tilespmem:$0x1F0B0];
	v11 =	vadd.f32 v5, v7;
	v5 =	vmul.f32 v1, v24  }
0x5d4: {  	v0 =	vbroadcast v0, $0xF;
	v3 =	vadd.f32 v6, v3;
	v6 =	vmul.f32 v9, v28  }
0x5d5: {  	v1 =	vmul.f32 v1, v39;
	v10 =	vadd.f32 v62, v5;
	v62 =	vld [tilespmem:$0x1F0C0]  }
0x5d6: {  	[tilespmem:$0x1EF40] =	vst v0;
	v3 =	vadd.f32 v3, v6;
	v6 =	vmul.f32 v0, v47;
	v0 =	vbroadcast v4, $0x6  }
0x5d7: {  	v59 =	vld [tilespmem:$0x1F0D0];
	[tilespmem:$0x1EF30] =	vst v9;
	v9 =	vadd.f32 v13, v1  }
0x5d8: {  	v1 =	vbroadcast v4, $0x7;
	v3 =	vadd.f32 v3, v6;
	v6 =	vmul.f32 v0, v56;
	_ =	sdelay $0x1  }
0x5d9: {  	v34 =	vbroadcast v4, $0x8;
	v3 =	vadd.f32 v3, v6;
	v6 =	vmul.f32 v1, v62;
	_ =	sdelay $0x1  }
0x5da: {  	v38 =	vbroadcast v53, $0x2;
	[tilespmem:$0x1EF70] =	vst v34;
	v3 =	vadd.f32 v3, v6;
	v6 =	vmul.f32 v34, v59;
	v34 =	vld [tilespmem:$0x1F0E0]  }
0x5db: {  	v2 =	vbroadcast v14, $0x2  }
0x5dc: {  	v41 =	vmul.f32 v38, v24;
	v5 =	vmul.f32 v38, v39  }
0x5dd: {  	v7 =	vmul.f32 v2, v24;
	v38 =	vbroadcast v4, $0x9;
	_ =	sdelay $0x1  }
0x5de: {  	v55 =	vadd.f32 v55, v7;
	v3 =	vadd.f32 v3, v6;
	v7 =	vmul.f32 v38, v34;
	_ =	sdelay $0x1  }
0x5df: {  	v3 =	vadd.f32 v3, v7;
	v7 =	vld [tilespmem:$0x1F0F0]  }
0x5e0: {  	v63 =	vadd.f32 v63, v41;
	v41 =	vld [tilespmem:$0x1EFD0];
	_ =	sdelay $0x1  }
0x5e1: {  	v15 =	vmul.f32 v15, v24;
	[tilespmem:$0x1EF80] =	vst v38;
	v38 =	vbroadcast v4, $0xA  }
0x5e2: {  	[tilespmem:$0x1EF50] =	vst v0;
	v0 =	vbroadcast v54, $0x3  }
0x5e3: {  	v11 =	vadd.f32 v11, v15;
	v13 =	vmul.f32 v2, v39;
	v15 =	vmul.f32 v38, v7  }
0x5e4: {  	v8 =	vadd.f32 v8, v5;
	[tilespmem:$0x1EF60] =	vst v1;
	v1 =	vbroadcast v53, $0x3;
	v5 =	vmul.f32 v0, v41  }
0x5e5: {  	v2 =	vbroadcast v14, $0x3;
	v6 =	vmul.f32 v0, v42;
	v15 =	vadd.f32 v3, v15;
	v3 =	vld [tilespmem:$0x1F100]  }
0x5e6: {  	v5 =	vadd.f32 v10, v5;
	v10 =	vmul.f32 v1, v42  }
0x5e7: {  	v0 =	vbroadcast v4, $0xB;
	v6 =	vadd.f32 v9, v6;
	v9 =	vmul.f32 v2, v42;
	v42 =	vld [tilespmem:$0x1F110];
	_ =	sdelay $0x1  }
0x5e8: {  	[tilespmem:$0x1EFA0] =	vst v0  }
0x5e9: {  	[tilespmem:$0x1EF90] =	vst v38;
	v38 =	vbroadcast v4, $0xC;
	v0 =	vmul.f32 v0, v3  }
0x5ea: {  	v12 =	vadd.f32 v12, v13;
	v13 =	vmul.f32 v1, v41;
	v1 =	vmul.f32 v2, v41  }
0x5eb: {  	v2 =	vmul.f32 v48, v41;
	v41 =	vmul.f32 v38, v42;
	v15 =	vadd.f32 v15, v0;
	v0 =	vld [tilespmem:$0x1F120];
	_ =	sdelay $0x1  }
0x5ec: {  	v8 =	vadd.f32 v8, v10;
	v10 =	vadd.f32 v15, v41;
	v15 =	vld [tilespmem:$0x1F130]  }
0x5ed: {  	v48 =	vbroadcast v4, $0xD;
	_ =	sdelay $0x1  }
0x5ee: {  	[tilespmem:$0x1EFB0] =	vst v48;
	v41 =	vmul.f32 v48, v0;
	v48 =	vbroadcast v4, $0xE;
	_ =	sdelay $0x1  }
0x5ef: {  	v9 =	vadd.f32 v12, v9;
	v10 =	vadd.f32 v10, v41;
	v12 =	vmul.f32 v48, v15  }
0x5f0: {  	v41 =	vld [tilespmem:$0x1EFE0]  }
0x5f1: {  	v10 =	vadd.f32 v10, v12;
	v12 =	vld [tilespmem:$0x1F140];
	_ =	sdelay $0x1  }
0x5f2: {  	v13 =	vadd.f32 v63, v13;
	v63 =	vbroadcast v54, $0x4  }
0x5f3: {  	v1 =	vadd.f32 v55, v1;
	v55 =	vbroadcast v53, $0x4;
	[tilespmem:$0x1EFC0] =	vst v48;
	v48 =	vbroadcast v4, $0xF  }
0x5f4: {  	v11 =	vadd.f32 v11, v2;
	v2 =	vmul.f32 v63, v31;
	v4 =	vmul.f32 v63, v41  }
0x5f5: {  	v63 =	vbroadcast v14, $0x4;
	v12 =	vmul.f32 v48, v12  }
0x5f6: {  	v4 =	vadd.f32 v5, v4;
	v5 =	vadd.f32 v6, v2;
	v6 =	vmul.f32 v55, v41  }
0x5f7: {  	v55 =	vmul.f32 v55, v31;
	v2 =	vadd.f32 v10, v12;
	v12 =	vmul.f32 v63, v31;
	v31 =	vld [tilespmem:$0x1EFF0];
	_ =	sdelay $0x2  }
0x5f8: {  	v6 =	vadd.f32 v13, v6;
	v13 =	vbroadcast v54, $0x5  }
0x5f9: {  	v10 =	vmul.f32 v63, v41  }
0x5fa: {  	v63 =	vbroadcast v14, $0x5;
	v9 =	vadd.f32 v9, v12;
	v12 =	vmul.f32 v13, v31  }
0x5fb: {  	v1 =	vadd.f32 v1, v10;
	v10 =	vbroadcast v53, $0x5;
	v13 =	vmul.f32 v13, v49  }
0x5fc: {  	v60 =	vmul.f32 v60, v31;
	v4 =	vadd.f32 v4, v12  }
0x5fd: {  	v12 =	vmul.f32 v10, v31;
	v5 =	vadd.f32 v5, v13;
	v13 =	vmul.f32 v63, v31;
	v31 =	vld [tilespmem:$0x1F000];
	_ =	sdelay $0x1  }
0x5fe: {  	v8 =	vadd.f32 v8, v55;
	v10 =	vmul.f32 v10, v49  }
0x5ff: {  	v58 =	vmul.f32 v58, v41;
	v6 =	vadd.f32 v6, v12;
	v12 =	vbroadcast v54, $0x6  }
0x600: {  	v41 =	vbroadcast v14, $0x6;
	v8 =	vadd.f32 v8, v10;
	v10 =	vbroadcast v53, $0x6  }
0x601: {  	v1 =	vadd.f32 v1, v13;
	v13 =	vmul.f32 v12, v31;
	v12 =	vmul.f32 v12, v40  }
0x602: {  	[tilespmem:$0x1EEB0] =	vst v48;
	v55 =	vmul.f32 v63, v49;
	v48 =	vmul.f32 v10, v31  }
0x603: {  	v49 =	vmul.f32 v52, v31;
	v5 =	vadd.f32 v5, v12;
	v12 =	vmul.f32 v41, v31;
	v31 =	vld [tilespmem:$0x1F010];
	_ =	sdelay $0x1  }
0x604: {  	v10 =	vmul.f32 v10, v40  }
0x605: {  	v4 =	vadd.f32 v4, v13;
	v13 =	vbroadcast v54, $0x7  }
0x606: {  	v8 =	vadd.f32 v8, v10  }
0x607: {  	v10 =	vbroadcast v53, $0x7;
	v1 =	vadd.f32 v1, v12;
	v12 =	vmul.f32 v13, v31;
	_ =	sdelay $0x1  }
0x608: {  	v4 =	vadd.f32 v4, v12;
	v12 =	vmul.f32 v10, v31;
	v10 =	vmul.f32 v10, v57;
	_ =	sdelay $0x1  }
0x609: {  	v8 =	vadd.f32 v8, v10;
	v10 =	vld [tilespmem:$0x1EEC0];
	_ =	sdelay $0x1  }
0x60a: {  	v11 =	vadd.f32 v11, v58  }
0x60b: {  	v58 =	vbroadcast v14, $0x7;
	v9 =	vadd.f32 v9, v55;
	v13 =	vmul.f32 v13, v57  }
0x60c: {  	v55 =	vmul.f32 v41, v40;
	v11 =	vadd.f32 v11, v60;
	v6 =	vadd.f32 v6, v48  }
0x60d: {  	v5 =	vadd.f32 v5, v13;
	v13 =	vmul.f32 v58, v31;
	v10 =	vmul.f32 v10, v31;
	v31 =	vld [tilespmem:$0x1EED0]  }
0x60e: {  	v9 =	vadd.f32 v9, v55;
	v55 =	vmul.f32 v58, v57  }
0x60f: {  	v11 =	vadd.f32 v11, v49;
	v6 =	vadd.f32 v6, v12;
	v12 =	vbroadcast v54, $0x8  }
0x610: {  	v48 =	vbroadcast v54, $0x9;
	v1 =	vadd.f32 v1, v13;
	v13 =	vbroadcast v53, $0x8  }
0x611: {  	v9 =	vadd.f32 v9, v55;
	v60 =	vmul.f32 v12, v25;
	v12 =	vmul.f32 v12, v32  }
0x612: {  	v10 =	vadd.f32 v11, v10;
	v11 =	vbroadcast v14, $0x8;
	v41 =	vmul.f32 v31, v25;
	v31 =	vld [tilespmem:$0x1F020]  }
0x613: {  	v63 =	vmul.f32 v13, v25;
	v13 =	vmul.f32 v13, v32;
	v4 =	vadd.f32 v4, v60;
	v60 =	vld [tilespmem:$0x1EEE0]  }
0x614: {  	v5 =	vadd.f32 v5, v12;
	v12 =	vmul.f32 v11, v25;
	v11 =	vmul.f32 v11, v32  }
0x615: {  	v49 =	vbroadcast v14, $0x9;
	v8 =	vadd.f32 v8, v13;
	v13 =	vbroadcast v53, $0x9  }
0x616: {  	v6 =	vadd.f32 v6, v63;
	v9 =	vadd.f32 v9, v11;
	v11 =	vmul.f32 v48, v51  }
0x617: {  	v1 =	vadd.f32 v1, v12;
	v12 =	vmul.f32 v48, v31;
	v52 =	vmul.f32 v13, v31  }
0x618: {  	v5 =	vadd.f32 v5, v11;
	v11 =	vmul.f32 v49, v31;
	v63 =	vmul.f32 v60, v31;
	v31 =	vld [tilespmem:$0x1F1D0];
	_ =	sdelay $0x2  }
0x619: {  	v4 =	vadd.f32 v4, v12;
	v12 =	vmul.f32 v13, v51;
	v13 =	vbroadcast v54, $0xA;
	_ =	sdelay $0x1  }
0x61a: {  	v1 =	vadd.f32 v1, v11;
	v11 =	vmul.f32 v13, v23;
	v13 =	vmul.f32 v13, v31;
	v31 =	vld [tilespmem:$0x1F1D0];
	_ =	sdelay $0x2  }
0x61b: {  	v8 =	vadd.f32 v8, v12;
	v12 =	vbroadcast v53, $0xA;
	_ =	sdelay $0x1  }
0x61c: {  	v4 =	vadd.f32 v4, v11;
	v11 =	vmul.f32 v12, v23;
	v12 =	vmul.f32 v12, v31;
	_ =	sdelay $0x1  }
0x61d: {  	v8 =	vadd.f32 v8, v12;
	v12 =	vld [tilespmem:$0x1EEF0]  }
0x61e: {  	v10 =	vadd.f32 v10, v41;
	v41 =	vbroadcast v14, $0xA  }
0x61f: {  	v55 =	vmul.f32 v49, v51;
	v6 =	vadd.f32 v6, v52  }
0x620: {  	v60 =	vbroadcast v54, $0xC;
	v5 =	vadd.f32 v5, v13;
	v13 =	vmul.f32 v41, v23;
	v31 =	vld [tilespmem:$0x1F1D0]  }
0x621: {  	v10 =	vadd.f32 v10, v63;
	v6 =	vadd.f32 v6, v11;
	v11 =	vbroadcast v54, $0xB  }
0x622: {  	v1 =	vadd.f32 v1, v13;
	v13 =	vbroadcast v53, $0xB;
	v12 =	vmul.f32 v12, v23  }
0x623: {  	v48 =	vmul.f32 v11, v22;
	v11 =	vmul.f32 v11, v61  }
0x624: {  	v49 =	vmul.f32 v13, v22;
	v10 =	vadd.f32 v10, v12;
	v12 =	vbroadcast v14, $0xB  }
0x625: {  	v9 =	vadd.f32 v9, v55;
	v13 =	vmul.f32 v13, v61;
	v55 =	vmul.f32 v41, v31  }
0x626: {  	v4 =	vadd.f32 v4, v48;
	v5 =	vadd.f32 v5, v11;
	v11 =	vmul.f32 v12, v22  }
0x627: {  	v8 =	vadd.f32 v8, v13;
	v9 =	vadd.f32 v9, v55;
	v12 =	vmul.f32 v12, v61  }
0x628: {  	v13 =	vbroadcast v53, $0xC;
	v1 =	vadd.f32 v1, v11;
	v11 =	vmul.f32 v60, v26  }
0x629: {  	v63 =	vbroadcast v14, $0xC;
	v31 =	vld [tilespmem:$0x1EF00];
	v9 =	vadd.f32 v9, v12;
	v12 =	vmul.f32 v60, v44  }
0x62a: {  	v32 =	vmul.f32 v13, v26;
	v4 =	vadd.f32 v4, v11;
	v11 =	vmul.f32 v13, v44  }
0x62b: {  	v5 =	vadd.f32 v5, v12;
	v12 =	vmul.f32 v63, v26;
	v13 =	vbroadcast v54, $0xD  }
0x62c: {  	v8 =	vadd.f32 v8, v11  }
0x62d: {  	v11 =	vbroadcast v53, $0xD;
	v1 =	vadd.f32 v1, v12;
	v12 =	vmul.f32 v13, v30  }
0x62e: {  	v51 =	vmul.f32 v31, v22  }
0x62f: {  	v31 =	vld [tilespmem:$0x1EF10];
	v4 =	vadd.f32 v4, v12;
	v12 =	vmul.f32 v11, v30;
	v11 =	vmul.f32 v11, v46;
	_ =	sdelay $0x1  }
0x630: {  	v8 =	vadd.f32 v8, v11;
	v11 =	vld [tilespmem:$0x1EF20];
	_ =	sdelay $0x2  }
0x631: {  	v10 =	vadd.f32 v10, v51;
	v41 =	vmul.f32 v31, v26  }
0x632: {  	v6 =	vadd.f32 v6, v49  }
0x633: {  	v13 =	vmul.f32 v13, v46;
	v10 =	vadd.f32 v10, v41;
	v11 =	vmul.f32 v11, v30  }
0x634: {  	v55 =	vmul.f32 v63, v44;
	v6 =	vadd.f32 v6, v32;
	v44 =	vbroadcast v14, $0xD  }
0x635: {  	v5 =	vadd.f32 v5, v13;
	v57 =	vadd.f32 v10, v11;
	v10 =	vbroadcast v14, $0xE  }
0x636: {  	v13 =	vmul.f32 v44, v30;
	v6 =	vadd.f32 v6, v12;
	v12 =	vbroadcast v54, $0xE  }
0x637: {  	v49 =	vmul.f32 v10, v50;
	v51 =	vmul.f32 v10, v28;
	v10 =	vld [tilespmem:$0x1EF30]  }
0x638: {  	v31 =	vbroadcast v53, $0xF;
	v1 =	vadd.f32 v1, v13;
	v13 =	vbroadcast v53, $0xE  }
0x639: {  	v9 =	vadd.f32 v9, v55;
	v55 =	vmul.f32 v44, v46;
	v48 =	vmul.f32 v12, v50  }
0x63a: {  	v11 =	vmul.f32 v12, v28;
	v12 =	vmul.f32 v13, v50  }
0x63b: {  	v54 =	vbroadcast v54, $0xF;
	v13 =	vmul.f32 v13, v28  }
0x63c: {  	v9 =	vadd.f32 v9, v55;
	v6 =	vadd.f32 v6, v12;
	v12 =	vmul.f32 v10, v50;
	v10 =	vld [tilespmem:s17+$0xFFFFFFEA]  }
0x63d: {  	v4 =	vadd.f32 v4, v48;
	v8 =	vadd.f32 v8, v13;
	v13 =	vmul.f32 v54, v33  }
0x63e: {  	v14 =	vbroadcast v14, $0xF;
	v5 =	vadd.f32 v5, v11;
	v11 =	vld [tilespmem:s17+$0xFFFFFFCA]  }
0x63f: {  	v9 =	vadd.f32 v9, v51;
	v51 =	vld [tilespmem:s17+$0xA];
	v4 =	vadd.f32 v4, v13;
	v13 =	vmul.f32 v31, v47  }
0x640: {  	v60 =	vmul.f32 v31, v33;
	v54 =	vmul.f32 v54, v47;
	v31 =	vld [tilespmem:$0x1EF40]  }
0x641: {  	v48 =	vmovc v61;
	v61 =	vmul.f32 v14, v33;
	v8 =	vadd.f32 v8, v13;
	v13 =	vbroadcast v10, $0x6  }
0x642: {  	v14 =	vmul.f32 v14, v47;
	v1 =	vadd.f32 v1, v49;
	v5 =	vadd.f32 v5, v54  }
0x643: {  	v6 =	vadd.f32 v6, v60;
	v41 =	vmul.f32 v13, v29;
	v13 =	vmul.f32 v13, v56  }
0x644: {  	v9 =	vadd.f32 v9, v14;
	v63 =	vbroadcast v11, $0x6;
	v46 =	vbroadcast v11, $0x7  }
0x645: {  	v32 =	vmul.f32 v31, v33;
	v14 =	vbroadcast v51, $0x6;
	v8 =	vadd.f32 v8, v13;
	v13 =	vld [tilespmem:$0x1EF50]  }
0x646: {  	v12 =	vadd.f32 v57, v12;
	v33 =	vmul.f32 v63, v29;
	v55 =	vmul.f32 v63, v56  }
0x647: {  	v1 =	vadd.f32 v1, v61;
	v44 =	vmul.f32 v14, v29;
	v14 =	vmul.f32 v14, v56  }
0x648: {  	v54 =	vmul.f32 v46, v62;
	v12 =	vadd.f32 v12, v32;
	v4 =	vadd.f32 v4, v33  }
0x649: {  	v47 =	vbroadcast v10, $0x7;
	v9 =	vadd.f32 v9, v14;
	v14 =	vmul.f32 v46, v16  }
0x64a: {  	v5 =	vadd.f32 v5, v55;
	v60 =	vbroadcast v10, $0x8;
	v13 =	vmul.f32 v13, v29  }
0x64b: {  	v4 =	vadd.f32 v4, v14;
	v14 =	vmul.f32 v47, v16;
	v6 =	vadd.f32 v6, v41  }
0x64c: {  	v31 =	vld [tilespmem:$0x1EF60];
	v32 =	vbroadcast v10, $0x9;
	v12 =	vadd.f32 v12, v13;
	v13 =	vbroadcast v51, $0x7  }
0x64d: {  	v46 =	vbroadcast v51, $0xA;
	v6 =	vadd.f32 v6, v14;
	v14 =	vbroadcast v11, $0x8  }
0x64e: {  	v1 =	vadd.f32 v1, v44;
	v49 =	vmul.f32 v13, v16;
	v13 =	vmul.f32 v13, v62  }
0x64f: {  	v5 =	vadd.f32 v5, v54;
	v55 =	vmul.f32 v47, v62;
	v61 =	vmul.f32 v14, v17  }
0x650: {  	v9 =	vadd.f32 v9, v13;
	v13 =	vmul.f32 v14, v59;
	v14 =	vbroadcast v51, $0x8  }
0x651: {  	v50 =	vmul.f32 v31, v16;
	v16 =	vbroadcast v11, $0x9  }
0x652: {  	v1 =	vadd.f32 v1, v49;
	v5 =	vadd.f32 v5, v13;
	v13 =	vmul.f32 v14, v17  }
0x653: {  	v63 =	vmul.f32 v60, v59;
	v4 =	vadd.f32 v4, v61;
	v14 =	vmul.f32 v14, v59  }
0x654: {  	v62 =	vmul.f32 v60, v17;
	v1 =	vadd.f32 v1, v13;
	v13 =	vmul.f32 v16, v18  }
0x655: {  	v8 =	vadd.f32 v8, v55;
	v9 =	vadd.f32 v9, v14;
	v14 =	vbroadcast v51, $0x9  }
0x656: {  	v6 =	vadd.f32 v6, v62;
	v4 =	vadd.f32 v4, v13;
	v13 =	vmul.f32 v32, v18  }
0x657: {  	v31 =	vld [tilespmem:$0x1EF70];
	v54 =	vmul.f32 v32, v34;
	v8 =	vadd.f32 v8, v63;
	v33 =	vmul.f32 v14, v18  }
0x658: {  	v14 =	vmul.f32 v14, v34;
	v6 =	vadd.f32 v6, v13;
	v13 =	vbroadcast v11, $0xA  }
0x659: {  	v44 =	vbroadcast v10, $0xA;
	v8 =	vadd.f32 v8, v54;
	v55 =	vmul.f32 v16, v34  }
0x65a: {  	v54 =	vmul.f32 v46, v7;
	v9 =	vadd.f32 v9, v14;
	v14 =	vmul.f32 v13, v19  }
0x65b: {  	v12 =	vadd.f32 v12, v50;
	v5 =	vadd.f32 v5, v55;
	v13 =	vmul.f32 v13, v7  }
0x65c: {  	v17 =	vmul.f32 v31, v17;
	v31 =	vld [tilespmem:$0x1EF80];
	v4 =	vadd.f32 v4, v14;
	v14 =	vmul.f32 v44, v19  }
0x65d: {  	v50 =	vbroadcast v51, $0xB;
	v1 =	vadd.f32 v1, v33;
	v5 =	vadd.f32 v5, v13  }
0x65e: {  	v13 =	vmul.f32 v46, v19;
	v6 =	vadd.f32 v6, v14;
	v14 =	vbroadcast v11, $0xB  }
0x65f: {  	v49 =	vbroadcast v10, $0xB;
	v55 =	vmul.f32 v44, v7;
	v7 =	vld [tilespmem:$0x1EF90]  }
0x660: {  	v12 =	vadd.f32 v12, v17;
	v1 =	vadd.f32 v1, v13;
	v13 =	vmul.f32 v14, v43  }
0x661: {  	v41 =	vmul.f32 v31, v18;
	v9 =	vadd.f32 v9, v54;
	v54 =	vmul.f32 v50, v3  }
0x662: {  	v14 =	vmul.f32 v14, v3;
	v4 =	vadd.f32 v4, v13;
	v13 =	vmul.f32 v49, v3;
	v3 =	vld [tilespmem:$0x1EFA0];
	_ =	sdelay $0x1  }
0x663: {  	v12 =	vadd.f32 v12, v41;
	v47 =	vmul.f32 v7, v19  }
0x664: {  	v58 =	vbroadcast v11, $0xC;
	v53 =	vmul.f32 v49, v43;
	v8 =	vadd.f32 v8, v55  }
0x665: {  	v12 =	vadd.f32 v12, v47;
	v5 =	vadd.f32 v5, v14;
	v14 =	vmul.f32 v50, v43  }
0x666: {  	v8 =	vadd.f32 v8, v13;
	v13 =	vbroadcast v10, $0xC;
	v7 =	vmul.f32 v3, v43  }
0x667: {  	v59 =	vbroadcast v51, $0xC;
	v1 =	vadd.f32 v1, v14;
	v14 =	vmul.f32 v58, v36  }
0x668: {  	v6 =	vadd.f32 v6, v53;
	v7 =	vadd.f32 v12, v7;
	v12 =	vmul.f32 v13, v36  }
0x669: {  	v55 =	vmul.f32 v58, v42;
	v4 =	vadd.f32 v4, v14;
	v14 =	vmul.f32 v59, v36  }
0x66a: {  	v13 =	vmul.f32 v13, v42;
	v6 =	vadd.f32 v6, v12;
	v12 =	vbroadcast v11, $0xD  }
0x66b: {  	v5 =	vadd.f32 v5, v55;
	v3 =	vmul.f32 v38, v36;
	v1 =	vadd.f32 v1, v14  }
0x66c: {  	v8 =	vadd.f32 v8, v13;
	v13 =	vbroadcast v10, $0xD;
	v14 =	vmul.f32 v12, v37  }
0x66d: {  	v7 =	vadd.f32 v7, v3;
	v3 =	vbroadcast v51, $0xD;
	v12 =	vmul.f32 v12, v0  }
0x66e: {  	v14 =	vadd.f32 v4, v14;
	v4 =	vmul.f32 v13, v37;
	v13 =	vmul.f32 v13, v0  }
0x66f: {  	v60 =	vadd.f32 v5, v12;
	v12 =	vmul.f32 v3, v37;
	v3 =	vmul.f32 v3, v0;
	v0 =	vld [tilespmem:$0x1EFB0];
	_ =	sdelay $0x3  }
0x670: {  	v9 =	vadd.f32 v9, v54;
	v54 =	vmul.f32 v59, v42  }
0x671: {  	v61 =	vadd.f32 v6, v4;
	v6 =	vbroadcast v11, $0xE;
	v0 =	vmul.f32 v0, v37  }
0x672: {  	v9 =	vadd.f32 v9, v54  }
0x673: {  	v4 =	vadd.f32 v1, v12;
	v1 =	vadd.f32 v7, v0;
	v0 =	vmul.f32 v6, v15  }
0x674: {  	v62 =	vbroadcast v51, $0xE  }
0x675: {  	v3 =	vadd.f32 v9, v3;
	v9 =	vmul.f32 v6, v35;
	v6 =	vadd.f32 v60, v0;
	v0 =	vld [tilespmem:$0x1EFC0]  }
0x676: {  	v5 =	vadd.f32 v8, v13;
	v8 =	vbroadcast v10, $0xE  }
0x677: {  	v12 =	vmul.f32 v62, v35  }
0x678: {  	v11 =	vbroadcast v11, $0xF;
	v63 =	vmul.f32 v8, v35  }
0x679: {  	v10 =	vbroadcast v10, $0xF;
	v13 =	vmul.f32 v8, v15;
	v7 =	vadd.f32 v14, v9  }
0x67a: {  	s19 =	simm.s32 $0x0;
	s20 =	sadd.s32 $0x80, s17;
	s18 =	smov.u32 s16;
	v28 =	vld [tilespmem:$0x1F1D0];
	v9 =	vmul.f32 v62, v15;
	[tilespmem:s16+$0x1010] =	vst v2;
	v2 =	vadd.f32 v61, v63;
	v8 =	vmul.f32 v0, v35  }
.LBB2_15:
0x67b: {  	v14 =	vld [tilespmem:$0x1F140];
	_ =	sdelay $0x1  }
0x67c: {  	v0 =	vld [tilespmem:s20+$0x20]  }
0x67d: {  	v5 =	vadd.f32 v5, v13;
	v4 =	vadd.f32 v4, v12  }
0x67e: {  	v57 =	vld [tilespmem:s20+$0xFFFFFFE0];
	v12 =	vbroadcast v51, $0xF;
	v3 =	vadd.f32 v3, v9;
	v13 =	vmul.f32 v11, v45  }
0x67f: {  	v30 =	vld [tilespmem:$0x1F030];
	v1 =	vadd.f32 v1, v8;
	v9 =	vmul.f32 v10, v45;
	v8 =	vmul.f32 v11, v14  }
0x680: {  	v58 =	vld [tilespmem:s20+$0x0];
	v10 =	vmul.f32 v10, v14;
	v11 =	vmul.f32 v12, v45  }
0x681: {  	v56 =	vbroadcast v0, $0x0;
	v6 =	vadd.f32 v6, v8;
	v8 =	vmul.f32 v12, v14;
	v12 =	vld [tilespmem:$0x1EEB0]  }
0x682: {  	v60 =	vld [tilespmem:s20+$0xFFFFFFC0];
	v59 =	vbroadcast v0, $0x1;
	v61 =	vbroadcast v0, $0x2  }
0x683: {  	v29 =	vld [tilespmem:$0x1F040];
	v52 =	vbroadcast v0, $0x3;
	v15 =	vbroadcast v0, $0x4;
	v2 =	vadd.f32 v2, v9  }
0x684: {  	v54 =	vld [tilespmem:s20+$0xFFFFFFCA];
	v5 =	vadd.f32 v5, v10;
	v9 =	vmul.f32 v59, v30;
	[tilespmem:s18+$0xFFFFE010] =	vst v6;
	v6 =	vmul.f32 v56, v27  }
0x685: {  	v62 =	vbroadcast v58, $0x1;
	v7 =	vadd.f32 v7, v13;
	v3 =	vadd.f32 v3, v8  }
0x686: {  	v55 =	vld [tilespmem:s20+$0xFFFFFFEA];
	[tilespmem:s18+$0xFFFFF010] =	vst v5;
	v5 =	vadd.f32 v9, v6;
	v6 =	vmul.f32 v61, v39;
	v12 =	vmul.f32 v12, v45  }
0x687: {  	v51 =	vld [tilespmem:s20+$0xA];
	v10 =	vbroadcast v60, $0x1;
	[tilespmem:s18+$0xFFFFF000] =	vst v2;
	v2 =	vadd.f32 v4, v11;
	v4 =	vbroadcast v60, $0x0  }
0x688: {  	[tilespmem:s18+$0x10] =	vst v3;
	v9 =	vld [tilespmem:$0x1F1E0];
	v3 =	vadd.f32 v5, v6;
	v5 =	vmul.f32 v52, v29;
	v1 =	vadd.f32 v1, v12  }
0x689: {  	v13 =	vbroadcast v0, $0x6;
	[tilespmem:s18+$0xFFFFE000] =	vst v7;
	v7 =	vbroadcast v57, $0x0  }
0x68a: {  	v37 =	vld [tilespmem:$0x1F050];
	v6 =	vmul.f32 v4, v20;
	[tilespmem:s18+$0x1000] =	vst v1;
	v1 =	vadd.f32 v3, v5;
	v5 =	vmul.f32 v10, v21  }
0x68b: {  	v11 =	vbroadcast v0, $0x5;
	v8 =	vbroadcast v58, $0x0  }
0x68c: {  	v4 =	vmul.f32 v4, v27;
	v63 =	vadd.f32 v5, v6;
	v5 =	vmul.f32 v10, v30  }
0x68d: {  	[tilespmem:s18+$0x0] =	vst v2;
	v2 =	vbroadcast v57, $0x1;
	v3 =	vmul.f32 v15, v9  }
0x68e: {  	v6 =	vmul.f32 v7, v20;
	v16 =	vadd.f32 v5, v4;
	v4 =	vmul.f32 v7, v27;
	v7 =	vld [tilespmem:$0x1F280]  }
0x68f: {  	v1 =	vadd.f32 v1, v3;
	v3 =	vmul.f32 v11, v37;
	v5 =	vmul.f32 v2, v21  }
0x690: {  	v33 =	vld [tilespmem:$0x1F270];
	v12 =	vbroadcast v0, $0x7;
	v2 =	vmul.f32 v2, v30  }
0x691: {  	v1 =	vadd.f32 v1, v3;
	v3 =	vmul.f32 v13, v40;
	v17 =	vadd.f32 v5, v6  }
0x692: {  	v50 =	vld [tilespmem:$0x1F290];
	v5 =	vmul.f32 v8, v20;
	v18 =	vadd.f32 v2, v4;
	v4 =	vmul.f32 v62, v21  }
0x693: {  	v10 =	vbroadcast v0, $0x8;
	v1 =	vadd.f32 v1, v3;
	v3 =	vmul.f32 v12, v7  }
0x694: {  	v2 =	vmul.f32 v8, v27;
	v19 =	vadd.f32 v4, v5;
	v4 =	vmul.f32 v62, v30  }
0x695: {  	v43 =	vbroadcast v0, $0x9;
	v1 =	vadd.f32 v1, v3;
	v3 =	vmul.f32 v10, v33  }
0x696: {  	v45 =	vbroadcast v0, $0xA;
	v5 =	vmul.f32 v56, v20;
	v62 =	vadd.f32 v4, v2  }
0x697: {  	v2 =	vmul.f32 v59, v21;
	v1 =	vadd.f32 v1, v3;
	v3 =	vmul.f32 v43, v50  }
0x698: {  	v46 =	vbroadcast v0, $0xB  }
0x699: {  	v20 =	vadd.f32 v2, v5;
	v5 =	vld [tilespmem:$0x1F070];
	v1 =	vadd.f32 v1, v3;
	v3 =	vmul.f32 v45, v28;
	_ =	sdelay $0x1  }
0x69a: {  	v42 =	vbroadcast v60, $0x2;
	v6 =	vld [tilespmem:$0x1F080];
	v1 =	vadd.f32 v1, v3;
	v3 =	vmul.f32 v46, v48  }
0x69b: {  	v47 =	vbroadcast v0, $0xC  }
0x69c: {  	v53 =	vld [tilespmem:$0x1F090];
	v1 =	vadd.f32 v1, v3;
	v3 =	vmul.f32 v42, v24  }
0x69d: {  	v49 =	vbroadcast v0, $0xD;
	v21 =	vld [tilespmem:s20+$0x2A];
	v2 =	vmul.f32 v47, v5  }
0x69e: {  	v4 =	vbroadcast v57, $0x2;
	v22 =	vadd.f32 v63, v3;
	v3 =	vld [tilespmem:$0x1F0A0]  }
0x69f: {  	v8 =	vbroadcast v0, $0xE;
	v1 =	vadd.f32 v1, v2;
	v2 =	vmul.f32 v49, v6  }
0x6a0: {  	v31 =	vld [tilespmem:$0x1F0B0];
	v32 =	vmul.f32 v4, v24;
	v23 =	vmul.f32 v4, v39  }
0x6a1: {  	v4 =	vbroadcast v0, $0xF;
	v1 =	vadd.f32 v1, v2;
	v2 =	vmul.f32 v8, v53;
	_ =	sdelay $0x1  }
0x6a2: {  	[tilespmem:$0x1EE50] =	vst v4;
	v1 =	vadd.f32 v1, v2;
	v2 =	vmul.f32 v4, v3;
	v4 =	vbroadcast v21, $0x6;
	_ =	sdelay $0x1  }
0x6a3: {  	v17 =	vadd.f32 v17, v32;
	v32 =	vld [tilespmem:$0x1F0C0];
	v1 =	vadd.f32 v1, v2;
	v34 =	vmul.f32 v4, v31;
	_ =	sdelay $0x1  }
0x6a4: {  	v44 =	vbroadcast v58, $0x2;
	v56 =	vmul.f32 v42, v39;
	v63 =	vadd.f32 v1, v34;
	v1 =	vld [tilespmem:$0x1F0D0]  }
0x6a5: {  	v2 =	vbroadcast v21, $0x7  }
0x6a6: {  	v16 =	vadd.f32 v16, v56;
	v56 =	vmul.f32 v44, v39;
	[tilespmem:$0x1EE60] =	vst v4;
	v34 =	vld [tilespmem:$0x1F0E0]  }
0x6a7: {  	[tilespmem:$0x1EE70] =	vst v2;
	v4 =	vmovc v39;
	v39 =	vmov v25;
	v25 =	vmul.f32 v2, v32;
	v2 =	vbroadcast v21, $0x8  }
0x6a8: {  	v30 =	vld [tilespmem:$0x1EFD0];
	v42 =	vmov v27;
	v27 =	vadd.f32 v62, v56  }
0x6a9: {  	v48 =	vmovc v35;
	v62 =	vbroadcast v21, $0x9;
	v25 =	vadd.f32 v63, v25;
	v35 =	vmul.f32 v2, v1;
	_ =	sdelay $0x1  }
0x6aa: {  	v38 =	vld [tilespmem:$0x1F0F0];
	v59 =	vbroadcast v60, $0x3;
	v41 =	vmul.f32 v62, v34;
	v25 =	vadd.f32 v25, v35  }
0x6ab: {  	v61 =	vmul.f32 v61, v24;
	v0 =	vmul.f32 v44, v24  }
0x6ac: {  	v26 =	vmul.f32 v59, v30;
	v59 =	vmul.f32 v59, v29;
	v25 =	vadd.f32 v25, v41;
	v41 =	vld [tilespmem:$0x1F100]  }
0x6ad: {  	v52 =	vmul.f32 v52, v30;
	v63 =	vbroadcast v21, $0xA  }
0x6ae: {  	v18 =	vadd.f32 v18, v23;
	v23 =	vbroadcast v57, $0x3;
	v16 =	vadd.f32 v16, v59;
	v59 =	vld [tilespmem:$0x1F110]  }
0x6af: {  	v20 =	vadd.f32 v20, v61;
	v61 =	vbroadcast v21, $0xB;
	v44 =	vmul.f32 v63, v38  }
0x6b0: {  	[tilespmem:$0x1EE40] =	vst v8;
	v19 =	vadd.f32 v19, v0;
	v0 =	vbroadcast v21, $0xC;
	v8 =	vmovc v24;
	v24 =	vbroadcast v58, $0x3  }
0x6b1: {  	v28 =	vmul.f32 v23, v30;
	v25 =	vadd.f32 v25, v44;
	v35 =	vmul.f32 v61, v41  }
0x6b2: {  	v23 =	vmul.f32 v23, v29;
	v22 =	vadd.f32 v22, v26;
	v26 =	vmul.f32 v24, v30;
	v30 =	vld [tilespmem:$0x1EFE0]  }
0x6b3: {  	v44 =	vmul.f32 v0, v59;
	v25 =	vadd.f32 v25, v35  }
0x6b4: {  	v17 =	vadd.f32 v17, v28;
	v28 =	vbroadcast v57, $0x4;
	v18 =	vadd.f32 v18, v23  }
0x6b5: {  	v23 =	vbroadcast v58, $0x4;
	v24 =	vmul.f32 v24, v29;
	v25 =	vadd.f32 v25, v44;
	v44 =	vld [tilespmem:$0x1F120]  }
0x6b6: {  	v20 =	vadd.f32 v20, v52;
	v56 =	vbroadcast v21, $0xE;
	v29 =	vbroadcast v60, $0x4  }
0x6b7: {  	v52 =	vld [tilespmem:$0x1F130];
	v24 =	vadd.f32 v27, v24;
	v27 =	vmul.f32 v28, v30;
	v28 =	vmul.f32 v28, v9  }
0x6b8: {  	[tilespmem:$0x1EE90] =	vst v0;
	v19 =	vadd.f32 v19, v26;
	v15 =	vmul.f32 v15, v30;
	v0 =	vbroadcast v21, $0xD  }
0x6b9: {  	v36 =	vld [tilespmem:$0x1EFF0];
	v17 =	vadd.f32 v17, v27;
	v27 =	vbroadcast v58, $0x5;
	v35 =	vmul.f32 v29, v30  }
0x6ba: {  	v18 =	vadd.f32 v18, v28;
	v15 =	vadd.f32 v20, v15;
	v26 =	vmul.f32 v0, v44  }
0x6bb: {  	[tilespmem:$0x1EEA0] =	vst v0;
	v0 =	vbroadcast v21, $0xF;
	v21 =	vadd.f32 v22, v35;
	v22 =	vmul.f32 v29, v9  }
0x6bc: {  	v29 =	vbroadcast v60, $0x5;
	v25 =	vadd.f32 v25, v26;
	v26 =	vmul.f32 v56, v52  }
0x6bd: {  	v16 =	vadd.f32 v16, v22;
	v22 =	vmul.f32 v23, v30;
	v23 =	vmul.f32 v23, v9  }
0x6be: {  	v35 =	vmul.f32 v29, v36;
	v25 =	vadd.f32 v25, v26;
	v26 =	vmul.f32 v0, v14  }
0x6bf: {  	[tilespmem:$0x1EEB0] =	vst v0;
	v19 =	vadd.f32 v19, v22;
	v22 =	vmul.f32 v29, v37;
	v0 =	vld [tilespmem:$0x1F000];
	v23 =	vadd.f32 v24, v23  }
0x6c0: {  	v14 =	vmul.f32 v11, v36;
	v25 =	vadd.f32 v25, v26;
	v26 =	vbroadcast v57, $0x5  }
0x6c1: {  	v20 =	vadd.f32 v21, v35;
	v16 =	vadd.f32 v16, v22;
	v22 =	vmul.f32 v27, v36  }
0x6c2: {  	s18 =	sadd.s32 $0x4000, s18;
	v14 =	vadd.f32 v15, v14;
	v21 =	vmul.f32 v26, v36;
	v24 =	vmul.f32 v26, v37  }
0x6c3: {  	[tilespmem:s18+$0x1010] =	vst v25;
	v25 =	vmul.f32 v27, v37;
	v26 =	vbroadcast v60, $0x6;
	v19 =	vadd.f32 v19, v22  }
0x6c4: {  	v9 =	vld [tilespmem:$0x1F010];
	v13 =	vmul.f32 v13, v0;
	v17 =	vadd.f32 v17, v21;
	v21 =	vbroadcast v57, $0x6  }
0x6c5: {  	v18 =	vadd.f32 v18, v24;
	v24 =	vbroadcast v58, $0x6;
	v27 =	vmul.f32 v26, v0  }
0x6c6: {  	v22 =	vadd.f32 v23, v25;
	v23 =	vmul.f32 v26, v40;
	v25 =	vmul.f32 v21, v0  }
0x6c7: {  	v15 =	vadd.f32 v20, v27;
	v20 =	vmul.f32 v21, v40;
	v21 =	vmul.f32 v24, v0  }
0x6c8: {  	v16 =	vadd.f32 v16, v23;
	v23 =	vmul.f32 v24, v40;
	v24 =	vbroadcast v60, $0x7  }
0x6c9: {  	v12 =	vmul.f32 v12, v9;
	v13 =	vadd.f32 v14, v13;
	v17 =	vadd.f32 v17, v25  }
0x6ca: {  	v25 =	vbroadcast v57, $0x7;
	v19 =	vadd.f32 v19, v21;
	v21 =	vmul.f32 v24, v9  }
0x6cb: {  	v18 =	vadd.f32 v18, v20;
	v20 =	vbroadcast v58, $0x7;
	v14 =	vmul.f32 v24, v7  }
0x6cc: {  	[tilespmem:$0x1EE80] =	vst v2;
	v2 =	vld [tilespmem:$0x1F020];
	v22 =	vadd.f32 v22, v23;
	v23 =	vmul.f32 v25, v9;
	v15 =	vadd.f32 v15, v21  }
0x6cd: {  	v21 =	vmul.f32 v25, v7;
	v24 =	vmul.f32 v20, v9;
	v14 =	vadd.f32 v16, v14  }
0x6ce: {  	v16 =	vmul.f32 v20, v7;
	v20 =	vbroadcast v60, $0x8;
	v17 =	vadd.f32 v17, v23  }
0x6cf: {  	v25 =	vmovc v39;
	v23 =	vbroadcast v57, $0x8;
	v18 =	vadd.f32 v18, v21;
	v21 =	vbroadcast v58, $0x8  }
0x6d0: {  	v12 =	vadd.f32 v13, v12;
	v13 =	vmul.f32 v20, v33;
	v0 =	vmul.f32 v20, v25  }
0x6d1: {  	v19 =	vadd.f32 v19, v24;
	v11 =	vmul.f32 v10, v25;
	v10 =	vmul.f32 v43, v2  }
0x6d2: {  	v16 =	vadd.f32 v22, v16;
	v20 =	vmul.f32 v23, v25;
	v22 =	vmul.f32 v23, v33  }
0x6d3: {  	v23 =	vmul.f32 v21, v25;
	v13 =	vadd.f32 v14, v13;
	v14 =	vmul.f32 v21, v33  }
0x6d4: {  	v21 =	vbroadcast v60, $0x9;
	v15 =	vadd.f32 v15, v0;
	v11 =	vadd.f32 v12, v11  }
0x6d5: {  	v26 =	vld [tilespmem:$0x1F250];
	v17 =	vadd.f32 v17, v20;
	v20 =	vbroadcast v57, $0x9;
	v18 =	vadd.f32 v18, v22  }
0x6d6: {  	v28 =	vld [tilespmem:$0x1F1D0];
	v19 =	vadd.f32 v19, v23;
	v22 =	vbroadcast v58, $0x9;
	v23 =	vmul.f32 v21, v2  }
0x6d7: {  	v14 =	vadd.f32 v16, v14;
	v12 =	vmul.f32 v21, v50;
	v16 =	vmul.f32 v20, v2  }
0x6d8: {  	v15 =	vadd.f32 v15, v23;
	v23 =	vld [tilespmem:$0x1F2A0];
	v20 =	vmul.f32 v20, v50;
	v21 =	vmul.f32 v22, v2  }
0x6d9: {  	v12 =	vadd.f32 v13, v12;
	v13 =	vmul.f32 v22, v50;
	v22 =	vbroadcast v60, $0xA  }
0x6da: {  	v7 =	vmul.f32 v47, v26;
	v10 =	vadd.f32 v11, v10  }
0x6db: {  	v18 =	vadd.f32 v18, v20;
	v20 =	vbroadcast v58, $0xA;
	v11 =	vmul.f32 v22, v28  }
0x6dc: {  	v35 =	vmovc v48;
	v48 =	vld [tilespmem:$0x1F060];
	v16 =	vadd.f32 v17, v16;
	v17 =	vbroadcast v57, $0xA;
	v19 =	vadd.f32 v19, v21  }
0x6dd: {  	v11 =	vadd.f32 v12, v11;
	v12 =	vmul.f32 v20, v28;
	v21 =	vmul.f32 v22, v23;
	v22 =	vld [tilespmem:$0x1F260]  }
0x6de: {  	v13 =	vadd.f32 v14, v13;
	v14 =	vmul.f32 v17, v23;
	v17 =	vmul.f32 v17, v28  }
0x6df: {  	v9 =	vmul.f32 v45, v23;
	v15 =	vadd.f32 v15, v21;
	v21 =	vmul.f32 v20, v23  }
0x6e0: {  	v20 =	vbroadcast v60, $0xB;
	v14 =	vadd.f32 v16, v14;
	v16 =	vbroadcast v57, $0xB  }
0x6e1: {  	v17 =	vadd.f32 v18, v17;
	v18 =	vadd.f32 v19, v21;
	v19 =	vbroadcast v58, $0xB  }
0x6e2: {  	v9 =	vadd.f32 v10, v9;
	v10 =	vmul.f32 v20, v48;
	v21 =	vmul.f32 v20, v22  }
0x6e3: {  	v12 =	vadd.f32 v13, v12;
	v13 =	vmul.f32 v16, v22;
	v16 =	vmul.f32 v16, v48  }
0x6e4: {  	v24 =	vmovc v8;
	v8 =	vmul.f32 v46, v22;
	v20 =	vmul.f32 v19, v22;
	v10 =	vadd.f32 v11, v10  }
0x6e5: {  	v0 =	vld [tilespmem:$0x1EE40];
	v11 =	vmul.f32 v19, v48;
	v19 =	vbroadcast v60, $0xC;
	v15 =	vadd.f32 v15, v21  }
0x6e6: {  	v50 =	vld [tilespmem:$0x1F230];
	v13 =	vadd.f32 v14, v13;
	v14 =	vbroadcast v57, $0xC;
	v16 =	vadd.f32 v17, v16  }
0x6e7: {  	v8 =	vadd.f32 v9, v8;
	v17 =	vadd.f32 v18, v20;
	v18 =	vbroadcast v58, $0xC  }
0x6e8: {  	v30 =	vld [tilespmem:$0x1F240];
	v20 =	vmul.f32 v19, v26;
	v11 =	vadd.f32 v12, v11;
	v9 =	vmul.f32 v19, v5  }
0x6e9: {  	v12 =	vmul.f32 v14, v26;
	v14 =	vmul.f32 v14, v5;
	v7 =	vadd.f32 v8, v7  }
0x6ea: {  	v19 =	vmul.f32 v18, v26;
	v9 =	vadd.f32 v10, v9;
	v10 =	vmul.f32 v18, v5  }
0x6eb: {  	v15 =	vadd.f32 v15, v20;
	v18 =	vbroadcast v60, $0xD;
	v5 =	vmul.f32 v0, v50  }
0x6ec: {  	v33 =	vld [tilespmem:$0x1F220];
	v12 =	vadd.f32 v13, v12;
	v13 =	vbroadcast v57, $0xD;
	v14 =	vadd.f32 v16, v14  }
0x6ed: {  	v0 =	vld [tilespmem:$0x1EE50];
	v16 =	vadd.f32 v17, v19;
	v17 =	vbroadcast v58, $0xD;
	v19 =	vmul.f32 v18, v30  }
0x6ee: {  	v10 =	vadd.f32 v11, v10;
	v8 =	vmul.f32 v18, v6;
	v11 =	vmul.f32 v13, v30  }
0x6ef: {  	v13 =	vmul.f32 v13, v6;
	v15 =	vadd.f32 v15, v19;
	v18 =	vmul.f32 v17, v30  }
0x6f0: {  	v8 =	vadd.f32 v9, v8;
	v9 =	vmul.f32 v17, v6;
	v6 =	vmul.f32 v49, v30  }
0x6f1: {  	v17 =	vbroadcast v60, $0xE;
	v11 =	vadd.f32 v12, v11;
	v12 =	vbroadcast v57, $0xE  }
0x6f2: {  	v39 =	vmovc v4;
	v13 =	vadd.f32 v14, v13;
	v4 =	vmul.f32 v0, v33;
	v14 =	vadd.f32 v16, v18  }
0x6f3: {  	v16 =	vbroadcast v58, $0xE;
	v18 =	vmul.f32 v17, v50;
	v9 =	vadd.f32 v10, v9  }
0x6f4: {  	v6 =	vadd.f32 v7, v6;
	v7 =	vmul.f32 v17, v53;
	v10 =	vmul.f32 v12, v50  }
0x6f5: {  	v12 =	vmul.f32 v12, v53;
	v15 =	vadd.f32 v15, v18;
	v17 =	vmul.f32 v16, v50  }
0x6f6: {  	v29 =	vld [tilespmem:$0x1F210];
	v7 =	vadd.f32 v8, v7;
	v8 =	vmul.f32 v16, v53;
	v16 =	vbroadcast v60, $0xF  }
0x6f7: {  	v0 =	vld [tilespmem:$0x1EE60];
	v5 =	vadd.f32 v6, v5;
	v10 =	vadd.f32 v11, v10;
	v11 =	vbroadcast v57, $0xF  }
0x6f8: {  	v12 =	vadd.f32 v13, v12;
	v13 =	vadd.f32 v14, v17;
	v14 =	vbroadcast v58, $0xF  }
0x6f9: {  	v17 =	vmul.f32 v16, v33;
	v8 =	vadd.f32 v9, v8;
	v6 =	vmul.f32 v16, v3  }
0x6fa: {  	v4 =	vadd.f32 v5, v4;
	v9 =	vmul.f32 v11, v33;
	v11 =	vmul.f32 v11, v3  }
0x6fb: {  	v16 =	vmul.f32 v14, v33;
	v6 =	vadd.f32 v7, v6;
	v7 =	vmul.f32 v14, v3  }
0x6fc: {  	v15 =	vadd.f32 v15, v17;
	v14 =	vbroadcast v54, $0x6;
	v3 =	vmul.f32 v0, v29  }
0x6fd: {  	v9 =	vadd.f32 v10, v9;
	v10 =	vbroadcast v55, $0x6;
	v11 =	vadd.f32 v12, v11  }
0x6fe: {  	v12 =	vadd.f32 v13, v16;
	v13 =	vbroadcast v51, $0x6;
	v16 =	vmul.f32 v14, v29  }
0x6ff: {  	v7 =	vadd.f32 v8, v7;
	v5 =	vmul.f32 v14, v31;
	v8 =	vmul.f32 v10, v29  }
0x700: {  	v10 =	vmul.f32 v10, v31;
	v14 =	vadd.f32 v15, v16;
	v15 =	vmul.f32 v13, v29  }
0x701: {  	v16 =	vld [tilespmem:$0x1F150];
	v5 =	vadd.f32 v6, v5;
	v6 =	vmul.f32 v13, v31;
	v13 =	vbroadcast v54, $0x7  }
0x702: {  	v0 =	vld [tilespmem:$0x1EE70];
	v3 =	vadd.f32 v4, v3;
	v10 =	vadd.f32 v11, v10  }
0x703: {  	v11 =	vadd.f32 v12, v15;
	v12 =	vbroadcast v51, $0x7;
	v4 =	vmul.f32 v13, v32  }
0x704: {  	v8 =	vadd.f32 v9, v8;
	v9 =	vbroadcast v55, $0x7  }
0x705: {  	v17 =	vld [tilespmem:$0x1F160];
	v6 =	vadd.f32 v7, v6;
	v4 =	vadd.f32 v5, v4;
	v5 =	vmul.f32 v12, v32  }
0x706: {  	v15 =	vmul.f32 v13, v16;
	v7 =	vmul.f32 v9, v16  }
0x707: {  	v9 =	vmul.f32 v9, v32;
	v2 =	vmul.f32 v0, v16;
	v5 =	vadd.f32 v6, v5  }
0x708: {  	v0 =	vld [tilespmem:$0x1EE80];
	v13 =	vadd.f32 v14, v15;
	v14 =	vmul.f32 v12, v16;
	v12 =	vbroadcast v54, $0x8  }
0x709: {  	v7 =	vadd.f32 v8, v7;
	v8 =	vbroadcast v55, $0x8;
	v9 =	vadd.f32 v10, v9  }
0x70a: {  	v18 =	vld [tilespmem:$0x1F170];
	v10 =	vadd.f32 v11, v14;
	v11 =	vbroadcast v51, $0x8;
	v14 =	vmul.f32 v12, v17  }
0x70b: {  	v2 =	vadd.f32 v3, v2;
	v3 =	vmul.f32 v12, v1;
	v6 =	vmul.f32 v8, v17  }
0x70c: {  	v8 =	vmul.f32 v8, v1;
	v12 =	vadd.f32 v13, v14;
	v13 =	vmul.f32 v11, v17  }
0x70d: {  	v3 =	vadd.f32 v4, v3;
	v4 =	vmul.f32 v11, v1;
	v1 =	vmul.f32 v0, v17  }
0x70e: {  	v11 =	vbroadcast v54, $0x9;
	v6 =	vadd.f32 v7, v6;
	v7 =	vbroadcast v55, $0x9  }
0x70f: {  	v8 =	vadd.f32 v9, v8;
	v0 =	vmul.f32 v62, v18;
	v9 =	vadd.f32 v10, v13  }
0x710: {  	v19 =	vld [tilespmem:$0x1F180];
	v10 =	vbroadcast v51, $0x9;
	v13 =	vmul.f32 v11, v18;
	v4 =	vadd.f32 v5, v4  }
0x711: {  	v1 =	vadd.f32 v2, v1;
	v2 =	vmul.f32 v11, v34;
	v5 =	vmul.f32 v7, v18  }
0x712: {  	v7 =	vmul.f32 v7, v34;
	v11 =	vadd.f32 v12, v13;
	v12 =	vmul.f32 v10, v18  }
0x713: {  	v2 =	vadd.f32 v3, v2;
	v3 =	vmul.f32 v10, v34;
	v10 =	vbroadcast v54, $0xA  }
0x714: {  	v5 =	vadd.f32 v6, v5;
	v6 =	vbroadcast v55, $0xA;
	v7 =	vadd.f32 v8, v7  }
0x715: {  	v0 =	vadd.f32 v1, v0;
	v8 =	vadd.f32 v9, v12;
	v12 =	vmul.f32 v10, v19  }
0x716: {  	v43 =	vld [tilespmem:$0x1F1A0];
	v9 =	vbroadcast v51, $0xA;
	v3 =	vadd.f32 v4, v3;
	v1 =	vmul.f32 v10, v38  }
0x717: {  	v4 =	vmul.f32 v6, v19;
	v6 =	vmul.f32 v6, v38;
	v10 =	vadd.f32 v11, v12  }
0x718: {  	v11 =	vmul.f32 v9, v19;
	v1 =	vadd.f32 v2, v1;
	v2 =	vmul.f32 v9, v38  }
0x719: {  	v9 =	vmul.f32 v63, v19;
	v12 =	vbroadcast v54, $0xB;
	v4 =	vadd.f32 v5, v4  }
0x71a: {  	v5 =	vbroadcast v55, $0xB;
	v6 =	vadd.f32 v7, v6;
	v7 =	vadd.f32 v8, v11  }
0x71b: {  	v36 =	vld [tilespmem:$0x1F1C0];
	v8 =	vbroadcast v51, $0xB;
	v11 =	vmul.f32 v12, v43;
	v2 =	vadd.f32 v3, v2  }
0x71c: {  	v0 =	vadd.f32 v0, v9;
	v3 =	vmul.f32 v12, v41;
	v9 =	vmul.f32 v5, v43  }
0x71d: {  	v5 =	vmul.f32 v5, v41;
	v12 =	vbroadcast v54, $0xC  }
0x71e: {  	v10 =	vadd.f32 v10, v11;
	v11 =	vmul.f32 v8, v43;
	v1 =	vadd.f32 v1, v3  }
0x71f: {  	v3 =	vmul.f32 v8, v41;
	v8 =	vmul.f32 v61, v43;
	v4 =	vadd.f32 v4, v9  }
0x720: {  	v5 =	vadd.f32 v6, v5;
	v6 =	vadd.f32 v7, v11;
	v11 =	vmul.f32 v12, v36  }
0x721: {  	v7 =	vbroadcast v51, $0xC;
	v2 =	vadd.f32 v2, v3;
	v3 =	vmul.f32 v12, v59  }
0x722: {  	v9 =	vbroadcast v55, $0xC;
	v12 =	vbroadcast v54, $0xD;
	v10 =	vadd.f32 v10, v11  }
0x723: {  	v11 =	vmul.f32 v7, v36;
	v1 =	vadd.f32 v1, v3;
	v3 =	vmul.f32 v7, v59;
	v7 =	vld [tilespmem:$0x1EE90]  }
0x724: {  	v37 =	vld [tilespmem:$0x1F200];
	v0 =	vadd.f32 v0, v8  }
0x725: {  	v8 =	vmul.f32 v9, v36;
	v2 =	vadd.f32 v2, v3;
	v3 =	vmul.f32 v12, v44  }
0x726: {  	v9 =	vmul.f32 v9, v59  }
0x727: {  	v13 =	vbroadcast v55, $0xE;
	v4 =	vadd.f32 v4, v8;
	v14 =	vadd.f32 v1, v3;
	v3 =	vld [tilespmem:$0x1EEA0]  }
0x728: {  	v8 =	vbroadcast v55, $0xD;
	v5 =	vadd.f32 v5, v9;
	v7 =	vmul.f32 v7, v36  }
0x729: {  	v9 =	vbroadcast v51, $0xD;
	v6 =	vadd.f32 v6, v11;
	v11 =	vmul.f32 v12, v37  }
0x72a: {  	v12 =	vbroadcast v54, $0xE;
	v0 =	vadd.f32 v0, v7;
	v7 =	vmul.f32 v8, v37  }
0x72b: {  	v10 =	vadd.f32 v10, v11;
	v11 =	vmul.f32 v9, v37;
	v8 =	vmul.f32 v8, v44  }
0x72c: {  	s19 =	sadd.s32 $0x4, s19;
	v1 =	vmul.f32 v9, v44;
	v9 =	vmul.f32 v3, v37;
	v15 =	vadd.f32 v4, v7  }
0x72d: {  	p0 =	slt.u32 s19, $0x10;
	v5 =	vadd.f32 v5, v8;
	v4 =	vadd.f32 v6, v11;
	v8 =	vbroadcast v51, $0xE  }
.Ltmp6:
0x72e: {  	v6 =	vmul.f32 v12, v35;
	v3 =	vadd.f32 v2, v1;
	v2 =	vmul.f32 v13, v35;
	(pc) =	sbr.rel @p0 .LBB2_15-.Ltmp6, $4  }
0x72f: {  	v13 =	vmul.f32 v13, v52;
	v11 =	vbroadcast v54, $0xF  }
0x730: {  	v45 =	vld [tilespmem:$0x1F190];
	v1 =	vadd.f32 v0, v9;
	v0 =	vmul.f32 v12, v52;
	v12 =	vmul.f32 v8, v35  }
0x731: {  	v21 =	vld [tilespmem:$0x1F1F0];
	v7 =	vadd.f32 v10, v6;
	v9 =	vmul.f32 v8, v52;
	v8 =	vmul.f32 v56, v35  }
0x732: {  	s20 =	sadd.s32 $0x80, s20;
	v27 =	vmovc v42;
	v20 =	vld [tilespmem:$0x1F1B0];
	v2 =	vadd.f32 v15, v2;
	v10 =	vbroadcast v55, $0xF;
	v6 =	vadd.f32 v14, v0  }
0x733: {  	v15 =	vld [tilespmem:$0x1F140];
	_ =	sdelay $0x3  }
0x734: {  	v0 =	vmul.f32 v11, v45  }
0x735: {  	v55 =	vmul.f32 v11, v15  }
0x736: {  	v0 =	vadd.f32 v7, v0  }
0x737: {  	v6 =	vadd.f32 v6, v55  }
0x738: {  	[tilespmem:s18+$0xFFFFE000] =	vst v0  }
0x739: {  	[tilespmem:s18+$0xFFFFE010] =	vst v6  }
0x73a: {  	v6 =	vld [tilespmem:$0x1EEB0]  }
0x73b: {  	v14 =	vbroadcast v51, $0xF;
	v56 =	vmul.f32 v10, v45  }
0x73c: {  	v5 =	vadd.f32 v5, v13;
	v57 =	vmul.f32 v10, v15  }
0x73d: {  	v4 =	vadd.f32 v4, v12;
	v58 =	vmul.f32 v14, v45;
	v59 =	vadd.f32 v2, v56  }
0x73e: {  	v60 =	vadd.f32 v3, v9;
	v61 =	vmul.f32 v14, v15;
	v5 =	vadd.f32 v5, v57  }
0x73f: {  	v1 =	vadd.f32 v1, v8;
	v62 =	vadd.f32 v4, v58;
	[tilespmem:s18+$0xFFFFF000] =	vst v59;
	v6 =	vmul.f32 v6, v45  }
0x740: {  	v2 =	vadd.f32 v60, v61;
	[tilespmem:s18+$0xFFFFF010] =	vst v5  }
0x741: {  	s15 =	sadd.s32 $0x1, s15;
	[tilespmem:s18+$0x0] =	vst v62;
	v63 =	vadd.f32 v1, v6  }
0x742: {  	p0 =	sne.s32 s15, $0x20;
	[tilespmem:s18+$0x10] =	vst v2  }
.Ltmp7:
0x743: {  	[tilespmem:s18+$0x1000] =	vst v63;
	(pc) =	sbr.rel @p0 .LBB2_14-.Ltmp7, $4  }
0x744: {  	v31 =	vld [tilespmem:$0x1F1E0]  }
0x745: {  	v57 =	vld [tilespmem:$0x1F280]  }
0x746: {  	v32 =	vld [tilespmem:$0x1F270]  }
0x747: {  	s16 =	sadd.s32 $0x80, s16;
	s17 =	sadd.s32 $0x300, s17;
	v51 =	vld [tilespmem:$0x1F290]  }
0x748: {  	s14 =	sadd.s32 $0x1, s14  }
0x749: {  	p0 =	sne.s32 s14, s6  }
.Ltmp8:
0x74a: {  	_ = 	snop;
	(pc) =	sbr.rel @p0 .LBB2_1-.Ltmp8, $4  }
0x74b: {  	[hbm4b:s5+s11] =	stream.strided.scatter [tilespmem:s13], [sflag:$0x1], $0x14000, s12, s11, $0x38;
	[tilespmem:$0x1AD00] =	vst v63  }
0x74c: {  	_ =	swait.ge [sflag:s7], $0x14000  }
0x74d: {  	[sflag:s7] =	ssyncset.done $0x0  }
0x74e: {  	[sflag:s7] =	ssyncadd.s32 $0xFFFEC000  }
0x74f: {  	_ =	sfence.sel $0x180000  }
0x750: {  	[bflag:$0x0] =	sbarrier.arrive $0xFFFF  }
0x751: {  	p0 =	sne.s32 s0, $0x0;
	_ =	strace $0x90000047  }
0x752: {  	s0 =	sadd.s32 @!p0 $0x100000, s1;
	[bflag:$0x2] =	sbarrier.arrive $0xFFFF  }
0x753: {  	[sflag:s0] =	ssyncadd.tile.s32 @!p0 $0x1;
	_ =	shalt  }
.Lfunc_end2:
_tile_overlayer_lowered:
.L_overlay_start_2:
0x754: {  	(tag) =	ssettag $0x2  }
0x755: {  	s0 =	rddreg [dreg:$0x0];
	s2 =	stileid.u32  }
0x756: {  	s1 =	rddreg [dreg:$0x1];
	p0 =	sne.s32 s2, $0x0  }
0x757: {  	s3 =	rddreg [dreg:$0x2];
	[bflag:$0x3] =	sbarrier.arrive $0xFFFF;
	s2 =	simm.s32 @!p0 $0x1C01  }
0x758: {  	[timem:s3], [sflag:s2] =	dma.local @!p0 [hbm:s0], s1  }
0x759: {  	s0 =	simm.s32 @!p0 $0x1  }
0x75a: {  	_ =	swait.ge @!p0 [sflag:s0], s1  }
0x75b: {  	s1 =	ssub.s32 @!p0 $0x0, s1;
	[sflag:s0] =	ssyncset.done @!p0 $0x0  }
0x75c: {  	[sflag:s0] =	ssyncadd.s32 @!p0 s1  }
0x75d: {  	[bflag:$0x3] =	sbarrier.arrive $0xFFFF  }
0x75e: {  	_ =	shalt  }

</sc_bundles>
